<compile_context>
chip_gen: v7x
topology: tpu7x:2x2x1
jax: 0.10.2.dev20260603
libtpu: 0.0.44.dev20260713+nightly
codegen_flags: <defaults>
</compile_context>

<pallas_src>
import functools

import jax
import jax.numpy as jnp
from jax import lax
from jax.experimental import pallas as pl
from jax.experimental.pallas import tpu as pltpu
from jax.experimental.pallas import tpu_sc as plsc

N_CORES = 2
N_SUBCORES = 16
NW = N_CORES * N_SUBCORES

BLK = 128


@functools.partial(jax.jit, static_argnums=(2,))
def _gather_rows_t(idx_flat, table, dims):
    NB, SEQ, D = dims
    B = NB * SEQ
    b_per_w = B // NW
    nblk = b_per_w // BLK
    b_rows = NB // NW
    DH, DL, SH, SL = D // 8, 8, SEQ // 128, 128
    DP = D + 1
    mesh = plsc.VectorSubcoreMesh(core_axis_name="c", subcore_axis_name="s")

    @functools.partial(
        pl.kernel,
        mesh=mesh,
        out_type=jax.ShapeDtypeStruct((NB, DH, SH, DL, SL), jnp.float32),
        scratch_types=[
            pltpu.VMEM((b_per_w,), jnp.int32),
            pltpu.VMEM((2, BLK, D), jnp.float32),
            pltpu.VMEM((2, DH, DL, SL), jnp.float32),
            pltpu.SemaphoreType.DMA((2,)),
            pltpu.SemaphoreType.DMA((2,)),
        ],
        compiler_params=pltpu.CompilerParams(use_tc_tiling_on_sc=False, needs_layout_passes=False),
    )
    def k(idx_hbm, table_hbm, out_hbm, idx_v, traw, tt, gsem, wsem):
        wid = lax.axis_index("s") * N_CORES + lax.axis_index("c")
        base = wid * b_per_w

        pltpu.sync_copy(idx_hbm.at[pl.ds(base, b_per_w)], idx_v)

        lanes = lax.iota(jnp.int32, 16)
        row_idx = [lanes + 16 * j for j in range(BLK // 16)]

        def fire_gather(g, slot):
            pltpu.async_copy(
                table_hbm.at[idx_v.at[pl.ds(g * BLK, BLK)]],
                traw.at[slot],
                gsem.at[slot],
            )

        def wait_gather(slot):
            pltpu.make_async_copy(
                table_hbm.at[pl.ds(0, BLK)], traw.at[slot], gsem.at[slot]
            ).wait()

        def transpose(slot):
            src = traw.at[slot]
            dst = tt.at[slot]

            @plsc.parallel_loop(0, D, unroll=8)
            def _(d0):
                d_vec = jnp.bitwise_and(d0 + lanes, D - 1)
                dh_vec = lax.shift_right_logical(d_vec, 3)
                dl_vec = jnp.bitwise_and(d_vec, DL - 1)
                for j in range(BLK // 16):
                    vals = plsc.load_gather(src, [row_idx[j], d_vec])
                    plsc.store_scatter(dst, [dh_vec, dl_vec, row_idx[j]], vals)

        def fire_write(g, slot):
            b = wid * b_rows + (g // (SH * 8)) * 8 + lax.rem(g, 8)
            sh = lax.rem(g // 8, SH)
            pltpu.async_copy(
                tt.at[slot], out_hbm.at[b, :, sh], wsem.at[slot]
            )

        def wait_write(slot):
            pltpu.make_async_copy(
                tt.at[slot], out_hbm.at[0, :, 0], wsem.at[slot]
            ).wait()

        def pair(kk, phase):
            g0 = kk * 2
            fire_gather(g0, 0)
            if phase >= 1:
                wait_gather(1)
                if phase >= 2:
                    wait_write(1)
                transpose(1)
                fire_write(g0 - 1, 1)
            fire_gather(g0 + 1, 1)
            wait_gather(0)
            if phase >= 1:
                wait_write(0)
            transpose(0)
            fire_write(g0, 0)

        pair(0, 0)
        pair(1, 1)
        lax.fori_loop(2, nblk // 2, lambda kk, u: (pair(kk, 2), u)[1], 0)
        wait_gather(1)
        wait_write(1)
        transpose(1)
        fire_write(nblk - 1, 1)
        wait_write(0)
        wait_write(1)

    return k(idx_flat, table)


def kernel(input_ids, attention_mask, table):
    NB, SEQ = input_ids.shape
    D = table.shape[1]
    ids4 = input_ids.reshape(NB // 8, 8, SEQ // 128, 128)
    idx_flat = ids4.transpose(0, 2, 1, 3).reshape(NB * SEQ).astype(jnp.int32)
    y5 = _gather_rows_t(idx_flat, table, (NB, SEQ, D))
    token_embeddings = y5.transpose(0, 2, 4, 1, 3).reshape(NB, SEQ, D)
    return (input_ids, token_embeddings, attention_mask)

# --- scband reference (transcript-rebuilt; emitter-appended) ---
"""Pipeline reference for scband-word-llama-embedding-71339406787050 (READ-ONLY COPY).

The authoritative reference and input builder live on the scoring server;
editing this copy changes nothing except your own understanding.
"""

import jax, jax.numpy as jnp
import numpy as np

N_VOCAB = 100000
DIM = 64
BATCH = 1024
SEQ = 1024


def setup_inputs(seed: int = 0) -> dict:
    key = jax.random.key(seed)
    k1, k2 = jax.random.split(key)
    input_ids = jax.random.randint(k1, (BATCH, SEQ), 0, N_VOCAB)
    attention_mask = jnp.ones((BATCH, SEQ), dtype=jnp.int32)
    # learned parameter: nn.Embedding(n_vocab, dim) weight (frozen in the torch module)
    table = jax.random.normal(k2, (N_VOCAB, DIM), dtype=jnp.float32)
    return {"input_ids": input_ids, "attention_mask": attention_mask, "table": table}


def reference(input_ids, attention_mask, table):
    # Faithful translation of WordLlamaEmbedding.forward:
    # returns {'token_ids': input_ids, 'token_embeddings': embedding(input_ids), 'attention_mask': mask}
    token_embeddings = jnp.take(table, input_ids, axis=0)
    return (input_ids, token_embeddings, attention_mask)

if __name__ == "__main__":
    import jax
    _d = setup_inputs()
    print(jax.jit(kernel)(*tuple(_d.values())))

</pallas_src>

<mosaic_0001>
#map = affine_map<(d0, d1) -> (0)>
#map1 = affine_map<(d0, d1) -> (0, 0)>
#map2 = affine_map<(d0, d1) -> (0, 0, 0, 0, 0)>
module attributes {stable_mosaic.version = 14 : i64} {
  func.func @k(%arg0: i32, %arg1: i32, %arg2: memref<1048576xi32, #tpu.memory_space<hbm>>, %arg3: memref<100000x64xf32, #tpu.memory_space<hbm>>, %arg4: memref<1024x8x8x8x128xf32, #tpu.memory_space<hbm>>, %arg5: memref<32768xi32, #tpu.memory_space<vmem>>, %arg6: memref<2x128x64xf32, #tpu.memory_space<vmem>>, %arg7: memref<2x8x8x128xf32, #tpu.memory_space<vmem>>, %arg8: memref<2x!tpu.dma_semaphore, #tpu.memory_space<semaphore_mem>>, %arg9: memref<2x!tpu.dma_semaphore, #tpu.memory_space<semaphore_mem>>) attributes {dimension_semantics = [#tpu.dimension_semantics<core_parallel>, #tpu.dimension_semantics<subcore_parallel>], iteration_bounds = array<i64: 2, 16>, scalar_prefetch = 0 : i64, scratch_operands = 5 : i64, tpu.core_type = #tpu.core_type<sc_vector_subcore>, window_params = [{transform_indices = #map}, {transform_indices = #map1}, {transform_indices = #map2}]} {
    %mul3A = arith.constant 2 : i32
    %mul3A_0 = arith.muli %arg1, %mul3A : i32
    %add3A = arith.addi %mul3A_0, %arg0 : i32
    %mul3A_1 = arith.constant 32768 : i32
    %mul3A_2 = arith.muli %add3A, %mul3A_1 : i32
    "tpu.region"() ({
      %run_scoped3A = tpu.sem_alloc : memref<!tpu.dma_semaphore, #tpu.memory_space<semaphore_mem>>
      %dma_start3A_416 = tpu.memref_slice %arg2[%mul3A_2] : memref<1048576xi32, #tpu.memory_space<hbm>> -> memref<32768xi32, #tpu.memory_space<hbm>>
      %dma_start3A_417 = tpu.memref_slice %arg2[%mul3A_2] : memref<1048576xi32, #tpu.memory_space<hbm>> -> memref<32768xi32, #tpu.memory_space<hbm>>
      tpu.enqueue_dma source(%dma_start3A_417 : memref<32768xi32, #tpu.memory_space<hbm>>) target(%arg5 : memref<32768xi32, #tpu.memory_space<vmem>>) target_semaphore(%run_scoped3A : memref<!tpu.dma_semaphore, #tpu.memory_space<semaphore_mem>>)
      %dma_wait3A_418 = tpu.memref_slice %arg2[%mul3A_2] : memref<1048576xi32, #tpu.memory_space<hbm>> -> memref<32768xi32, #tpu.memory_space<hbm>>
      %dma_wait3A_419 = tpu.memref_slice %arg2[%mul3A_2] : memref<1048576xi32, #tpu.memory_space<hbm>> -> memref<32768xi32, #tpu.memory_space<hbm>>
      tpu.wait_dma2 semaphore(%run_scoped3A : memref<!tpu.dma_semaphore, #tpu.memory_space<semaphore_mem>>) src(%dma_wait3A_419 : memref<32768xi32, #tpu.memory_space<hbm>>) dst(%arg5 : memref<32768xi32, #tpu.memory_space<vmem>>)
      tpu.yield
    }) : () -> ()
    %iota3A = tpu.iota {dimensions = array<i32: 0>} : vector<16xi32>
    %add3A_3 = arith.constant 0 : i32
    %add3A_4 = vector.broadcast %add3A_3 : i32 to vector<16xi32>
    %add3A_5 = arith.addi %iota3A, %add3A_4 : vector<16xi32>
    %add3A_6 = arith.constant 16 : i32
    %add3A_7 = vector.broadcast %add3A_6 : i32 to vector<16xi32>
    %add3A_8 = arith.addi %iota3A, %add3A_7 : vector<16xi32>
    %add3A_9 = arith.constant 32 : i32
    %add3A_10 = vector.broadcast %add3A_9 : i32 to vector<16xi32>
    %add3A_11 = arith.addi %iota3A, %add3A_10 : vector<16xi32>
    %add3A_12 = arith.constant 48 : i32
    %add3A_13 = vector.broadcast %add3A_12 : i32 to vector<16xi32>
    %add3A_14 = arith.addi %iota3A, %add3A_13 : vector<16xi32>
    %add3A_15 = arith.constant 64 : i32
    %add3A_16 = vector.broadcast %add3A_15 : i32 to vector<16xi32>
    %add3A_17 = arith.addi %iota3A, %add3A_16 : vector<16xi32>
    %add3A_18 = arith.constant 80 : i32
    %add3A_19 = vector.broadcast %add3A_18 : i32 to vector<16xi32>
    %add3A_20 = arith.addi %iota3A, %add3A_19 : vector<16xi32>
    %add3A_21 = arith.constant 96 : i32
    %add3A_22 = vector.broadcast %add3A_21 : i32 to vector<16xi32>
    %add3A_23 = arith.addi %iota3A, %add3A_22 : vector<16xi32>
    %add3A_24 = arith.constant 112 : i32
    %add3A_25 = vector.broadcast %add3A_24 : i32 to vector<16xi32>
    %add3A_26 = arith.addi %iota3A, %add3A_25 : vector<16xi32>
    %dma_start3A = arith.constant 0 : i32
    %dma_start3A_27 = arith.constant 0 : i32
    %dma_start3A_28 = arith.constant 0 : i32
    %dma_start3A_29 = arith.constant 0 : i32
    %dma_start3A_30 = tpu.memref_slice %arg6[%dma_start3A, %dma_start3A_28, %dma_start3A_29] : memref<2x128x64xf32, #tpu.memory_space<vmem>> -> memref<1x128x64xf32, #tpu.memory_space<vmem>>
    %dma_start3A_31 = tpu.memref_squeeze %dma_start3A_30 : memref<1x128x64xf32, #tpu.memory_space<vmem>> -> memref<128x64xf32, #tpu.memory_space<vmem>>
    %dma_start3A_32 = arith.constant 0 : i32
    %dma_start3A_33 = tpu.memref_slice %arg5[%dma_start3A_32] : memref<32768xi32, #tpu.memory_space<vmem>> -> memref<128xi32, #tpu.memory_space<vmem>>
    %dma_start3A_34 = arith.constant 0 : i32
    %dma_start3A_35 = arith.constant 0 : i32
    %dma_start3A_36 = tpu.memref_slice %arg3[%dma_start3A_34, %dma_start3A_35] : memref<100000x64xf32, #tpu.memory_space<hbm>> -> memref<100000x64xf32, #tpu.memory_space<hbm>>
    %dma_start3A_37 = tpu.memref_slice %arg8[%dma_start3A_27] : memref<2x!tpu.dma_semaphore, #tpu.memory_space<semaphore_mem>> -> memref<1x!tpu.dma_semaphore, #tpu.memory_space<semaphore_mem>>
    %dma_start3A_38 = tpu.memref_squeeze %dma_start3A_37 : memref<1x!tpu.dma_semaphore, #tpu.memory_space<semaphore_mem>> -> memref<!tpu.dma_semaphore, #tpu.memory_space<semaphore_mem>>
    tpu.enqueue_indirect_dma source(%dma_start3A_36 : memref<100000x64xf32, #tpu.memory_space<hbm>>) target(%dma_start3A_31 : memref<128x64xf32, #tpu.memory_space<vmem>>) offsets(%dma_start3A_33 : memref<128xi32, #tpu.memory_space<vmem>>) semaphore(%dma_start3A_38 : memref<!tpu.dma_semaphore, #tpu.memory_space<semaphore_mem>>)
    %dma_start3A_39 = arith.constant 1 : i32
    %dma_start3A_40 = arith.constant 1 : i32
    %dma_start3A_41 = arith.constant 0 : i32
    %dma_start3A_42 = arith.constant 0 : i32
    %dma_start3A_43 = tpu.memref_slice %arg6[%dma_start3A_39, %dma_start3A_41, %dma_start3A_42] : memref<2x128x64xf32, #tpu.memory_space<vmem>> -> memref<1x128x64xf32, #tpu.memory_space<vmem>>
    %dma_start3A_44 = tpu.memref_squeeze %dma_start3A_43 : memref<1x128x64xf32, #tpu.memory_space<vmem>> -> memref<128x64xf32, #tpu.memory_space<vmem>>
    %dma_start3A_45 = arith.constant 128 : i32
    %dma_start3A_46 = tpu.memref_slice %arg5[%dma_start3A_45] : memref<32768xi32, #tpu.memory_space<vmem>> -> memref<128xi32, #tpu.memory_space<vmem>>
    %dma_start3A_47 = arith.constant 0 : i32
    %dma_start3A_48 = arith.constant 0 : i32
    %dma_start3A_49 = tpu.memref_slice %arg3[%dma_start3A_47, %dma_start3A_48] : memref<100000x64xf32, #tpu.memory_space<hbm>> -> memref<100000x64xf32, #tpu.memory_space<hbm>>
    %dma_start3A_50 = tpu.memref_slice %arg8[%dma_start3A_40] : memref<2x!tpu.dma_semaphore, #tpu.memory_space<semaphore_mem>> -> memref<1x!tpu.dma_semaphore, #tpu.memory_space<semaphore_mem>>
    %dma_start3A_51 = tpu.memref_squeeze %dma_start3A_50 : memref<1x!tpu.dma_semaphore, #tpu.memory_space<semaphore_mem>> -> memref<!tpu.dma_semaphore, #tpu.memory_space<semaphore_mem>>
    tpu.enqueue_indirect_dma source(%dma_start3A_49 : memref<100000x64xf32, #tpu.memory_space<hbm>>) target(%dma_start3A_44 : memref<128x64xf32, #tpu.memory_space<vmem>>) offsets(%dma_start3A_46 : memref<128xi32, #tpu.memory_space<vmem>>) semaphore(%dma_start3A_51 : memref<!tpu.dma_semaphore, #tpu.memory_space<semaphore_mem>>)
    %dma_wait3A = arith.constant 0 : i32
    %dma_wait3A_52 = arith.constant 0 : i32
    %dma_wait3A_53 = arith.constant 0 : i32
    %dma_wait3A_54 = arith.constant 0 : i32
    %dma_wait3A_55 = tpu.memref_slice %arg6[%dma_wait3A, %dma_wait3A_53, %dma_wait3A_54] : memref<2x128x64xf32, #tpu.memory_space<vmem>> -> memref<1x128x64xf32, #tpu.memory_space<vmem>>
    %dma_wait3A_56 = tpu.memref_squeeze %dma_wait3A_55 : memref<1x128x64xf32, #tpu.memory_space<vmem>> -> memref<128x64xf32, #tpu.memory_space<vmem>>
    %dma_wait3A_57 = arith.constant 0 : i32
    %dma_wait3A_58 = arith.constant 0 : i32
    %dma_wait3A_59 = tpu.memref_slice %arg3[%dma_wait3A_57, %dma_wait3A_58] : memref<100000x64xf32, #tpu.memory_space<hbm>> -> memref<128x64xf32, #tpu.memory_space<hbm>>
    %dma_wait3A_60 = tpu.memref_slice %arg8[%dma_wait3A_52] : memref<2x!tpu.dma_semaphore, #tpu.memory_space<semaphore_mem>> -> memref<1x!tpu.dma_semaphore, #tpu.memory_space<semaphore_mem>>
    %dma_wait3A_61 = tpu.memref_squeeze %dma_wait3A_60 : memref<1x!tpu.dma_semaphore, #tpu.memory_space<semaphore_mem>> -> memref<!tpu.dma_semaphore, #tpu.memory_space<semaphore_mem>>
    %dma_wait3A_62 = arith.constant 0 : i32
    %dma_wait3A_63 = arith.constant 0 : i32
    %dma_wait3A_64 = tpu.memref_slice %arg6[%dma_wait3A, %dma_wait3A_62, %dma_wait3A_63] : memref<2x128x64xf32, #tpu.memory_space<vmem>> -> memref<1x128x64xf32, #tpu.memory_space<vmem>>
    %dma_wait3A_65 = tpu.memref_squeeze %dma_wait3A_64 : memref<1x128x64xf32, #tpu.memory_space<vmem>> -> memref<128x64xf32, #tpu.memory_space<vmem>>
    %dma_wait3A_66 = arith.constant 0 : i32
    %dma_wait3A_67 = arith.constant 0 : i32
    %dma_wait3A_68 = tpu.memref_slice %arg3[%dma_wait3A_66, %dma_wait3A_67] : memref<100000x64xf32, #tpu.memory_space<hbm>> -> memref<128x64xf32, #tpu.memory_space<hbm>>
    tpu.wait_dma2 semaphore(%dma_wait3A_61 : memref<!tpu.dma_semaphore, #tpu.memory_space<semaphore_mem>>) src(%dma_wait3A_68 : memref<128x64xf32, #tpu.memory_space<hbm>>) dst(%dma_wait3A_65 : memref<128x64xf32, #tpu.memory_space<vmem>>)
    %parallel_loop3A = arith.constant 0 : i32
    %parallel_loop3A_69 = arith.constant 64 : i32
    %parallel_loop3A_70 = arith.constant 1 : i32
    %parallel_loop3A_71 = arith.constant 0 : i32
    %parallel_loop3A_72 = arith.constant 0 : i32
    scf.for %parallel_loop3A_416 = %parallel_loop3A to %parallel_loop3A_69 step %parallel_loop3A_70  : i32 {
      %parallel_loop3A_417 = vector.broadcast %parallel_loop3A_416 : i32 to vector<16xi32>
      %parallel_loop3A_418 = arith.addi %parallel_loop3A_417, %iota3A : vector<16xi32>
      %parallel_loop3A_419 = arith.constant 63 : i32
      %parallel_loop3A_420 = vector.broadcast %parallel_loop3A_419 : i32 to vector<16xi32>
      %parallel_loop3A_421 = arith.andi %parallel_loop3A_418, %parallel_loop3A_420 : vector<16xi32>
      %parallel_loop3A_422 = arith.constant 3 : i32
      %parallel_loop3A_423 = vector.broadcast %parallel_loop3A_422 : i32 to vector<16xi32>
      %parallel_loop3A_424 = arith.shrui %parallel_loop3A_421, %parallel_loop3A_423 : vector<16xi32>
      %parallel_loop3A_425 = arith.constant 7 : i32
      %parallel_loop3A_426 = vector.broadcast %parallel_loop3A_425 : i32 to vector<16xi32>
      %parallel_loop3A_427 = arith.andi %parallel_loop3A_421, %parallel_loop3A_426 : vector<16xi32>
      %parallel_loop3A_428 = arith.constant 0 : i32
      %parallel_loop3A_429 = arith.constant 0 : i32
      %parallel_loop3A_430 = tpu.memref_slice %arg6[%parallel_loop3A_71, %parallel_loop3A_428, %parallel_loop3A_429] : memref<2x128x64xf32, #tpu.memory_space<vmem>> -> memref<1x128x64xf32, #tpu.memory_space<vmem>>
      %parallel_loop3A_431 = tpu.memref_squeeze %parallel_loop3A_430 : memref<1x128x64xf32, #tpu.memory_space<vmem>> -> memref<128x64xf32, #tpu.memory_space<vmem>>
      %parallel_loop3A_432 = tpu.vector_load_idx %parallel_loop3A_431[%add3A_5, %parallel_loop3A_421] : memref<128x64xf32, #tpu.memory_space<vmem>>[vector<16xi32>, vector<16xi32>], vector<16xf32>,
      %parallel_loop3A_433 = arith.constant 0 : i32
      %parallel_loop3A_434 = arith.constant 0 : i32
      %parallel_loop3A_435 = arith.constant 0 : i32
      %parallel_loop3A_436 = tpu.memref_slice %arg7[%parallel_loop3A_72, %parallel_loop3A_433, %parallel_loop3A_434, %parallel_loop3A_435] : memref<2x8x8x128xf32, #tpu.memory_space<vmem>> -> memref<1x8x8x128xf32, #tpu.memory_space<vmem>>
      %parallel_loop3A_437 = tpu.memref_squeeze %parallel_loop3A_436 : memref<1x8x8x128xf32, #tpu.memory_space<vmem>> -> memref<8x8x128xf32, #tpu.memory_space<vmem>>
      tpu.vector_store_idx %parallel_loop3A_437[%parallel_loop3A_424, %parallel_loop3A_427, %add3A_5], %parallel_loop3A_432 : memref<8x8x128xf32, #tpu.memory_space<vmem>>[vector<16xi32>, vector<16xi32>, vector<16xi32>], vector<16xf32>,
      %parallel_loop3A_438 = arith.constant 0 : i32
      %parallel_loop3A_439 = arith.constant 0 : i32
      %parallel_loop3A_440 = tpu.memref_slice %arg6[%parallel_loop3A_71, %parallel_loop3A_438, %parallel_loop3A_439] : memref<2x128x64xf32, #tpu.memory_space<vmem>> -> memref<1x128x64xf32, #tpu.memory_space<vmem>>
      %parallel_loop3A_441 = tpu.memref_squeeze %parallel_loop3A_440 : memref<1x128x64xf32, #tpu.memory_space<vmem>> -> memref<128x64xf32, #tpu.memory_space<vmem>>
      %parallel_loop3A_442 = tpu.vector_load_idx %parallel_loop3A_441[%add3A_8, %parallel_loop3A_421] : memref<128x64xf32, #tpu.memory_space<vmem>>[vector<16xi32>, vector<16xi32>], vector<16xf32>,
      %parallel_loop3A_443 = arith.constant 0 : i32
      %parallel_loop3A_444 = arith.constant 0 : i32
      %parallel_loop3A_445 = arith.constant 0 : i32
      %parallel_loop3A_446 = tpu.memref_slice %arg7[%parallel_loop3A_72, %parallel_loop3A_443, %parallel_loop3A_444, %parallel_loop3A_445] : memref<2x8x8x128xf32, #tpu.memory_space<vmem>> -> memref<1x8x8x128xf32, #tpu.memory_space<vmem>>
      %parallel_loop3A_447 = tpu.memref_squeeze %parallel_loop3A_446 : memref<1x8x8x128xf32, #tpu.memory_space<vmem>> -> memref<8x8x128xf32, #tpu.memory_space<vmem>>
      tpu.vector_store_idx %parallel_loop3A_447[%parallel_loop3A_424, %parallel_loop3A_427, %add3A_8], %parallel_loop3A_442 : memref<8x8x128xf32, #tpu.memory_space<vmem>>[vector<16xi32>, vector<16xi32>, vector<16xi32>], vector<16xf32>,
      %parallel_loop3A_448 = arith.constant 0 : i32
      %parallel_loop3A_449 = arith.constant 0 : i32
      %parallel_loop3A_450 = tpu.memref_slice %arg6[%parallel_loop3A_71, %parallel_loop3A_448, %parallel_loop3A_449] : memref<2x128x64xf32, #tpu.memory_space<vmem>> -> memref<1x128x64xf32, #tpu.memory_space<vmem>>
      %parallel_loop3A_451 = tpu.memref_squeeze %parallel_loop3A_450 : memref<1x128x64xf32, #tpu.memory_space<vmem>> -> memref<128x64xf32, #tpu.memory_space<vmem>>
      %parallel_loop3A_452 = tpu.vector_load_idx %parallel_loop3A_451[%add3A_11, %parallel_loop3A_421] : memref<128x64xf32, #tpu.memory_space<vmem>>[vector<16xi32>, vector<16xi32>], vector<16xf32>,
      %parallel_loop3A_453 = arith.constant 0 : i32
      %parallel_loop3A_454 = arith.constant 0 : i32
      %parallel_loop3A_455 = arith.constant 0 : i32
      %parallel_loop3A_456 = tpu.memref_slice %arg7[%parallel_loop3A_72, %parallel_loop3A_453, %parallel_loop3A_454, %parallel_loop3A_455] : memref<2x8x8x128xf32, #tpu.memory_space<vmem>> -> memref<1x8x8x128xf32, #tpu.memory_space<vmem>>
      %parallel_loop3A_457 = tpu.memref_squeeze %parallel_loop3A_456 : memref<1x8x8x128xf32, #tpu.memory_space<vmem>> -> memref<8x8x128xf32, #tpu.memory_space<vmem>>
      tpu.vector_store_idx %parallel_loop3A_457[%parallel_loop3A_424, %parallel_loop3A_427, %add3A_11], %parallel_loop3A_452 : memref<8x8x128xf32, #tpu.memory_space<vmem>>[vector<16xi32>, vector<16xi32>, vector<16xi32>], vector<16xf32>,
      %parallel_loop3A_458 = arith.constant 0 : i32
      %parallel_loop3A_459 = arith.constant 0 : i32
      %parallel_loop3A_460 = tpu.memref_slice %arg6[%parallel_loop3A_71, %parallel_loop3A_458, %parallel_loop3A_459] : memref<2x128x64xf32, #tpu.memory_space<vmem>> -> memref<1x128x64xf32, #tpu.memory_space<vmem>>
      %parallel_loop3A_461 = tpu.memref_squeeze %parallel_loop3A_460 : memref<1x128x64xf32, #tpu.memory_space<vmem>> -> memref<128x64xf32, #tpu.memory_space<vmem>>
      %parallel_loop3A_462 = tpu.vector_load_idx %parallel_loop3A_461[%add3A_14, %parallel_loop3A_421] : memref<128x64xf32, #tpu.memory_space<vmem>>[vector<16xi32>, vector<16xi32>], vector<16xf32>,
      %parallel_loop3A_463 = arith.constant 0 : i32
      %parallel_loop3A_464 = arith.constant 0 : i32
      %parallel_loop3A_465 = arith.constant 0 : i32
      %parallel_loop3A_466 = tpu.memref_slice %arg7[%parallel_loop3A_72, %parallel_loop3A_463, %parallel_loop3A_464, %parallel_loop3A_465] : memref<2x8x8x128xf32, #tpu.memory_space<vmem>> -> memref<1x8x8x128xf32, #tpu.memory_space<vmem>>
      %parallel_loop3A_467 = tpu.memref_squeeze %parallel_loop3A_466 : memref<1x8x8x128xf32, #tpu.memory_space<vmem>> -> memref<8x8x128xf32, #tpu.memory_space<vmem>>
      tpu.vector_store_idx %parallel_loop3A_467[%parallel_loop3A_424, %parallel_loop3A_427, %add3A_14], %parallel_loop3A_462 : memref<8x8x128xf32, #tpu.memory_space<vmem>>[vector<16xi32>, vector<16xi32>, vector<16xi32>], vector<16xf32>,
      %parallel_loop3A_468 = arith.constant 0 : i32
      %parallel_loop3A_469 = arith.constant 0 : i32
      %parallel_loop3A_470 = tpu.memref_slice %arg6[%parallel_loop3A_71, %parallel_loop3A_468, %parallel_loop3A_469] : memref<2x128x64xf32, #tpu.memory_space<vmem>> -> memref<1x128x64xf32, #tpu.memory_space<vmem>>
      %parallel_loop3A_471 = tpu.memref_squeeze %parallel_loop3A_470 : memref<1x128x64xf32, #tpu.memory_space<vmem>> -> memref<128x64xf32, #tpu.memory_space<vmem>>
      %parallel_loop3A_472 = tpu.vector_load_idx %parallel_loop3A_471[%add3A_17, %parallel_loop3A_421] : memref<128x64xf32, #tpu.memory_space<vmem>>[vector<16xi32>, vector<16xi32>], vector<16xf32>,
      %parallel_loop3A_473 = arith.constant 0 : i32
      %parallel_loop3A_474 = arith.constant 0 : i32
      %parallel_loop3A_475 = arith.constant 0 : i32
      %parallel_loop3A_476 = tpu.memref_slice %arg7[%parallel_loop3A_72, %parallel_loop3A_473, %parallel_loop3A_474, %parallel_loop3A_475] : memref<2x8x8x128xf32, #tpu.memory_space<vmem>> -> memref<1x8x8x128xf32, #tpu.memory_space<vmem>>
      %parallel_loop3A_477 = tpu.memref_squeeze %parallel_loop3A_476 : memref<1x8x8x128xf32, #tpu.memory_space<vmem>> -> memref<8x8x128xf32, #tpu.memory_space<vmem>>
      tpu.vector_store_idx %parallel_loop3A_477[%parallel_loop3A_424, %parallel_loop3A_427, %add3A_17], %parallel_loop3A_472 : memref<8x8x128xf32, #tpu.memory_space<vmem>>[vector<16xi32>, vector<16xi32>, vector<16xi32>], vector<16xf32>,
      %parallel_loop3A_478 = arith.constant 0 : i32
      %parallel_loop3A_479 = arith.constant 0 : i32
      %parallel_loop3A_480 = tpu.memref_slice %arg6[%parallel_loop3A_71, %parallel_loop3A_478, %parallel_loop3A_479] : memref<2x128x64xf32, #tpu.memory_space<vmem>> -> memref<1x128x64xf32, #tpu.memory_space<vmem>>
      %parallel_loop3A_481 = tpu.memref_squeeze %parallel_loop3A_480 : memref<1x128x64xf32, #tpu.memory_space<vmem>> -> memref<128x64xf32, #tpu.memory_space<vmem>>
      %parallel_loop3A_482 = tpu.vector_load_idx %parallel_loop3A_481[%add3A_20, %parallel_loop3A_421] : memref<128x64xf32, #tpu.memory_space<vmem>>[vector<16xi32>, vector<16xi32>], vector<16xf32>,
      %parallel_loop3A_483 = arith.constant 0 : i32
      %parallel_loop3A_484 = arith.constant 0 : i32
      %parallel_loop3A_485 = arith.constant 0 : i32
      %parallel_loop3A_486 = tpu.memref_slice %arg7[%parallel_loop3A_72, %parallel_loop3A_483, %parallel_loop3A_484, %parallel_loop3A_485] : memref<2x8x8x128xf32, #tpu.memory_space<vmem>> -> memref<1x8x8x128xf32, #tpu.memory_space<vmem>>
      %parallel_loop3A_487 = tpu.memref_squeeze %parallel_loop3A_486 : memref<1x8x8x128xf32, #tpu.memory_space<vmem>> -> memref<8x8x128xf32, #tpu.memory_space<vmem>>
      tpu.vector_store_idx %parallel_loop3A_487[%parallel_loop3A_424, %parallel_loop3A_427, %add3A_20], %parallel_loop3A_482 : memref<8x8x128xf32, #tpu.memory_space<vmem>>[vector<16xi32>, vector<16xi32>, vector<16xi32>], vector<16xf32>,
      %parallel_loop3A_488 = arith.constant 0 : i32
      %parallel_loop3A_489 = arith.constant 0 : i32
      %parallel_loop3A_490 = tpu.memref_slice %arg6[%parallel_loop3A_71, %parallel_loop3A_488, %parallel_loop3A_489] : memref<2x128x64xf32, #tpu.memory_space<vmem>> -> memref<1x128x64xf32, #tpu.memory_space<vmem>>
      %parallel_loop3A_491 = tpu.memref_squeeze %parallel_loop3A_490 : memref<1x128x64xf32, #tpu.memory_space<vmem>> -> memref<128x64xf32, #tpu.memory_space<vmem>>
      %parallel_loop3A_492 = tpu.vector_load_idx %parallel_loop3A_491[%add3A_23, %parallel_loop3A_421] : memref<128x64xf32, #tpu.memory_space<vmem>>[vector<16xi32>, vector<16xi32>], vector<16xf32>,
      %parallel_loop3A_493 = arith.constant 0 : i32
      %parallel_loop3A_494 = arith.constant 0 : i32
      %parallel_loop3A_495 = arith.constant 0 : i32
      %parallel_loop3A_496 = tpu.memref_slice %arg7[%parallel_loop3A_72, %parallel_loop3A_493, %parallel_loop3A_494, %parallel_loop3A_495] : memref<2x8x8x128xf32, #tpu.memory_space<vmem>> -> memref<1x8x8x128xf32, #tpu.memory_space<vmem>>
      %parallel_loop3A_497 = tpu.memref_squeeze %parallel_loop3A_496 : memref<1x8x8x128xf32, #tpu.memory_space<vmem>> -> memref<8x8x128xf32, #tpu.memory_space<vmem>>
      tpu.vector_store_idx %parallel_loop3A_497[%parallel_loop3A_424, %parallel_loop3A_427, %add3A_23], %parallel_loop3A_492 : memref<8x8x128xf32, #tpu.memory_space<vmem>>[vector<16xi32>, vector<16xi32>, vector<16xi32>], vector<16xf32>,
      %parallel_loop3A_498 = arith.constant 0 : i32
      %parallel_loop3A_499 = arith.constant 0 : i32
      %parallel_loop3A_500 = tpu.memref_slice %arg6[%parallel_loop3A_71, %parallel_loop3A_498, %parallel_loop3A_499] : memref<2x128x64xf32, #tpu.memory_space<vmem>> -> memref<1x128x64xf32, #tpu.memory_space<vmem>>
      %parallel_loop3A_501 = tpu.memref_squeeze %parallel_loop3A_500 : memref<1x128x64xf32, #tpu.memory_space<vmem>> -> memref<128x64xf32, #tpu.memory_space<vmem>>
      %parallel_loop3A_502 = tpu.vector_load_idx %parallel_loop3A_501[%add3A_26, %parallel_loop3A_421] : memref<128x64xf32, #tpu.memory_space<vmem>>[vector<16xi32>, vector<16xi32>], vector<16xf32>,
      %parallel_loop3A_503 = arith.constant 0 : i32
      %parallel_loop3A_504 = arith.constant 0 : i32
      %parallel_loop3A_505 = arith.constant 0 : i32
      %parallel_loop3A_506 = tpu.memref_slice %arg7[%parallel_loop3A_72, %parallel_loop3A_503, %parallel_loop3A_504, %parallel_loop3A_505] : memref<2x8x8x128xf32, #tpu.memory_space<vmem>> -> memref<1x8x8x128xf32, #tpu.memory_space<vmem>>
      %parallel_loop3A_507 = tpu.memref_squeeze %parallel_loop3A_506 : memref<1x8x8x128xf32, #tpu.memory_space<vmem>> -> memref<8x8x128xf32, #tpu.memory_space<vmem>>
      tpu.vector_store_idx %parallel_loop3A_507[%parallel_loop3A_424, %parallel_loop3A_427, %add3A_26], %parallel_loop3A_502 : memref<8x8x128xf32, #tpu.memory_space<vmem>>[vector<16xi32>, vector<16xi32>, vector<16xi32>], vector<16xf32>,
    } {sc.loop_unroll_factor = 8 : i64, sc.parallel_access}
    %mul3A_73 = arith.constant 32 : i32
    %mul3A_74 = arith.muli %add3A, %mul3A_73 : i32
    %add3A_75 = arith.constant 0 : i32
    %add3A_76 = arith.addi %mul3A_74, %add3A_75 : i32
    %rem3A = arith.constant 0 : i32
    %rem3A_77 = arith.constant 8 : i32
    %rem3A_78 = arith.remsi %rem3A, %rem3A_77 : i32
    %add3A_79 = arith.addi %add3A_76, %rem3A_78 : i32
    %rem3A_80 = arith.constant 0 : i32
    %rem3A_81 = arith.constant 8 : i32
    %rem3A_82 = arith.remsi %rem3A_80, %rem3A_81 : i32
    %dma_start3A_83 = arith.constant 0 : i32
    %dma_start3A_84 = arith.constant 0 : i32
    %dma_start3A_85 = arith.constant 0 : i32
    %dma_start3A_86 = arith.constant 0 : i32
    %dma_start3A_87 = arith.constant 0 : i32
    %dma_start3A_88 = tpu.memref_slice %arg7[%dma_start3A_83, %dma_start3A_85, %dma_start3A_86, %dma_start3A_87] : memref<2x8x8x128xf32, #tpu.memory_space<vmem>> -> memref<1x8x8x128xf32, #tpu.memory_space<vmem>>
    %dma_start3A_89 = tpu.memref_squeeze %dma_start3A_88 : memref<1x8x8x128xf32, #tpu.memory_space<vmem>> -> memref<8x8x128xf32, #tpu.memory_space<vmem>>
    %dma_start3A_90 = arith.constant 0 : i32
    %dma_start3A_91 = arith.constant 0 : i32
    %dma_start3A_92 = arith.constant 0 : i32
    %dma_start3A_93 = tpu.memref_slice %arg4[%add3A_79, %dma_start3A_90, %rem3A_82, %dma_start3A_91, %dma_start3A_92] : memref<1024x8x8x8x128xf32, #tpu.memory_space<hbm>> -> memref<1x8x1x8x128xf32, #tpu.memory_space<hbm>>
    %dma_start3A_94 = tpu.memref_squeeze %dma_start3A_93 : memref<1x8x1x8x128xf32, #tpu.memory_space<hbm>> -> memref<8x8x128xf32, #tpu.memory_space<hbm>>
    %dma_start3A_95 = tpu.memref_slice %arg9[%dma_start3A_84] : memref<2x!tpu.dma_semaphore, #tpu.memory_space<semaphore_mem>> -> memref<1x!tpu.dma_semaphore, #tpu.memory_space<semaphore_mem>>
    %dma_start3A_96 = tpu.memref_squeeze %dma_start3A_95 : memref<1x!tpu.dma_semaphore, #tpu.memory_space<semaphore_mem>> -> memref<!tpu.dma_semaphore, #tpu.memory_space<semaphore_mem>>
    %dma_start3A_97 = arith.constant 0 : i32
    %dma_start3A_98 = arith.constant 0 : i32
    %dma_start3A_99 = arith.constant 0 : i32
    %dma_start3A_100 = tpu.memref_slice %arg4[%add3A_79, %dma_start3A_97, %rem3A_82, %dma_start3A_98, %dma_start3A_99] : memref<1024x8x8x8x128xf32, #tpu.memory_space<hbm>> -> memref<1x8x1x8x128xf32, #tpu.memory_space<hbm>>
    %dma_start3A_101 = tpu.memref_squeeze %dma_start3A_100 : memref<1x8x1x8x128xf32, #tpu.memory_space<hbm>> -> memref<8x8x128xf32, #tpu.memory_space<hbm>>
    %dma_start3A_102 = arith.constant 0 : i32
    %dma_start3A_103 = arith.constant 0 : i32
    %dma_start3A_104 = arith.constant 0 : i32
    %dma_start3A_105 = tpu.memref_slice %arg7[%dma_start3A_83, %dma_start3A_102, %dma_start3A_103, %dma_start3A_104] : memref<2x8x8x128xf32, #tpu.memory_space<vmem>> -> memref<1x8x8x128xf32, #tpu.memory_space<vmem>>
    %dma_start3A_106 = tpu.memref_squeeze %dma_start3A_105 : memref<1x8x8x128xf32, #tpu.memory_space<vmem>> -> memref<8x8x128xf32, #tpu.memory_space<vmem>>
    tpu.enqueue_dma source(%dma_start3A_106 : memref<8x8x128xf32, #tpu.memory_space<vmem>>) target(%dma_start3A_101 : memref<8x8x128xf32, #tpu.memory_space<hbm>>) target_semaphore(%dma_start3A_96 : memref<!tpu.dma_semaphore, #tpu.memory_space<semaphore_mem>>)
    %dma_start3A_107 = arith.constant 0 : i32
    %dma_start3A_108 = arith.constant 0 : i32
    %dma_start3A_109 = arith.constant 0 : i32
    %dma_start3A_110 = arith.constant 0 : i32
    %dma_start3A_111 = tpu.memref_slice %arg6[%dma_start3A_107, %dma_start3A_109, %dma_start3A_110] : memref<2x128x64xf32, #tpu.memory_space<vmem>> -> memref<1x128x64xf32, #tpu.memory_space<vmem>>
    %dma_start3A_112 = tpu.memref_squeeze %dma_start3A_111 : memref<1x128x64xf32, #tpu.memory_space<vmem>> -> memref<128x64xf32, #tpu.memory_space<vmem>>
    %dma_start3A_113 = arith.constant 256 : i32
    %dma_start3A_114 = tpu.memref_slice %arg5[%dma_start3A_113] : memref<32768xi32, #tpu.memory_space<vmem>> -> memref<128xi32, #tpu.memory_space<vmem>>
    %dma_start3A_115 = arith.constant 0 : i32
    %dma_start3A_116 = arith.constant 0 : i32
    %dma_start3A_117 = tpu.memref_slice %arg3[%dma_start3A_115, %dma_start3A_116] : memref<100000x64xf32, #tpu.memory_space<hbm>> -> memref<100000x64xf32, #tpu.memory_space<hbm>>
    %dma_start3A_118 = tpu.memref_slice %arg8[%dma_start3A_108] : memref<2x!tpu.dma_semaphore, #tpu.memory_space<semaphore_mem>> -> memref<1x!tpu.dma_semaphore, #tpu.memory_space<semaphore_mem>>
    %dma_start3A_119 = tpu.memref_squeeze %dma_start3A_118 : memref<1x!tpu.dma_semaphore, #tpu.memory_space<semaphore_mem>> -> memref<!tpu.dma_semaphore, #tpu.memory_space<semaphore_mem>>
    tpu.enqueue_indirect_dma source(%dma_start3A_117 : memref<100000x64xf32, #tpu.memory_space<hbm>>) target(%dma_start3A_112 : memref<128x64xf32, #tpu.memory_space<vmem>>) offsets(%dma_start3A_114 : memref<128xi32, #tpu.memory_space<vmem>>) semaphore(%dma_start3A_119 : memref<!tpu.dma_semaphore, #tpu.memory_space<semaphore_mem>>)
    %dma_wait3A_120 = arith.constant 1 : i32
    %dma_wait3A_121 = arith.constant 1 : i32
    %dma_wait3A_122 = arith.constant 0 : i32
    %dma_wait3A_123 = arith.constant 0 : i32
    %dma_wait3A_124 = tpu.memref_slice %arg6[%dma_wait3A_120, %dma_wait3A_122, %dma_wait3A_123] : memref<2x128x64xf32, #tpu.memory_space<vmem>> -> memref<1x128x64xf32, #tpu.memory_space<vmem>>
    %dma_wait3A_125 = tpu.memref_squeeze %dma_wait3A_124 : memref<1x128x64xf32, #tpu.memory_space<vmem>> -> memref<128x64xf32, #tpu.memory_space<vmem>>
    %dma_wait3A_126 = arith.constant 0 : i32
    %dma_wait3A_127 = arith.constant 0 : i32
    %dma_wait3A_128 = tpu.memref_slice %arg3[%dma_wait3A_126, %dma_wait3A_127] : memref<100000x64xf32, #tpu.memory_space<hbm>> -> memref<128x64xf32, #tpu.memory_space<hbm>>
    %dma_wait3A_129 = tpu.memref_slice %arg8[%dma_wait3A_121] : memref<2x!tpu.dma_semaphore, #tpu.memory_space<semaphore_mem>> -> memref<1x!tpu.dma_semaphore, #tpu.memory_space<semaphore_mem>>
    %dma_wait3A_130 = tpu.memref_squeeze %dma_wait3A_129 : memref<1x!tpu.dma_semaphore, #tpu.memory_space<semaphore_mem>> -> memref<!tpu.dma_semaphore, #tpu.memory_space<semaphore_mem>>
    %dma_wait3A_131 = arith.constant 0 : i32
    %dma_wait3A_132 = arith.constant 0 : i32
    %dma_wait3A_133 = tpu.memref_slice %arg6[%dma_wait3A_120, %dma_wait3A_131, %dma_wait3A_132] : memref<2x128x64xf32, #tpu.memory_space<vmem>> -> memref<1x128x64xf32, #tpu.memory_space<vmem>>
    %dma_wait3A_134 = tpu.memref_squeeze %dma_wait3A_133 : memref<1x128x64xf32, #tpu.memory_space<vmem>> -> memref<128x64xf32, #tpu.memory_space<vmem>>
    %dma_wait3A_135 = arith.constant 0 : i32
    %dma_wait3A_136 = arith.constant 0 : i32
    %dma_wait3A_137 = tpu.memref_slice %arg3[%dma_wait3A_135, %dma_wait3A_136] : memref<100000x64xf32, #tpu.memory_space<hbm>> -> memref<128x64xf32, #tpu.memory_space<hbm>>
    tpu.wait_dma2 semaphore(%dma_wait3A_130 : memref<!tpu.dma_semaphore, #tpu.memory_space<semaphore_mem>>) src(%dma_wait3A_137 : memref<128x64xf32, #tpu.memory_space<hbm>>) dst(%dma_wait3A_134 : memref<128x64xf32, #tpu.memory_space<vmem>>)
    %parallel_loop3A_138 = arith.constant 0 : i32
    %parallel_loop3A_139 = arith.constant 64 : i32
    %parallel_loop3A_140 = arith.constant 1 : i32
    %parallel_loop3A_141 = arith.constant 1 : i32
    %parallel_loop3A_142 = arith.constant 1 : i32
    scf.for %parallel_loop3A_416 = %parallel_loop3A_138 to %parallel_loop3A_139 step %parallel_loop3A_140  : i32 {
      %parallel_loop3A_417 = vector.broadcast %parallel_loop3A_416 : i32 to vector<16xi32>
      %parallel_loop3A_418 = arith.addi %parallel_loop3A_417, %iota3A : vector<16xi32>
      %parallel_loop3A_419 = arith.constant 63 : i32
      %parallel_loop3A_420 = vector.broadcast %parallel_loop3A_419 : i32 to vector<16xi32>
      %parallel_loop3A_421 = arith.andi %parallel_loop3A_418, %parallel_loop3A_420 : vector<16xi32>
      %parallel_loop3A_422 = arith.constant 3 : i32
      %parallel_loop3A_423 = vector.broadcast %parallel_loop3A_422 : i32 to vector<16xi32>
      %parallel_loop3A_424 = arith.shrui %parallel_loop3A_421, %parallel_loop3A_423 : vector<16xi32>
      %parallel_loop3A_425 = arith.constant 7 : i32
      %parallel_loop3A_426 = vector.broadcast %parallel_loop3A_425 : i32 to vector<16xi32>
      %parallel_loop3A_427 = arith.andi %parallel_loop3A_421, %parallel_loop3A_426 : vector<16xi32>
      %parallel_loop3A_428 = arith.constant 0 : i32
      %parallel_loop3A_429 = arith.constant 0 : i32
      %parallel_loop3A_430 = tpu.memref_slice %arg6[%parallel_loop3A_141, %parallel_loop3A_428, %parallel_loop3A_429] : memref<2x128x64xf32, #tpu.memory_space<vmem>> -> memref<1x128x64xf32, #tpu.memory_space<vmem>>
      %parallel_loop3A_431 = tpu.memref_squeeze %parallel_loop3A_430 : memref<1x128x64xf32, #tpu.memory_space<vmem>> -> memref<128x64xf32, #tpu.memory_space<vmem>>
      %parallel_loop3A_432 = tpu.vector_load_idx %parallel_loop3A_431[%add3A_5, %parallel_loop3A_421] : memref<128x64xf32, #tpu.memory_space<vmem>>[vector<16xi32>, vector<16xi32>], vector<16xf32>,
      %parallel_loop3A_433 = arith.constant 0 : i32
      %parallel_loop3A_434 = arith.constant 0 : i32
      %parallel_loop3A_435 = arith.constant 0 : i32
      %parallel_loop3A_436 = tpu.memref_slice %arg7[%parallel_loop3A_142, %parallel_loop3A_433, %parallel_loop3A_434, %parallel_loop3A_435] : memref<2x8x8x128xf32, #tpu.memory_space<vmem>> -> memref<1x8x8x128xf32, #tpu.memory_space<vmem>>
      %parallel_loop3A_437 = tpu.memref_squeeze %parallel_loop3A_436 : memref<1x8x8x128xf32, #tpu.memory_space<vmem>> -> memref<8x8x128xf32, #tpu.memory_space<vmem>>
      tpu.vector_store_idx %parallel_loop3A_437[%parallel_loop3A_424, %parallel_loop3A_427, %add3A_5], %parallel_loop3A_432 : memref<8x8x128xf32, #tpu.memory_space<vmem>>[vector<16xi32>, vector<16xi32>, vector<16xi32>], vector<16xf32>,
      %parallel_loop3A_438 = arith.constant 0 : i32
      %parallel_loop3A_439 = arith.constant 0 : i32
      %parallel_loop3A_440 = tpu.memref_slice %arg6[%parallel_loop3A_141, %parallel_loop3A_438, %parallel_loop3A_439] : memref<2x128x64xf32, #tpu.memory_space<vmem>> -> memref<1x128x64xf32, #tpu.memory_space<vmem>>
      %parallel_loop3A_441 = tpu.memref_squeeze %parallel_loop3A_440 : memref<1x128x64xf32, #tpu.memory_space<vmem>> -> memref<128x64xf32, #tpu.memory_space<vmem>>
      %parallel_loop3A_442 = tpu.vector_load_idx %parallel_loop3A_441[%add3A_8, %parallel_loop3A_421] : memref<128x64xf32, #tpu.memory_space<vmem>>[vector<16xi32>, vector<16xi32>], vector<16xf32>,
      %parallel_loop3A_443 = arith.constant 0 : i32
      %parallel_loop3A_444 = arith.constant 0 : i32
      %parallel_loop3A_445 = arith.constant 0 : i32
      %parallel_loop3A_446 = tpu.memref_slice %arg7[%parallel_loop3A_142, %parallel_loop3A_443, %parallel_loop3A_444, %parallel_loop3A_445] : memref<2x8x8x128xf32, #tpu.memory_space<vmem>> -> memref<1x8x8x128xf32, #tpu.memory_space<vmem>>
      %parallel_loop3A_447 = tpu.memref_squeeze %parallel_loop3A_446 : memref<1x8x8x128xf32, #tpu.memory_space<vmem>> -> memref<8x8x128xf32, #tpu.memory_space<vmem>>
      tpu.vector_store_idx %parallel_loop3A_447[%parallel_loop3A_424, %parallel_loop3A_427, %add3A_8], %parallel_loop3A_442 : memref<8x8x128xf32, #tpu.memory_space<vmem>>[vector<16xi32>, vector<16xi32>, vector<16xi32>], vector<16xf32>,
      %parallel_loop3A_448 = arith.constant 0 : i32
      %parallel_loop3A_449 = arith.constant 0 : i32
      %parallel_loop3A_450 = tpu.memref_slice %arg6[%parallel_loop3A_141, %parallel_loop3A_448, %parallel_loop3A_449] : memref<2x128x64xf32, #tpu.memory_space<vmem>> -> memref<1x128x64xf32, #tpu.memory_space<vmem>>
      %parallel_loop3A_451 = tpu.memref_squeeze %parallel_loop3A_450 : memref<1x128x64xf32, #tpu.memory_space<vmem>> -> memref<128x64xf32, #tpu.memory_space<vmem>>
      %parallel_loop3A_452 = tpu.vector_load_idx %parallel_loop3A_451[%add3A_11, %parallel_loop3A_421] : memref<128x64xf32, #tpu.memory_space<vmem>>[vector<16xi32>, vector<16xi32>], vector<16xf32>,
      %parallel_loop3A_453 = arith.constant 0 : i32
      %parallel_loop3A_454 = arith.constant 0 : i32
      %parallel_loop3A_455 = arith.constant 0 : i32
      %parallel_loop3A_456 = tpu.memref_slice %arg7[%parallel_loop3A_142, %parallel_loop3A_453, %parallel_loop3A_454, %parallel_loop3A_455] : memref<2x8x8x128xf32, #tpu.memory_space<vmem>> -> memref<1x8x8x128xf32, #tpu.memory_space<vmem>>
      %parallel_loop3A_457 = tpu.memref_squeeze %parallel_loop3A_456 : memref<1x8x8x128xf32, #tpu.memory_space<vmem>> -> memref<8x8x128xf32, #tpu.memory_space<vmem>>
      tpu.vector_store_idx %parallel_loop3A_457[%parallel_loop3A_424, %parallel_loop3A_427, %add3A_11], %parallel_loop3A_452 : memref<8x8x128xf32, #tpu.memory_space<vmem>>[vector<16xi32>, vector<16xi32>, vector<16xi32>], vector<16xf32>,
      %parallel_loop3A_458 = arith.constant 0 : i32
      %parallel_loop3A_459 = arith.constant 0 : i32
      %parallel_loop3A_460 = tpu.memref_slice %arg6[%parallel_loop3A_141, %parallel_loop3A_458, %parallel_loop3A_459] : memref<2x128x64xf32, #tpu.memory_space<vmem>> -> memref<1x128x64xf32, #tpu.memory_space<vmem>>
      %parallel_loop3A_461 = tpu.memref_squeeze %parallel_loop3A_460 : memref<1x128x64xf32, #tpu.memory_space<vmem>> -> memref<128x64xf32, #tpu.memory_space<vmem>>
      %parallel_loop3A_462 = tpu.vector_load_idx %parallel_loop3A_461[%add3A_14, %parallel_loop3A_421] : memref<128x64xf32, #tpu.memory_space<vmem>>[vector<16xi32>, vector<16xi32>], vector<16xf32>,
      %parallel_loop3A_463 = arith.constant 0 : i32
      %parallel_loop3A_464 = arith.constant 0 : i32
      %parallel_loop3A_465 = arith.constant 0 : i32
      %parallel_loop3A_466 = tpu.memref_slice %arg7[%parallel_loop3A_142, %parallel_loop3A_463, %parallel_loop3A_464, %parallel_loop3A_465] : memref<2x8x8x128xf32, #tpu.memory_space<vmem>> -> memref<1x8x8x128xf32, #tpu.memory_space<vmem>>
      %parallel_loop3A_467 = tpu.memref_squeeze %parallel_loop3A_466 : memref<1x8x8x128xf32, #tpu.memory_space<vmem>> -> memref<8x8x128xf32, #tpu.memory_space<vmem>>
      tpu.vector_store_idx %parallel_loop3A_467[%parallel_loop3A_424, %parallel_loop3A_427, %add3A_14], %parallel_loop3A_462 : memref<8x8x128xf32, #tpu.memory_space<vmem>>[vector<16xi32>, vector<16xi32>, vector<16xi32>], vector<16xf32>,
      %parallel_loop3A_468 = arith.constant 0 : i32
      %parallel_loop3A_469 = arith.constant 0 : i32
      %parallel_loop3A_470 = tpu.memref_slice %arg6[%parallel_loop3A_141, %parallel_loop3A_468, %parallel_loop3A_469] : memref<2x128x64xf32, #tpu.memory_space<vmem>> -> memref<1x128x64xf32, #tpu.memory_space<vmem>>
      %parallel_loop3A_471 = tpu.memref_squeeze %parallel_loop3A_470 : memref<1x128x64xf32, #tpu.memory_space<vmem>> -> memref<128x64xf32, #tpu.memory_space<vmem>>
      %parallel_loop3A_472 = tpu.vector_load_idx %parallel_loop3A_471[%add3A_17, %parallel_loop3A_421] : memref<128x64xf32, #tpu.memory_space<vmem>>[vector<16xi32>, vector<16xi32>], vector<16xf32>,
      %parallel_loop3A_473 = arith.constant 0 : i32
      %parallel_loop3A_474 = arith.constant 0 : i32
      %parallel_loop3A_475 = arith.constant 0 : i32
      %parallel_loop3A_476 = tpu.memref_slice %arg7[%parallel_loop3A_142, %parallel_loop3A_473, %parallel_loop3A_474, %parallel_loop3A_475] : memref<2x8x8x128xf32, #tpu.memory_space<vmem>> -> memref<1x8x8x128xf32, #tpu.memory_space<vmem>>
      %parallel_loop3A_477 = tpu.memref_squeeze %parallel_loop3A_476 : memref<1x8x8x128xf32, #tpu.memory_space<vmem>> -> memref<8x8x128xf32, #tpu.memory_space<vmem>>
      tpu.vector_store_idx %parallel_loop3A_477[%parallel_loop3A_424, %parallel_loop3A_427, %add3A_17], %parallel_loop3A_472 : memref<8x8x128xf32, #tpu.memory_space<vmem>>[vector<16xi32>, vector<16xi32>, vector<16xi32>], vector<16xf32>,
      %parallel_loop3A_478 = arith.constant 0 : i32
      %parallel_loop3A_479 = arith.constant 0 : i32
      %parallel_loop3A_480 = tpu.memref_slice %arg6[%parallel_loop3A_141, %parallel_loop3A_478, %parallel_loop3A_479] : memref<2x128x64xf32, #tpu.memory_space<vmem>> -> memref<1x128x64xf32, #tpu.memory_space<vmem>>
      %parallel_loop3A_481 = tpu.memref_squeeze %parallel_loop3A_480 : memref<1x128x64xf32, #tpu.memory_space<vmem>> -> memref<128x64xf32, #tpu.memory_space<vmem>>
      %parallel_loop3A_482 = tpu.vector_load_idx %parallel_loop3A_481[%add3A_20, %parallel_loop3A_421] : memref<128x64xf32, #tpu.memory_space<vmem>>[vector<16xi32>, vector<16xi32>], vector<16xf32>,
      %parallel_loop3A_483 = arith.constant 0 : i32
      %parallel_loop3A_484 = arith.constant 0 : i32
      %parallel_loop3A_485 = arith.constant 0 : i32
      %parallel_loop3A_486 = tpu.memref_slice %arg7[%parallel_loop3A_142, %parallel_loop3A_483, %parallel_loop3A_484, %parallel_loop3A_485] : memref<2x8x8x128xf32, #tpu.memory_space<vmem>> -> memref<1x8x8x128xf32, #tpu.memory_space<vmem>>
      %parallel_loop3A_487 = tpu.memref_squeeze %parallel_loop3A_486 : memref<1x8x8x128xf32, #tpu.memory_space<vmem>> -> memref<8x8x128xf32, #tpu.memory_space<vmem>>
      tpu.vector_store_idx %parallel_loop3A_487[%parallel_loop3A_424, %parallel_loop3A_427, %add3A_20], %parallel_loop3A_482 : memref<8x8x128xf32, #tpu.memory_space<vmem>>[vector<16xi32>, vector<16xi32>, vector<16xi32>], vector<16xf32>,
      %parallel_loop3A_488 = arith.constant 0 : i32
      %parallel_loop3A_489 = arith.constant 0 : i32
      %parallel_loop3A_490 = tpu.memref_slice %arg6[%parallel_loop3A_141, %parallel_loop3A_488, %parallel_loop3A_489] : memref<2x128x64xf32, #tpu.memory_space<vmem>> -> memref<1x128x64xf32, #tpu.memory_space<vmem>>
      %parallel_loop3A_491 = tpu.memref_squeeze %parallel_loop3A_490 : memref<1x128x64xf32, #tpu.memory_space<vmem>> -> memref<128x64xf32, #tpu.memory_space<vmem>>
      %parallel_loop3A_492 = tpu.vector_load_idx %parallel_loop3A_491[%add3A_23, %parallel_loop3A_421] : memref<128x64xf32, #tpu.memory_space<vmem>>[vector<16xi32>, vector<16xi32>], vector<16xf32>,
      %parallel_loop3A_493 = arith.constant 0 : i32
      %parallel_loop3A_494 = arith.constant 0 : i32
      %parallel_loop3A_495 = arith.constant 0 : i32
      %parallel_loop3A_496 = tpu.memref_slice %arg7[%parallel_loop3A_142, %parallel_loop3A_493, %parallel_loop3A_494, %parallel_loop3A_495] : memref<2x8x8x128xf32, #tpu.memory_space<vmem>> -> memref<1x8x8x128xf32, #tpu.memory_space<vmem>>
      %parallel_loop3A_497 = tpu.memref_squeeze %parallel_loop3A_496 : memref<1x8x8x128xf32, #tpu.memory_space<vmem>> -> memref<8x8x128xf32, #tpu.memory_space<vmem>>
      tpu.vector_store_idx %parallel_loop3A_497[%parallel_loop3A_424, %parallel_loop3A_427, %add3A_23], %parallel_loop3A_492 : memref<8x8x128xf32, #tpu.memory_space<vmem>>[vector<16xi32>, vector<16xi32>, vector<16xi32>], vector<16xf32>,
      %parallel_loop3A_498 = arith.constant 0 : i32
      %parallel_loop3A_499 = arith.constant 0 : i32
      %parallel_loop3A_500 = tpu.memref_slice %arg6[%parallel_loop3A_141, %parallel_loop3A_498, %parallel_loop3A_499] : memref<2x128x64xf32, #tpu.memory_space<vmem>> -> memref<1x128x64xf32, #tpu.memory_space<vmem>>
      %parallel_loop3A_501 = tpu.memref_squeeze %parallel_loop3A_500 : memref<1x128x64xf32, #tpu.memory_space<vmem>> -> memref<128x64xf32, #tpu.memory_space<vmem>>
      %parallel_loop3A_502 = tpu.vector_load_idx %parallel_loop3A_501[%add3A_26, %parallel_loop3A_421] : memref<128x64xf32, #tpu.memory_space<vmem>>[vector<16xi32>, vector<16xi32>], vector<16xf32>,
      %parallel_loop3A_503 = arith.constant 0 : i32
      %parallel_loop3A_504 = arith.constant 0 : i32
      %parallel_loop3A_505 = arith.constant 0 : i32
      %parallel_loop3A_506 = tpu.memref_slice %arg7[%parallel_loop3A_142, %parallel_loop3A_503, %parallel_loop3A_504, %parallel_loop3A_505] : memref<2x8x8x128xf32, #tpu.memory_space<vmem>> -> memref<1x8x8x128xf32, #tpu.memory_space<vmem>>
      %parallel_loop3A_507 = tpu.memref_squeeze %parallel_loop3A_506 : memref<1x8x8x128xf32, #tpu.memory_space<vmem>> -> memref<8x8x128xf32, #tpu.memory_space<vmem>>
      tpu.vector_store_idx %parallel_loop3A_507[%parallel_loop3A_424, %parallel_loop3A_427, %add3A_26], %parallel_loop3A_502 : memref<8x8x128xf32, #tpu.memory_space<vmem>>[vector<16xi32>, vector<16xi32>, vector<16xi32>], vector<16xf32>,
    } {sc.loop_unroll_factor = 8 : i64, sc.parallel_access}
    %mul3A_143 = arith.constant 32 : i32
    %mul3A_144 = arith.muli %add3A, %mul3A_143 : i32
    %add3A_145 = arith.constant 0 : i32
    %add3A_146 = arith.addi %mul3A_144, %add3A_145 : i32
    %rem3A_147 = arith.constant 1 : i32
    %rem3A_148 = arith.constant 8 : i32
    %rem3A_149 = arith.remsi %rem3A_147, %rem3A_148 : i32
    %add3A_150 = arith.addi %add3A_146, %rem3A_149 : i32
    %rem3A_151 = arith.constant 0 : i32
    %rem3A_152 = arith.constant 8 : i32
    %rem3A_153 = arith.remsi %rem3A_151, %rem3A_152 : i32
    %dma_start3A_154 = arith.constant 1 : i32
    %dma_start3A_155 = arith.constant 1 : i32
    %dma_start3A_156 = arith.constant 0 : i32
    %dma_start3A_157 = arith.constant 0 : i32
    %dma_start3A_158 = arith.constant 0 : i32
    %dma_start3A_159 = tpu.memref_slice %arg7[%dma_start3A_154, %dma_start3A_156, %dma_start3A_157, %dma_start3A_158] : memref<2x8x8x128xf32, #tpu.memory_space<vmem>> -> memref<1x8x8x128xf32, #tpu.memory_space<vmem>>
    %dma_start3A_160 = tpu.memref_squeeze %dma_start3A_159 : memref<1x8x8x128xf32, #tpu.memory_space<vmem>> -> memref<8x8x128xf32, #tpu.memory_space<vmem>>
    %dma_start3A_161 = arith.constant 0 : i32
    %dma_start3A_162 = arith.constant 0 : i32
    %dma_start3A_163 = arith.constant 0 : i32
    %dma_start3A_164 = tpu.memref_slice %arg4[%add3A_150, %dma_start3A_161, %rem3A_153, %dma_start3A_162, %dma_start3A_163] : memref<1024x8x8x8x128xf32, #tpu.memory_space<hbm>> -> memref<1x8x1x8x128xf32, #tpu.memory_space<hbm>>
    %dma_start3A_165 = tpu.memref_squeeze %dma_start3A_164 : memref<1x8x1x8x128xf32, #tpu.memory_space<hbm>> -> memref<8x8x128xf32, #tpu.memory_space<hbm>>
    %dma_start3A_166 = tpu.memref_slice %arg9[%dma_start3A_155] : memref<2x!tpu.dma_semaphore, #tpu.memory_space<semaphore_mem>> -> memref<1x!tpu.dma_semaphore, #tpu.memory_space<semaphore_mem>>
    %dma_start3A_167 = tpu.memref_squeeze %dma_start3A_166 : memref<1x!tpu.dma_semaphore, #tpu.memory_space<semaphore_mem>> -> memref<!tpu.dma_semaphore, #tpu.memory_space<semaphore_mem>>
    %dma_start3A_168 = arith.constant 0 : i32
    %dma_start3A_169 = arith.constant 0 : i32
    %dma_start3A_170 = arith.constant 0 : i32
    %dma_start3A_171 = tpu.memref_slice %arg4[%add3A_150, %dma_start3A_168, %rem3A_153, %dma_start3A_169, %dma_start3A_170] : memref<1024x8x8x8x128xf32, #tpu.memory_space<hbm>> -> memref<1x8x1x8x128xf32, #tpu.memory_space<hbm>>
    %dma_start3A_172 = tpu.memref_squeeze %dma_start3A_171 : memref<1x8x1x8x128xf32, #tpu.memory_space<hbm>> -> memref<8x8x128xf32, #tpu.memory_space<hbm>>
    %dma_start3A_173 = arith.constant 0 : i32
    %dma_start3A_174 = arith.constant 0 : i32
    %dma_start3A_175 = arith.constant 0 : i32
    %dma_start3A_176 = tpu.memref_slice %arg7[%dma_start3A_154, %dma_start3A_173, %dma_start3A_174, %dma_start3A_175] : memref<2x8x8x128xf32, #tpu.memory_space<vmem>> -> memref<1x8x8x128xf32, #tpu.memory_space<vmem>>
    %dma_start3A_177 = tpu.memref_squeeze %dma_start3A_176 : memref<1x8x8x128xf32, #tpu.memory_space<vmem>> -> memref<8x8x128xf32, #tpu.memory_space<vmem>>
    tpu.enqueue_dma source(%dma_start3A_177 : memref<8x8x128xf32, #tpu.memory_space<vmem>>) target(%dma_start3A_172 : memref<8x8x128xf32, #tpu.memory_space<hbm>>) target_semaphore(%dma_start3A_167 : memref<!tpu.dma_semaphore, #tpu.memory_space<semaphore_mem>>)
    %dma_start3A_178 = arith.constant 1 : i32
    %dma_start3A_179 = arith.constant 1 : i32
    %dma_start3A_180 = arith.constant 0 : i32
    %dma_start3A_181 = arith.constant 0 : i32
    %dma_start3A_182 = tpu.memref_slice %arg6[%dma_start3A_178, %dma_start3A_180, %dma_start3A_181] : memref<2x128x64xf32, #tpu.memory_space<vmem>> -> memref<1x128x64xf32, #tpu.memory_space<vmem>>
    %dma_start3A_183 = tpu.memref_squeeze %dma_start3A_182 : memref<1x128x64xf32, #tpu.memory_space<vmem>> -> memref<128x64xf32, #tpu.memory_space<vmem>>
    %dma_start3A_184 = arith.constant 384 : i32
    %dma_start3A_185 = tpu.memref_slice %arg5[%dma_start3A_184] : memref<32768xi32, #tpu.memory_space<vmem>> -> memref<128xi32, #tpu.memory_space<vmem>>
    %dma_start3A_186 = arith.constant 0 : i32
    %dma_start3A_187 = arith.constant 0 : i32
    %dma_start3A_188 = tpu.memref_slice %arg3[%dma_start3A_186, %dma_start3A_187] : memref<100000x64xf32, #tpu.memory_space<hbm>> -> memref<100000x64xf32, #tpu.memory_space<hbm>>
    %dma_start3A_189 = tpu.memref_slice %arg8[%dma_start3A_179] : memref<2x!tpu.dma_semaphore, #tpu.memory_space<semaphore_mem>> -> memref<1x!tpu.dma_semaphore, #tpu.memory_space<semaphore_mem>>
    %dma_start3A_190 = tpu.memref_squeeze %dma_start3A_189 : memref<1x!tpu.dma_semaphore, #tpu.memory_space<semaphore_mem>> -> memref<!tpu.dma_semaphore, #tpu.memory_space<semaphore_mem>>
    tpu.enqueue_indirect_dma source(%dma_start3A_188 : memref<100000x64xf32, #tpu.memory_space<hbm>>) target(%dma_start3A_183 : memref<128x64xf32, #tpu.memory_space<vmem>>) offsets(%dma_start3A_185 : memref<128xi32, #tpu.memory_space<vmem>>) semaphore(%dma_start3A_190 : memref<!tpu.dma_semaphore, #tpu.memory_space<semaphore_mem>>)
    %dma_wait3A_191 = arith.constant 0 : i32
    %dma_wait3A_192 = arith.constant 0 : i32
    %dma_wait3A_193 = arith.constant 0 : i32
    %dma_wait3A_194 = arith.constant 0 : i32
    %dma_wait3A_195 = tpu.memref_slice %arg6[%dma_wait3A_191, %dma_wait3A_193, %dma_wait3A_194] : memref<2x128x64xf32, #tpu.memory_space<vmem>> -> memref<1x128x64xf32, #tpu.memory_space<vmem>>
    %dma_wait3A_196 = tpu.memref_squeeze %dma_wait3A_195 : memref<1x128x64xf32, #tpu.memory_space<vmem>> -> memref<128x64xf32, #tpu.memory_space<vmem>>
    %dma_wait3A_197 = arith.constant 0 : i32
    %dma_wait3A_198 = arith.constant 0 : i32
    %dma_wait3A_199 = tpu.memref_slice %arg3[%dma_wait3A_197, %dma_wait3A_198] : memref<100000x64xf32, #tpu.memory_space<hbm>> -> memref<128x64xf32, #tpu.memory_space<hbm>>
    %dma_wait3A_200 = tpu.memref_slice %arg8[%dma_wait3A_192] : memref<2x!tpu.dma_semaphore, #tpu.memory_space<semaphore_mem>> -> memref<1x!tpu.dma_semaphore, #tpu.memory_space<semaphore_mem>>
    %dma_wait3A_201 = tpu.memref_squeeze %dma_wait3A_200 : memref<1x!tpu.dma_semaphore, #tpu.memory_space<semaphore_mem>> -> memref<!tpu.dma_semaphore, #tpu.memory_space<semaphore_mem>>
    %dma_wait3A_202 = arith.constant 0 : i32
    %dma_wait3A_203 = arith.constant 0 : i32
    %dma_wait3A_204 = tpu.memref_slice %arg6[%dma_wait3A_191, %dma_wait3A_202, %dma_wait3A_203] : memref<2x128x64xf32, #tpu.memory_space<vmem>> -> memref<1x128x64xf32, #tpu.memory_space<vmem>>
    %dma_wait3A_205 = tpu.memref_squeeze %dma_wait3A_204 : memref<1x128x64xf32, #tpu.memory_space<vmem>> -> memref<128x64xf32, #tpu.memory_space<vmem>>
    %dma_wait3A_206 = arith.constant 0 : i32
    %dma_wait3A_207 = arith.constant 0 : i32
    %dma_wait3A_208 = tpu.memref_slice %arg3[%dma_wait3A_206, %dma_wait3A_207] : memref<100000x64xf32, #tpu.memory_space<hbm>> -> memref<128x64xf32, #tpu.memory_space<hbm>>
    tpu.wait_dma2 semaphore(%dma_wait3A_201 : memref<!tpu.dma_semaphore, #tpu.memory_space<semaphore_mem>>) src(%dma_wait3A_208 : memref<128x64xf32, #tpu.memory_space<hbm>>) dst(%dma_wait3A_205 : memref<128x64xf32, #tpu.memory_space<vmem>>)
    %dma_wait3A_209 = arith.constant 0 : i32
    %dma_wait3A_210 = arith.constant 0 : i32
    %dma_wait3A_211 = arith.constant 0 : i32
    %dma_wait3A_212 = arith.constant 0 : i32
    %dma_wait3A_213 = arith.constant 0 : i32
    %dma_wait3A_214 = arith.constant 0 : i32
    %dma_wait3A_215 = arith.constant 0 : i32
    %dma_wait3A_216 = tpu.memref_slice %arg7[%dma_wait3A_209, %dma_wait3A_213, %dma_wait3A_214, %dma_wait3A_215] : memref<2x8x8x128xf32, #tpu.memory_space<vmem>> -> memref<1x8x8x128xf32, #tpu.memory_space<vmem>>
    %dma_wait3A_217 = tpu.memref_squeeze %dma_wait3A_216 : memref<1x8x8x128xf32, #tpu.memory_space<vmem>> -> memref<8x8x128xf32, #tpu.memory_space<vmem>>
    %dma_wait3A_218 = arith.constant 0 : i32
    %dma_wait3A_219 = arith.constant 0 : i32
    %dma_wait3A_220 = arith.constant 0 : i32
    %dma_wait3A_221 = tpu.memref_slice %arg4[%dma_wait3A_210, %dma_wait3A_218, %dma_wait3A_211, %dma_wait3A_219, %dma_wait3A_220] : memref<1024x8x8x8x128xf32, #tpu.memory_space<hbm>> -> memref<1x8x1x8x128xf32, #tpu.memory_space<hbm>>
    %dma_wait3A_222 = tpu.memref_squeeze %dma_wait3A_221 : memref<1x8x1x8x128xf32, #tpu.memory_space<hbm>> -> memref<8x8x128xf32, #tpu.memory_space<hbm>>
    %dma_wait3A_223 = tpu.memref_slice %arg9[%dma_wait3A_212] : memref<2x!tpu.dma_semaphore, #tpu.memory_space<semaphore_mem>> -> memref<1x!tpu.dma_semaphore, #tpu.memory_space<semaphore_mem>>
    %dma_wait3A_224 = tpu.memref_squeeze %dma_wait3A_223 : memref<1x!tpu.dma_semaphore, #tpu.memory_space<semaphore_mem>> -> memref<!tpu.dma_semaphore, #tpu.memory_space<semaphore_mem>>
    %dma_wait3A_225 = arith.constant 0 : i32
    %dma_wait3A_226 = arith.constant 0 : i32
    %dma_wait3A_227 = arith.constant 0 : i32
    %dma_wait3A_228 = tpu.memref_slice %arg4[%dma_wait3A_210, %dma_wait3A_225, %dma_wait3A_211, %dma_wait3A_226, %dma_wait3A_227] : memref<1024x8x8x8x128xf32, #tpu.memory_space<hbm>> -> memref<1x8x1x8x128xf32, #tpu.memory_space<hbm>>
    %dma_wait3A_229 = tpu.memref_squeeze %dma_wait3A_228 : memref<1x8x1x8x128xf32, #tpu.memory_space<hbm>> -> memref<8x8x128xf32, #tpu.memory_space<hbm>>
    %dma_wait3A_230 = arith.constant 0 : i32
    %dma_wait3A_231 = arith.constant 0 : i32
    %dma_wait3A_232 = arith.constant 0 : i32
    %dma_wait3A_233 = tpu.memref_slice %arg7[%dma_wait3A_209, %dma_wait3A_230, %dma_wait3A_231, %dma_wait3A_232] : memref<2x8x8x128xf32, #tpu.memory_space<vmem>> -> memref<1x8x8x128xf32, #tpu.memory_space<vmem>>
    %dma_wait3A_234 = tpu.memref_squeeze %dma_wait3A_233 : memref<1x8x8x128xf32, #tpu.memory_space<vmem>> -> memref<8x8x128xf32, #tpu.memory_space<vmem>>
    tpu.wait_dma2 semaphore(%dma_wait3A_224 : memref<!tpu.dma_semaphore, #tpu.memory_space<semaphore_mem>>) src(%dma_wait3A_234 : memref<8x8x128xf32, #tpu.memory_space<vmem>>) dst(%dma_wait3A_229 : memref<8x8x128xf32, #tpu.memory_space<hbm>>)
    %parallel_loop3A_235 = arith.constant 0 : i32
    %parallel_loop3A_236 = arith.constant 64 : i32
    %parallel_loop3A_237 = arith.constant 1 : i32
    %parallel_loop3A_238 = arith.constant 0 : i32
    %parallel_loop3A_239 = arith.constant 0 : i32
    scf.for %parallel_loop3A_416 = %parallel_loop3A_235 to %parallel_loop3A_236 step %parallel_loop3A_237  : i32 {
      %parallel_loop3A_417 = vector.broadcast %parallel_loop3A_416 : i32 to vector<16xi32>
      %parallel_loop3A_418 = arith.addi %parallel_loop3A_417, %iota3A : vector<16xi32>
      %parallel_loop3A_419 = arith.constant 63 : i32
      %parallel_loop3A_420 = vector.broadcast %parallel_loop3A_419 : i32 to vector<16xi32>
      %parallel_loop3A_421 = arith.andi %parallel_loop3A_418, %parallel_loop3A_420 : vector<16xi32>
      %parallel_loop3A_422 = arith.constant 3 : i32
      %parallel_loop3A_423 = vector.broadcast %parallel_loop3A_422 : i32 to vector<16xi32>
      %parallel_loop3A_424 = arith.shrui %parallel_loop3A_421, %parallel_loop3A_423 : vector<16xi32>
      %parallel_loop3A_425 = arith.constant 7 : i32
      %parallel_loop3A_426 = vector.broadcast %parallel_loop3A_425 : i32 to vector<16xi32>
      %parallel_loop3A_427 = arith.andi %parallel_loop3A_421, %parallel_loop3A_426 : vector<16xi32>
      %parallel_loop3A_428 = arith.constant 0 : i32
      %parallel_loop3A_429 = arith.constant 0 : i32
      %parallel_loop3A_430 = tpu.memref_slice %arg6[%parallel_loop3A_238, %parallel_loop3A_428, %parallel_loop3A_429] : memref<2x128x64xf32, #tpu.memory_space<vmem>> -> memref<1x128x64xf32, #tpu.memory_space<vmem>>
      %parallel_loop3A_431 = tpu.memref_squeeze %parallel_loop3A_430 : memref<1x128x64xf32, #tpu.memory_space<vmem>> -> memref<128x64xf32, #tpu.memory_space<vmem>>
      %parallel_loop3A_432 = tpu.vector_load_idx %parallel_loop3A_431[%add3A_5, %parallel_loop3A_421] : memref<128x64xf32, #tpu.memory_space<vmem>>[vector<16xi32>, vector<16xi32>], vector<16xf32>,
      %parallel_loop3A_433 = arith.constant 0 : i32
      %parallel_loop3A_434 = arith.constant 0 : i32
      %parallel_loop3A_435 = arith.constant 0 : i32
      %parallel_loop3A_436 = tpu.memref_slice %arg7[%parallel_loop3A_239, %parallel_loop3A_433, %parallel_loop3A_434, %parallel_loop3A_435] : memref<2x8x8x128xf32, #tpu.memory_space<vmem>> -> memref<1x8x8x128xf32, #tpu.memory_space<vmem>>
      %parallel_loop3A_437 = tpu.memref_squeeze %parallel_loop3A_436 : memref<1x8x8x128xf32, #tpu.memory_space<vmem>> -> memref<8x8x128xf32, #tpu.memory_space<vmem>>
      tpu.vector_store_idx %parallel_loop3A_437[%parallel_loop3A_424, %parallel_loop3A_427, %add3A_5], %parallel_loop3A_432 : memref<8x8x128xf32, #tpu.memory_space<vmem>>[vector<16xi32>, vector<16xi32>, vector<16xi32>], vector<16xf32>,
      %parallel_loop3A_438 = arith.constant 0 : i32
      %parallel_loop3A_439 = arith.constant 0 : i32
      %parallel_loop3A_440 = tpu.memref_slice %arg6[%parallel_loop3A_238, %parallel_loop3A_438, %parallel_loop3A_439] : memref<2x128x64xf32, #tpu.memory_space<vmem>> -> memref<1x128x64xf32, #tpu.memory_space<vmem>>
      %parallel_loop3A_441 = tpu.memref_squeeze %parallel_loop3A_440 : memref<1x128x64xf32, #tpu.memory_space<vmem>> -> memref<128x64xf32, #tpu.memory_space<vmem>>
      %parallel_loop3A_442 = tpu.vector_load_idx %parallel_loop3A_441[%add3A_8, %parallel_loop3A_421] : memref<128x64xf32, #tpu.memory_space<vmem>>[vector<16xi32>, vector<16xi32>], vector<16xf32>,
      %parallel_loop3A_443 = arith.constant 0 : i32
      %parallel_loop3A_444 = arith.constant 0 : i32
      %parallel_loop3A_445 = arith.constant 0 : i32
      %parallel_loop3A_446 = tpu.memref_slice %arg7[%parallel_loop3A_239, %parallel_loop3A_443, %parallel_loop3A_444, %parallel_loop3A_445] : memref<2x8x8x128xf32, #tpu.memory_space<vmem>> -> memref<1x8x8x128xf32, #tpu.memory_space<vmem>>
      %parallel_loop3A_447 = tpu.memref_squeeze %parallel_loop3A_446 : memref<1x8x8x128xf32, #tpu.memory_space<vmem>> -> memref<8x8x128xf32, #tpu.memory_space<vmem>>
      tpu.vector_store_idx %parallel_loop3A_447[%parallel_loop3A_424, %parallel_loop3A_427, %add3A_8], %parallel_loop3A_442 : memref<8x8x128xf32, #tpu.memory_space<vmem>>[vector<16xi32>, vector<16xi32>, vector<16xi32>], vector<16xf32>,
      %parallel_loop3A_448 = arith.constant 0 : i32
      %parallel_loop3A_449 = arith.constant 0 : i32
      %parallel_loop3A_450 = tpu.memref_slice %arg6[%parallel_loop3A_238, %parallel_loop3A_448, %parallel_loop3A_449] : memref<2x128x64xf32, #tpu.memory_space<vmem>> -> memref<1x128x64xf32, #tpu.memory_space<vmem>>
      %parallel_loop3A_451 = tpu.memref_squeeze %parallel_loop3A_450 : memref<1x128x64xf32, #tpu.memory_space<vmem>> -> memref<128x64xf32, #tpu.memory_space<vmem>>
      %parallel_loop3A_452 = tpu.vector_load_idx %parallel_loop3A_451[%add3A_11, %parallel_loop3A_421] : memref<128x64xf32, #tpu.memory_space<vmem>>[vector<16xi32>, vector<16xi32>], vector<16xf32>,
      %parallel_loop3A_453 = arith.constant 0 : i32
      %parallel_loop3A_454 = arith.constant 0 : i32
      %parallel_loop3A_455 = arith.constant 0 : i32
      %parallel_loop3A_456 = tpu.memref_slice %arg7[%parallel_loop3A_239, %parallel_loop3A_453, %parallel_loop3A_454, %parallel_loop3A_455] : memref<2x8x8x128xf32, #tpu.memory_space<vmem>> -> memref<1x8x8x128xf32, #tpu.memory_space<vmem>>
      %parallel_loop3A_457 = tpu.memref_squeeze %parallel_loop3A_456 : memref<1x8x8x128xf32, #tpu.memory_space<vmem>> -> memref<8x8x128xf32, #tpu.memory_space<vmem>>
      tpu.vector_store_idx %parallel_loop3A_457[%parallel_loop3A_424, %parallel_loop3A_427, %add3A_11], %parallel_loop3A_452 : memref<8x8x128xf32, #tpu.memory_space<vmem>>[vector<16xi32>, vector<16xi32>, vector<16xi32>], vector<16xf32>,
      %parallel_loop3A_458 = arith.constant 0 : i32
      %parallel_loop3A_459 = arith.constant 0 : i32
      %parallel_loop3A_460 = tpu.memref_slice %arg6[%parallel_loop3A_238, %parallel_loop3A_458, %parallel_loop3A_459] : memref<2x128x64xf32, #tpu.memory_space<vmem>> -> memref<1x128x64xf32, #tpu.memory_space<vmem>>
      %parallel_loop3A_461 = tpu.memref_squeeze %parallel_loop3A_460 : memref<1x128x64xf32, #tpu.memory_space<vmem>> -> memref<128x64xf32, #tpu.memory_space<vmem>>
      %parallel_loop3A_462 = tpu.vector_load_idx %parallel_loop3A_461[%add3A_14, %parallel_loop3A_421] : memref<128x64xf32, #tpu.memory_space<vmem>>[vector<16xi32>, vector<16xi32>], vector<16xf32>,
      %parallel_loop3A_463 = arith.constant 0 : i32
      %parallel_loop3A_464 = arith.constant 0 : i32
      %parallel_loop3A_465 = arith.constant 0 : i32
      %parallel_loop3A_466 = tpu.memref_slice %arg7[%parallel_loop3A_239, %parallel_loop3A_463, %parallel_loop3A_464, %parallel_loop3A_465] : memref<2x8x8x128xf32, #tpu.memory_space<vmem>> -> memref<1x8x8x128xf32, #tpu.memory_space<vmem>>
      %parallel_loop3A_467 = tpu.memref_squeeze %parallel_loop3A_466 : memref<1x8x8x128xf32, #tpu.memory_space<vmem>> -> memref<8x8x128xf32, #tpu.memory_space<vmem>>
      tpu.vector_store_idx %parallel_loop3A_467[%parallel_loop3A_424, %parallel_loop3A_427, %add3A_14], %parallel_loop3A_462 : memref<8x8x128xf32, #tpu.memory_space<vmem>>[vector<16xi32>, vector<16xi32>, vector<16xi32>], vector<16xf32>,
      %parallel_loop3A_468 = arith.constant 0 : i32
      %parallel_loop3A_469 = arith.constant 0 : i32
      %parallel_loop3A_470 = tpu.memref_slice %arg6[%parallel_loop3A_238, %parallel_loop3A_468, %parallel_loop3A_469] : memref<2x128x64xf32, #tpu.memory_space<vmem>> -> memref<1x128x64xf32, #tpu.memory_space<vmem>>
      %parallel_loop3A_471 = tpu.memref_squeeze %parallel_loop3A_470 : memref<1x128x64xf32, #tpu.memory_space<vmem>> -> memref<128x64xf32, #tpu.memory_space<vmem>>
      %parallel_loop3A_472 = tpu.vector_load_idx %parallel_loop3A_471[%add3A_17, %parallel_loop3A_421] : memref<128x64xf32, #tpu.memory_space<vmem>>[vector<16xi32>, vector<16xi32>], vector<16xf32>,
      %parallel_loop3A_473 = arith.constant 0 : i32
      %parallel_loop3A_474 = arith.constant 0 : i32
      %parallel_loop3A_475 = arith.constant 0 : i32
      %parallel_loop3A_476 = tpu.memref_slice %arg7[%parallel_loop3A_239, %parallel_loop3A_473, %parallel_loop3A_474, %parallel_loop3A_475] : memref<2x8x8x128xf32, #tpu.memory_space<vmem>> -> memref<1x8x8x128xf32, #tpu.memory_space<vmem>>
      %parallel_loop3A_477 = tpu.memref_squeeze %parallel_loop3A_476 : memref<1x8x8x128xf32, #tpu.memory_space<vmem>> -> memref<8x8x128xf32, #tpu.memory_space<vmem>>
      tpu.vector_store_idx %parallel_loop3A_477[%parallel_loop3A_424, %parallel_loop3A_427, %add3A_17], %parallel_loop3A_472 : memref<8x8x128xf32, #tpu.memory_space<vmem>>[vector<16xi32>, vector<16xi32>, vector<16xi32>], vector<16xf32>,
      %parallel_loop3A_478 = arith.constant 0 : i32
      %parallel_loop3A_479 = arith.constant 0 : i32
      %parallel_loop3A_480 = tpu.memref_slice %arg6[%parallel_loop3A_238, %parallel_loop3A_478, %parallel_loop3A_479] : memref<2x128x64xf32, #tpu.memory_space<vmem>> -> memref<1x128x64xf32, #tpu.memory_space<vmem>>
      %parallel_loop3A_481 = tpu.memref_squeeze %parallel_loop3A_480 : memref<1x128x64xf32, #tpu.memory_space<vmem>> -> memref<128x64xf32, #tpu.memory_space<vmem>>
      %parallel_loop3A_482 = tpu.vector_load_idx %parallel_loop3A_481[%add3A_20, %parallel_loop3A_421] : memref<128x64xf32, #tpu.memory_space<vmem>>[vector<16xi32>, vector<16xi32>], vector<16xf32>,
      %parallel_loop3A_483 = arith.constant 0 : i32
      %parallel_loop3A_484 = arith.constant 0 : i32
      %parallel_loop3A_485 = arith.constant 0 : i32
      %parallel_loop3A_486 = tpu.memref_slice %arg7[%parallel_loop3A_239, %parallel_loop3A_483, %parallel_loop3A_484, %parallel_loop3A_485] : memref<2x8x8x128xf32, #tpu.memory_space<vmem>> -> memref<1x8x8x128xf32, #tpu.memory_space<vmem>>
      %parallel_loop3A_487 = tpu.memref_squeeze %parallel_loop3A_486 : memref<1x8x8x128xf32, #tpu.memory_space<vmem>> -> memref<8x8x128xf32, #tpu.memory_space<vmem>>
      tpu.vector_store_idx %parallel_loop3A_487[%parallel_loop3A_424, %parallel_loop3A_427, %add3A_20], %parallel_loop3A_482 : memref<8x8x128xf32, #tpu.memory_space<vmem>>[vector<16xi32>, vector<16xi32>, vector<16xi32>], vector<16xf32>,
      %parallel_loop3A_488 = arith.constant 0 : i32
      %parallel_loop3A_489 = arith.constant 0 : i32
      %parallel_loop3A_490 = tpu.memref_slice %arg6[%parallel_loop3A_238, %parallel_loop3A_488, %parallel_loop3A_489] : memref<2x128x64xf32, #tpu.memory_space<vmem>> -> memref<1x128x64xf32, #tpu.memory_space<vmem>>
      %parallel_loop3A_491 = tpu.memref_squeeze %parallel_loop3A_490 : memref<1x128x64xf32, #tpu.memory_space<vmem>> -> memref<128x64xf32, #tpu.memory_space<vmem>>
      %parallel_loop3A_492 = tpu.vector_load_idx %parallel_loop3A_491[%add3A_23, %parallel_loop3A_421] : memref<128x64xf32, #tpu.memory_space<vmem>>[vector<16xi32>, vector<16xi32>], vector<16xf32>,
      %parallel_loop3A_493 = arith.constant 0 : i32
      %parallel_loop3A_494 = arith.constant 0 : i32
      %parallel_loop3A_495 = arith.constant 0 : i32
      %parallel_loop3A_496 = tpu.memref_slice %arg7[%parallel_loop3A_239, %parallel_loop3A_493, %parallel_loop3A_494, %parallel_loop3A_495] : memref<2x8x8x128xf32, #tpu.memory_space<vmem>> -> memref<1x8x8x128xf32, #tpu.memory_space<vmem>>
      %parallel_loop3A_497 = tpu.memref_squeeze %parallel_loop3A_496 : memref<1x8x8x128xf32, #tpu.memory_space<vmem>> -> memref<8x8x128xf32, #tpu.memory_space<vmem>>
      tpu.vector_store_idx %parallel_loop3A_497[%parallel_loop3A_424, %parallel_loop3A_427, %add3A_23], %parallel_loop3A_492 : memref<8x8x128xf32, #tpu.memory_space<vmem>>[vector<16xi32>, vector<16xi32>, vector<16xi32>], vector<16xf32>,
      %parallel_loop3A_498 = arith.constant 0 : i32
      %parallel_loop3A_499 = arith.constant 0 : i32
      %parallel_loop3A_500 = tpu.memref_slice %arg6[%parallel_loop3A_238, %parallel_loop3A_498, %parallel_loop3A_499] : memref<2x128x64xf32, #tpu.memory_space<vmem>> -> memref<1x128x64xf32, #tpu.memory_space<vmem>>
      %parallel_loop3A_501 = tpu.memref_squeeze %parallel_loop3A_500 : memref<1x128x64xf32, #tpu.memory_space<vmem>> -> memref<128x64xf32, #tpu.memory_space<vmem>>
      %parallel_loop3A_502 = tpu.vector_load_idx %parallel_loop3A_501[%add3A_26, %parallel_loop3A_421] : memref<128x64xf32, #tpu.memory_space<vmem>>[vector<16xi32>, vector<16xi32>], vector<16xf32>,
      %parallel_loop3A_503 = arith.constant 0 : i32
      %parallel_loop3A_504 = arith.constant 0 : i32
      %parallel_loop3A_505 = arith.constant 0 : i32
      %parallel_loop3A_506 = tpu.memref_slice %arg7[%parallel_loop3A_239, %parallel_loop3A_503, %parallel_loop3A_504, %parallel_loop3A_505] : memref<2x8x8x128xf32, #tpu.memory_space<vmem>> -> memref<1x8x8x128xf32, #tpu.memory_space<vmem>>
      %parallel_loop3A_507 = tpu.memref_squeeze %parallel_loop3A_506 : memref<1x8x8x128xf32, #tpu.memory_space<vmem>> -> memref<8x8x128xf32, #tpu.memory_space<vmem>>
      tpu.vector_store_idx %parallel_loop3A_507[%parallel_loop3A_424, %parallel_loop3A_427, %add3A_26], %parallel_loop3A_502 : memref<8x8x128xf32, #tpu.memory_space<vmem>>[vector<16xi32>, vector<16xi32>, vector<16xi32>], vector<16xf32>,
    } {sc.loop_unroll_factor = 8 : i64, sc.parallel_access}
    %mul3A_240 = arith.constant 32 : i32
    %mul3A_241 = arith.muli %add3A, %mul3A_240 : i32
    %add3A_242 = arith.constant 0 : i32
    %add3A_243 = arith.addi %mul3A_241, %add3A_242 : i32
    %rem3A_244 = arith.constant 2 : i32
    %rem3A_245 = arith.constant 8 : i32
    %rem3A_246 = arith.remsi %rem3A_244, %rem3A_245 : i32
    %add3A_247 = arith.addi %add3A_243, %rem3A_246 : i32
    %rem3A_248 = arith.constant 0 : i32
    %rem3A_249 = arith.constant 8 : i32
    %rem3A_250 = arith.remsi %rem3A_248, %rem3A_249 : i32
    %dma_start3A_251 = arith.constant 0 : i32
    %dma_start3A_252 = arith.constant 0 : i32
    %dma_start3A_253 = arith.constant 0 : i32
    %dma_start3A_254 = arith.constant 0 : i32
    %dma_start3A_255 = arith.constant 0 : i32
    %dma_start3A_256 = tpu.memref_slice %arg7[%dma_start3A_251, %dma_start3A_253, %dma_start3A_254, %dma_start3A_255] : memref<2x8x8x128xf32, #tpu.memory_space<vmem>> -> memref<1x8x8x128xf32, #tpu.memory_space<vmem>>
    %dma_start3A_257 = tpu.memref_squeeze %dma_start3A_256 : memref<1x8x8x128xf32, #tpu.memory_space<vmem>> -> memref<8x8x128xf32, #tpu.memory_space<vmem>>
    %dma_start3A_258 = arith.constant 0 : i32
    %dma_start3A_259 = arith.constant 0 : i32
    %dma_start3A_260 = arith.constant 0 : i32
    %dma_start3A_261 = tpu.memref_slice %arg4[%add3A_247, %dma_start3A_258, %rem3A_250, %dma_start3A_259, %dma_start3A_260] : memref<1024x8x8x8x128xf32, #tpu.memory_space<hbm>> -> memref<1x8x1x8x128xf32, #tpu.memory_space<hbm>>
    %dma_start3A_262 = tpu.memref_squeeze %dma_start3A_261 : memref<1x8x1x8x128xf32, #tpu.memory_space<hbm>> -> memref<8x8x128xf32, #tpu.memory_space<hbm>>
    %dma_start3A_263 = tpu.memref_slice %arg9[%dma_start3A_252] : memref<2x!tpu.dma_semaphore, #tpu.memory_space<semaphore_mem>> -> memref<1x!tpu.dma_semaphore, #tpu.memory_space<semaphore_mem>>
    %dma_start3A_264 = tpu.memref_squeeze %dma_start3A_263 : memref<1x!tpu.dma_semaphore, #tpu.memory_space<semaphore_mem>> -> memref<!tpu.dma_semaphore, #tpu.memory_space<semaphore_mem>>
    %dma_start3A_265 = arith.constant 0 : i32
    %dma_start3A_266 = arith.constant 0 : i32
    %dma_start3A_267 = arith.constant 0 : i32
    %dma_start3A_268 = tpu.memref_slice %arg4[%add3A_247, %dma_start3A_265, %rem3A_250, %dma_start3A_266, %dma_start3A_267] : memref<1024x8x8x8x128xf32, #tpu.memory_space<hbm>> -> memref<1x8x1x8x128xf32, #tpu.memory_space<hbm>>
    %dma_start3A_269 = tpu.memref_squeeze %dma_start3A_268 : memref<1x8x1x8x128xf32, #tpu.memory_space<hbm>> -> memref<8x8x128xf32, #tpu.memory_space<hbm>>
    %dma_start3A_270 = arith.constant 0 : i32
    %dma_start3A_271 = arith.constant 0 : i32
    %dma_start3A_272 = arith.constant 0 : i32
    %dma_start3A_273 = tpu.memref_slice %arg7[%dma_start3A_251, %dma_start3A_270, %dma_start3A_271, %dma_start3A_272] : memref<2x8x8x128xf32, #tpu.memory_space<vmem>> -> memref<1x8x8x128xf32, #tpu.memory_space<vmem>>
    %dma_start3A_274 = tpu.memref_squeeze %dma_start3A_273 : memref<1x8x8x128xf32, #tpu.memory_space<vmem>> -> memref<8x8x128xf32, #tpu.memory_space<vmem>>
    tpu.enqueue_dma source(%dma_start3A_274 : memref<8x8x128xf32, #tpu.memory_space<vmem>>) target(%dma_start3A_269 : memref<8x8x128xf32, #tpu.memory_space<hbm>>) target_semaphore(%dma_start3A_264 : memref<!tpu.dma_semaphore, #tpu.memory_space<semaphore_mem>>)
    %scan3A = arith.constant 0 : i32
    %scan3A_275 = arith.constant 2 : i32
    %scan3A_276 = arith.constant 126 : i32
    %scan3A_277 = arith.addi %scan3A_275, %scan3A_276 : i32
    %scan3A_278 = arith.constant 1 : i32
    scf.for %scan3A_416 = %scan3A_275 to %scan3A_277 step %scan3A_278  : i32 {
      %mul3A_417 = arith.constant 2 : i32
      %mul3A_418 = arith.muli %scan3A_416, %mul3A_417 : i32
      %mul3A_419 = arith.constant 128 : i32
      %mul3A_420 = arith.muli %mul3A_418, %mul3A_419 : i32
      %dma_start3A_421 = arith.constant 0 : i32
      %dma_start3A_422 = arith.constant 0 : i32
      %dma_start3A_423 = arith.constant 0 : i32
      %dma_start3A_424 = arith.constant 0 : i32
      %dma_start3A_425 = tpu.memref_slice %arg6[%dma_start3A_421, %dma_start3A_423, %dma_start3A_424] : memref<2x128x64xf32, #tpu.memory_space<vmem>> -> memref<1x128x64xf32, #tpu.memory_space<vmem>>
      %dma_start3A_426 = tpu.memref_squeeze %dma_start3A_425 : memref<1x128x64xf32, #tpu.memory_space<vmem>> -> memref<128x64xf32, #tpu.memory_space<vmem>>
      %dma_start3A_427 = tpu.memref_slice %arg5[%mul3A_420] : memref<32768xi32, #tpu.memory_space<vmem>> -> memref<128xi32, #tpu.memory_space<vmem>>
      %dma_start3A_428 = arith.constant 0 : i32
      %dma_start3A_429 = arith.constant 0 : i32
      %dma_start3A_430 = tpu.memref_slice %arg3[%dma_start3A_428, %dma_start3A_429] : memref<100000x64xf32, #tpu.memory_space<hbm>> -> memref<100000x64xf32, #tpu.memory_space<hbm>>
      %dma_start3A_431 = tpu.memref_slice %arg8[%dma_start3A_422] : memref<2x!tpu.dma_semaphore, #tpu.memory_space<semaphore_mem>> -> memref<1x!tpu.dma_semaphore, #tpu.memory_space<semaphore_mem>>
      %dma_start3A_432 = tpu.memref_squeeze %dma_start3A_431 : memref<1x!tpu.dma_semaphore, #tpu.memory_space<semaphore_mem>> -> memref<!tpu.dma_semaphore, #tpu.memory_space<semaphore_mem>>
      tpu.enqueue_indirect_dma source(%dma_start3A_430 : memref<100000x64xf32, #tpu.memory_space<hbm>>) target(%dma_start3A_426 : memref<128x64xf32, #tpu.memory_space<vmem>>) offsets(%dma_start3A_427 : memref<128xi32, #tpu.memory_space<vmem>>) semaphore(%dma_start3A_432 : memref<!tpu.dma_semaphore, #tpu.memory_space<semaphore_mem>>)
      %dma_wait3A_433 = arith.constant 1 : i32
      %dma_wait3A_434 = arith.constant 1 : i32
      %dma_wait3A_435 = arith.constant 0 : i32
      %dma_wait3A_436 = arith.constant 0 : i32
      %dma_wait3A_437 = tpu.memref_slice %arg6[%dma_wait3A_433, %dma_wait3A_435, %dma_wait3A_436] : memref<2x128x64xf32, #tpu.memory_space<vmem>> -> memref<1x128x64xf32, #tpu.memory_space<vmem>>
      %dma_wait3A_438 = tpu.memref_squeeze %dma_wait3A_437 : memref<1x128x64xf32, #tpu.memory_space<vmem>> -> memref<128x64xf32, #tpu.memory_space<vmem>>
      %dma_wait3A_439 = arith.constant 0 : i32
      %dma_wait3A_440 = arith.constant 0 : i32
      %dma_wait3A_441 = tpu.memref_slice %arg3[%dma_wait3A_439, %dma_wait3A_440] : memref<100000x64xf32, #tpu.memory_space<hbm>> -> memref<128x64xf32, #tpu.memory_space<hbm>>
      %dma_wait3A_442 = tpu.memref_slice %arg8[%dma_wait3A_434] : memref<2x!tpu.dma_semaphore, #tpu.memory_space<semaphore_mem>> -> memref<1x!tpu.dma_semaphore, #tpu.memory_space<semaphore_mem>>
      %dma_wait3A_443 = tpu.memref_squeeze %dma_wait3A_442 : memref<1x!tpu.dma_semaphore, #tpu.memory_space<semaphore_mem>> -> memref<!tpu.dma_semaphore, #tpu.memory_space<semaphore_mem>>
      %dma_wait3A_444 = arith.constant 0 : i32
      %dma_wait3A_445 = arith.constant 0 : i32
      %dma_wait3A_446 = tpu.memref_slice %arg6[%dma_wait3A_433, %dma_wait3A_444, %dma_wait3A_445] : memref<2x128x64xf32, #tpu.memory_space<vmem>> -> memref<1x128x64xf32, #tpu.memory_space<vmem>>
      %dma_wait3A_447 = tpu.memref_squeeze %dma_wait3A_446 : memref<1x128x64xf32, #tpu.memory_space<vmem>> -> memref<128x64xf32, #tpu.memory_space<vmem>>
      %dma_wait3A_448 = arith.constant 0 : i32
      %dma_wait3A_449 = arith.constant 0 : i32
      %dma_wait3A_450 = tpu.memref_slice %arg3[%dma_wait3A_448, %dma_wait3A_449] : memref<100000x64xf32, #tpu.memory_space<hbm>> -> memref<128x64xf32, #tpu.memory_space<hbm>>
      tpu.wait_dma2 semaphore(%dma_wait3A_443 : memref<!tpu.dma_semaphore, #tpu.memory_space<semaphore_mem>>) src(%dma_wait3A_450 : memref<128x64xf32, #tpu.memory_space<hbm>>) dst(%dma_wait3A_447 : memref<128x64xf32, #tpu.memory_space<vmem>>)
      %dma_wait3A_451 = arith.constant 1 : i32
      %dma_wait3A_452 = arith.constant 0 : i32
      %dma_wait3A_453 = arith.constant 0 : i32
      %dma_wait3A_454 = arith.constant 1 : i32
      %dma_wait3A_455 = arith.constant 0 : i32
      %dma_wait3A_456 = arith.constant 0 : i32
      %dma_wait3A_457 = arith.constant 0 : i32
      %dma_wait3A_458 = tpu.memref_slice %arg7[%dma_wait3A_451, %dma_wait3A_455, %dma_wait3A_456, %dma_wait3A_457] : memref<2x8x8x128xf32, #tpu.memory_space<vmem>> -> memref<1x8x8x128xf32, #tpu.memory_space<vmem>>
      %dma_wait3A_459 = tpu.memref_squeeze %dma_wait3A_458 : memref<1x8x8x128xf32, #tpu.memory_space<vmem>> -> memref<8x8x128xf32, #tpu.memory_space<vmem>>
      %dma_wait3A_460 = arith.constant 0 : i32
      %dma_wait3A_461 = arith.constant 0 : i32
      %dma_wait3A_462 = arith.constant 0 : i32
      %dma_wait3A_463 = tpu.memref_slice %arg4[%dma_wait3A_452, %dma_wait3A_460, %dma_wait3A_453, %dma_wait3A_461, %dma_wait3A_462] : memref<1024x8x8x8x128xf32, #tpu.memory_space<hbm>> -> memref<1x8x1x8x128xf32, #tpu.memory_space<hbm>>
      %dma_wait3A_464 = tpu.memref_squeeze %dma_wait3A_463 : memref<1x8x1x8x128xf32, #tpu.memory_space<hbm>> -> memref<8x8x128xf32, #tpu.memory_space<hbm>>
      %dma_wait3A_465 = tpu.memref_slice %arg9[%dma_wait3A_454] : memref<2x!tpu.dma_semaphore, #tpu.memory_space<semaphore_mem>> -> memref<1x!tpu.dma_semaphore, #tpu.memory_space<semaphore_mem>>
      %dma_wait3A_466 = tpu.memref_squeeze %dma_wait3A_465 : memref<1x!tpu.dma_semaphore, #tpu.memory_space<semaphore_mem>> -> memref<!tpu.dma_semaphore, #tpu.memory_space<semaphore_mem>>
      %dma_wait3A_467 = arith.constant 0 : i32
      %dma_wait3A_468 = arith.constant 0 : i32
      %dma_wait3A_469 = arith.constant 0 : i32
      %dma_wait3A_470 = tpu.memref_slice %arg4[%dma_wait3A_452, %dma_wait3A_467, %dma_wait3A_453, %dma_wait3A_468, %dma_wait3A_469] : memref<1024x8x8x8x128xf32, #tpu.memory_space<hbm>> -> memref<1x8x1x8x128xf32, #tpu.memory_space<hbm>>
      %dma_wait3A_471 = tpu.memref_squeeze %dma_wait3A_470 : memref<1x8x1x8x128xf32, #tpu.memory_space<hbm>> -> memref<8x8x128xf32, #tpu.memory_space<hbm>>
      %dma_wait3A_472 = arith.constant 0 : i32
      %dma_wait3A_473 = arith.constant 0 : i32
      %dma_wait3A_474 = arith.constant 0 : i32
      %dma_wait3A_475 = tpu.memref_slice %arg7[%dma_wait3A_451, %dma_wait3A_472, %dma_wait3A_473, %dma_wait3A_474] : memref<2x8x8x128xf32, #tpu.memory_space<vmem>> -> memref<1x8x8x128xf32, #tpu.memory_space<vmem>>
      %dma_wait3A_476 = tpu.memref_squeeze %dma_wait3A_475 : memref<1x8x8x128xf32, #tpu.memory_space<vmem>> -> memref<8x8x128xf32, #tpu.memory_space<vmem>>
      tpu.wait_dma2 semaphore(%dma_wait3A_466 : memref<!tpu.dma_semaphore, #tpu.memory_space<semaphore_mem>>) src(%dma_wait3A_476 : memref<8x8x128xf32, #tpu.memory_space<vmem>>) dst(%dma_wait3A_471 : memref<8x8x128xf32, #tpu.memory_space<hbm>>)
      %parallel_loop3A_477 = arith.constant 0 : i32
      %parallel_loop3A_478 = arith.constant 64 : i32
      %parallel_loop3A_479 = arith.constant 1 : i32
      %parallel_loop3A_480 = arith.constant 1 : i32
      %parallel_loop3A_481 = arith.constant 1 : i32
      scf.for %parallel_loop3A_706 = %parallel_loop3A_477 to %parallel_loop3A_478 step %parallel_loop3A_479  : i32 {
        %parallel_loop3A_707 = vector.broadcast %parallel_loop3A_706 : i32 to vector<16xi32>
        %parallel_loop3A_708 = arith.addi %parallel_loop3A_707, %iota3A : vector<16xi32>
        %parallel_loop3A_709 = arith.constant 63 : i32
        %parallel_loop3A_710 = vector.broadcast %parallel_loop3A_709 : i32 to vector<16xi32>
        %parallel_loop3A_711 = arith.andi %parallel_loop3A_708, %parallel_loop3A_710 : vector<16xi32>
        %parallel_loop3A_712 = arith.constant 3 : i32
        %parallel_loop3A_713 = vector.broadcast %parallel_loop3A_712 : i32 to vector<16xi32>
        %parallel_loop3A_714 = arith.shrui %parallel_loop3A_711, %parallel_loop3A_713 : vector<16xi32>
        %parallel_loop3A_715 = arith.constant 7 : i32
        %parallel_loop3A_716 = vector.broadcast %parallel_loop3A_715 : i32 to vector<16xi32>
        %parallel_loop3A_717 = arith.andi %parallel_loop3A_711, %parallel_loop3A_716 : vector<16xi32>
        %parallel_loop3A_718 = arith.constant 0 : i32
        %parallel_loop3A_719 = arith.constant 0 : i32
        %parallel_loop3A_720 = tpu.memref_slice %arg6[%parallel_loop3A_480, %parallel_loop3A_718, %parallel_loop3A_719] : memref<2x128x64xf32, #tpu.memory_space<vmem>> -> memref<1x128x64xf32, #tpu.memory_space<vmem>>
        %parallel_loop3A_721 = tpu.memref_squeeze %parallel_loop3A_720 : memref<1x128x64xf32, #tpu.memory_space<vmem>> -> memref<128x64xf32, #tpu.memory_space<vmem>>
        %parallel_loop3A_722 = tpu.vector_load_idx %parallel_loop3A_721[%add3A_5, %parallel_loop3A_711] : memref<128x64xf32, #tpu.memory_space<vmem>>[vector<16xi32>, vector<16xi32>], vector<16xf32>,
        %parallel_loop3A_723 = arith.constant 0 : i32
        %parallel_loop3A_724 = arith.constant 0 : i32
        %parallel_loop3A_725 = arith.constant 0 : i32
        %parallel_loop3A_726 = tpu.memref_slice %arg7[%parallel_loop3A_481, %parallel_loop3A_723, %parallel_loop3A_724, %parallel_loop3A_725] : memref<2x8x8x128xf32, #tpu.memory_space<vmem>> -> memref<1x8x8x128xf32, #tpu.memory_space<vmem>>
        %parallel_loop3A_727 = tpu.memref_squeeze %parallel_loop3A_726 : memref<1x8x8x128xf32, #tpu.memory_space<vmem>> -> memref<8x8x128xf32, #tpu.memory_space<vmem>>
        tpu.vector_store_idx %parallel_loop3A_727[%parallel_loop3A_714, %parallel_loop3A_717, %add3A_5], %parallel_loop3A_722 : memref<8x8x128xf32, #tpu.memory_space<vmem>>[vector<16xi32>, vector<16xi32>, vector<16xi32>], vector<16xf32>,
        %parallel_loop3A_728 = arith.constant 0 : i32
        %parallel_loop3A_729 = arith.constant 0 : i32
        %parallel_loop3A_730 = tpu.memref_slice %arg6[%parallel_loop3A_480, %parallel_loop3A_728, %parallel_loop3A_729] : memref<2x128x64xf32, #tpu.memory_space<vmem>> -> memref<1x128x64xf32, #tpu.memory_space<vmem>>
        %parallel_loop3A_731 = tpu.memref_squeeze %parallel_loop3A_730 : memref<1x128x64xf32, #tpu.memory_space<vmem>> -> memref<128x64xf32, #tpu.memory_space<vmem>>
        %parallel_loop3A_732 = tpu.vector_load_idx %parallel_loop3A_731[%add3A_8, %parallel_loop3A_711] : memref<128x64xf32, #tpu.memory_space<vmem>>[vector<16xi32>, vector<16xi32>], vector<16xf32>,
        %parallel_loop3A_733 = arith.constant 0 : i32
        %parallel_loop3A_734 = arith.constant 0 : i32
        %parallel_loop3A_735 = arith.constant 0 : i32
        %parallel_loop3A_736 = tpu.memref_slice %arg7[%parallel_loop3A_481, %parallel_loop3A_733, %parallel_loop3A_734, %parallel_loop3A_735] : memref<2x8x8x128xf32, #tpu.memory_space<vmem>> -> memref<1x8x8x128xf32, #tpu.memory_space<vmem>>
        %parallel_loop3A_737 = tpu.memref_squeeze %parallel_loop3A_736 : memref<1x8x8x128xf32, #tpu.memory_space<vmem>> -> memref<8x8x128xf32, #tpu.memory_space<vmem>>
        tpu.vector_store_idx %parallel_loop3A_737[%parallel_loop3A_714, %parallel_loop3A_717, %add3A_8], %parallel_loop3A_732 : memref<8x8x128xf32, #tpu.memory_space<vmem>>[vector<16xi32>, vector<16xi32>, vector<16xi32>], vector<16xf32>,
        %parallel_loop3A_738 = arith.constant 0 : i32
        %parallel_loop3A_739 = arith.constant 0 : i32
        %parallel_loop3A_740 = tpu.memref_slice %arg6[%parallel_loop3A_480, %parallel_loop3A_738, %parallel_loop3A_739] : memref<2x128x64xf32, #tpu.memory_space<vmem>> -> memref<1x128x64xf32, #tpu.memory_space<vmem>>
        %parallel_loop3A_741 = tpu.memref_squeeze %parallel_loop3A_740 : memref<1x128x64xf32, #tpu.memory_space<vmem>> -> memref<128x64xf32, #tpu.memory_space<vmem>>
        %parallel_loop3A_742 = tpu.vector_load_idx %parallel_loop3A_741[%add3A_11, %parallel_loop3A_711] : memref<128x64xf32, #tpu.memory_space<vmem>>[vector<16xi32>, vector<16xi32>], vector<16xf32>,
        %parallel_loop3A_743 = arith.constant 0 : i32
        %parallel_loop3A_744 = arith.constant 0 : i32
        %parallel_loop3A_745 = arith.constant 0 : i32
        %parallel_loop3A_746 = tpu.memref_slice %arg7[%parallel_loop3A_481, %parallel_loop3A_743, %parallel_loop3A_744, %parallel_loop3A_745] : memref<2x8x8x128xf32, #tpu.memory_space<vmem>> -> memref<1x8x8x128xf32, #tpu.memory_space<vmem>>
        %parallel_loop3A_747 = tpu.memref_squeeze %parallel_loop3A_746 : memref<1x8x8x128xf32, #tpu.memory_space<vmem>> -> memref<8x8x128xf32, #tpu.memory_space<vmem>>
        tpu.vector_store_idx %parallel_loop3A_747[%parallel_loop3A_714, %parallel_loop3A_717, %add3A_11], %parallel_loop3A_742 : memref<8x8x128xf32, #tpu.memory_space<vmem>>[vector<16xi32>, vector<16xi32>, vector<16xi32>], vector<16xf32>,
        %parallel_loop3A_748 = arith.constant 0 : i32
        %parallel_loop3A_749 = arith.constant 0 : i32
        %parallel_loop3A_750 = tpu.memref_slice %arg6[%parallel_loop3A_480, %parallel_loop3A_748, %parallel_loop3A_749] : memref<2x128x64xf32, #tpu.memory_space<vmem>> -> memref<1x128x64xf32, #tpu.memory_space<vmem>>
        %parallel_loop3A_751 = tpu.memref_squeeze %parallel_loop3A_750 : memref<1x128x64xf32, #tpu.memory_space<vmem>> -> memref<128x64xf32, #tpu.memory_space<vmem>>
        %parallel_loop3A_752 = tpu.vector_load_idx %parallel_loop3A_751[%add3A_14, %parallel_loop3A_711] : memref<128x64xf32, #tpu.memory_space<vmem>>[vector<16xi32>, vector<16xi32>], vector<16xf32>,
        %parallel_loop3A_753 = arith.constant 0 : i32
        %parallel_loop3A_754 = arith.constant 0 : i32
        %parallel_loop3A_755 = arith.constant 0 : i32
        %parallel_loop3A_756 = tpu.memref_slice %arg7[%parallel_loop3A_481, %parallel_loop3A_753, %parallel_loop3A_754, %parallel_loop3A_755] : memref<2x8x8x128xf32, #tpu.memory_space<vmem>> -> memref<1x8x8x128xf32, #tpu.memory_space<vmem>>
        %parallel_loop3A_757 = tpu.memref_squeeze %parallel_loop3A_756 : memref<1x8x8x128xf32, #tpu.memory_space<vmem>> -> memref<8x8x128xf32, #tpu.memory_space<vmem>>
        tpu.vector_store_idx %parallel_loop3A_757[%parallel_loop3A_714, %parallel_loop3A_717, %add3A_14], %parallel_loop3A_752 : memref<8x8x128xf32, #tpu.memory_space<vmem>>[vector<16xi32>, vector<16xi32>, vector<16xi32>], vector<16xf32>,
        %parallel_loop3A_758 = arith.constant 0 : i32
        %parallel_loop3A_759 = arith.constant 0 : i32
        %parallel_loop3A_760 = tpu.memref_slice %arg6[%parallel_loop3A_480, %parallel_loop3A_758, %parallel_loop3A_759] : memref<2x128x64xf32, #tpu.memory_space<vmem>> -> memref<1x128x64xf32, #tpu.memory_space<vmem>>
        %parallel_loop3A_761 = tpu.memref_squeeze %parallel_loop3A_760 : memref<1x128x64xf32, #tpu.memory_space<vmem>> -> memref<128x64xf32, #tpu.memory_space<vmem>>
        %parallel_loop3A_762 = tpu.vector_load_idx %parallel_loop3A_761[%add3A_17, %parallel_loop3A_711] : memref<128x64xf32, #tpu.memory_space<vmem>>[vector<16xi32>, vector<16xi32>], vector<16xf32>,
        %parallel_loop3A_763 = arith.constant 0 : i32
        %parallel_loop3A_764 = arith.constant 0 : i32
        %parallel_loop3A_765 = arith.constant 0 : i32
        %parallel_loop3A_766 = tpu.memref_slice %arg7[%parallel_loop3A_481, %parallel_loop3A_763, %parallel_loop3A_764, %parallel_loop3A_765] : memref<2x8x8x128xf32, #tpu.memory_space<vmem>> -> memref<1x8x8x128xf32, #tpu.memory_space<vmem>>
        %parallel_loop3A_767 = tpu.memref_squeeze %parallel_loop3A_766 : memref<1x8x8x128xf32, #tpu.memory_space<vmem>> -> memref<8x8x128xf32, #tpu.memory_space<vmem>>
        tpu.vector_store_idx %parallel_loop3A_767[%parallel_loop3A_714, %parallel_loop3A_717, %add3A_17], %parallel_loop3A_762 : memref<8x8x128xf32, #tpu.memory_space<vmem>>[vector<16xi32>, vector<16xi32>, vector<16xi32>], vector<16xf32>,
        %parallel_loop3A_768 = arith.constant 0 : i32
        %parallel_loop3A_769 = arith.constant 0 : i32
        %parallel_loop3A_770 = tpu.memref_slice %arg6[%parallel_loop3A_480, %parallel_loop3A_768, %parallel_loop3A_769] : memref<2x128x64xf32, #tpu.memory_space<vmem>> -> memref<1x128x64xf32, #tpu.memory_space<vmem>>
        %parallel_loop3A_771 = tpu.memref_squeeze %parallel_loop3A_770 : memref<1x128x64xf32, #tpu.memory_space<vmem>> -> memref<128x64xf32, #tpu.memory_space<vmem>>
        %parallel_loop3A_772 = tpu.vector_load_idx %parallel_loop3A_771[%add3A_20, %parallel_loop3A_711] : memref<128x64xf32, #tpu.memory_space<vmem>>[vector<16xi32>, vector<16xi32>], vector<16xf32>,
        %parallel_loop3A_773 = arith.constant 0 : i32
        %parallel_loop3A_774 = arith.constant 0 : i32
        %parallel_loop3A_775 = arith.constant 0 : i32
        %parallel_loop3A_776 = tpu.memref_slice %arg7[%parallel_loop3A_481, %parallel_loop3A_773, %parallel_loop3A_774, %parallel_loop3A_775] : memref<2x8x8x128xf32, #tpu.memory_space<vmem>> -> memref<1x8x8x128xf32, #tpu.memory_space<vmem>>
        %parallel_loop3A_777 = tpu.memref_squeeze %parallel_loop3A_776 : memref<1x8x8x128xf32, #tpu.memory_space<vmem>> -> memref<8x8x128xf32, #tpu.memory_space<vmem>>
        tpu.vector_store_idx %parallel_loop3A_777[%parallel_loop3A_714, %parallel_loop3A_717, %add3A_20], %parallel_loop3A_772 : memref<8x8x128xf32, #tpu.memory_space<vmem>>[vector<16xi32>, vector<16xi32>, vector<16xi32>], vector<16xf32>,
        %parallel_loop3A_778 = arith.constant 0 : i32
        %parallel_loop3A_779 = arith.constant 0 : i32
        %parallel_loop3A_780 = tpu.memref_slice %arg6[%parallel_loop3A_480, %parallel_loop3A_778, %parallel_loop3A_779] : memref<2x128x64xf32, #tpu.memory_space<vmem>> -> memref<1x128x64xf32, #tpu.memory_space<vmem>>
        %parallel_loop3A_781 = tpu.memref_squeeze %parallel_loop3A_780 : memref<1x128x64xf32, #tpu.memory_space<vmem>> -> memref<128x64xf32, #tpu.memory_space<vmem>>
        %parallel_loop3A_782 = tpu.vector_load_idx %parallel_loop3A_781[%add3A_23, %parallel_loop3A_711] : memref<128x64xf32, #tpu.memory_space<vmem>>[vector<16xi32>, vector<16xi32>], vector<16xf32>,
        %parallel_loop3A_783 = arith.constant 0 : i32
        %parallel_loop3A_784 = arith.constant 0 : i32
        %parallel_loop3A_785 = arith.constant 0 : i32
        %parallel_loop3A_786 = tpu.memref_slice %arg7[%parallel_loop3A_481, %parallel_loop3A_783, %parallel_loop3A_784, %parallel_loop3A_785] : memref<2x8x8x128xf32, #tpu.memory_space<vmem>> -> memref<1x8x8x128xf32, #tpu.memory_space<vmem>>
        %parallel_loop3A_787 = tpu.memref_squeeze %parallel_loop3A_786 : memref<1x8x8x128xf32, #tpu.memory_space<vmem>> -> memref<8x8x128xf32, #tpu.memory_space<vmem>>
        tpu.vector_store_idx %parallel_loop3A_787[%parallel_loop3A_714, %parallel_loop3A_717, %add3A_23], %parallel_loop3A_782 : memref<8x8x128xf32, #tpu.memory_space<vmem>>[vector<16xi32>, vector<16xi32>, vector<16xi32>], vector<16xf32>,
        %parallel_loop3A_788 = arith.constant 0 : i32
        %parallel_loop3A_789 = arith.constant 0 : i32
        %parallel_loop3A_790 = tpu.memref_slice %arg6[%parallel_loop3A_480, %parallel_loop3A_788, %parallel_loop3A_789] : memref<2x128x64xf32, #tpu.memory_space<vmem>> -> memref<1x128x64xf32, #tpu.memory_space<vmem>>
        %parallel_loop3A_791 = tpu.memref_squeeze %parallel_loop3A_790 : memref<1x128x64xf32, #tpu.memory_space<vmem>> -> memref<128x64xf32, #tpu.memory_space<vmem>>
        %parallel_loop3A_792 = tpu.vector_load_idx %parallel_loop3A_791[%add3A_26, %parallel_loop3A_711] : memref<128x64xf32, #tpu.memory_space<vmem>>[vector<16xi32>, vector<16xi32>], vector<16xf32>,
        %parallel_loop3A_793 = arith.constant 0 : i32
        %parallel_loop3A_794 = arith.constant 0 : i32
        %parallel_loop3A_795 = arith.constant 0 : i32
        %parallel_loop3A_796 = tpu.memref_slice %arg7[%parallel_loop3A_481, %parallel_loop3A_793, %parallel_loop3A_794, %parallel_loop3A_795] : memref<2x8x8x128xf32, #tpu.memory_space<vmem>> -> memref<1x8x8x128xf32, #tpu.memory_space<vmem>>
        %parallel_loop3A_797 = tpu.memref_squeeze %parallel_loop3A_796 : memref<1x8x8x128xf32, #tpu.memory_space<vmem>> -> memref<8x8x128xf32, #tpu.memory_space<vmem>>
        tpu.vector_store_idx %parallel_loop3A_797[%parallel_loop3A_714, %parallel_loop3A_717, %add3A_26], %parallel_loop3A_792 : memref<8x8x128xf32, #tpu.memory_space<vmem>>[vector<16xi32>, vector<16xi32>, vector<16xi32>], vector<16xf32>,
      } {sc.loop_unroll_factor = 8 : i64, sc.parallel_access}
      %sub3A = arith.constant 1 : i32
      %sub3A_482 = arith.subi %mul3A_418, %sub3A : i32
      %mul3A_483 = arith.constant 32 : i32
      %mul3A_484 = arith.muli %add3A, %mul3A_483 : i32
      %jit3A = arith.constant 64 : i32
      %div3A = arith.divsi %sub3A_482, %jit3A : i32
      %sign3A = arith.constant 0 : i32
      %sign3A_485 = arith.cmpi sgt, %sub3A_482, %sign3A : i32
      %sign3A_486 = arith.extui %sign3A_485 : i1 to i32
      %sign3A_487 = arith.constant 0 : i32
      %sign3A_488 = arith.cmpi slt, %sub3A_482, %sign3A_487 : i32
      %sign3A_489 = arith.extui %sign3A_488 : i1 to i32
      %sign3A_490 = arith.subi %sign3A_486, %sign3A_489 : i32
      %sign3A_491 = arith.constant 0 : i32
      %sign3A_492 = arith.cmpi sgt, %jit3A, %sign3A_491 : i32
      %sign3A_493 = arith.extui %sign3A_492 : i1 to i32
      %sign3A_494 = arith.constant 0 : i32
      %sign3A_495 = arith.cmpi slt, %jit3A, %sign3A_494 : i32
      %sign3A_496 = arith.extui %sign3A_495 : i1 to i32
      %sign3A_497 = arith.subi %sign3A_493, %sign3A_496 : i32
      %ne3A = arith.cmpi ne, %sign3A_490, %sign3A_497 : i32
      %rem3A_498 = arith.remsi %sub3A_482, %jit3A : i32
      %ne3A_499 = arith.constant 0 : i32
      %ne3A_500 = arith.cmpi ne, %rem3A_498, %ne3A_499 : i32
      %and3A = arith.andi %ne3A, %ne3A_500 : i1
      %sub3A_501 = arith.constant 1 : i32
      %sub3A_502 = arith.subi %div3A, %sub3A_501 : i32
      %select_n3A = arith.select %and3A, %sub3A_502, %div3A : i32
      %mul3A_503 = arith.constant 8 : i32
      %mul3A_504 = arith.muli %select_n3A, %mul3A_503 : i32
      %add3A_505 = arith.addi %mul3A_484, %mul3A_504 : i32
      %rem3A_506 = arith.constant 8 : i32
      %rem3A_507 = arith.remsi %sub3A_482, %rem3A_506 : i32
      %add3A_508 = arith.addi %add3A_505, %rem3A_507 : i32
      %jit3A_509 = arith.constant 8 : i32
      %div3A_510 = arith.divsi %sub3A_482, %jit3A_509 : i32
      %sign3A_511 = arith.constant 0 : i32
      %sign3A_512 = arith.cmpi sgt, %sub3A_482, %sign3A_511 : i32
      %sign3A_513 = arith.extui %sign3A_512 : i1 to i32
      %sign3A_514 = arith.constant 0 : i32
      %sign3A_515 = arith.cmpi slt, %sub3A_482, %sign3A_514 : i32
      %sign3A_516 = arith.extui %sign3A_515 : i1 to i32
      %sign3A_517 = arith.subi %sign3A_513, %sign3A_516 : i32
      %sign3A_518 = arith.constant 0 : i32
      %sign3A_519 = arith.cmpi sgt, %jit3A_509, %sign3A_518 : i32
      %sign3A_520 = arith.extui %sign3A_519 : i1 to i32
      %sign3A_521 = arith.constant 0 : i32
      %sign3A_522 = arith.cmpi slt, %jit3A_509, %sign3A_521 : i32
      %sign3A_523 = arith.extui %sign3A_522 : i1 to i32
      %sign3A_524 = arith.subi %sign3A_520, %sign3A_523 : i32
      %ne3A_525 = arith.cmpi ne, %sign3A_517, %sign3A_524 : i32
      %rem3A_526 = arith.remsi %sub3A_482, %jit3A_509 : i32
      %ne3A_527 = arith.constant 0 : i32
      %ne3A_528 = arith.cmpi ne, %rem3A_526, %ne3A_527 : i32
      %and3A_529 = arith.andi %ne3A_525, %ne3A_528 : i1
      %sub3A_530 = arith.constant 1 : i32
      %sub3A_531 = arith.subi %div3A_510, %sub3A_530 : i32
      %select_n3A_532 = arith.select %and3A_529, %sub3A_531, %div3A_510 : i32
      %rem3A_533 = arith.constant 8 : i32
      %rem3A_534 = arith.remsi %select_n3A_532, %rem3A_533 : i32
      %dma_start3A_535 = arith.constant 1 : i32
      %dma_start3A_536 = arith.constant 1 : i32
      %dma_start3A_537 = arith.constant 0 : i32
      %dma_start3A_538 = arith.constant 0 : i32
      %dma_start3A_539 = arith.constant 0 : i32
      %dma_start3A_540 = tpu.memref_slice %arg7[%dma_start3A_535, %dma_start3A_537, %dma_start3A_538, %dma_start3A_539] : memref<2x8x8x128xf32, #tpu.memory_space<vmem>> -> memref<1x8x8x128xf32, #tpu.memory_space<vmem>>
      %dma_start3A_541 = tpu.memref_squeeze %dma_start3A_540 : memref<1x8x8x128xf32, #tpu.memory_space<vmem>> -> memref<8x8x128xf32, #tpu.memory_space<vmem>>
      %dma_start3A_542 = arith.constant 0 : i32
      %dma_start3A_543 = arith.constant 0 : i32
      %dma_start3A_544 = arith.constant 0 : i32
      %dma_start3A_545 = tpu.memref_slice %arg4[%add3A_508, %dma_start3A_542, %rem3A_534, %dma_start3A_543, %dma_start3A_544] : memref<1024x8x8x8x128xf32, #tpu.memory_space<hbm>> -> memref<1x8x1x8x128xf32, #tpu.memory_space<hbm>>
      %dma_start3A_546 = tpu.memref_squeeze %dma_start3A_545 : memref<1x8x1x8x128xf32, #tpu.memory_space<hbm>> -> memref<8x8x128xf32, #tpu.memory_space<hbm>>
      %dma_start3A_547 = tpu.memref_slice %arg9[%dma_start3A_536] : memref<2x!tpu.dma_semaphore, #tpu.memory_space<semaphore_mem>> -> memref<1x!tpu.dma_semaphore, #tpu.memory_space<semaphore_mem>>
      %dma_start3A_548 = tpu.memref_squeeze %dma_start3A_547 : memref<1x!tpu.dma_semaphore, #tpu.memory_space<semaphore_mem>> -> memref<!tpu.dma_semaphore, #tpu.memory_space<semaphore_mem>>
      %dma_start3A_549 = arith.constant 0 : i32
      %dma_start3A_550 = arith.constant 0 : i32
      %dma_start3A_551 = arith.constant 0 : i32
      %dma_start3A_552 = tpu.memref_slice %arg4[%add3A_508, %dma_start3A_549, %rem3A_534, %dma_start3A_550, %dma_start3A_551] : memref<1024x8x8x8x128xf32, #tpu.memory_space<hbm>> -> memref<1x8x1x8x128xf32, #tpu.memory_space<hbm>>
      %dma_start3A_553 = tpu.memref_squeeze %dma_start3A_552 : memref<1x8x1x8x128xf32, #tpu.memory_space<hbm>> -> memref<8x8x128xf32, #tpu.memory_space<hbm>>
      %dma_start3A_554 = arith.constant 0 : i32
      %dma_start3A_555 = arith.constant 0 : i32
      %dma_start3A_556 = arith.constant 0 : i32
      %dma_start3A_557 = tpu.memref_slice %arg7[%dma_start3A_535, %dma_start3A_554, %dma_start3A_555, %dma_start3A_556] : memref<2x8x8x128xf32, #tpu.memory_space<vmem>> -> memref<1x8x8x128xf32, #tpu.memory_space<vmem>>
      %dma_start3A_558 = tpu.memref_squeeze %dma_start3A_557 : memref<1x8x8x128xf32, #tpu.memory_space<vmem>> -> memref<8x8x128xf32, #tpu.memory_space<vmem>>
      tpu.enqueue_dma source(%dma_start3A_558 : memref<8x8x128xf32, #tpu.memory_space<vmem>>) target(%dma_start3A_553 : memref<8x8x128xf32, #tpu.memory_space<hbm>>) target_semaphore(%dma_start3A_548 : memref<!tpu.dma_semaphore, #tpu.memory_space<semaphore_mem>>)
      %add3A_559 = arith.constant 1 : i32
      %add3A_560 = arith.addi %mul3A_418, %add3A_559 : i32
      %mul3A_561 = arith.constant 128 : i32
      %mul3A_562 = arith.muli %add3A_560, %mul3A_561 : i32
      %dma_start3A_563 = arith.constant 1 : i32
      %dma_start3A_564 = arith.constant 1 : i32
      %dma_start3A_565 = arith.constant 0 : i32
      %dma_start3A_566 = arith.constant 0 : i32
      %dma_start3A_567 = tpu.memref_slice %arg6[%dma_start3A_563, %dma_start3A_565, %dma_start3A_566] : memref<2x128x64xf32, #tpu.memory_space<vmem>> -> memref<1x128x64xf32, #tpu.memory_space<vmem>>
      %dma_start3A_568 = tpu.memref_squeeze %dma_start3A_567 : memref<1x128x64xf32, #tpu.memory_space<vmem>> -> memref<128x64xf32, #tpu.memory_space<vmem>>
      %dma_start3A_569 = tpu.memref_slice %arg5[%mul3A_562] : memref<32768xi32, #tpu.memory_space<vmem>> -> memref<128xi32, #tpu.memory_space<vmem>>
      %dma_start3A_570 = arith.constant 0 : i32
      %dma_start3A_571 = arith.constant 0 : i32
      %dma_start3A_572 = tpu.memref_slice %arg3[%dma_start3A_570, %dma_start3A_571] : memref<100000x64xf32, #tpu.memory_space<hbm>> -> memref<100000x64xf32, #tpu.memory_space<hbm>>
      %dma_start3A_573 = tpu.memref_slice %arg8[%dma_start3A_564] : memref<2x!tpu.dma_semaphore, #tpu.memory_space<semaphore_mem>> -> memref<1x!tpu.dma_semaphore, #tpu.memory_space<semaphore_mem>>
      %dma_start3A_574 = tpu.memref_squeeze %dma_start3A_573 : memref<1x!tpu.dma_semaphore, #tpu.memory_space<semaphore_mem>> -> memref<!tpu.dma_semaphore, #tpu.memory_space<semaphore_mem>>
      tpu.enqueue_indirect_dma source(%dma_start3A_572 : memref<100000x64xf32, #tpu.memory_space<hbm>>) target(%dma_start3A_568 : memref<128x64xf32, #tpu.memory_space<vmem>>) offsets(%dma_start3A_569 : memref<128xi32, #tpu.memory_space<vmem>>) semaphore(%dma_start3A_574 : memref<!tpu.dma_semaphore, #tpu.memory_space<semaphore_mem>>)
      %dma_wait3A_575 = arith.constant 0 : i32
      %dma_wait3A_576 = arith.constant 0 : i32
      %dma_wait3A_577 = arith.constant 0 : i32
      %dma_wait3A_578 = arith.constant 0 : i32
      %dma_wait3A_579 = tpu.memref_slice %arg6[%dma_wait3A_575, %dma_wait3A_577, %dma_wait3A_578] : memref<2x128x64xf32, #tpu.memory_space<vmem>> -> memref<1x128x64xf32, #tpu.memory_space<vmem>>
      %dma_wait3A_580 = tpu.memref_squeeze %dma_wait3A_579 : memref<1x128x64xf32, #tpu.memory_space<vmem>> -> memref<128x64xf32, #tpu.memory_space<vmem>>
      %dma_wait3A_581 = arith.constant 0 : i32
      %dma_wait3A_582 = arith.constant 0 : i32
      %dma_wait3A_583 = tpu.memref_slice %arg3[%dma_wait3A_581, %dma_wait3A_582] : memref<100000x64xf32, #tpu.memory_space<hbm>> -> memref<128x64xf32, #tpu.memory_space<hbm>>
      %dma_wait3A_584 = tpu.memref_slice %arg8[%dma_wait3A_576] : memref<2x!tpu.dma_semaphore, #tpu.memory_space<semaphore_mem>> -> memref<1x!tpu.dma_semaphore, #tpu.memory_space<semaphore_mem>>
      %dma_wait3A_585 = tpu.memref_squeeze %dma_wait3A_584 : memref<1x!tpu.dma_semaphore, #tpu.memory_space<semaphore_mem>> -> memref<!tpu.dma_semaphore, #tpu.memory_space<semaphore_mem>>
      %dma_wait3A_586 = arith.constant 0 : i32
      %dma_wait3A_587 = arith.constant 0 : i32
      %dma_wait3A_588 = tpu.memref_slice %arg6[%dma_wait3A_575, %dma_wait3A_586, %dma_wait3A_587] : memref<2x128x64xf32, #tpu.memory_space<vmem>> -> memref<1x128x64xf32, #tpu.memory_space<vmem>>
      %dma_wait3A_589 = tpu.memref_squeeze %dma_wait3A_588 : memref<1x128x64xf32, #tpu.memory_space<vmem>> -> memref<128x64xf32, #tpu.memory_space<vmem>>
      %dma_wait3A_590 = arith.constant 0 : i32
      %dma_wait3A_591 = arith.constant 0 : i32
      %dma_wait3A_592 = tpu.memref_slice %arg3[%dma_wait3A_590, %dma_wait3A_591] : memref<100000x64xf32, #tpu.memory_space<hbm>> -> memref<128x64xf32, #tpu.memory_space<hbm>>
      tpu.wait_dma2 semaphore(%dma_wait3A_585 : memref<!tpu.dma_semaphore, #tpu.memory_space<semaphore_mem>>) src(%dma_wait3A_592 : memref<128x64xf32, #tpu.memory_space<hbm>>) dst(%dma_wait3A_589 : memref<128x64xf32, #tpu.memory_space<vmem>>)
      %dma_wait3A_593 = arith.constant 0 : i32
      %dma_wait3A_594 = arith.constant 0 : i32
      %dma_wait3A_595 = arith.constant 0 : i32
      %dma_wait3A_596 = arith.constant 0 : i32
      %dma_wait3A_597 = arith.constant 0 : i32
      %dma_wait3A_598 = arith.constant 0 : i32
      %dma_wait3A_599 = arith.constant 0 : i32
      %dma_wait3A_600 = tpu.memref_slice %arg7[%dma_wait3A_593, %dma_wait3A_597, %dma_wait3A_598, %dma_wait3A_599] : memref<2x8x8x128xf32, #tpu.memory_space<vmem>> -> memref<1x8x8x128xf32, #tpu.memory_space<vmem>>
      %dma_wait3A_601 = tpu.memref_squeeze %dma_wait3A_600 : memref<1x8x8x128xf32, #tpu.memory_space<vmem>> -> memref<8x8x128xf32, #tpu.memory_space<vmem>>
      %dma_wait3A_602 = arith.constant 0 : i32
      %dma_wait3A_603 = arith.constant 0 : i32
      %dma_wait3A_604 = arith.constant 0 : i32
      %dma_wait3A_605 = tpu.memref_slice %arg4[%dma_wait3A_594, %dma_wait3A_602, %dma_wait3A_595, %dma_wait3A_603, %dma_wait3A_604] : memref<1024x8x8x8x128xf32, #tpu.memory_space<hbm>> -> memref<1x8x1x8x128xf32, #tpu.memory_space<hbm>>
      %dma_wait3A_606 = tpu.memref_squeeze %dma_wait3A_605 : memref<1x8x1x8x128xf32, #tpu.memory_space<hbm>> -> memref<8x8x128xf32, #tpu.memory_space<hbm>>
      %dma_wait3A_607 = tpu.memref_slice %arg9[%dma_wait3A_596] : memref<2x!tpu.dma_semaphore, #tpu.memory_space<semaphore_mem>> -> memref<1x!tpu.dma_semaphore, #tpu.memory_space<semaphore_mem>>
      %dma_wait3A_608 = tpu.memref_squeeze %dma_wait3A_607 : memref<1x!tpu.dma_semaphore, #tpu.memory_space<semaphore_mem>> -> memref<!tpu.dma_semaphore, #tpu.memory_space<semaphore_mem>>
      %dma_wait3A_609 = arith.constant 0 : i32
      %dma_wait3A_610 = arith.constant 0 : i32
      %dma_wait3A_611 = arith.constant 0 : i32
      %dma_wait3A_612 = tpu.memref_slice %arg4[%dma_wait3A_594, %dma_wait3A_609, %dma_wait3A_595, %dma_wait3A_610, %dma_wait3A_611] : memref<1024x8x8x8x128xf32, #tpu.memory_space<hbm>> -> memref<1x8x1x8x128xf32, #tpu.memory_space<hbm>>
      %dma_wait3A_613 = tpu.memref_squeeze %dma_wait3A_612 : memref<1x8x1x8x128xf32, #tpu.memory_space<hbm>> -> memref<8x8x128xf32, #tpu.memory_space<hbm>>
      %dma_wait3A_614 = arith.constant 0 : i32
      %dma_wait3A_615 = arith.constant 0 : i32
      %dma_wait3A_616 = arith.constant 0 : i32
      %dma_wait3A_617 = tpu.memref_slice %arg7[%dma_wait3A_593, %dma_wait3A_614, %dma_wait3A_615, %dma_wait3A_616] : memref<2x8x8x128xf32, #tpu.memory_space<vmem>> -> memref<1x8x8x128xf32, #tpu.memory_space<vmem>>
      %dma_wait3A_618 = tpu.memref_squeeze %dma_wait3A_617 : memref<1x8x8x128xf32, #tpu.memory_space<vmem>> -> memref<8x8x128xf32, #tpu.memory_space<vmem>>
      tpu.wait_dma2 semaphore(%dma_wait3A_608 : memref<!tpu.dma_semaphore, #tpu.memory_space<semaphore_mem>>) src(%dma_wait3A_618 : memref<8x8x128xf32, #tpu.memory_space<vmem>>) dst(%dma_wait3A_613 : memref<8x8x128xf32, #tpu.memory_space<hbm>>)
      %parallel_loop3A_619 = arith.constant 0 : i32
      %parallel_loop3A_620 = arith.constant 64 : i32
      %parallel_loop3A_621 = arith.constant 1 : i32
      %parallel_loop3A_622 = arith.constant 0 : i32
      %parallel_loop3A_623 = arith.constant 0 : i32
      scf.for %parallel_loop3A_706 = %parallel_loop3A_619 to %parallel_loop3A_620 step %parallel_loop3A_621  : i32 {
        %parallel_loop3A_707 = vector.broadcast %parallel_loop3A_706 : i32 to vector<16xi32>
        %parallel_loop3A_708 = arith.addi %parallel_loop3A_707, %iota3A : vector<16xi32>
        %parallel_loop3A_709 = arith.constant 63 : i32
        %parallel_loop3A_710 = vector.broadcast %parallel_loop3A_709 : i32 to vector<16xi32>
        %parallel_loop3A_711 = arith.andi %parallel_loop3A_708, %parallel_loop3A_710 : vector<16xi32>
        %parallel_loop3A_712 = arith.constant 3 : i32
        %parallel_loop3A_713 = vector.broadcast %parallel_loop3A_712 : i32 to vector<16xi32>
        %parallel_loop3A_714 = arith.shrui %parallel_loop3A_711, %parallel_loop3A_713 : vector<16xi32>
        %parallel_loop3A_715 = arith.constant 7 : i32
        %parallel_loop3A_716 = vector.broadcast %parallel_loop3A_715 : i32 to vector<16xi32>
        %parallel_loop3A_717 = arith.andi %parallel_loop3A_711, %parallel_loop3A_716 : vector<16xi32>
        %parallel_loop3A_718 = arith.constant 0 : i32
        %parallel_loop3A_719 = arith.constant 0 : i32
        %parallel_loop3A_720 = tpu.memref_slice %arg6[%parallel_loop3A_622, %parallel_loop3A_718, %parallel_loop3A_719] : memref<2x128x64xf32, #tpu.memory_space<vmem>> -> memref<1x128x64xf32, #tpu.memory_space<vmem>>
        %parallel_loop3A_721 = tpu.memref_squeeze %parallel_loop3A_720 : memref<1x128x64xf32, #tpu.memory_space<vmem>> -> memref<128x64xf32, #tpu.memory_space<vmem>>
        %parallel_loop3A_722 = tpu.vector_load_idx %parallel_loop3A_721[%add3A_5, %parallel_loop3A_711] : memref<128x64xf32, #tpu.memory_space<vmem>>[vector<16xi32>, vector<16xi32>], vector<16xf32>,
        %parallel_loop3A_723 = arith.constant 0 : i32
        %parallel_loop3A_724 = arith.constant 0 : i32
        %parallel_loop3A_725 = arith.constant 0 : i32
        %parallel_loop3A_726 = tpu.memref_slice %arg7[%parallel_loop3A_623, %parallel_loop3A_723, %parallel_loop3A_724, %parallel_loop3A_725] : memref<2x8x8x128xf32, #tpu.memory_space<vmem>> -> memref<1x8x8x128xf32, #tpu.memory_space<vmem>>
        %parallel_loop3A_727 = tpu.memref_squeeze %parallel_loop3A_726 : memref<1x8x8x128xf32, #tpu.memory_space<vmem>> -> memref<8x8x128xf32, #tpu.memory_space<vmem>>
        tpu.vector_store_idx %parallel_loop3A_727[%parallel_loop3A_714, %parallel_loop3A_717, %add3A_5], %parallel_loop3A_722 : memref<8x8x128xf32, #tpu.memory_space<vmem>>[vector<16xi32>, vector<16xi32>, vector<16xi32>], vector<16xf32>,
        %parallel_loop3A_728 = arith.constant 0 : i32
        %parallel_loop3A_729 = arith.constant 0 : i32
        %parallel_loop3A_730 = tpu.memref_slice %arg6[%parallel_loop3A_622, %parallel_loop3A_728, %parallel_loop3A_729] : memref<2x128x64xf32, #tpu.memory_space<vmem>> -> memref<1x128x64xf32, #tpu.memory_space<vmem>>
        %parallel_loop3A_731 = tpu.memref_squeeze %parallel_loop3A_730 : memref<1x128x64xf32, #tpu.memory_space<vmem>> -> memref<128x64xf32, #tpu.memory_space<vmem>>
        %parallel_loop3A_732 = tpu.vector_load_idx %parallel_loop3A_731[%add3A_8, %parallel_loop3A_711] : memref<128x64xf32, #tpu.memory_space<vmem>>[vector<16xi32>, vector<16xi32>], vector<16xf32>,
        %parallel_loop3A_733 = arith.constant 0 : i32
        %parallel_loop3A_734 = arith.constant 0 : i32
        %parallel_loop3A_735 = arith.constant 0 : i32
        %parallel_loop3A_736 = tpu.memref_slice %arg7[%parallel_loop3A_623, %parallel_loop3A_733, %parallel_loop3A_734, %parallel_loop3A_735] : memref<2x8x8x128xf32, #tpu.memory_space<vmem>> -> memref<1x8x8x128xf32, #tpu.memory_space<vmem>>
        %parallel_loop3A_737 = tpu.memref_squeeze %parallel_loop3A_736 : memref<1x8x8x128xf32, #tpu.memory_space<vmem>> -> memref<8x8x128xf32, #tpu.memory_space<vmem>>
        tpu.vector_store_idx %parallel_loop3A_737[%parallel_loop3A_714, %parallel_loop3A_717, %add3A_8], %parallel_loop3A_732 : memref<8x8x128xf32, #tpu.memory_space<vmem>>[vector<16xi32>, vector<16xi32>, vector<16xi32>], vector<16xf32>,
        %parallel_loop3A_738 = arith.constant 0 : i32
        %parallel_loop3A_739 = arith.constant 0 : i32
        %parallel_loop3A_740 = tpu.memref_slice %arg6[%parallel_loop3A_622, %parallel_loop3A_738, %parallel_loop3A_739] : memref<2x128x64xf32, #tpu.memory_space<vmem>> -> memref<1x128x64xf32, #tpu.memory_space<vmem>>
        %parallel_loop3A_741 = tpu.memref_squeeze %parallel_loop3A_740 : memref<1x128x64xf32, #tpu.memory_space<vmem>> -> memref<128x64xf32, #tpu.memory_space<vmem>>
        %parallel_loop3A_742 = tpu.vector_load_idx %parallel_loop3A_741[%add3A_11, %parallel_loop3A_711] : memref<128x64xf32, #tpu.memory_space<vmem>>[vector<16xi32>, vector<16xi32>], vector<16xf32>,
        %parallel_loop3A_743 = arith.constant 0 : i32
        %parallel_loop3A_744 = arith.constant 0 : i32
        %parallel_loop3A_745 = arith.constant 0 : i32
        %parallel_loop3A_746 = tpu.memref_slice %arg7[%parallel_loop3A_623, %parallel_loop3A_743, %parallel_loop3A_744, %parallel_loop3A_745] : memref<2x8x8x128xf32, #tpu.memory_space<vmem>> -> memref<1x8x8x128xf32, #tpu.memory_space<vmem>>
        %parallel_loop3A_747 = tpu.memref_squeeze %parallel_loop3A_746 : memref<1x8x8x128xf32, #tpu.memory_space<vmem>> -> memref<8x8x128xf32, #tpu.memory_space<vmem>>
        tpu.vector_store_idx %parallel_loop3A_747[%parallel_loop3A_714, %parallel_loop3A_717, %add3A_11], %parallel_loop3A_742 : memref<8x8x128xf32, #tpu.memory_space<vmem>>[vector<16xi32>, vector<16xi32>, vector<16xi32>], vector<16xf32>,
        %parallel_loop3A_748 = arith.constant 0 : i32
        %parallel_loop3A_749 = arith.constant 0 : i32
        %parallel_loop3A_750 = tpu.memref_slice %arg6[%parallel_loop3A_622, %parallel_loop3A_748, %parallel_loop3A_749] : memref<2x128x64xf32, #tpu.memory_space<vmem>> -> memref<1x128x64xf32, #tpu.memory_space<vmem>>
        %parallel_loop3A_751 = tpu.memref_squeeze %parallel_loop3A_750 : memref<1x128x64xf32, #tpu.memory_space<vmem>> -> memref<128x64xf32, #tpu.memory_space<vmem>>
        %parallel_loop3A_752 = tpu.vector_load_idx %parallel_loop3A_751[%add3A_14, %parallel_loop3A_711] : memref<128x64xf32, #tpu.memory_space<vmem>>[vector<16xi32>, vector<16xi32>], vector<16xf32>,
        %parallel_loop3A_753 = arith.constant 0 : i32
        %parallel_loop3A_754 = arith.constant 0 : i32
        %parallel_loop3A_755 = arith.constant 0 : i32
        %parallel_loop3A_756 = tpu.memref_slice %arg7[%parallel_loop3A_623, %parallel_loop3A_753, %parallel_loop3A_754, %parallel_loop3A_755] : memref<2x8x8x128xf32, #tpu.memory_space<vmem>> -> memref<1x8x8x128xf32, #tpu.memory_space<vmem>>
        %parallel_loop3A_757 = tpu.memref_squeeze %parallel_loop3A_756 : memref<1x8x8x128xf32, #tpu.memory_space<vmem>> -> memref<8x8x128xf32, #tpu.memory_space<vmem>>
        tpu.vector_store_idx %parallel_loop3A_757[%parallel_loop3A_714, %parallel_loop3A_717, %add3A_14], %parallel_loop3A_752 : memref<8x8x128xf32, #tpu.memory_space<vmem>>[vector<16xi32>, vector<16xi32>, vector<16xi32>], vector<16xf32>,
        %parallel_loop3A_758 = arith.constant 0 : i32
        %parallel_loop3A_759 = arith.constant 0 : i32
        %parallel_loop3A_760 = tpu.memref_slice %arg6[%parallel_loop3A_622, %parallel_loop3A_758, %parallel_loop3A_759] : memref<2x128x64xf32, #tpu.memory_space<vmem>> -> memref<1x128x64xf32, #tpu.memory_space<vmem>>
        %parallel_loop3A_761 = tpu.memref_squeeze %parallel_loop3A_760 : memref<1x128x64xf32, #tpu.memory_space<vmem>> -> memref<128x64xf32, #tpu.memory_space<vmem>>
        %parallel_loop3A_762 = tpu.vector_load_idx %parallel_loop3A_761[%add3A_17, %parallel_loop3A_711] : memref<128x64xf32, #tpu.memory_space<vmem>>[vector<16xi32>, vector<16xi32>], vector<16xf32>,
        %parallel_loop3A_763 = arith.constant 0 : i32
        %parallel_loop3A_764 = arith.constant 0 : i32
        %parallel_loop3A_765 = arith.constant 0 : i32
        %parallel_loop3A_766 = tpu.memref_slice %arg7[%parallel_loop3A_623, %parallel_loop3A_763, %parallel_loop3A_764, %parallel_loop3A_765] : memref<2x8x8x128xf32, #tpu.memory_space<vmem>> -> memref<1x8x8x128xf32, #tpu.memory_space<vmem>>
        %parallel_loop3A_767 = tpu.memref_squeeze %parallel_loop3A_766 : memref<1x8x8x128xf32, #tpu.memory_space<vmem>> -> memref<8x8x128xf32, #tpu.memory_space<vmem>>
        tpu.vector_store_idx %parallel_loop3A_767[%parallel_loop3A_714, %parallel_loop3A_717, %add3A_17], %parallel_loop3A_762 : memref<8x8x128xf32, #tpu.memory_space<vmem>>[vector<16xi32>, vector<16xi32>, vector<16xi32>], vector<16xf32>,
        %parallel_loop3A_768 = arith.constant 0 : i32
        %parallel_loop3A_769 = arith.constant 0 : i32
        %parallel_loop3A_770 = tpu.memref_slice %arg6[%parallel_loop3A_622, %parallel_loop3A_768, %parallel_loop3A_769] : memref<2x128x64xf32, #tpu.memory_space<vmem>> -> memref<1x128x64xf32, #tpu.memory_space<vmem>>
        %parallel_loop3A_771 = tpu.memref_squeeze %parallel_loop3A_770 : memref<1x128x64xf32, #tpu.memory_space<vmem>> -> memref<128x64xf32, #tpu.memory_space<vmem>>
        %parallel_loop3A_772 = tpu.vector_load_idx %parallel_loop3A_771[%add3A_20, %parallel_loop3A_711] : memref<128x64xf32, #tpu.memory_space<vmem>>[vector<16xi32>, vector<16xi32>], vector<16xf32>,
        %parallel_loop3A_773 = arith.constant 0 : i32
        %parallel_loop3A_774 = arith.constant 0 : i32
        %parallel_loop3A_775 = arith.constant 0 : i32
        %parallel_loop3A_776 = tpu.memref_slice %arg7[%parallel_loop3A_623, %parallel_loop3A_773, %parallel_loop3A_774, %parallel_loop3A_775] : memref<2x8x8x128xf32, #tpu.memory_space<vmem>> -> memref<1x8x8x128xf32, #tpu.memory_space<vmem>>
        %parallel_loop3A_777 = tpu.memref_squeeze %parallel_loop3A_776 : memref<1x8x8x128xf32, #tpu.memory_space<vmem>> -> memref<8x8x128xf32, #tpu.memory_space<vmem>>
        tpu.vector_store_idx %parallel_loop3A_777[%parallel_loop3A_714, %parallel_loop3A_717, %add3A_20], %parallel_loop3A_772 : memref<8x8x128xf32, #tpu.memory_space<vmem>>[vector<16xi32>, vector<16xi32>, vector<16xi32>], vector<16xf32>,
        %parallel_loop3A_778 = arith.constant 0 : i32
        %parallel_loop3A_779 = arith.constant 0 : i32
        %parallel_loop3A_780 = tpu.memref_slice %arg6[%parallel_loop3A_622, %parallel_loop3A_778, %parallel_loop3A_779] : memref<2x128x64xf32, #tpu.memory_space<vmem>> -> memref<1x128x64xf32, #tpu.memory_space<vmem>>
        %parallel_loop3A_781 = tpu.memref_squeeze %parallel_loop3A_780 : memref<1x128x64xf32, #tpu.memory_space<vmem>> -> memref<128x64xf32, #tpu.memory_space<vmem>>
        %parallel_loop3A_782 = tpu.vector_load_idx %parallel_loop3A_781[%add3A_23, %parallel_loop3A_711] : memref<128x64xf32, #tpu.memory_space<vmem>>[vector<16xi32>, vector<16xi32>], vector<16xf32>,
        %parallel_loop3A_783 = arith.constant 0 : i32
        %parallel_loop3A_784 = arith.constant 0 : i32
        %parallel_loop3A_785 = arith.constant 0 : i32
        %parallel_loop3A_786 = tpu.memref_slice %arg7[%parallel_loop3A_623, %parallel_loop3A_783, %parallel_loop3A_784, %parallel_loop3A_785] : memref<2x8x8x128xf32, #tpu.memory_space<vmem>> -> memref<1x8x8x128xf32, #tpu.memory_space<vmem>>
        %parallel_loop3A_787 = tpu.memref_squeeze %parallel_loop3A_786 : memref<1x8x8x128xf32, #tpu.memory_space<vmem>> -> memref<8x8x128xf32, #tpu.memory_space<vmem>>
        tpu.vector_store_idx %parallel_loop3A_787[%parallel_loop3A_714, %parallel_loop3A_717, %add3A_23], %parallel_loop3A_782 : memref<8x8x128xf32, #tpu.memory_space<vmem>>[vector<16xi32>, vector<16xi32>, vector<16xi32>], vector<16xf32>,
        %parallel_loop3A_788 = arith.constant 0 : i32
        %parallel_loop3A_789 = arith.constant 0 : i32
        %parallel_loop3A_790 = tpu.memref_slice %arg6[%parallel_loop3A_622, %parallel_loop3A_788, %parallel_loop3A_789] : memref<2x128x64xf32, #tpu.memory_space<vmem>> -> memref<1x128x64xf32, #tpu.memory_space<vmem>>
        %parallel_loop3A_791 = tpu.memref_squeeze %parallel_loop3A_790 : memref<1x128x64xf32, #tpu.memory_space<vmem>> -> memref<128x64xf32, #tpu.memory_space<vmem>>
        %parallel_loop3A_792 = tpu.vector_load_idx %parallel_loop3A_791[%add3A_26, %parallel_loop3A_711] : memref<128x64xf32, #tpu.memory_space<vmem>>[vector<16xi32>, vector<16xi32>], vector<16xf32>,
        %parallel_loop3A_793 = arith.constant 0 : i32
        %parallel_loop3A_794 = arith.constant 0 : i32
        %parallel_loop3A_795 = arith.constant 0 : i32
        %parallel_loop3A_796 = tpu.memref_slice %arg7[%parallel_loop3A_623, %parallel_loop3A_793, %parallel_loop3A_794, %parallel_loop3A_795] : memref<2x8x8x128xf32, #tpu.memory_space<vmem>> -> memref<1x8x8x128xf32, #tpu.memory_space<vmem>>
        %parallel_loop3A_797 = tpu.memref_squeeze %parallel_loop3A_796 : memref<1x8x8x128xf32, #tpu.memory_space<vmem>> -> memref<8x8x128xf32, #tpu.memory_space<vmem>>
        tpu.vector_store_idx %parallel_loop3A_797[%parallel_loop3A_714, %parallel_loop3A_717, %add3A_26], %parallel_loop3A_792 : memref<8x8x128xf32, #tpu.memory_space<vmem>>[vector<16xi32>, vector<16xi32>, vector<16xi32>], vector<16xf32>,
      } {sc.loop_unroll_factor = 8 : i64, sc.parallel_access}
      %mul3A_624 = arith.constant 32 : i32
      %mul3A_625 = arith.muli %add3A, %mul3A_624 : i32
      %jit3A_626 = arith.constant 64 : i32
      %div3A_627 = arith.divsi %mul3A_418, %jit3A_626 : i32
      %sign3A_628 = arith.constant 0 : i32
      %sign3A_629 = arith.cmpi sgt, %mul3A_418, %sign3A_628 : i32
      %sign3A_630 = arith.extui %sign3A_629 : i1 to i32
      %sign3A_631 = arith.constant 0 : i32
      %sign3A_632 = arith.cmpi slt, %mul3A_418, %sign3A_631 : i32
      %sign3A_633 = arith.extui %sign3A_632 : i1 to i32
      %sign3A_634 = arith.subi %sign3A_630, %sign3A_633 : i32
      %sign3A_635 = arith.constant 0 : i32
      %sign3A_636 = arith.cmpi sgt, %jit3A_626, %sign3A_635 : i32
      %sign3A_637 = arith.extui %sign3A_636 : i1 to i32
      %sign3A_638 = arith.constant 0 : i32
      %sign3A_639 = arith.cmpi slt, %jit3A_626, %sign3A_638 : i32
      %sign3A_640 = arith.extui %sign3A_639 : i1 to i32
      %sign3A_641 = arith.subi %sign3A_637, %sign3A_640 : i32
      %ne3A_642 = arith.cmpi ne, %sign3A_634, %sign3A_641 : i32
      %rem3A_643 = arith.remsi %mul3A_418, %jit3A_626 : i32
      %ne3A_644 = arith.constant 0 : i32
      %ne3A_645 = arith.cmpi ne, %rem3A_643, %ne3A_644 : i32
      %and3A_646 = arith.andi %ne3A_642, %ne3A_645 : i1
      %sub3A_647 = arith.constant 1 : i32
      %sub3A_648 = arith.subi %div3A_627, %sub3A_647 : i32
      %select_n3A_649 = arith.select %and3A_646, %sub3A_648, %div3A_627 : i32
      %mul3A_650 = arith.constant 8 : i32
      %mul3A_651 = arith.muli %select_n3A_649, %mul3A_650 : i32
      %add3A_652 = arith.addi %mul3A_625, %mul3A_651 : i32
      %rem3A_653 = arith.constant 8 : i32
      %rem3A_654 = arith.remsi %mul3A_418, %rem3A_653 : i32
      %add3A_655 = arith.addi %add3A_652, %rem3A_654 : i32
      %jit3A_656 = arith.constant 8 : i32
      %div3A_657 = arith.divsi %mul3A_418, %jit3A_656 : i32
      %sign3A_658 = arith.constant 0 : i32
      %sign3A_659 = arith.cmpi sgt, %mul3A_418, %sign3A_658 : i32
      %sign3A_660 = arith.extui %sign3A_659 : i1 to i32
      %sign3A_661 = arith.constant 0 : i32
      %sign3A_662 = arith.cmpi slt, %mul3A_418, %sign3A_661 : i32
      %sign3A_663 = arith.extui %sign3A_662 : i1 to i32
      %sign3A_664 = arith.subi %sign3A_660, %sign3A_663 : i32
      %sign3A_665 = arith.constant 0 : i32
      %sign3A_666 = arith.cmpi sgt, %jit3A_656, %sign3A_665 : i32
      %sign3A_667 = arith.extui %sign3A_666 : i1 to i32
      %sign3A_668 = arith.constant 0 : i32
      %sign3A_669 = arith.cmpi slt, %jit3A_656, %sign3A_668 : i32
      %sign3A_670 = arith.extui %sign3A_669 : i1 to i32
      %sign3A_671 = arith.subi %sign3A_667, %sign3A_670 : i32
      %ne3A_672 = arith.cmpi ne, %sign3A_664, %sign3A_671 : i32
      %rem3A_673 = arith.remsi %mul3A_418, %jit3A_656 : i32
      %ne3A_674 = arith.constant 0 : i32
      %ne3A_675 = arith.cmpi ne, %rem3A_673, %ne3A_674 : i32
      %and3A_676 = arith.andi %ne3A_672, %ne3A_675 : i1
      %sub3A_677 = arith.constant 1 : i32
      %sub3A_678 = arith.subi %div3A_657, %sub3A_677 : i32
      %select_n3A_679 = arith.select %and3A_676, %sub3A_678, %div3A_657 : i32
      %rem3A_680 = arith.constant 8 : i32
      %rem3A_681 = arith.remsi %select_n3A_679, %rem3A_680 : i32
      %dma_start3A_682 = arith.constant 0 : i32
      %dma_start3A_683 = arith.constant 0 : i32
      %dma_start3A_684 = arith.constant 0 : i32
      %dma_start3A_685 = arith.constant 0 : i32
      %dma_start3A_686 = arith.constant 0 : i32
      %dma_start3A_687 = tpu.memref_slice %arg7[%dma_start3A_682, %dma_start3A_684, %dma_start3A_685, %dma_start3A_686] : memref<2x8x8x128xf32, #tpu.memory_space<vmem>> -> memref<1x8x8x128xf32, #tpu.memory_space<vmem>>
      %dma_start3A_688 = tpu.memref_squeeze %dma_start3A_687 : memref<1x8x8x128xf32, #tpu.memory_space<vmem>> -> memref<8x8x128xf32, #tpu.memory_space<vmem>>
      %dma_start3A_689 = arith.constant 0 : i32
      %dma_start3A_690 = arith.constant 0 : i32
      %dma_start3A_691 = arith.constant 0 : i32
      %dma_start3A_692 = tpu.memref_slice %arg4[%add3A_655, %dma_start3A_689, %rem3A_681, %dma_start3A_690, %dma_start3A_691] : memref<1024x8x8x8x128xf32, #tpu.memory_space<hbm>> -> memref<1x8x1x8x128xf32, #tpu.memory_space<hbm>>
      %dma_start3A_693 = tpu.memref_squeeze %dma_start3A_692 : memref<1x8x1x8x128xf32, #tpu.memory_space<hbm>> -> memref<8x8x128xf32, #tpu.memory_space<hbm>>
      %dma_start3A_694 = tpu.memref_slice %arg9[%dma_start3A_683] : memref<2x!tpu.dma_semaphore, #tpu.memory_space<semaphore_mem>> -> memref<1x!tpu.dma_semaphore, #tpu.memory_space<semaphore_mem>>
      %dma_start3A_695 = tpu.memref_squeeze %dma_start3A_694 : memref<1x!tpu.dma_semaphore, #tpu.memory_space<semaphore_mem>> -> memref<!tpu.dma_semaphore, #tpu.memory_space<semaphore_mem>>
      %dma_start3A_696 = arith.constant 0 : i32
      %dma_start3A_697 = arith.constant 0 : i32
      %dma_start3A_698 = arith.constant 0 : i32
      %dma_start3A_699 = tpu.memref_slice %arg4[%add3A_655, %dma_start3A_696, %rem3A_681, %dma_start3A_697, %dma_start3A_698] : memref<1024x8x8x8x128xf32, #tpu.memory_space<hbm>> -> memref<1x8x1x8x128xf32, #tpu.memory_space<hbm>>
      %dma_start3A_700 = tpu.memref_squeeze %dma_start3A_699 : memref<1x8x1x8x128xf32, #tpu.memory_space<hbm>> -> memref<8x8x128xf32, #tpu.memory_space<hbm>>
      %dma_start3A_701 = arith.constant 0 : i32
      %dma_start3A_702 = arith.constant 0 : i32
      %dma_start3A_703 = arith.constant 0 : i32
      %dma_start3A_704 = tpu.memref_slice %arg7[%dma_start3A_682, %dma_start3A_701, %dma_start3A_702, %dma_start3A_703] : memref<2x8x8x128xf32, #tpu.memory_space<vmem>> -> memref<1x8x8x128xf32, #tpu.memory_space<vmem>>
      %dma_start3A_705 = tpu.memref_squeeze %dma_start3A_704 : memref<1x8x8x128xf32, #tpu.memory_space<vmem>> -> memref<8x8x128xf32, #tpu.memory_space<vmem>>
      tpu.enqueue_dma source(%dma_start3A_705 : memref<8x8x128xf32, #tpu.memory_space<vmem>>) target(%dma_start3A_700 : memref<8x8x128xf32, #tpu.memory_space<hbm>>) target_semaphore(%dma_start3A_695 : memref<!tpu.dma_semaphore, #tpu.memory_space<semaphore_mem>>)
    }
    %scan3A_279 = arith.constant 126 : i32
    %dma_wait3A_280 = arith.constant 1 : i32
    %dma_wait3A_281 = arith.constant 1 : i32
    %dma_wait3A_282 = arith.constant 0 : i32
    %dma_wait3A_283 = arith.constant 0 : i32
    %dma_wait3A_284 = tpu.memref_slice %arg6[%dma_wait3A_280, %dma_wait3A_282, %dma_wait3A_283] : memref<2x128x64xf32, #tpu.memory_space<vmem>> -> memref<1x128x64xf32, #tpu.memory_space<vmem>>
    %dma_wait3A_285 = tpu.memref_squeeze %dma_wait3A_284 : memref<1x128x64xf32, #tpu.memory_space<vmem>> -> memref<128x64xf32, #tpu.memory_space<vmem>>
    %dma_wait3A_286 = arith.constant 0 : i32
    %dma_wait3A_287 = arith.constant 0 : i32
    %dma_wait3A_288 = tpu.memref_slice %arg3[%dma_wait3A_286, %dma_wait3A_287] : memref<100000x64xf32, #tpu.memory_space<hbm>> -> memref<128x64xf32, #tpu.memory_space<hbm>>
    %dma_wait3A_289 = tpu.memref_slice %arg8[%dma_wait3A_281] : memref<2x!tpu.dma_semaphore, #tpu.memory_space<semaphore_mem>> -> memref<1x!tpu.dma_semaphore, #tpu.memory_space<semaphore_mem>>
    %dma_wait3A_290 = tpu.memref_squeeze %dma_wait3A_289 : memref<1x!tpu.dma_semaphore, #tpu.memory_space<semaphore_mem>> -> memref<!tpu.dma_semaphore, #tpu.memory_space<semaphore_mem>>
    %dma_wait3A_291 = arith.constant 0 : i32
    %dma_wait3A_292 = arith.constant 0 : i32
    %dma_wait3A_293 = tpu.memref_slice %arg6[%dma_wait3A_280, %dma_wait3A_291, %dma_wait3A_292] : memref<2x128x64xf32, #tpu.memory_space<vmem>> -> memref<1x128x64xf32, #tpu.memory_space<vmem>>
    %dma_wait3A_294 = tpu.memref_squeeze %dma_wait3A_293 : memref<1x128x64xf32, #tpu.memory_space<vmem>> -> memref<128x64xf32, #tpu.memory_space<vmem>>
    %dma_wait3A_295 = arith.constant 0 : i32
    %dma_wait3A_296 = arith.constant 0 : i32
    %dma_wait3A_297 = tpu.memref_slice %arg3[%dma_wait3A_295, %dma_wait3A_296] : memref<100000x64xf32, #tpu.memory_space<hbm>> -> memref<128x64xf32, #tpu.memory_space<hbm>>
    tpu.wait_dma2 semaphore(%dma_wait3A_290 : memref<!tpu.dma_semaphore, #tpu.memory_space<semaphore_mem>>) src(%dma_wait3A_297 : memref<128x64xf32, #tpu.memory_space<hbm>>) dst(%dma_wait3A_294 : memref<128x64xf32, #tpu.memory_space<vmem>>)
    %dma_wait3A_298 = arith.constant 1 : i32
    %dma_wait3A_299 = arith.constant 0 : i32
    %dma_wait3A_300 = arith.constant 0 : i32
    %dma_wait3A_301 = arith.constant 1 : i32
    %dma_wait3A_302 = arith.constant 0 : i32
    %dma_wait3A_303 = arith.constant 0 : i32
    %dma_wait3A_304 = arith.constant 0 : i32
    %dma_wait3A_305 = tpu.memref_slice %arg7[%dma_wait3A_298, %dma_wait3A_302, %dma_wait3A_303, %dma_wait3A_304] : memref<2x8x8x128xf32, #tpu.memory_space<vmem>> -> memref<1x8x8x128xf32, #tpu.memory_space<vmem>>
    %dma_wait3A_306 = tpu.memref_squeeze %dma_wait3A_305 : memref<1x8x8x128xf32, #tpu.memory_space<vmem>> -> memref<8x8x128xf32, #tpu.memory_space<vmem>>
    %dma_wait3A_307 = arith.constant 0 : i32
    %dma_wait3A_308 = arith.constant 0 : i32
    %dma_wait3A_309 = arith.constant 0 : i32
    %dma_wait3A_310 = tpu.memref_slice %arg4[%dma_wait3A_299, %dma_wait3A_307, %dma_wait3A_300, %dma_wait3A_308, %dma_wait3A_309] : memref<1024x8x8x8x128xf32, #tpu.memory_space<hbm>> -> memref<1x8x1x8x128xf32, #tpu.memory_space<hbm>>
    %dma_wait3A_311 = tpu.memref_squeeze %dma_wait3A_310 : memref<1x8x1x8x128xf32, #tpu.memory_space<hbm>> -> memref<8x8x128xf32, #tpu.memory_space<hbm>>
    %dma_wait3A_312 = tpu.memref_slice %arg9[%dma_wait3A_301] : memref<2x!tpu.dma_semaphore, #tpu.memory_space<semaphore_mem>> -> memref<1x!tpu.dma_semaphore, #tpu.memory_space<semaphore_mem>>
    %dma_wait3A_313 = tpu.memref_squeeze %dma_wait3A_312 : memref<1x!tpu.dma_semaphore, #tpu.memory_space<semaphore_mem>> -> memref<!tpu.dma_semaphore, #tpu.memory_space<semaphore_mem>>
    %dma_wait3A_314 = arith.constant 0 : i32
    %dma_wait3A_315 = arith.constant 0 : i32
    %dma_wait3A_316 = arith.constant 0 : i32
    %dma_wait3A_317 = tpu.memref_slice %arg4[%dma_wait3A_299, %dma_wait3A_314, %dma_wait3A_300, %dma_wait3A_315, %dma_wait3A_316] : memref<1024x8x8x8x128xf32, #tpu.memory_space<hbm>> -> memref<1x8x1x8x128xf32, #tpu.memory_space<hbm>>
    %dma_wait3A_318 = tpu.memref_squeeze %dma_wait3A_317 : memref<1x8x1x8x128xf32, #tpu.memory_space<hbm>> -> memref<8x8x128xf32, #tpu.memory_space<hbm>>
    %dma_wait3A_319 = arith.constant 0 : i32
    %dma_wait3A_320 = arith.constant 0 : i32
    %dma_wait3A_321 = arith.constant 0 : i32
    %dma_wait3A_322 = tpu.memref_slice %arg7[%dma_wait3A_298, %dma_wait3A_319, %dma_wait3A_320, %dma_wait3A_321] : memref<2x8x8x128xf32, #tpu.memory_space<vmem>> -> memref<1x8x8x128xf32, #tpu.memory_space<vmem>>
    %dma_wait3A_323 = tpu.memref_squeeze %dma_wait3A_322 : memref<1x8x8x128xf32, #tpu.memory_space<vmem>> -> memref<8x8x128xf32, #tpu.memory_space<vmem>>
    tpu.wait_dma2 semaphore(%dma_wait3A_313 : memref<!tpu.dma_semaphore, #tpu.memory_space<semaphore_mem>>) src(%dma_wait3A_323 : memref<8x8x128xf32, #tpu.memory_space<vmem>>) dst(%dma_wait3A_318 : memref<8x8x128xf32, #tpu.memory_space<hbm>>)
    %parallel_loop3A_324 = arith.constant 0 : i32
    %parallel_loop3A_325 = arith.constant 64 : i32
    %parallel_loop3A_326 = arith.constant 1 : i32
    %parallel_loop3A_327 = arith.constant 1 : i32
    %parallel_loop3A_328 = arith.constant 1 : i32
    scf.for %parallel_loop3A_416 = %parallel_loop3A_324 to %parallel_loop3A_325 step %parallel_loop3A_326  : i32 {
      %parallel_loop3A_417 = vector.broadcast %parallel_loop3A_416 : i32 to vector<16xi32>
      %parallel_loop3A_418 = arith.addi %parallel_loop3A_417, %iota3A : vector<16xi32>
      %parallel_loop3A_419 = arith.constant 63 : i32
      %parallel_loop3A_420 = vector.broadcast %parallel_loop3A_419 : i32 to vector<16xi32>
      %parallel_loop3A_421 = arith.andi %parallel_loop3A_418, %parallel_loop3A_420 : vector<16xi32>
      %parallel_loop3A_422 = arith.constant 3 : i32
      %parallel_loop3A_423 = vector.broadcast %parallel_loop3A_422 : i32 to vector<16xi32>
      %parallel_loop3A_424 = arith.shrui %parallel_loop3A_421, %parallel_loop3A_423 : vector<16xi32>
      %parallel_loop3A_425 = arith.constant 7 : i32
      %parallel_loop3A_426 = vector.broadcast %parallel_loop3A_425 : i32 to vector<16xi32>
      %parallel_loop3A_427 = arith.andi %parallel_loop3A_421, %parallel_loop3A_426 : vector<16xi32>
      %parallel_loop3A_428 = arith.constant 0 : i32
      %parallel_loop3A_429 = arith.constant 0 : i32
      %parallel_loop3A_430 = tpu.memref_slice %arg6[%parallel_loop3A_327, %parallel_loop3A_428, %parallel_loop3A_429] : memref<2x128x64xf32, #tpu.memory_space<vmem>> -> memref<1x128x64xf32, #tpu.memory_space<vmem>>
      %parallel_loop3A_431 = tpu.memref_squeeze %parallel_loop3A_430 : memref<1x128x64xf32, #tpu.memory_space<vmem>> -> memref<128x64xf32, #tpu.memory_space<vmem>>
      %parallel_loop3A_432 = tpu.vector_load_idx %parallel_loop3A_431[%add3A_5, %parallel_loop3A_421] : memref<128x64xf32, #tpu.memory_space<vmem>>[vector<16xi32>, vector<16xi32>], vector<16xf32>,
      %parallel_loop3A_433 = arith.constant 0 : i32
      %parallel_loop3A_434 = arith.constant 0 : i32
      %parallel_loop3A_435 = arith.constant 0 : i32
      %parallel_loop3A_436 = tpu.memref_slice %arg7[%parallel_loop3A_328, %parallel_loop3A_433, %parallel_loop3A_434, %parallel_loop3A_435] : memref<2x8x8x128xf32, #tpu.memory_space<vmem>> -> memref<1x8x8x128xf32, #tpu.memory_space<vmem>>
      %parallel_loop3A_437 = tpu.memref_squeeze %parallel_loop3A_436 : memref<1x8x8x128xf32, #tpu.memory_space<vmem>> -> memref<8x8x128xf32, #tpu.memory_space<vmem>>
      tpu.vector_store_idx %parallel_loop3A_437[%parallel_loop3A_424, %parallel_loop3A_427, %add3A_5], %parallel_loop3A_432 : memref<8x8x128xf32, #tpu.memory_space<vmem>>[vector<16xi32>, vector<16xi32>, vector<16xi32>], vector<16xf32>,
      %parallel_loop3A_438 = arith.constant 0 : i32
      %parallel_loop3A_439 = arith.constant 0 : i32
      %parallel_loop3A_440 = tpu.memref_slice %arg6[%parallel_loop3A_327, %parallel_loop3A_438, %parallel_loop3A_439] : memref<2x128x64xf32, #tpu.memory_space<vmem>> -> memref<1x128x64xf32, #tpu.memory_space<vmem>>
      %parallel_loop3A_441 = tpu.memref_squeeze %parallel_loop3A_440 : memref<1x128x64xf32, #tpu.memory_space<vmem>> -> memref<128x64xf32, #tpu.memory_space<vmem>>
      %parallel_loop3A_442 = tpu.vector_load_idx %parallel_loop3A_441[%add3A_8, %parallel_loop3A_421] : memref<128x64xf32, #tpu.memory_space<vmem>>[vector<16xi32>, vector<16xi32>], vector<16xf32>,
      %parallel_loop3A_443 = arith.constant 0 : i32
      %parallel_loop3A_444 = arith.constant 0 : i32
      %parallel_loop3A_445 = arith.constant 0 : i32
      %parallel_loop3A_446 = tpu.memref_slice %arg7[%parallel_loop3A_328, %parallel_loop3A_443, %parallel_loop3A_444, %parallel_loop3A_445] : memref<2x8x8x128xf32, #tpu.memory_space<vmem>> -> memref<1x8x8x128xf32, #tpu.memory_space<vmem>>
      %parallel_loop3A_447 = tpu.memref_squeeze %parallel_loop3A_446 : memref<1x8x8x128xf32, #tpu.memory_space<vmem>> -> memref<8x8x128xf32, #tpu.memory_space<vmem>>
      tpu.vector_store_idx %parallel_loop3A_447[%parallel_loop3A_424, %parallel_loop3A_427, %add3A_8], %parallel_loop3A_442 : memref<8x8x128xf32, #tpu.memory_space<vmem>>[vector<16xi32>, vector<16xi32>, vector<16xi32>], vector<16xf32>,
      %parallel_loop3A_448 = arith.constant 0 : i32
      %parallel_loop3A_449 = arith.constant 0 : i32
      %parallel_loop3A_450 = tpu.memref_slice %arg6[%parallel_loop3A_327, %parallel_loop3A_448, %parallel_loop3A_449] : memref<2x128x64xf32, #tpu.memory_space<vmem>> -> memref<1x128x64xf32, #tpu.memory_space<vmem>>
      %parallel_loop3A_451 = tpu.memref_squeeze %parallel_loop3A_450 : memref<1x128x64xf32, #tpu.memory_space<vmem>> -> memref<128x64xf32, #tpu.memory_space<vmem>>
      %parallel_loop3A_452 = tpu.vector_load_idx %parallel_loop3A_451[%add3A_11, %parallel_loop3A_421] : memref<128x64xf32, #tpu.memory_space<vmem>>[vector<16xi32>, vector<16xi32>], vector<16xf32>,
      %parallel_loop3A_453 = arith.constant 0 : i32
      %parallel_loop3A_454 = arith.constant 0 : i32
      %parallel_loop3A_455 = arith.constant 0 : i32
      %parallel_loop3A_456 = tpu.memref_slice %arg7[%parallel_loop3A_328, %parallel_loop3A_453, %parallel_loop3A_454, %parallel_loop3A_455] : memref<2x8x8x128xf32, #tpu.memory_space<vmem>> -> memref<1x8x8x128xf32, #tpu.memory_space<vmem>>
      %parallel_loop3A_457 = tpu.memref_squeeze %parallel_loop3A_456 : memref<1x8x8x128xf32, #tpu.memory_space<vmem>> -> memref<8x8x128xf32, #tpu.memory_space<vmem>>
      tpu.vector_store_idx %parallel_loop3A_457[%parallel_loop3A_424, %parallel_loop3A_427, %add3A_11], %parallel_loop3A_452 : memref<8x8x128xf32, #tpu.memory_space<vmem>>[vector<16xi32>, vector<16xi32>, vector<16xi32>], vector<16xf32>,
      %parallel_loop3A_458 = arith.constant 0 : i32
      %parallel_loop3A_459 = arith.constant 0 : i32
      %parallel_loop3A_460 = tpu.memref_slice %arg6[%parallel_loop3A_327, %parallel_loop3A_458, %parallel_loop3A_459] : memref<2x128x64xf32, #tpu.memory_space<vmem>> -> memref<1x128x64xf32, #tpu.memory_space<vmem>>
      %parallel_loop3A_461 = tpu.memref_squeeze %parallel_loop3A_460 : memref<1x128x64xf32, #tpu.memory_space<vmem>> -> memref<128x64xf32, #tpu.memory_space<vmem>>
      %parallel_loop3A_462 = tpu.vector_load_idx %parallel_loop3A_461[%add3A_14, %parallel_loop3A_421] : memref<128x64xf32, #tpu.memory_space<vmem>>[vector<16xi32>, vector<16xi32>], vector<16xf32>,
      %parallel_loop3A_463 = arith.constant 0 : i32
      %parallel_loop3A_464 = arith.constant 0 : i32
      %parallel_loop3A_465 = arith.constant 0 : i32
      %parallel_loop3A_466 = tpu.memref_slice %arg7[%parallel_loop3A_328, %parallel_loop3A_463, %parallel_loop3A_464, %parallel_loop3A_465] : memref<2x8x8x128xf32, #tpu.memory_space<vmem>> -> memref<1x8x8x128xf32, #tpu.memory_space<vmem>>
      %parallel_loop3A_467 = tpu.memref_squeeze %parallel_loop3A_466 : memref<1x8x8x128xf32, #tpu.memory_space<vmem>> -> memref<8x8x128xf32, #tpu.memory_space<vmem>>
      tpu.vector_store_idx %parallel_loop3A_467[%parallel_loop3A_424, %parallel_loop3A_427, %add3A_14], %parallel_loop3A_462 : memref<8x8x128xf32, #tpu.memory_space<vmem>>[vector<16xi32>, vector<16xi32>, vector<16xi32>], vector<16xf32>,
      %parallel_loop3A_468 = arith.constant 0 : i32
      %parallel_loop3A_469 = arith.constant 0 : i32
      %parallel_loop3A_470 = tpu.memref_slice %arg6[%parallel_loop3A_327, %parallel_loop3A_468, %parallel_loop3A_469] : memref<2x128x64xf32, #tpu.memory_space<vmem>> -> memref<1x128x64xf32, #tpu.memory_space<vmem>>
      %parallel_loop3A_471 = tpu.memref_squeeze %parallel_loop3A_470 : memref<1x128x64xf32, #tpu.memory_space<vmem>> -> memref<128x64xf32, #tpu.memory_space<vmem>>
      %parallel_loop3A_472 = tpu.vector_load_idx %parallel_loop3A_471[%add3A_17, %parallel_loop3A_421] : memref<128x64xf32, #tpu.memory_space<vmem>>[vector<16xi32>, vector<16xi32>], vector<16xf32>,
      %parallel_loop3A_473 = arith.constant 0 : i32
      %parallel_loop3A_474 = arith.constant 0 : i32
      %parallel_loop3A_475 = arith.constant 0 : i32
      %parallel_loop3A_476 = tpu.memref_slice %arg7[%parallel_loop3A_328, %parallel_loop3A_473, %parallel_loop3A_474, %parallel_loop3A_475] : memref<2x8x8x128xf32, #tpu.memory_space<vmem>> -> memref<1x8x8x128xf32, #tpu.memory_space<vmem>>
      %parallel_loop3A_477 = tpu.memref_squeeze %parallel_loop3A_476 : memref<1x8x8x128xf32, #tpu.memory_space<vmem>> -> memref<8x8x128xf32, #tpu.memory_space<vmem>>
      tpu.vector_store_idx %parallel_loop3A_477[%parallel_loop3A_424, %parallel_loop3A_427, %add3A_17], %parallel_loop3A_472 : memref<8x8x128xf32, #tpu.memory_space<vmem>>[vector<16xi32>, vector<16xi32>, vector<16xi32>], vector<16xf32>,
      %parallel_loop3A_478 = arith.constant 0 : i32
      %parallel_loop3A_479 = arith.constant 0 : i32
      %parallel_loop3A_480 = tpu.memref_slice %arg6[%parallel_loop3A_327, %parallel_loop3A_478, %parallel_loop3A_479] : memref<2x128x64xf32, #tpu.memory_space<vmem>> -> memref<1x128x64xf32, #tpu.memory_space<vmem>>
      %parallel_loop3A_481 = tpu.memref_squeeze %parallel_loop3A_480 : memref<1x128x64xf32, #tpu.memory_space<vmem>> -> memref<128x64xf32, #tpu.memory_space<vmem>>
      %parallel_loop3A_482 = tpu.vector_load_idx %parallel_loop3A_481[%add3A_20, %parallel_loop3A_421] : memref<128x64xf32, #tpu.memory_space<vmem>>[vector<16xi32>, vector<16xi32>], vector<16xf32>,
      %parallel_loop3A_483 = arith.constant 0 : i32
      %parallel_loop3A_484 = arith.constant 0 : i32
      %parallel_loop3A_485 = arith.constant 0 : i32
      %parallel_loop3A_486 = tpu.memref_slice %arg7[%parallel_loop3A_328, %parallel_loop3A_483, %parallel_loop3A_484, %parallel_loop3A_485] : memref<2x8x8x128xf32, #tpu.memory_space<vmem>> -> memref<1x8x8x128xf32, #tpu.memory_space<vmem>>
      %parallel_loop3A_487 = tpu.memref_squeeze %parallel_loop3A_486 : memref<1x8x8x128xf32, #tpu.memory_space<vmem>> -> memref<8x8x128xf32, #tpu.memory_space<vmem>>
      tpu.vector_store_idx %parallel_loop3A_487[%parallel_loop3A_424, %parallel_loop3A_427, %add3A_20], %parallel_loop3A_482 : memref<8x8x128xf32, #tpu.memory_space<vmem>>[vector<16xi32>, vector<16xi32>, vector<16xi32>], vector<16xf32>,
      %parallel_loop3A_488 = arith.constant 0 : i32
      %parallel_loop3A_489 = arith.constant 0 : i32
      %parallel_loop3A_490 = tpu.memref_slice %arg6[%parallel_loop3A_327, %parallel_loop3A_488, %parallel_loop3A_489] : memref<2x128x64xf32, #tpu.memory_space<vmem>> -> memref<1x128x64xf32, #tpu.memory_space<vmem>>
      %parallel_loop3A_491 = tpu.memref_squeeze %parallel_loop3A_490 : memref<1x128x64xf32, #tpu.memory_space<vmem>> -> memref<128x64xf32, #tpu.memory_space<vmem>>
      %parallel_loop3A_492 = tpu.vector_load_idx %parallel_loop3A_491[%add3A_23, %parallel_loop3A_421] : memref<128x64xf32, #tpu.memory_space<vmem>>[vector<16xi32>, vector<16xi32>], vector<16xf32>,
      %parallel_loop3A_493 = arith.constant 0 : i32
      %parallel_loop3A_494 = arith.constant 0 : i32
      %parallel_loop3A_495 = arith.constant 0 : i32
      %parallel_loop3A_496 = tpu.memref_slice %arg7[%parallel_loop3A_328, %parallel_loop3A_493, %parallel_loop3A_494, %parallel_loop3A_495] : memref<2x8x8x128xf32, #tpu.memory_space<vmem>> -> memref<1x8x8x128xf32, #tpu.memory_space<vmem>>
      %parallel_loop3A_497 = tpu.memref_squeeze %parallel_loop3A_496 : memref<1x8x8x128xf32, #tpu.memory_space<vmem>> -> memref<8x8x128xf32, #tpu.memory_space<vmem>>
      tpu.vector_store_idx %parallel_loop3A_497[%parallel_loop3A_424, %parallel_loop3A_427, %add3A_23], %parallel_loop3A_492 : memref<8x8x128xf32, #tpu.memory_space<vmem>>[vector<16xi32>, vector<16xi32>, vector<16xi32>], vector<16xf32>,
      %parallel_loop3A_498 = arith.constant 0 : i32
      %parallel_loop3A_499 = arith.constant 0 : i32
      %parallel_loop3A_500 = tpu.memref_slice %arg6[%parallel_loop3A_327, %parallel_loop3A_498, %parallel_loop3A_499] : memref<2x128x64xf32, #tpu.memory_space<vmem>> -> memref<1x128x64xf32, #tpu.memory_space<vmem>>
      %parallel_loop3A_501 = tpu.memref_squeeze %parallel_loop3A_500 : memref<1x128x64xf32, #tpu.memory_space<vmem>> -> memref<128x64xf32, #tpu.memory_space<vmem>>
      %parallel_loop3A_502 = tpu.vector_load_idx %parallel_loop3A_501[%add3A_26, %parallel_loop3A_421] : memref<128x64xf32, #tpu.memory_space<vmem>>[vector<16xi32>, vector<16xi32>], vector<16xf32>,
      %parallel_loop3A_503 = arith.constant 0 : i32
      %parallel_loop3A_504 = arith.constant 0 : i32
      %parallel_loop3A_505 = arith.constant 0 : i32
      %parallel_loop3A_506 = tpu.memref_slice %arg7[%parallel_loop3A_328, %parallel_loop3A_503, %parallel_loop3A_504, %parallel_loop3A_505] : memref<2x8x8x128xf32, #tpu.memory_space<vmem>> -> memref<1x8x8x128xf32, #tpu.memory_space<vmem>>
      %parallel_loop3A_507 = tpu.memref_squeeze %parallel_loop3A_506 : memref<1x8x8x128xf32, #tpu.memory_space<vmem>> -> memref<8x8x128xf32, #tpu.memory_space<vmem>>
      tpu.vector_store_idx %parallel_loop3A_507[%parallel_loop3A_424, %parallel_loop3A_427, %add3A_26], %parallel_loop3A_502 : memref<8x8x128xf32, #tpu.memory_space<vmem>>[vector<16xi32>, vector<16xi32>, vector<16xi32>], vector<16xf32>,
    } {sc.loop_unroll_factor = 8 : i64, sc.parallel_access}
    %mul3A_329 = arith.constant 32 : i32
    %mul3A_330 = arith.muli %add3A, %mul3A_329 : i32
    %add3A_331 = arith.constant 24 : i32
    %add3A_332 = arith.addi %mul3A_330, %add3A_331 : i32
    %rem3A_333 = arith.constant 255 : i32
    %rem3A_334 = arith.constant 8 : i32
    %rem3A_335 = arith.remsi %rem3A_333, %rem3A_334 : i32
    %add3A_336 = arith.addi %add3A_332, %rem3A_335 : i32
    %rem3A_337 = arith.constant 31 : i32
    %rem3A_338 = arith.constant 8 : i32
    %rem3A_339 = arith.remsi %rem3A_337, %rem3A_338 : i32
    %dma_start3A_340 = arith.constant 1 : i32
    %dma_start3A_341 = arith.constant 1 : i32
    %dma_start3A_342 = arith.constant 0 : i32
    %dma_start3A_343 = arith.constant 0 : i32
    %dma_start3A_344 = arith.constant 0 : i32
    %dma_start3A_345 = tpu.memref_slice %arg7[%dma_start3A_340, %dma_start3A_342, %dma_start3A_343, %dma_start3A_344] : memref<2x8x8x128xf32, #tpu.memory_space<vmem>> -> memref<1x8x8x128xf32, #tpu.memory_space<vmem>>
    %dma_start3A_346 = tpu.memref_squeeze %dma_start3A_345 : memref<1x8x8x128xf32, #tpu.memory_space<vmem>> -> memref<8x8x128xf32, #tpu.memory_space<vmem>>
    %dma_start3A_347 = arith.constant 0 : i32
    %dma_start3A_348 = arith.constant 0 : i32
    %dma_start3A_349 = arith.constant 0 : i32
    %dma_start3A_350 = tpu.memref_slice %arg4[%add3A_336, %dma_start3A_347, %rem3A_339, %dma_start3A_348, %dma_start3A_349] : memref<1024x8x8x8x128xf32, #tpu.memory_space<hbm>> -> memref<1x8x1x8x128xf32, #tpu.memory_space<hbm>>
    %dma_start3A_351 = tpu.memref_squeeze %dma_start3A_350 : memref<1x8x1x8x128xf32, #tpu.memory_space<hbm>> -> memref<8x8x128xf32, #tpu.memory_space<hbm>>
    %dma_start3A_352 = tpu.memref_slice %arg9[%dma_start3A_341] : memref<2x!tpu.dma_semaphore, #tpu.memory_space<semaphore_mem>> -> memref<1x!tpu.dma_semaphore, #tpu.memory_space<semaphore_mem>>
    %dma_start3A_353 = tpu.memref_squeeze %dma_start3A_352 : memref<1x!tpu.dma_semaphore, #tpu.memory_space<semaphore_mem>> -> memref<!tpu.dma_semaphore, #tpu.memory_space<semaphore_mem>>
    %dma_start3A_354 = arith.constant 0 : i32
    %dma_start3A_355 = arith.constant 0 : i32
    %dma_start3A_356 = arith.constant 0 : i32
    %dma_start3A_357 = tpu.memref_slice %arg4[%add3A_336, %dma_start3A_354, %rem3A_339, %dma_start3A_355, %dma_start3A_356] : memref<1024x8x8x8x128xf32, #tpu.memory_space<hbm>> -> memref<1x8x1x8x128xf32, #tpu.memory_space<hbm>>
    %dma_start3A_358 = tpu.memref_squeeze %dma_start3A_357 : memref<1x8x1x8x128xf32, #tpu.memory_space<hbm>> -> memref<8x8x128xf32, #tpu.memory_space<hbm>>
    %dma_start3A_359 = arith.constant 0 : i32
    %dma_start3A_360 = arith.constant 0 : i32
    %dma_start3A_361 = arith.constant 0 : i32
    %dma_start3A_362 = tpu.memref_slice %arg7[%dma_start3A_340, %dma_start3A_359, %dma_start3A_360, %dma_start3A_361] : memref<2x8x8x128xf32, #tpu.memory_space<vmem>> -> memref<1x8x8x128xf32, #tpu.memory_space<vmem>>
    %dma_start3A_363 = tpu.memref_squeeze %dma_start3A_362 : memref<1x8x8x128xf32, #tpu.memory_space<vmem>> -> memref<8x8x128xf32, #tpu.memory_space<vmem>>
    tpu.enqueue_dma source(%dma_start3A_363 : memref<8x8x128xf32, #tpu.memory_space<vmem>>) target(%dma_start3A_358 : memref<8x8x128xf32, #tpu.memory_space<hbm>>) target_semaphore(%dma_start3A_353 : memref<!tpu.dma_semaphore, #tpu.memory_space<semaphore_mem>>)
    %dma_wait3A_364 = arith.constant 0 : i32
    %dma_wait3A_365 = arith.constant 0 : i32
    %dma_wait3A_366 = arith.constant 0 : i32
    %dma_wait3A_367 = arith.constant 0 : i32
    %dma_wait3A_368 = arith.constant 0 : i32
    %dma_wait3A_369 = arith.constant 0 : i32
    %dma_wait3A_370 = arith.constant 0 : i32
    %dma_wait3A_371 = tpu.memref_slice %arg7[%dma_wait3A_364, %dma_wait3A_368, %dma_wait3A_369, %dma_wait3A_370] : memref<2x8x8x128xf32, #tpu.memory_space<vmem>> -> memref<1x8x8x128xf32, #tpu.memory_space<vmem>>
    %dma_wait3A_372 = tpu.memref_squeeze %dma_wait3A_371 : memref<1x8x8x128xf32, #tpu.memory_space<vmem>> -> memref<8x8x128xf32, #tpu.memory_space<vmem>>
    %dma_wait3A_373 = arith.constant 0 : i32
    %dma_wait3A_374 = arith.constant 0 : i32
    %dma_wait3A_375 = arith.constant 0 : i32
    %dma_wait3A_376 = tpu.memref_slice %arg4[%dma_wait3A_365, %dma_wait3A_373, %dma_wait3A_366, %dma_wait3A_374, %dma_wait3A_375] : memref<1024x8x8x8x128xf32, #tpu.memory_space<hbm>> -> memref<1x8x1x8x128xf32, #tpu.memory_space<hbm>>
    %dma_wait3A_377 = tpu.memref_squeeze %dma_wait3A_376 : memref<1x8x1x8x128xf32, #tpu.memory_space<hbm>> -> memref<8x8x128xf32, #tpu.memory_space<hbm>>
    %dma_wait3A_378 = tpu.memref_slice %arg9[%dma_wait3A_367] : memref<2x!tpu.dma_semaphore, #tpu.memory_space<semaphore_mem>> -> memref<1x!tpu.dma_semaphore, #tpu.memory_space<semaphore_mem>>
    %dma_wait3A_379 = tpu.memref_squeeze %dma_wait3A_378 : memref<1x!tpu.dma_semaphore, #tpu.memory_space<semaphore_mem>> -> memref<!tpu.dma_semaphore, #tpu.memory_space<semaphore_mem>>
    %dma_wait3A_380 = arith.constant 0 : i32
    %dma_wait3A_381 = arith.constant 0 : i32
    %dma_wait3A_382 = arith.constant 0 : i32
    %dma_wait3A_383 = tpu.memref_slice %arg4[%dma_wait3A_365, %dma_wait3A_380, %dma_wait3A_366, %dma_wait3A_381, %dma_wait3A_382] : memref<1024x8x8x8x128xf32, #tpu.memory_space<hbm>> -> memref<1x8x1x8x128xf32, #tpu.memory_space<hbm>>
    %dma_wait3A_384 = tpu.memref_squeeze %dma_wait3A_383 : memref<1x8x1x8x128xf32, #tpu.memory_space<hbm>> -> memref<8x8x128xf32, #tpu.memory_space<hbm>>
    %dma_wait3A_385 = arith.constant 0 : i32
    %dma_wait3A_386 = arith.constant 0 : i32
    %dma_wait3A_387 = arith.constant 0 : i32
    %dma_wait3A_388 = tpu.memref_slice %arg7[%dma_wait3A_364, %dma_wait3A_385, %dma_wait3A_386, %dma_wait3A_387] : memref<2x8x8x128xf32, #tpu.memory_space<vmem>> -> memref<1x8x8x128xf32, #tpu.memory_space<vmem>>
    %dma_wait3A_389 = tpu.memref_squeeze %dma_wait3A_388 : memref<1x8x8x128xf32, #tpu.memory_space<vmem>> -> memref<8x8x128xf32, #tpu.memory_space<vmem>>
    tpu.wait_dma2 semaphore(%dma_wait3A_379 : memref<!tpu.dma_semaphore, #tpu.memory_space<semaphore_mem>>) src(%dma_wait3A_389 : memref<8x8x128xf32, #tpu.memory_space<vmem>>) dst(%dma_wait3A_384 : memref<8x8x128xf32, #tpu.memory_space<hbm>>)
    %dma_wait3A_390 = arith.constant 1 : i32
    %dma_wait3A_391 = arith.constant 0 : i32
    %dma_wait3A_392 = arith.constant 0 : i32
    %dma_wait3A_393 = arith.constant 1 : i32
    %dma_wait3A_394 = arith.constant 0 : i32
    %dma_wait3A_395 = arith.constant 0 : i32
    %dma_wait3A_396 = arith.constant 0 : i32
    %dma_wait3A_397 = tpu.memref_slice %arg7[%dma_wait3A_390, %dma_wait3A_394, %dma_wait3A_395, %dma_wait3A_396] : memref<2x8x8x128xf32, #tpu.memory_space<vmem>> -> memref<1x8x8x128xf32, #tpu.memory_space<vmem>>
    %dma_wait3A_398 = tpu.memref_squeeze %dma_wait3A_397 : memref<1x8x8x128xf32, #tpu.memory_space<vmem>> -> memref<8x8x128xf32, #tpu.memory_space<vmem>>
    %dma_wait3A_399 = arith.constant 0 : i32
    %dma_wait3A_400 = arith.constant 0 : i32
    %dma_wait3A_401 = arith.constant 0 : i32
    %dma_wait3A_402 = tpu.memref_slice %arg4[%dma_wait3A_391, %dma_wait3A_399, %dma_wait3A_392, %dma_wait3A_400, %dma_wait3A_401] : memref<1024x8x8x8x128xf32, #tpu.memory_space<hbm>> -> memref<1x8x1x8x128xf32, #tpu.memory_space<hbm>>
    %dma_wait3A_403 = tpu.memref_squeeze %dma_wait3A_402 : memref<1x8x1x8x128xf32, #tpu.memory_space<hbm>> -> memref<8x8x128xf32, #tpu.memory_space<hbm>>
    %dma_wait3A_404 = tpu.memref_slice %arg9[%dma_wait3A_393] : memref<2x!tpu.dma_semaphore, #tpu.memory_space<semaphore_mem>> -> memref<1x!tpu.dma_semaphore, #tpu.memory_space<semaphore_mem>>
    %dma_wait3A_405 = tpu.memref_squeeze %dma_wait3A_404 : memref<1x!tpu.dma_semaphore, #tpu.memory_space<semaphore_mem>> -> memref<!tpu.dma_semaphore, #tpu.memory_space<semaphore_mem>>
    %dma_wait3A_406 = arith.constant 0 : i32
    %dma_wait3A_407 = arith.constant 0 : i32
    %dma_wait3A_408 = arith.constant 0 : i32
    %dma_wait3A_409 = tpu.memref_slice %arg4[%dma_wait3A_391, %dma_wait3A_406, %dma_wait3A_392, %dma_wait3A_407, %dma_wait3A_408] : memref<1024x8x8x8x128xf32, #tpu.memory_space<hbm>> -> memref<1x8x1x8x128xf32, #tpu.memory_space<hbm>>
    %dma_wait3A_410 = tpu.memref_squeeze %dma_wait3A_409 : memref<1x8x1x8x128xf32, #tpu.memory_space<hbm>> -> memref<8x8x128xf32, #tpu.memory_space<hbm>>
    %dma_wait3A_411 = arith.constant 0 : i32
    %dma_wait3A_412 = arith.constant 0 : i32
    %dma_wait3A_413 = arith.constant 0 : i32
    %dma_wait3A_414 = tpu.memref_slice %arg7[%dma_wait3A_390, %dma_wait3A_411, %dma_wait3A_412, %dma_wait3A_413] : memref<2x8x8x128xf32, #tpu.memory_space<vmem>> -> memref<1x8x8x128xf32, #tpu.memory_space<vmem>>
    %dma_wait3A_415 = tpu.memref_squeeze %dma_wait3A_414 : memref<1x8x8x128xf32, #tpu.memory_space<vmem>> -> memref<8x8x128xf32, #tpu.memory_space<vmem>>
    tpu.wait_dma2 semaphore(%dma_wait3A_405 : memref<!tpu.dma_semaphore, #tpu.memory_space<semaphore_mem>>) src(%dma_wait3A_415 : memref<8x8x128xf32, #tpu.memory_space<vmem>>) dst(%dma_wait3A_410 : memref<8x8x128xf32, #tpu.memory_space<hbm>>)
    return
  }
}

</mosaic_0001>

<sc_bundles>
// kernel: _gather_rows_t.3.cloned.1.call-start
scs
__scs_entry_jumppad:
0x0: {  	(pc) =	sbr.rel $0x88, $3  }
0x1: {  	(tag) =	ssettag $0x0;
	lr =	simm.s32 $0x1  }
0x2: {  	[smem:$0x3F9F] =	sst lr;
	_ =	strace $0xD0000000  }
0x3: {  	_ = 	snop  }
0x4: {  	_ = 	snop  }
0x5: {  	_ = 	snop  }
0x6: {  	_ = 	snop  }
0x7: {  	_ = 	snop  }
__scs_overlays_trampoline_lowered:
0x8: {  	[smem:$0x3FAE] =	sst s0  }
0x9: {  	[smem:$0x3FAF] =	sst s1  }
0xa: {  	[smem:$0x3FB0] =	sst s2  }
0xb: {  	[smem:$0x3FB1] =	sst s3  }
0xc: {  	[smem:$0x3FB2] =	sst s4  }
0xd: {  	[smem:$0x3FB3] =	sst s5  }
0xe: {  	[smem:$0x3FB4] =	sst s6  }
0xf: {  	[smem:$0x3FB5] =	sst s7  }
0x10: {  	[smem:$0x3FB6] =	sst s8  }
0x11: {  	[smem:$0x3FB7] =	sst s9;
	s0 =	simm.s32 @!p0 $0x0  }
0x12: {  	s1 =	sld [smem:$0x3F9D];
	s0 =	simm.s32 @p0 $0x1  }
0x13: {  	[smem:$0x3FB8] =	sst s0;
	s0 =	simm.s32 @!p1 $0x0  }
0x14: {  	s2 =	sld [smem:$0x3F9C];
	s0 =	simm.s32 @p1 $0x1  }
0x15: {  	[smem:$0x3FB9] =	sst s0;
	s0 =	simm.s32 @!p2 $0x0  }
0x16: {  	s3 =	sld [smem:$0x3FDB];
	s0 =	simm.s32 @p2 $0x1  }
0x17: {  	s4 =	simm.s32 $0x1BF5;
	[smem:$0x3FBB] =	sst s0  }
0x18: {  	s0 =	sld [smem:$0x3F9E];
	_ =	swait.ge [sflag:s4], $0x0  }
0x19: {  	s7 =	sld [smem:$0x3F9F]  }
0x1a: {  	s8 =	sadd.s32 $0xFFFFE003, lr  }
0x1b: {  	s9 =	sadd.s32 $0xFFFFFEF7, lr;
	s5 =	simm.s32 $0xFFFFFFFF;
	p2 =	slt.u32 s8, $0xFFFFF086  }
0x1c: {  	p1 =	slt.u32 s9, $0xF7A;
	s5 =	simm.s32 @!p2 $0x0  }
0x1d: {  	s5 =	simm.s32 @p1 $0x1;
	p0 =	seq.s32 s7, s2  }
0x1e: {  	s7 =	smul.u32 @!p0 $0xF7A, s2;
	p2 =	seq.s32 @!p0 s5, $0x0  }
0x1f: {  	s9 =	smul.u32 $0xF7A, s1;
	s8 =	simm.s32 @!p0 $0x1BF5;
	p2 =	por !p2, p0  }
0x20: {  	[sflag:s8] =	ssyncset.s32 @!p0 $0xFFFFF086;
	s6 =	sadd.s32 @!p0 s3, s7;
	s7 =	simm.s32 @!p0 $0x108  }
0x21: {  	s3 =	sadd.s32 s3, s9;
	s6 =	sadd.s32 @!p0 $0x88, s6;
	s7 =	simm.s32 @p2 $0x1082  }
0x22: {  	[simem:s7], [sflag:s8] =	dma.local @!p0 [hbm:s6], $0xF7A  }
0x23: {  	s9 =	sor.u32 $0xD0000000, s2;
	s6 =	simm.s32 $0x108;
	_ =	swait.ge @!p0 [sflag:s8], $0x0  }
0x24: {  	s3 =	sadd.s32 $0x88, s3;
	s6 =	simm.s32 @!p1 $0x1082;
	[sflag:s4] =	ssyncset.s32 $0xFFFFF086  }
0x25: {  	[simem:s6], [sflag:s4] =	dma.local [hbm:s3], $0xF7A  }
0x26: {  	[smem:$0x3F9F] =	sst s1;
	(tag) =	ssettag s2;
	_ =	strace s9  }
0x27: {  	s1 =	sld [smem:$0x3FAF]  }
0x28: {  	s2 =	sld [smem:$0x3FB0]  }
0x29: {  	s4 =	sld [smem:$0x3FB2]  }
0x2a: {  	p0 =	seq.s32 s5, $0x0;
	s5 =	sld [smem:$0x3FB3]  }
0x2b: {  	s6 =	sld [smem:$0x3FB4]  }
0x2c: {  	s7 =	sld [smem:$0x3FB5]  }
0x2d: {  	s3 =	simm.s32 $0x108;
	s8 =	sld [smem:$0x3FB6]  }
0x2e: {  	s3 =	simm.s32 @!p0 $0x1082;
	s9 =	sld [smem:$0x3FB7]  }
0x2f: {  	lr =	sadd.s32 s0, s3;
	s0 =	sld [smem:$0x3FAE]  }
0x30: {  	s3 =	sld [smem:$0x3FB1]  }
0x31: {  	[smem:$0x3FBA] =	sst s10  }
0x32: {  	s10 =	sld [smem:$0x3FB8];
	_ =	sdelay $0x3  }
0x33: {  	p0 =	seq.s32 s10, $0x1;
	s10 =	sld [smem:$0x3FBA];
	_ =	sdelay $0x3  }
0x34: {  	[smem:$0x3FBA] =	sst s10  }
0x35: {  	s10 =	sld [smem:$0x3FB9];
	_ =	sdelay $0x3  }
0x36: {  	p1 =	seq.s32 s10, $0x1;
	s10 =	sld [smem:$0x3FBA];
	_ =	sdelay $0x3  }
0x37: {  	[smem:$0x3FBA] =	sst s10  }
0x38: {  	s10 =	sld [smem:$0x3FBB]  }
0x39: {  	_ = 	snop;
	(pc) =	sbr.ind lr, $3  }
0x3a: {  	_ = 	snop  }
0x3b: {  	_ = 	snop  }
0x3c: {  	p2 =	seq.s32 s10, $0x1;
	s10 =	sld [smem:$0x3FBA]  }
0x3d: {  	_ =	shalt  }
0x3e: {  	_ =	shalt  }
0x3f: {  	_ =	shalt  }
0x40: {  	_ =	shalt  }
0x41: {  	_ =	shalt  }
0x42: {  	_ =	shalt  }
0x43: {  	_ =	shalt  }
0x44: {  	_ =	shalt  }
0x45: {  	_ =	shalt  }
0x46: {  	_ =	shalt  }
0x47: {  	_ =	shalt  }
0x48: {  	_ =	shalt  }
0x49: {  	_ =	shalt  }
0x4a: {  	_ =	shalt  }
0x4b: {  	_ =	shalt  }
0x4c: {  	_ =	shalt  }
0x4d: {  	_ =	shalt  }
0x4e: {  	_ =	shalt  }
0x4f: {  	_ =	shalt  }
0x50: {  	_ =	shalt  }
0x51: {  	_ =	shalt  }
0x52: {  	_ =	shalt  }
0x53: {  	_ =	shalt  }
0x54: {  	_ =	shalt  }
0x55: {  	_ =	shalt  }
0x56: {  	_ =	shalt  }
0x57: {  	_ =	shalt  }
0x58: {  	_ =	shalt  }
0x59: {  	_ =	shalt  }
0x5a: {  	_ =	shalt  }
0x5b: {  	_ =	shalt  }
0x5c: {  	_ =	shalt  }
0x5d: {  	_ =	shalt  }
0x5e: {  	_ =	shalt  }
0x5f: {  	_ =	shalt  }
0x60: {  	_ =	shalt  }
0x61: {  	_ =	shalt  }
0x62: {  	_ =	shalt  }
0x63: {  	_ =	shalt  }
0x64: {  	_ =	shalt  }
0x65: {  	_ =	shalt  }
0x66: {  	_ =	shalt  }
0x67: {  	_ =	shalt  }
0x68: {  	_ =	shalt  }
0x69: {  	_ =	shalt  }
0x6a: {  	_ =	shalt  }
0x6b: {  	_ =	shalt  }
0x6c: {  	_ =	shalt  }
0x6d: {  	_ =	shalt  }
0x6e: {  	_ =	shalt  }
0x6f: {  	_ =	shalt  }
0x70: {  	_ =	shalt  }
0x71: {  	_ =	shalt  }
0x72: {  	_ =	shalt  }
0x73: {  	_ =	shalt  }
0x74: {  	_ =	shalt  }
0x75: {  	_ =	shalt  }
0x76: {  	_ =	shalt  }
0x77: {  	_ =	shalt  }
0x78: {  	_ =	shalt  }
0x79: {  	_ =	shalt  }
0x7a: {  	_ =	shalt  }
0x7b: {  	_ =	shalt  }
0x7c: {  	_ =	shalt  }
0x7d: {  	_ =	shalt  }
0x7e: {  	_ =	shalt  }
0x7f: {  	_ =	shalt  }
0x80: {  	_ =	shalt  }
0x81: {  	_ =	shalt  }
0x82: {  	_ =	shalt  }
0x83: {  	_ =	shalt  }
0x84: {  	_ =	shalt  }
0x85: {  	_ =	shalt  }
0x86: {  	_ =	shalt  }
0x87: {  	_ =	shalt  }
.Lfunc_end0:
.L_simem_size_0:
called_computation_lowered:
.L_overlay_start_0:
0x88: {  	s2 =	sld [smem:$0x3FD9]  }
0x89: {  	s3 =	sld [smem:$0x3FFE];
	_ =	sdelay $0x1  }
0x8a: {  	s1 =	srdreg.scid  }
0x8b: {  	s0 =	sand.u32 $0x1, s1  }
0x8c: {  	s17 =	sshll.u32 s0, $0xA;
	s2 =	sadd.s32 s3, s2  }
0x8d: {  	s2 =	sadd.s32 s2, s17  }
0x8e: {  	[smem:$0x3FC6] =	sst s2  }
0x8f: {  	_ = 	snop  }
0x90: {  	s2 =	sld [smem:$0x3FC9]  }
0x91: {  	s18 =	sld [smem:$0x3FD0];
	(tm) =	ssettm $0x1  }
0x92: {  	s4 =	sld [smem:$0x3FFB];
	_ =	sdelay $0x3  }
0x93: {  	_ =	strace s4  }
0x94: {  	s4 =	sld [smem:$0x3FFC];
	_ =	sdelay $0x3  }
0x95: {  	_ =	strace s4  }
0x96: {  	s4 =	sld [smem:$0x3FFD];
	_ =	sdelay $0x3  }
0x97: {  	_ =	strace s4  }
0x98: {  	_ =	strace $0x8FFFFFFF  }
0x99: {  	s19 =	sld [smem:$0x3FDB];
	_ =	sdelay $0x1  }
0x9a: {  	s5 =	simm.s32 $_scs_section_size  }
0x9b: {  	s6 =	simm.s32 $_size__tile_overlayer_lowered;
	s7 =	simm.s32 $_tile_overlayer_lowered  }
0x9c: {  	s22 =	simm.s32 $0x1BFF;
	s21 =	sshll.u32 s7, $0x1;
	s4 =	sadd.s32 s5, s19  }
0x9d: {  	s8 =	simm.s32 $0x0;
	s20 =	sshll.u32 s6, $0x1;
	s6 =	sadd.s32 s21, s4  }
0x9e: {  	[timem:s8], [sflag:s22] =	dma.local [hbm:s6], s20  }
0x9f: {  	_ =	swait.ge [sflag:s22], s20  }
0xa0: {  	s5 =	ssub.s32 $0x0, s20;
	[sflag:s22] =	ssyncset.done $0x0  }
0xa1: {  	[sflag:s22] =	ssyncadd.s32 s5;
	_ =	sdelay $0x1  }
0xa2: {  	s23 =	simm.s32 $0x1B8B  }
0xa3: {  	_ =	swait.ge [sflag:s23], $0x1  }
0xa4: {  	[sflag:s23] =	ssyncset.done $0x0  }
0xa5: {  	s25 =	simm.s32 $0x1B8E;
	s24 =	sld [smem:$0x3FFE];
	[sflag:s23] =	ssyncadd.s32 $0xFFFFFFFF  }
0xa6: {  	s26 =	simm.s32 $execute0_lowered;
	[smem:$0x3FD2] =	sst s25  }
0xa7: {  	s6 =	sshll.u32 s26, $0x1;
	_ =	strace $0x80000046;
	[dreg:$0x1] =	wrdreg $0xFFFFFFFF  }
0xa8: {  	s28 =	simm.s32 $_size_execute0_lowered;
	s4 =	sadd.s32 s4, s6;
	[dreg:$0x0] =	wrdreg $0x0  }
0xa9: {  	s6 =	sshll.u32 s28, $0x1;
	[dreg:$0x2] =	wrdreg s4  }
0xaa: {  	[dreg:$0x3] =	wrdreg s6  }
0xab: {  	[dreg:$0x4] =	wrdreg $0xC0  }
0xac: {  	_ =	task [dreg:s8], $0x5FFFF  }
0xad: {  	[dreg:$0x1] =	wrdreg $0xFFFFFFFF  }
0xae: {  	[dreg:$0x0] =	wrdreg $0x60  }
0xaf: {  	[dreg:$0x2] =	wrdreg s2  }
0xb0: {  	[dreg:$0x3] =	wrdreg s24  }
0xb1: {  	[dreg:$0x4] =	wrdreg s18  }
0xb2: {  	[dreg:$0x5] =	wrdreg $0x9  }
0xb3: {  	_ =	task.clear_ibuf [dreg:s8], $0x6FFFF;
	_ =	strace $0x90000046  }
0xb4: {  	s29 =	simm.s32 $0x9;
	_ =	strace $0x80000048  }
0xb5: {  	_ =	swait.ge [sflag:s29], $0x1  }
0xb6: {  	[sflag:s29] =	ssyncadd.s32 $0xFFFFFFFF  }
0xb7: {  	_ =	strace $0x90000048  }
0xb8: {  	_ =	sfence  }
0xb9: {  	s30 =	sld [smem:$0x0];
	_ =	sdelay $0x2  }
0xba: {  	s31 =	sshll.u32 s1, $0xD;
	s1 =	sshrl.u32 s1, $0x2  }
0xbb: {  	s3 =	sand.u32 $0x4000, s31;
	s1 =	sadd.s32 s1, s30  }
0xbc: {  	s0 =	sor.u32 s3, s0;
	s1 =	sshll.u32 s1, $0x11  }
0xbd: {  	s0 =	sor.u32 s1, s0  }
0xbe: {  	s0 =	sadd.s32 $0x8F2B, s0  }
0xbf: {  	[sflag:s0] =	ssyncadd.remote.s32 $0x1  }
0xc0: {  	_ =	sfence.sel $0xFFFF  }
0xc1: {  	[dreg:$0x0] =	wrdreg $0xFFFFFFFF;
	(pc) =	sbr.abs _section_cstart, $3  }
0xc2: {  	[dreg:$0x1] =	wrdreg $0xFFFFFFFF  }
0xc3: {  	_ =	task.clear_ibuf [dreg:s8], $0x2FFFF;
	_ =	strace $0x9FFFFFFF  }
0xc4: {  	(tm) =	ssettm $0x7FFFFFFF  }
0xc5: {  	_ =	shalt  }
tec
execute0_lowered:
.L_overlay_start_1:
0x0: {  	(tag) =	ssettag $0x1  }
0x1: {  	v0 =	vimm.s32 $0xC3824100  }
0x2: {  	v0 =	vunpack.c.0.s8.s32 v0;
	_ =	sdelay $0x1  }
0x3: {  	vm0 =	vcmask $0xF00;
	v0 =	vand.u32 $0xFF, v0  }
0x4: {  	vm10 =	vcmask $0x1310;
	v0 =	vnsel vm0, $0x3C7, v0  }
0x5: {  	vm9 =	vcmask $0x1714;
	v0 =	vsel vm10, $0x104, v0  }
0x6: {  	vm8 =	vcmask $0x1B18;
	v0 =	vsel vm9, $0x145, v0  }
0x7: {  	vm7 =	vcmask $0x1F1C;
	v0 =	vsel vm8, $0x186, v0  }
0x8: {  	vm6 =	vcmask $0x2320;
	v0 =	vsel vm7, $0x1C7, v0  }
0x9: {  	vm5 =	vcmask $0x2724;
	v0 =	vsel vm6, $0x200, v0  }
0xa: {  	vm4 =	vcmask $0x2B28;
	vm3 =	vcmask $0x2F2C;
	v0 =	vsel vm5, $0x241, v0  }
0xb: {  	vm2 =	vcmask $0x3330;
	vm1 =	vcmask $0x3734;
	v0 =	vsel vm4, $0x282, v0  }
0xc: {  	v2 =	vimm.s32 $0x38F;
	vm12 =	vcmask $0x300;
	v0 =	vsel vm3, $0x2C3, v0  }
0xd: {  	vm13 =	vcmask $0x704;
	vm11 =	vcmask $0xB08;
	v1 =	vsel vm2, $0x304, v0  }
0xe: {  	v3 =	vimm.s32 $0x39F;
	vm0 =	vcmask $0x3B38;
	v1 =	vsel vm1, $0x345, v1  }
0xf: {  	v24 =	vsel vm0, $0x386, v1;
	v1 =	vsel vm12, $0x0, v2;
	v2 =	vimm.s32 $0x7C7  }
0x10: {  	vm14 =	vcmask $0xF0C;
	v1 =	vsel vm13, $0x81, v1;
	v2 =	vsel vm12, $0x400, v2  }
0x11: {  	v3 =	vsel vm12, $0x10, v3;
	v1 =	vsel vm11, $0x102, v1;
	v2 =	vsel vm13, $0x441, v2  }
0x12: {  	v3 =	vsel vm13, $0x91, v3;
	v1 =	vsel vm14, $0x183, v1;
	v2 =	vsel vm11, $0x482, v2  }
0x13: {  	v3 =	vsel vm11, $0x112, v3;
	v1 =	vsel vm10, $0x204, v1;
	v2 =	vsel vm14, $0x4C3, v2  }
0x14: {  	v3 =	vsel vm14, $0x193, v3;
	v1 =	vsel vm9, $0x285, v1;
	v2 =	vsel vm10, $0x504, v2  }
0x15: {  	v3 =	vsel vm10, $0x214, v3;
	v1 =	vsel vm8, $0x306, v1;
	v2 =	vsel vm9, $0x545, v2  }
0x16: {  	v3 =	vsel vm9, $0x295, v3;
	v1 =	vsel vm7, $0x387, v1;
	v2 =	vsel vm8, $0x586, v2  }
0x17: {  	v3 =	vsel vm8, $0x316, v3;
	v1 =	vsel vm6, $0x8, v1;
	v2 =	vsel vm7, $0x5C7, v2  }
0x18: {  	v3 =	vsel vm7, $0x397, v3;
	v1 =	vsel vm5, $0x89, v1;
	v2 =	vsel vm6, $0x600, v2  }
0x19: {  	v3 =	vsel vm6, $0x18, v3;
	v1 =	vsel vm4, $0x10A, v1;
	v2 =	vsel vm5, $0x641, v2  }
0x1a: {  	v3 =	vsel vm5, $0x99, v3;
	v1 =	vsel vm3, $0x18B, v1;
	v2 =	vsel vm4, $0x682, v2  }
0x1b: {  	v3 =	vsel vm4, $0x11A, v3;
	v1 =	vsel vm2, $0x20C, v1;
	v2 =	vsel vm3, $0x6C3, v2  }
0x1c: {  	v3 =	vsel vm3, $0x19B, v3;
	v1 =	vsel vm1, $0x28D, v1;
	v2 =	vsel vm2, $0x704, v2  }
0x1d: {  	v33 =	vsel vm0, $0x30E, v1;
	v1 =	vsel vm1, $0x745, v2;
	v2 =	vsel vm2, $0x21C, v3  }
0x1e: {  	v10 =	vsel vm0, $0x786, v1;
	v1 =	vsel vm1, $0x29D, v2;
	v2 =	vimm.s32 $0xBC7  }
0x1f: {  	v28 =	vsel vm0, $0x31E, v1;
	v1 =	vsel vm12, $0x800, v2;
	v2 =	vimm.s32 $0x3AF  }
0x20: {  	v3 =	vimm.s32 $0xFC7;
	v1 =	vsel vm13, $0x841, v1;
	v2 =	vsel vm12, $0x20, v2  }
0x21: {  	v3 =	vsel vm12, $0xC00, v3;
	v1 =	vsel vm11, $0x882, v1;
	v2 =	vsel vm13, $0xA1, v2  }
0x22: {  	v3 =	vsel vm13, $0xC41, v3;
	v1 =	vsel vm14, $0x8C3, v1;
	v2 =	vsel vm11, $0x122, v2  }
0x23: {  	v3 =	vsel vm11, $0xC82, v3;
	v1 =	vsel vm10, $0x904, v1;
	v2 =	vsel vm14, $0x1A3, v2  }
0x24: {  	v3 =	vsel vm14, $0xCC3, v3;
	v1 =	vsel vm9, $0x945, v1;
	v2 =	vsel vm10, $0x224, v2  }
0x25: {  	v3 =	vsel vm10, $0xD04, v3;
	v1 =	vsel vm8, $0x986, v1;
	v2 =	vsel vm9, $0x2A5, v2  }
0x26: {  	v3 =	vsel vm9, $0xD45, v3;
	v1 =	vsel vm7, $0x9C7, v1;
	v2 =	vsel vm8, $0x326, v2  }
0x27: {  	v3 =	vsel vm8, $0xD86, v3;
	v1 =	vsel vm6, $0xA00, v1;
	v2 =	vsel vm7, $0x3A7, v2  }
0x28: {  	v3 =	vsel vm7, $0xDC7, v3;
	v1 =	vsel vm5, $0xA41, v1;
	v2 =	vsel vm6, $0x28, v2  }
0x29: {  	v3 =	vsel vm6, $0xE00, v3;
	v1 =	vsel vm4, $0xA82, v1;
	v2 =	vsel vm5, $0xA9, v2  }
0x2a: {  	v3 =	vsel vm5, $0xE41, v3;
	v1 =	vsel vm3, $0xAC3, v1;
	v2 =	vsel vm4, $0x12A, v2  }
0x2b: {  	v3 =	vsel vm4, $0xE82, v3;
	v1 =	vsel vm2, $0xB04, v1;
	v2 =	vsel vm3, $0x1AB, v2  }
0x2c: {  	v3 =	vsel vm3, $0xEC3, v3;
	v1 =	vsel vm1, $0xB45, v1;
	v2 =	vsel vm2, $0x22C, v2  }
0x2d: {  	v29 =	vsel vm0, $0xB86, v1;
	v1 =	vsel vm1, $0x2AD, v2;
	v2 =	vsel vm2, $0xF04, v3  }
0x2e: {  	v0 =	vsel vm0, $0x32E, v1;
	v1 =	vsel vm1, $0xF45, v2;
	v2 =	vimm.s32 $0x3BF  }
0x2f: {  	[tilespmem:$0x1FE10] =	vst v0;
	v0 =	vsel vm0, $0xF86, v1;
	v1 =	vsel vm12, $0x30, v2;
	v2 =	vimm.s32 $0x13C7  }
0x30: {  	v3 =	vimm.s32 $0x3CF;
	v1 =	vsel vm13, $0xB1, v1;
	v2 =	vsel vm12, $0x1000, v2  }
0x31: {  	v3 =	vsel vm12, $0x40, v3;
	v1 =	vsel vm11, $0x132, v1;
	v2 =	vsel vm13, $0x1041, v2  }
0x32: {  	v3 =	vsel vm13, $0xC1, v3;
	v1 =	vsel vm14, $0x1B3, v1;
	v2 =	vsel vm11, $0x1082, v2  }
0x33: {  	v3 =	vsel vm11, $0x142, v3;
	v1 =	vsel vm10, $0x234, v1;
	v2 =	vsel vm14, $0x10C3, v2  }
0x34: {  	v3 =	vsel vm14, $0x1C3, v3;
	v1 =	vsel vm9, $0x2B5, v1;
	v2 =	vsel vm10, $0x1104, v2  }
0x35: {  	v3 =	vsel vm10, $0x244, v3;
	v1 =	vsel vm8, $0x336, v1;
	v2 =	vsel vm9, $0x1145, v2  }
0x36: {  	v3 =	vsel vm9, $0x2C5, v3;
	v1 =	vsel vm7, $0x3B7, v1;
	v2 =	vsel vm8, $0x1186, v2  }
0x37: {  	v3 =	vsel vm8, $0x346, v3;
	v1 =	vsel vm6, $0x38, v1;
	v2 =	vsel vm7, $0x11C7, v2  }
0x38: {  	v3 =	vsel vm7, $0x3C7, v3;
	v1 =	vsel vm5, $0xB9, v1;
	v2 =	vsel vm6, $0x1200, v2  }
0x39: {  	v3 =	vsel vm6, $0x48, v3;
	v1 =	vsel vm4, $0x13A, v1;
	v2 =	vsel vm5, $0x1241, v2  }
0x3a: {  	v3 =	vsel vm5, $0xC9, v3;
	v1 =	vsel vm3, $0x1BB, v1;
	v2 =	vsel vm4, $0x1282, v2  }
0x3b: {  	v3 =	vsel vm4, $0x14A, v3;
	v1 =	vsel vm2, $0x23C, v1;
	v2 =	vsel vm3, $0x12C3, v2  }
0x3c: {  	v3 =	vsel vm3, $0x1CB, v3;
	v1 =	vsel vm1, $0x2BD, v1;
	v2 =	vsel vm2, $0x1304, v2  }
0x3d: {  	[tilespmem:$0x1FE20] =	vst v0;
	v0 =	vsel vm0, $0x33E, v1;
	v1 =	vsel vm1, $0x1345, v2;
	v2 =	vsel vm2, $0x24C, v3  }
0x3e: {  	[tilespmem:$0x1FE30] =	vst v0;
	v0 =	vsel vm0, $0x1386, v1;
	v1 =	vsel vm1, $0x2CD, v2;
	v2 =	vimm.s32 $0x17C7  }
0x3f: {  	[tilespmem:$0x1FE40] =	vst v0;
	v0 =	vsel vm0, $0x34E, v1;
	v1 =	vsel vm12, $0x1400, v2;
	v2 =	vimm.s32 $0x3DF  }
0x40: {  	v3 =	vimm.s32 $0x1BC7;
	v1 =	vsel vm13, $0x1441, v1;
	v2 =	vsel vm12, $0x50, v2  }
0x41: {  	v3 =	vsel vm12, $0x1800, v3;
	v1 =	vsel vm11, $0x1482, v1;
	v2 =	vsel vm13, $0xD1, v2  }
0x42: {  	v3 =	vsel vm13, $0x1841, v3;
	v1 =	vsel vm14, $0x14C3, v1;
	v2 =	vsel vm11, $0x152, v2  }
0x43: {  	v3 =	vsel vm11, $0x1882, v3;
	v1 =	vsel vm10, $0x1504, v1;
	v2 =	vsel vm14, $0x1D3, v2  }
0x44: {  	v3 =	vsel vm14, $0x18C3, v3;
	v1 =	vsel vm9, $0x1545, v1;
	v2 =	vsel vm10, $0x254, v2  }
0x45: {  	v3 =	vsel vm10, $0x1904, v3;
	v1 =	vsel vm8, $0x1586, v1;
	v2 =	vsel vm9, $0x2D5, v2  }
0x46: {  	v3 =	vsel vm9, $0x1945, v3;
	v1 =	vsel vm7, $0x15C7, v1;
	v2 =	vsel vm8, $0x356, v2  }
0x47: {  	v3 =	vsel vm8, $0x1986, v3;
	v1 =	vsel vm6, $0x1600, v1;
	v2 =	vsel vm7, $0x3D7, v2  }
0x48: {  	v3 =	vsel vm7, $0x19C7, v3;
	v1 =	vsel vm5, $0x1641, v1;
	v2 =	vsel vm6, $0x58, v2  }
0x49: {  	v3 =	vsel vm6, $0x1A00, v3;
	v1 =	vsel vm4, $0x1682, v1;
	v2 =	vsel vm5, $0xD9, v2  }
0x4a: {  	v3 =	vsel vm5, $0x1A41, v3;
	v1 =	vsel vm3, $0x16C3, v1;
	v2 =	vsel vm4, $0x15A, v2  }
0x4b: {  	v3 =	vsel vm4, $0x1A82, v3;
	v1 =	vsel vm2, $0x1704, v1;
	v2 =	vsel vm3, $0x1DB, v2  }
0x4c: {  	v3 =	vsel vm3, $0x1AC3, v3;
	v1 =	vsel vm1, $0x1745, v1;
	v2 =	vsel vm2, $0x25C, v2  }
0x4d: {  	[tilespmem:$0x1FE50] =	vst v0;
	v0 =	vsel vm0, $0x1786, v1;
	v1 =	vsel vm1, $0x2DD, v2;
	v2 =	vsel vm2, $0x1B04, v3  }
0x4e: {  	v4 =	vlaneseq.u32;
	s6 =	rddreg [dreg:$0x0];
	[tilespmem:$0x1FE60] =	vst v0;
	v0 =	vsel vm0, $0x35E, v1;
	v1 =	vsel vm1, $0x1B45, v2  }
0x4f: {  	s4 =	rddreg [dreg:$0x1];
	s3 =	simm.s32 $0x0;
	v23 =	vmul.u32 $0x40, v4;
	v25 =	vor.u32 $0x10, v4;
	[tilespmem:$0x1FE70] =	vst v0;
	v0 =	vsel vm0, $0x1B86, v1  }
0x50: {  	[smem:$0x7FF] =	sst s3;
	v14 =	vor.u32 $0x20, v4;
	v21 =	vor.u32 $0x30, v4;
	v26 =	vor.u32 $0x40, v4;
	[tilespmem:$0x1FE80] =	vst v0  }
0x51: {  	s1 =	rddreg [dreg:$0x2];
	v31 =	vor.u32 $0x50, v4;
	v18 =	vor.u32 $0x800, v23;
	v19 =	vor.u32 $0xC00, v23;
	_ =	strace $0x80000047;
	[tilespmem:$0x1FEE0] =	vst v23  }
0x52: {  	v22 =	vor.u32 $0x1000, v23;
	v27 =	vor.u32 $0x1400, v23;
	v2 =	vimm.s32 $0x3EF;
	[tilespmem:$0x1FF00] =	vst v25  }
0x53: {  	v35 =	vor.u32 $0x1800, v23;
	v1 =	vsel vm12, $0x60, v2;
	v2 =	vimm.s32 $0x1FC7;
	[tilespmem:$0x1FF10] =	vst v18  }
0x54: {  	v30 =	vor.u32 $0x1C00, v23;
	v1 =	vsel vm13, $0xE1, v1;
	v2 =	vsel vm12, $0x1C00, v2;
	[tilespmem:$0x1FF20] =	vst v14  }
0x55: {  	v3 =	vimm.s32 $0x3FF;
	v1 =	vsel vm11, $0x162, v1;
	v2 =	vsel vm13, $0x1C41, v2;
	[tilespmem:$0x1FF30] =	vst v19  }
0x56: {  	v3 =	vsel vm12, $0x70, v3;
	[tilespmem:$0x1FF40] =	vst v21;
	v1 =	vsel vm14, $0x1E3, v1;
	v2 =	vsel vm11, $0x1C82, v2  }
0x57: {  	v3 =	vsel vm13, $0xF1, v3;
	[tilespmem:$0x1FF50] =	vst v22;
	v1 =	vsel vm10, $0x264, v1;
	v2 =	vsel vm14, $0x1CC3, v2  }
0x58: {  	v3 =	vsel vm11, $0x172, v3;
	[tilespmem:$0x1FF60] =	vst v26;
	v1 =	vsel vm9, $0x2E5, v1;
	v2 =	vsel vm10, $0x1D04, v2  }
0x59: {  	v3 =	vsel vm14, $0x1F3, v3;
	[tilespmem:$0x1FF70] =	vst v27;
	v1 =	vsel vm8, $0x366, v1;
	v2 =	vsel vm9, $0x1D45, v2  }
0x5a: {  	[tilespmem:$0x1FF80] =	vst v31;
	v3 =	vsel vm10, $0x274, v3;
	v1 =	vsel vm7, $0x3E7, v1;
	v2 =	vsel vm8, $0x1D86, v2  }
0x5b: {  	[tilespmem:$0x1FF90] =	vst v24;
	v3 =	vsel vm9, $0x2F5, v3;
	v1 =	vsel vm6, $0x68, v1;
	v2 =	vsel vm7, $0x1DC7, v2  }
0x5c: {  	[tilespmem:$0x1FFA0] =	vst v35;
	v3 =	vsel vm8, $0x376, v3;
	v1 =	vsel vm5, $0xE9, v1;
	v2 =	vsel vm6, $0x1E00, v2  }
0x5d: {  	s5 =	srdreg.scid;
	[tilespmem:$0x1FFB0] =	vst v30;
	v3 =	vsel vm7, $0x3F7, v3;
	v1 =	vsel vm4, $0x16A, v1;
	v2 =	vsel vm5, $0x1E41, v2  }
0x5e: {  	s0 =	stileid.u32;
	s12 =	simm.s32 $0x5;
	s14 =	simm.s32 $0x8000;
	[tilespmem:$0x1FFC0] =	vst v33;
	v3 =	vsel vm6, $0x78, v3;
	v1 =	vsel vm3, $0x1EB, v1;
	v2 =	vsel vm4, $0x1E82, v2  }
0x5f: {  	s13 =	simm.s32 $0x80;
	s15 =	simm.s32 $0xA000;
	s17 =	simm.s32 $0xC000;
	[tilespmem:$0x1FFD0] =	vst v10;
	v3 =	vsel vm5, $0xF9, v3;
	v1 =	vsel vm2, $0x26C, v1;
	v2 =	vsel vm3, $0x1EC3, v2  }
0x60: {  	s16 =	simm.s32 $0x1;
	s18 =	simm.s32 $0x400;
	s19 =	simm.s32 $0x2000;
	[tilespmem:$0x1FFE0] =	vst v28;
	v3 =	vsel vm4, $0x17A, v3;
	v1 =	vsel vm1, $0x2ED, v1;
	v2 =	vsel vm2, $0x1F04, v2  }
0x61: {  	s21 =	simm.s32 $0x2;
	s22 =	simm.s32 $0xE000;
	s24 =	simm.s32 $0x3;
	[tilespmem:$0x1FFF0] =	vst v29;
	v3 =	vsel vm3, $0x1FB, v3;
	v2 =	vsel vm1, $0x1F45, v2;
	v0 =	vsel vm0, $0x36E, v1  }
0x62: {  	s25 =	simm.s32 $0x4;
	s5 =	sand.u32 $0x1, s5;
	s7 =	sshll.u32 s0, $0x1;
	v3 =	vsel vm2, $0x27C, v3;
	[tilespmem:$0x1FE90] =	vst v0;
	v1 =	vsel vm0, $0x1F86, v2  }
0x63: {  	s26 =	simm.s32 $0x0;
	s8 =	ssub.s32 $0x2, s5;
	s7 =	sor.u32 s5, s7;
	v0 =	vor.u32 $0x400, v23;
	[tilespmem:$0x1FEA0] =	vst v1;
	v1 =	vsel vm1, $0x2FD, v3  }
0x64: {  	s4 =	sadd.s32 $0x400, s4;
	s30 =	sshrl.u32 s8, $0x1;
	s9 =	sshll.u32 s7, $0x12;
	[tilespmem:$0x1FEF0] =	vst v0;
	v1 =	vsel vm0, $0x37E, v1  }
0x65: {  	s31 =	sshll.u32 s7, $0xC;
	s7 =	sshll.u32 s7, $0x5;
	s5 =	sadd.s32 s1, s9;
	[tilespmem:$0x1FEB0] =	vst v1;
	v1 =	vor.u32 $0x60, v4  }
0x66: {  	s11 =	ssub.s32 s8, s30;
	s6 =	sadd.s32 s6, s31;
	s8 =	sadd.s32 $0x2000, s5;
	[tilespmem:$0x1FEC0] =	vst v1;
	v1 =	vor.u32 $0x70, v4  }
0x67: {  	s9 =	sadd.s32 $0x4000, s5;
	s10 =	sadd.s32 $0x3E380, s5;
	s11 =	smax.u32 s11, $0x1;
	[tilespmem:$0x1FED0] =	vst v1  }
.LBB2_1:
0x68: {  	v41 =	vlaneseq.u32;
	s30 =	simm.s32 $0x2  }
0x69: {  	v5 =	vadd.s32 s30, v41  }
0x6a: {  	v45 =	vand.u32 $0x3F, v5  }
0x6b: {  	[tilespmem:s3], [sflag:$0x5] =	stream.linear.gather [hbm4b:s6+s3], $0x8000, $0x38;
	v9 =	vor.u32 v30, v45;
	[tilespmem:$0x10000] =	vst v63  }
0x6c: {  	[tilespmem:$0x1FD90] =	vst v9  }
0x6d: {  	_ =	swait.ge [sflag:s12], $0x8000  }
0x6e: {  	s28 =	simm.s32 $0x1;
	s29 =	simm.s32 $0x3;
	[sflag:s12] =	ssyncset.done $0x0  }
0x6f: {  	s31 =	simm.s32 $0x5;
	v1 =	vadd.s32 s3, v41;
	v3 =	vadd.s32 s28, v41;
	v4 =	vadd.s32 s29, v41;
	s28 =	simm.s32 $0x7;
	[sflag:s12] =	ssyncadd.s32 $0xFFFF8000  }
0x70: {  	v6 =	vadd.s32 s31, v41;
	v2 =	vshll.u32 v1, $0x7;
	v57 =	vand.u32 $0x3F, v3;
	[tilespmem:s14], [sflag:$0x1] =	stream.indirect.gather [hbm4b:s4+s13], $0x40, s3, s13, $0xb8;
	[tilespmem:$0x10000] =	vst v63  }
0x71: {  	v48 =	vand.u32 $0x3F, v6;
	v7 =	vadd.s32 s28, v41;
	s28 =	simm.s32 $0x6;
	v52 =	vand.u32 $0x3F, v4  }
0x72: {  	v5 =	vshll.u32 v5, $0x7;
	v54 =	vand.u32 $0x38, v1;
	v3 =	vshll.u32 v3, $0x7;
	[tilespmem:s15], [sflag:$0x2] =	stream.indirect.gather [hbm4b:s4+s13], $0x40, s13, s13, $0xb8;
	[tilespmem:$0x10000] =	vst v63  }
0x73: {  	s31 =	simm.s32 $0x4;
	v4 =	vshll.u32 v4, $0x7;
	v8 =	vor.u32 v23, v45;
	v11 =	vadd.s32 s28, v41;
	_ =	swait.ge [sflag:s16], $0x2000  }
0x74: {  	v12 =	vor.u32 v23, v57;
	v16 =	vor.u32 v23, v48;
	v9 =	vadd.s32 s31, v41;
	v17 =	vld [tilespmem:$0x1FEC0]  }
0x75: {  	v51 =	vand.u32 $0x1F80, v5;
	v47 =	vand.u32 $0x3F, v7;
	v50 =	vand.u32 $0x3F, v9  }
0x76: {  	v43 =	vmovc v23;
	v34 =	vor.u32 v23, v52;
	v62 =	vor.u32 v23, v47;
	v13 =	vor.u32 v23, v50;
	v23 =	vld [tilespmem:$0x1FED0]  }
0x77: {  	v1 =	vshll.u32 v7, $0x7;
	v5 =	vor.u32 v10, v54;
	v46 =	vand.u32 $0x1C00, v2  }
0x78: {  	v37 =	vand.u32 $0x1F80, v3;
	v15 =	vshll.u32 v11, $0x7;
	v32 =	vand.u32 $0x1F80, v1  }
0x79: {  	v1 =	vshll.u32 v6, $0x7;
	v9 =	vshll.u32 v9, $0x7;
	[sflag:s16] =	ssyncset.done $0x0;
	v6 =	vor.u32 v17, v51  }
0x7a: {  	v55 =	vand.u32 $0x1F80, v4;
	v39 =	vand.u32 $0x1F80, v15;
	v49 =	vand.u32 $0x1F80, v9;
	[sflag:s16] =	ssyncadd.s32 $0xFFFFE000;
	[tilespmem:$0x1FDA0] =	vst v6  }
0x7b: {  	v10 =	vand.u32 $0x1F80, v1;
	v36 =	vor.u32 v41, v49;
	v44 =	vor.u32 v23, v39;
	v13 =	vld.idx.msk [tilespmem:v13+s14+$0x0], $0xffff  }
0x7c: {  	v2 =	vor.u32 v41, v51;
	v58 =	vand.u32 $0x3F, v11;
	v38 =	vor.u32 v41, v10;
	v15 =	vld.idx.msk [tilespmem:v16+s14+$0x0], $0xffff;
	[tilespmem:$0x1FDB0] =	vst v44  }
0x7d: {  	v40 =	vor.u32 v41, v37;
	v1 =	vor.u32 v41, v32;
	v11 =	vor.u32 v43, v58;
	v12 =	vld.idx.msk [tilespmem:v12+s14+$0x0], $0xffff  }
0x7e: {  	v42 =	vor.u32 v41, v39;
	v41 =	vor.u32 v41, v55;
	v63 =	vor.u32 v23, v55;
	v43 =	vld.idx.msk [tilespmem:v34+s14+$0x0], $0xffff  }
0x7f: {  	[tilespmem:$0x1FDC0] =	vst v63  }
0x80: {  	[tilespmem:v36+s17+$0x0] =	vst.idx.msk $0xffff, v13  }
0x81: {  	[tilespmem:v38+s17+$0x0] =	vst.idx.msk $0xffff, v15  }
0x82: {  	v3 =	vor.u32 v0, v50;
	[tilespmem:v40+s17+$0x0] =	vst.idx.msk $0xffff, v12  }
0x83: {  	v7 =	vor.u32 v24, v54;
	[tilespmem:v41+s17+$0x0] =	vst.idx.msk $0xffff, v43  }
0x84: {  	v16 =	vor.u32 v0, v48;
	v44 =	vld [tilespmem:$0x1FE80];
	_ =	sdelay $0x1  }
0x85: {  	v9 =	vor.u32 v33, v46;
	v33 =	vor.u32 v0, v52;
	v13 =	vld.idx.msk [tilespmem:v62+s14+$0x0], $0xffff  }
0x86: {  	v59 =	vor.u32 v0, v57;
	v56 =	vor.u32 v25, v49;
	v3 =	vld.idx.msk [tilespmem:v3+s14+$0x0], $0xffff  }
0x87: {  	v7 =	vld.idx.msk [tilespmem:v7+s14+$0x0], $0xffff;
	v15 =	vor.u32 v0, v47;
	v43 =	vor.u32 v27, v45  }
0x88: {  	v61 =	vor.u32 v25, v10;
	v12 =	vld.idx.msk [tilespmem:v16+s14+$0x0], $0xffff;
	[tilespmem:$0x1FDD0] =	vst v43;
	v34 =	vor.u32 v44, v54  }
0x89: {  	v16 =	vor.u32 v18, v48;
	v11 =	vld.idx.msk [tilespmem:v11+s14+$0x0], $0xffff;
	[tilespmem:$0x1FDE0] =	vst v34  }
0x8a: {  	[tilespmem:v1+s17+$0x0] =	vst.idx.msk $0xffff, v13;
	v1 =	vor.u32 v25, v55;
	v13 =	vld.idx.msk [tilespmem:v33+s14+$0x0], $0xffff  }
0x8b: {  	v62 =	vor.u32 v18, v52;
	v40 =	vld.idx.msk [tilespmem:v59+s14+$0x0], $0xffff;
	[tilespmem:v56+s17+$0x0] =	vst.idx.msk $0xffff, v3;
	v3 =	vor.u32 v25, v37  }
0x8c: {  	v63 =	vor.u32 v25, v32;
	[tilespmem:v9+s17+$0x0] =	vst.idx.msk $0xffff, v7;
	v7 =	vor.u32 v0, v58;
	v15 =	vld.idx.msk [tilespmem:v15+s14+$0x0], $0xffff  }
0x8d: {  	v60 =	vor.u32 v18, v50;
	v9 =	vor.u32 v28, v46;
	[tilespmem:v61+s17+$0x0] =	vst.idx.msk $0xffff, v12;
	v5 =	vld.idx.msk [tilespmem:v5+s14+$0x0], $0xffff  }
0x8e: {  	v12 =	vor.u32 v14, v10;
	[tilespmem:v42+s17+$0x0] =	vst.idx.msk $0xffff, v11;
	v11 =	vor.u32 v18, v47;
	v16 =	vld.idx.msk [tilespmem:v16+s14+$0x0], $0xffff  }
0x8f: {  	v8 =	vld.idx.msk [tilespmem:v8+s14+$0x0], $0xffff;
	[tilespmem:v1+s17+$0x0] =	vst.idx.msk $0xffff, v13;
	v1 =	vor.u32 v18, v57  }
0x90: {  	v6 =	vor.u32 v0, v45;
	[tilespmem:v3+s17+$0x0] =	vst.idx.msk $0xffff, v40;
	v3 =	vor.u32 v14, v55;
	v33 =	vld.idx.msk [tilespmem:v62+s14+$0x0], $0xffff  }
0x91: {  	v13 =	vor.u32 v19, v48;
	v7 =	vld.idx.msk [tilespmem:v7+s14+$0x0], $0xffff;
	[tilespmem:v63+s17+$0x0] =	vst.idx.msk $0xffff, v15;
	v15 =	vor.u32 v25, v39  }
0x92: {  	v61 =	vor.u32 v14, v49;
	v62 =	vld.idx.msk [tilespmem:v60+s14+$0x0], $0xffff;
	[tilespmem:v9+s17+$0x0] =	vst.idx.msk $0xffff, v5;
	v5 =	vor.u32 v19, v52  }
0x93: {  	v9 =	vor.u32 v18, v58;
	[tilespmem:v12+s17+$0x0] =	vst.idx.msk $0xffff, v16;
	v12 =	vor.u32 v14, v32;
	v11 =	vld.idx.msk [tilespmem:v11+s14+$0x0], $0xffff  }
0x94: {  	[tilespmem:v2+s17+$0x0] =	vst.idx.msk $0xffff, v8;
	v2 =	vor.u32 v14, v37;
	v16 =	vor.u32 v19, v50;
	v1 =	vld.idx.msk [tilespmem:v1+s14+$0x0], $0xffff  }
0x95: {  	v4 =	vor.u32 v25, v51;
	v6 =	vld.idx.msk [tilespmem:v6+s14+$0x0], $0xffff;
	[tilespmem:v3+s17+$0x0] =	vst.idx.msk $0xffff, v33;
	v3 =	vor.u32 v19, v47  }
0x96: {  	v8 =	vor.u32 v21, v10;
	v13 =	vld.idx.msk [tilespmem:v13+s14+$0x0], $0xffff;
	[tilespmem:v15+s17+$0x0] =	vst.idx.msk $0xffff, v7;
	v7 =	vor.u32 v19, v57  }
0x97: {  	v63 =	vor.u32 v21, v55;
	v15 =	vor.u32 v22, v48;
	[tilespmem:v61+s17+$0x0] =	vst.idx.msk $0xffff, v62;
	v5 =	vld.idx.msk [tilespmem:v5+s14+$0x0], $0xffff  }
0x98: {  	v9 =	vld.idx.msk [tilespmem:v9+s14+$0x0], $0xffff;
	[tilespmem:v12+s17+$0x0] =	vst.idx.msk $0xffff, v11  }
0x99: {  	v53 =	vor.u32 v18, v45;
	v11 =	vor.u32 v14, v39;
	[tilespmem:v2+s17+$0x0] =	vst.idx.msk $0xffff, v1;
	v2 =	vld.idx.msk [tilespmem:v16+s14+$0x0], $0xffff  }
0x9a: {  	[tilespmem:v4+s17+$0x0] =	vst.idx.msk $0xffff, v6;
	v12 =	vor.u32 v21, v49;
	v1 =	vor.u32 v22, v52;
	v3 =	vld.idx.msk [tilespmem:v3+s14+$0x0], $0xffff  }
0x9b: {  	v16 =	vor.u32 v19, v58;
	[tilespmem:v8+s17+$0x0] =	vst.idx.msk $0xffff, v13;
	v8 =	vor.u32 v21, v32;
	v6 =	vld.idx.msk [tilespmem:v7+s14+$0x0], $0xffff  }
0x9c: {  	v4 =	vor.u32 v21, v37;
	v13 =	vor.u32 v22, v50;
	v15 =	vld.idx.msk [tilespmem:v15+s14+$0x0], $0xffff;
	[tilespmem:v63+s17+$0x0] =	vst.idx.msk $0xffff, v5  }
0x9d: {  	v7 =	vor.u32 v26, v10;
	v33 =	vld [tilespmem:$0x1FE10]  }
0x9e: {  	v43 =	vor.u32 v14, v51;
	[tilespmem:v11+s17+$0x0] =	vst.idx.msk $0xffff, v9;
	v11 =	vld.idx.msk [tilespmem:v53+s14+$0x0], $0xffff  }
0x9f: {  	v1 =	vld.idx.msk [tilespmem:v1+s14+$0x0], $0xffff;
	[tilespmem:v12+s17+$0x0] =	vst.idx.msk $0xffff, v2;
	v2 =	vor.u32 v26, v55  }
0xa0: {  	v16 =	vld.idx.msk [tilespmem:v16+s14+$0x0], $0xffff;
	[tilespmem:v8+s17+$0x0] =	vst.idx.msk $0xffff, v3;
	v3 =	vor.u32 v21, v39  }
0xa1: {  	v5 =	vor.u32 v22, v47;
	v8 =	vor.u32 v26, v49;
	[tilespmem:v4+s17+$0x0] =	vst.idx.msk $0xffff, v6;
	v6 =	vld.idx.msk [tilespmem:v13+s14+$0x0], $0xffff  }
0xa2: {  	[tilespmem:v7+s17+$0x0] =	vst.idx.msk $0xffff, v15  }
0xa3: {  	[tilespmem:v43+s17+$0x0] =	vst.idx.msk $0xffff, v11  }
0xa4: {  	v0 =	vld [tilespmem:$0x1FE20];
	[tilespmem:v2+s17+$0x0] =	vst.idx.msk $0xffff, v1  }
0xa5: {  	[tilespmem:v3+s17+$0x0] =	vst.idx.msk $0xffff, v16  }
0xa6: {  	v9 =	vor.u32 v22, v57;
	v7 =	vor.u32 v26, v32;
	v5 =	vld.idx.msk [tilespmem:v5+s14+$0x0], $0xffff;
	[tilespmem:v8+s17+$0x0] =	vst.idx.msk $0xffff, v6  }
0xa7: {  	v1 =	vld [tilespmem:$0x1FE30];
	_ =	sdelay $0x3  }
0xa8: {  	v11 =	vor.u32 v26, v37;
	v9 =	vld.idx.msk [tilespmem:v9+s14+$0x0], $0xffff;
	[tilespmem:v7+s17+$0x0] =	vst.idx.msk $0xffff, v5  }
0xa9: {  	v3 =	vor.u32 v1, v46;
	v1 =	vld [tilespmem:$0x1FE40];
	_ =	sdelay $0x1  }
0xaa: {  	v59 =	vor.u32 v27, v48  }
0xab: {  	v56 =	vor.u32 v29, v54  }
0xac: {  	v4 =	vor.u32 v27, v52;
	[tilespmem:v11+s17+$0x0] =	vst.idx.msk $0xffff, v9  }
0xad: {  	v13 =	vor.u32 v22, v58;
	v20 =	vor.u32 v1, v54;
	v1 =	vld [tilespmem:$0x1FE50]  }
0xae: {  	v15 =	vor.u32 v27, v50  }
0xaf: {  	v53 =	vld.idx.msk [tilespmem:v59+s14+$0x0], $0xffff;
	v2 =	vor.u32 v31, v10  }
0xb0: {  	v56 =	vld.idx.msk [tilespmem:v56+s14+$0x0], $0xffff  }
0xb1: {  	v40 =	vld.idx.msk [tilespmem:v4+s14+$0x0], $0xffff  }
0xb2: {  	v8 =	vld.idx.msk [tilespmem:v13+s14+$0x0], $0xffff;
	v63 =	vor.u32 v0, v54;
	v0 =	vor.u32 v1, v46  }
0xb3: {  	v33 =	vor.u32 v33, v46;
	v9 =	vld.idx.msk [tilespmem:v15+s14+$0x0], $0xffff;
	[tilespmem:$0x1FDF0] =	vst v0  }
0xb4: {  	v16 =	vor.u32 v27, v47;
	v6 =	vor.u32 v31, v55;
	[tilespmem:v2+s17+$0x0] =	vst.idx.msk $0xffff, v53  }
0xb5: {  	v1 =	vld [tilespmem:$0x1FE60]  }
0xb6: {  	v5 =	vor.u32 v26, v39  }
0xb7: {  	v7 =	vor.u32 v31, v49  }
0xb8: {  	v60 =	vor.u32 v27, v57;
	[tilespmem:v33+s17+$0x0] =	vst.idx.msk $0xffff, v56  }
0xb9: {  	v11 =	vor.u32 v35, v48;
	v15 =	vor.u32 v31, v32;
	v13 =	vld.idx.msk [tilespmem:v16+s14+$0x0], $0xffff;
	[tilespmem:v6+s17+$0x0] =	vst.idx.msk $0xffff, v40  }
0xba: {  	v62 =	vor.u32 v19, v45;
	v19 =	vor.u32 v1, v54;
	v1 =	vld [tilespmem:$0x1FE70]  }
0xbb: {  	[tilespmem:v5+s17+$0x0] =	vst.idx.msk $0xffff, v8  }
0xbc: {  	v0 =	vor.u32 v30, v50;
	[tilespmem:v7+s17+$0x0] =	vst.idx.msk $0xffff, v9  }
0xbd: {  	v60 =	vld.idx.msk [tilespmem:v60+s14+$0x0], $0xffff;
	[tilespmem:$0x1FE00] =	vst v0  }
0xbe: {  	v42 =	vor.u32 v31, v37;
	v12 =	vld.idx.msk [tilespmem:v11+s14+$0x0], $0xffff;
	[tilespmem:v15+s17+$0x0] =	vst.idx.msk $0xffff, v13  }
0xbf: {  	v2 =	vld [tilespmem:$0x1FE90];
	v4 =	vor.u32 v1, v46;
	v1 =	vor.u32 v17, v10  }
0xc0: {  	v36 =	vor.u32 v35, v57  }
0xc1: {  	v38 =	vor.u32 v22, v45;
	v25 =	vor.u32 v30, v52;
	v52 =	vor.u32 v35, v52  }
0xc2: {  	v41 =	vor.u32 v35, v50;
	v34 =	vor.u32 v23, v51;
	v16 =	vor.u32 v27, v58;
	v33 =	vld.idx.msk [tilespmem:v62+s14+$0x0], $0xffff  }
0xc3: {  	v59 =	vor.u32 v30, v58;
	v43 =	vor.u32 v35, v47;
	v9 =	vld.idx.msk [tilespmem:v63+s14+$0x0], $0xffff;
	[tilespmem:v42+s17+$0x0] =	vst.idx.msk $0xffff, v60  }
0xc4: {  	v55 =	vor.u32 v17, v55;
	v62 =	vor.u32 v2, v46;
	v2 =	vld [tilespmem:$0x1FEA0];
	[tilespmem:v1+s17+$0x0] =	vst.idx.msk $0xffff, v12  }
0xc5: {  	v50 =	vor.u32 v30, v48;
	v53 =	vor.u32 v21, v51;
	v6 =	vor.u32 v17, v49;
	v1 =	vld [tilespmem:$0x1FEB0]  }
0xc6: {  	v5 =	vor.u32 v26, v51;
	v8 =	vor.u32 v31, v51;
	v7 =	vor.u32 v35, v45;
	v51 =	vld.idx.msk [tilespmem:v52+s14+$0x0], $0xffff  }
0xc7: {  	v0 =	vor.u32 v23, v49;
	v49 =	vor.u32 v17, v37;
	v11 =	vor.u32 v23, v10;
	v45 =	vld.idx.msk [tilespmem:v16+s14+$0x0], $0xffff  }
0xc8: {  	v13 =	vor.u32 v30, v57;
	v15 =	vor.u32 v31, v39;
	v60 =	vor.u32 v35, v58;
	v52 =	vld.idx.msk [tilespmem:v43+s14+$0x0], $0xffff  }
0xc9: {  	v58 =	vor.u32 v17, v32;
	v10 =	vor.u32 v23, v32;
	v32 =	vor.u32 v30, v47;
	v12 =	vld.idx.msk [tilespmem:v41+s14+$0x0], $0xffff  }
0xca: {  	s28 =	simm.s32 $0x8;
	v30 =	vmov v0;
	v63 =	vor.u32 v2, v54;
	v14 =	vor.u32 v1, v46;
	v46 =	vld.idx.msk [tilespmem:v36+s14+$0x0], $0xffff  }
.LBB2_2:
0xcb: {  	v0 =	vld [tilespmem:$0x1FDA0]  }
0xcc: {  	v18 =	vld [tilespmem:$0x1FFB0];
	_ =	sdelay $0x1  }
0xcd: {  	v2 =	vlaneseq.u32;
	s20 =	sadd.s32 $0x2, s28  }
0xce: {  	v48 =	vadd.s32 s20, v2  }
0xcf: {  	[tilespmem:v15+s17+$0x0] =	vst.idx.msk $0xffff, v45;
	v45 =	vand.u32 $0x3F, v48  }
0xd0: {  	[tilespmem:v3+s17+$0x0] =	vst.idx.msk $0xffff, v9;
	v9 =	vmov v0;
	v0 =	vor.u32 v18, v45  }
0xd1: {  	[tilespmem:$0x1FD10] =	vst v0;
	v0 =	vld [tilespmem:$0x1FDF0]  }
0xd2: {  	v23 =	vld [tilespmem:$0x1FEC0]  }
0xd3: {  	v17 =	vld [tilespmem:$0x1FEE0]  }
0xd4: {  	v36 =	vld.idx.msk [tilespmem:v20+s14+$0x0], $0xffff  }
0xd5: {  	v31 =	vld [tilespmem:$0x1FED0]  }
0xd6: {  	[tilespmem:v53+s17+$0x0] =	vst.idx.msk $0xffff, v33;
	v47 =	vld.idx.msk [tilespmem:v50+s14+$0x0], $0xffff  }
0xd7: {  	s0 =	sadd.s32 $0x7, s28;
	[tilespmem:v55+s17+$0x0] =	vst.idx.msk $0xffff, v51;
	v41 =	vld.idx.msk [tilespmem:v38+s14+$0x0], $0xffff  }
0xd8: {  	v16 =	vadd.s32 s28, v2;
	v15 =	vadd.s32 s0, v2;
	[tilespmem:v49+s17+$0x0] =	vst.idx.msk $0xffff, v46;
	v46 =	vshll.u32 v48, $0x7;
	v40 =	vld.idx.msk [tilespmem:v60+s14+$0x0], $0xffff  }
0xd9: {  	v51 =	vand.u32 $0x38, v16;
	v33 =	vor.u32 v23, v39;
	v60 =	vor.u32 v17, v45;
	[tilespmem:v0+s17+$0x0] =	vst.idx.msk $0xffff, v36;
	v0 =	vld [tilespmem:$0x1FFD0]  }
0xda: {  	s29 =	sadd.s32 $0x1, s28;
	v21 =	vor.u32 v31, v37;
	v37 =	vshll.u32 v16, $0x7;
	v13 =	vld.idx.msk [tilespmem:v13+s14+$0x0], $0xffff;
	v16 =	vshll.u32 v15, $0x7  }
0xdb: {  	[tilespmem:v58+s17+$0x0] =	vst.idx.msk $0xffff, v52;
	v39 =	vadd.s32 s29, v2;
	v52 =	vand.u32 $0x1F80, v46;
	v46 =	vand.u32 $0x1F80, v16;
	v16 =	vld.idx.msk [tilespmem:v19+s14+$0x0], $0xffff  }
0xdc: {  	s31 =	sadd.s32 $0x5, s28;
	v61 =	vld.idx.msk [tilespmem:v25+s14+$0x0], $0xffff;
	v44 =	vand.u32 $0x3F, v39  }
0xdd: {  	v57 =	vadd.s32 s31, v2;
	s31 =	smov.u32 s28;
	[tilespmem:v11+s17+$0x0] =	vst.idx.msk $0xffff, v47;
	v32 =	vld.idx.msk [tilespmem:v32+s14+$0x0], $0xffff;
	v38 =	vor.u32 v17, v44  }
0xde: {  	s29 =	sadd.s32 $0x4, s31;
	[tilespmem:v33+s17+$0x0] =	vst.idx.msk $0xffff, v40;
	v11 =	vor.u32 v0, v51;
	v0 =	vld.idx.msk [tilespmem:v60+s14+$0x0], $0xffff  }
0xdf: {  	v50 =	vand.u32 $0x3F, v57;
	v3 =	vmov v34;
	v34 =	vadd.s32 s29, v2;
	[tilespmem:v5+s17+$0x0] =	vst.idx.msk $0xffff, v41;
	v5 =	vld [tilespmem:$0x1FDC0]  }
0xe0: {  	s30 =	sadd.s32 $0x3, s28;
	s23 =	sadd.s32 $0x6, s28;
	v54 =	vor.u32 v17, v50;
	v55 =	vand.u32 $0x3F, v34;
	[tilespmem:v4+s17+$0x0] =	vst.idx.msk $0xffff, v16;
	v4 =	vld [tilespmem:$0x1FDE0]  }
0xe1: {  	v35 =	vadd.s32 s30, v2;
	v58 =	vadd.s32 s23, v2;
	v42 =	vor.u32 v17, v55;
	v41 =	vld.idx.msk [tilespmem:v59+s14+$0x0], $0xffff  }
0xe2: {  	v53 =	vand.u32 $0x3F, v35;
	v43 =	vshll.u32 v58, $0x7;
	v59 =	vld.idx.msk [tilespmem:v38+s14+$0x0], $0xffff  }
0xe3: {  	[tilespmem:v6+s17+$0x0] =	vst.idx.msk $0xffff, v12;
	v47 =	vand.u32 $0x1C00, v37;
	v6 =	vshll.u32 v39, $0x7;
	v39 =	vand.u32 $0x1F80, v43;
	v38 =	vld [tilespmem:$0x1FF00]  }
0xe4: {  	v20 =	vld [tilespmem:$0x1FF20];
	v48 =	vshll.u32 v34, $0x7;
	v34 =	vshll.u32 v35, $0x7;
	v43 =	vor.u32 v2, v39;
	[tilespmem:v10+s17+$0x0] =	vst.idx.msk $0xffff, v32  }
0xe5: {  	v49 =	vand.u32 $0x1F80, v48;
	v48 =	vand.u32 $0x3F, v15;
	v35 =	vld.idx.msk [tilespmem:v54+s14+$0x0], $0xffff;
	[tilespmem:$0x1FD20] =	vst v0;
	v0 =	vor.u32 v2, v52  }
0xe6: {  	v15 =	vor.u32 v2, v46;
	v40 =	vshll.u32 v57, $0x7;
	v12 =	vld.idx.msk [tilespmem:v42+s14+$0x0], $0xffff;
	[tilespmem:$0x1FD30] =	vst v0;
	v0 =	vor.u32 v23, v52  }
0xe7: {  	v56 =	vor.u32 v2, v49;
	v57 =	vand.u32 $0x1F80, v40;
	v40 =	vor.u32 v17, v48;
	[tilespmem:$0x1FDA0] =	vst v0;
	v0 =	vld [tilespmem:$0x1FEF0]  }
0xe8: {  	v37 =	vand.u32 $0x1F80, v6;
	v60 =	vand.u32 $0x1F80, v34;
	[tilespmem:v5+s17+$0x0] =	vst.idx.msk $0xffff, v61;
	v6 =	vld.idx.msk [tilespmem:v4+s14+$0x0], $0xffff;
	v4 =	vor.u32 v38, v52  }
0xe9: {  	v32 =	vor.u32 v2, v57;
	v19 =	vld [tilespmem:$0x1FF10];
	v61 =	vor.u32 v31, v39;
	[tilespmem:$0x1FD50] =	vst v4;
	v4 =	vor.u32 v31, v60  }
0xea: {  	v16 =	vor.u32 v2, v37;
	v34 =	vor.u32 v2, v60;
	v2 =	vmov v61;
	[tilespmem:$0x1FDC0] =	vst v4;
	v4 =	vld [tilespmem:$0x1FDB0]  }
0xeb: {  	[tilespmem:$0x1FDB0] =	vst v2;
	v2 =	vld [tilespmem:$0x1FE00]  }
0xec: {  	[tilespmem:v56+s17+$0x0] =	vst.idx.msk $0xffff, v12;
	v12 =	vld.idx.msk [tilespmem:v40+s14+$0x0], $0xffff;
	v1 =	vor.u32 v0, v45;
	v10 =	vor.u32 v0, v55  }
0xed: {  	v54 =	vor.u32 v0, v50;
	[tilespmem:$0x1FD40] =	vst v1;
	v1 =	vld [tilespmem:$0x1FDD0]  }
0xee: {  	[tilespmem:v21+s17+$0x0] =	vst.idx.msk $0xffff, v13;
	v21 =	vld [tilespmem:$0x1FFA0]  }
0xef: {  	v5 =	vmov v26;
	v26 =	vmov v22;
	v22 =	vld [tilespmem:$0x1FF30];
	[tilespmem:v62+s17+$0x0] =	vst.idx.msk $0xffff, v6  }
0xf0: {  	[tilespmem:v16+s17+$0x0] =	vst.idx.msk $0xffff, v59;
	v59 =	vld.idx.msk [tilespmem:v63+s14+$0x0], $0xffff  }
0xf1: {  	[tilespmem:v32+s17+$0x0] =	vst.idx.msk $0xffff, v35;
	v10 =	vld.idx.msk [tilespmem:v10+s14+$0x0], $0xffff  }
0xf2: {  	v36 =	vor.u32 v24, v51;
	[tilespmem:v15+s17+$0x0] =	vst.idx.msk $0xffff, v12;
	v54 =	vld.idx.msk [tilespmem:v54+s14+$0x0], $0xffff  }
0xf3: {  	v35 =	vor.u32 v38, v57;
	v16 =	vor.u32 v0, v48;
	v6 =	vld.idx.msk [tilespmem:v2+s14+$0x0], $0xffff;
	v2 =	vor.u32 v27, v45  }
0xf4: {  	v62 =	vor.u32 v0, v44;
	[tilespmem:$0x1FDD0] =	vst v2;
	v2 =	vld [tilespmem:$0x1FE80]  }
0xf5: {  	v40 =	vor.u32 v38, v49;
	[tilespmem:v4+s17+$0x0] =	vst.idx.msk $0xffff, v41;
	v4 =	vor.u32 v19, v45;
	v33 =	vld.idx.msk [tilespmem:v1+s14+$0x0], $0xffff  }
0xf6: {  	[tilespmem:$0x1FD60] =	vst v4;
	v1 =	vld [tilespmem:$0x1FFC0]  }
0xf7: {  	v58 =	vand.u32 $0x3F, v58;
	v61 =	vor.u32 v19, v50;
	v12 =	vld.idx.msk [tilespmem:v36+s14+$0x0], $0xffff;
	[tilespmem:v14+s17+$0x0] =	vst.idx.msk $0xffff, v59  }
0xf8: {  	v13 =	vor.u32 v19, v55;
	v56 =	vor.u32 v0, v53;
	v16 =	vld.idx.msk [tilespmem:v16+s14+$0x0], $0xffff;
	[tilespmem:v35+s17+$0x0] =	vst.idx.msk $0xffff, v54  }
0xf9: {  	v59 =	vld.idx.msk [tilespmem:v62+s14+$0x0], $0xffff;
	v62 =	vor.u32 v38, v37;
	v4 =	vor.u32 v0, v58;
	[tilespmem:v30+s17+$0x0] =	vst.idx.msk $0xffff, v6  }
0xfa: {  	v0 =	vld [tilespmem:$0x1FE20];
	v2 =	vor.u32 v2, v51;
	[tilespmem:v40+s17+$0x0] =	vst.idx.msk $0xffff, v10;
	v10 =	vor.u32 v19, v44  }
0xfb: {  	v14 =	vld [tilespmem:$0x1FF40];
	v42 =	vor.u32 v1, v47;
	v1 =	vor.u32 v17, v53;
	[tilespmem:v8+s17+$0x0] =	vst.idx.msk $0xffff, v33  }
0xfc: {  	v41 =	vor.u32 v20, v57;
	v54 =	vld.idx.msk [tilespmem:v61+s14+$0x0], $0xffff;
	[tilespmem:$0x1FDE0] =	vst v2;
	v2 =	vor.u32 v26, v45  }
0xfd: {  	v8 =	vor.u32 v17, v58;
	[tilespmem:$0x1FD80] =	vst v2;
	v2 =	vld [tilespmem:$0x1FD90]  }
0xfe: {  	[tilespmem:v62+s17+$0x0] =	vst.idx.msk $0xffff, v59;
	v33 =	vld.idx.msk [tilespmem:v7+s14+$0x0], $0xffff  }
0xff: {  	v59 =	vor.u32 v20, v37;
	v10 =	vld.idx.msk [tilespmem:v10+s14+$0x0], $0xffff  }
0x100: {  	v1 =	vld.idx.msk [tilespmem:v1+s14+$0x0], $0xffff  }
0x101: {  	v13 =	vld.idx.msk [tilespmem:v13+s14+$0x0], $0xffff;
	[tilespmem:v41+s17+$0x0] =	vst.idx.msk $0xffff, v54  }
0x102: {  	v8 =	vld.idx.msk [tilespmem:v8+s14+$0x0], $0xffff;
	[tilespmem:v42+s17+$0x0] =	vst.idx.msk $0xffff, v12  }
0x103: {  	v54 =	vld [tilespmem:$0x1FD30];
	[tilespmem:v9+s17+$0x0] =	vst.idx.msk $0xffff, v33  }
0x104: {  	v15 =	vor.u32 v29, v51;
	v33 =	vor.u32 v28, v47;
	v42 =	vld.idx.msk [tilespmem:v11+s14+$0x0], $0xffff;
	[tilespmem:v59+s17+$0x0] =	vst.idx.msk $0xffff, v10  }
0x105: {  	v63 =	vor.u32 v20, v49;
	v9 =	vld.idx.msk [tilespmem:v2+s14+$0x0], $0xffff;
	v2 =	vor.u32 v31, v52;
	[tilespmem:v34+s17+$0x0] =	vst.idx.msk $0xffff, v1  }
0x106: {  	v59 =	vld [tilespmem:$0x1FE50];
	[tilespmem:$0x1FD70] =	vst v2  }
0x107: {  	v34 =	vor.u32 v22, v55;
	v2 =	vor.u32 v38, v46;
	[tilespmem:v43+s17+$0x0] =	vst.idx.msk $0xffff, v8;
	v6 =	vld.idx.msk [tilespmem:v56+s14+$0x0], $0xffff  }
0x108: {  	v1 =	vor.u32 v38, v60;
	v62 =	vld.idx.msk [tilespmem:v4+s14+$0x0], $0xffff  }
0x109: {  	[tilespmem:v33+s17+$0x0] =	vst.idx.msk $0xffff, v42;
	v42 =	vld [tilespmem:$0x1FE40]  }
0x10a: {  	v36 =	vor.u32 v19, v53;
	v40 =	vor.u32 v19, v48;
	[tilespmem:v63+s17+$0x0] =	vst.idx.msk $0xffff, v13;
	v15 =	vld.idx.msk [tilespmem:v15+s14+$0x0], $0xffff  }
0x10b: {  	v61 =	vor.u32 v22, v53;
	v4 =	vor.u32 v38, v39;
	[tilespmem:v3+s17+$0x0] =	vst.idx.msk $0xffff, v9;
	v3 =	vld [tilespmem:$0x1FE10]  }
0x10c: {  	v17 =	vor.u32 v22, v44;
	[tilespmem:v2+s17+$0x0] =	vst.idx.msk $0xffff, v16;
	v2 =	vor.u32 v19, v58;
	v34 =	vld.idx.msk [tilespmem:v34+s14+$0x0], $0xffff  }
0x10d: {  	v7 =	vor.u32 v22, v45;
	v43 =	vor.u32 v26, v50;
	[tilespmem:v1+s17+$0x0] =	vst.idx.msk $0xffff, v6;
	v1 =	vld [tilespmem:$0x1FD10]  }
0x10e: {  	v56 =	vor.u32 v22, v50;
	v19 =	vmovc v22;
	v22 =	vmovc v26;
	v6 =	vor.u32 v26, v55;
	v26 =	vmov v5;
	v5 =	vld [tilespmem:$0x1FD20]  }
0x10f: {  	v33 =	vor.u32 v20, v46;
	v16 =	vld.idx.msk [tilespmem:v40+s14+$0x0], $0xffff  }
0x110: {  	v41 =	vor.u32 v19, v48;
	[tilespmem:v4+s17+$0x0] =	vst.idx.msk $0xffff, v62;
	v11 =	vor.u32 v3, v47;
	v3 =	vld [tilespmem:$0x1FE30]  }
0x111: {  	v13 =	vld.idx.msk [tilespmem:v2+s14+$0x0], $0xffff  }
0x112: {  	v30 =	vor.u32 v0, v51;
	v0 =	vmov v1;
	v1 =	vld.idx.msk [tilespmem:v36+s14+$0x0], $0xffff;
	v36 =	vor.u32 v20, v60  }
0x113: {  	[tilespmem:v54+s17+$0x0] =	vst.idx.msk $0xffff, v5;
	v5 =	vld [tilespmem:$0x1FD40]  }
0x114: {  	v8 =	vor.u32 v14, v57;
	v54 =	vld.idx.msk [tilespmem:v56+s14+$0x0], $0xffff;
	[tilespmem:v33+s17+$0x0] =	vst.idx.msk $0xffff, v16  }
0x115: {  	v16 =	vld.idx.msk [tilespmem:v41+s14+$0x0], $0xffff  }
0x116: {  	v35 =	vor.u32 v14, v49;
	[tilespmem:$0x1FD90] =	vst v0;
	v41 =	vld.idx.msk [tilespmem:v17+s14+$0x0], $0xffff;
	v0 =	vmov v20  }
0x117: {  	v17 =	vld [tilespmem:$0x1FE60];
	v2 =	vor.u32 v0, v39;
	v0 =	vor.u32 v59, v47;
	[tilespmem:v36+s17+$0x0] =	vst.idx.msk $0xffff, v1  }
0x118: {  	v4 =	vor.u32 v14, v37;
	[tilespmem:$0x1FDF0] =	vst v0;
	v0 =	vld [tilespmem:$0x1FD50]  }
0x119: {  	v63 =	vor.u32 v22, v44;
	[tilespmem:v8+s17+$0x0] =	vst.idx.msk $0xffff, v54;
	v61 =	vld.idx.msk [tilespmem:v61+s14+$0x0], $0xffff  }
0x11a: {  	v10 =	vor.u32 v19, v58;
	v33 =	vor.u32 v14, v46;
	v43 =	vld.idx.msk [tilespmem:v43+s14+$0x0], $0xffff  }
0x11b: {  	v40 =	vor.u32 v14, v60;
	v8 =	vor.u32 v22, v48;
	v56 =	vld.idx.msk [tilespmem:v5+s14+$0x0], $0xffff  }
0x11c: {  	v62 =	vor.u32 v22, v53;
	[tilespmem:v35+s17+$0x0] =	vst.idx.msk $0xffff, v34;
	v1 =	vor.u32 v26, v57;
	v5 =	vld [tilespmem:$0x1FD60]  }
0x11d: {  	v12 =	vor.u32 v20, v52;
	v35 =	vld.idx.msk [tilespmem:v6+s14+$0x0], $0xffff;
	[tilespmem:v4+s17+$0x0] =	vst.idx.msk $0xffff, v41  }
0x11e: {  	v20 =	vor.u32 v42, v51;
	v42 =	vor.u32 v26, v49;
	v63 =	vld.idx.msk [tilespmem:v63+s14+$0x0], $0xffff;
	[tilespmem:v2+s17+$0x0] =	vst.idx.msk $0xffff, v13  }
0x11f: {  	v36 =	vor.u32 v27, v55;
	[tilespmem:v33+s17+$0x0] =	vst.idx.msk $0xffff, v16;
	v13 =	vor.u32 v26, v37;
	v10 =	vld.idx.msk [tilespmem:v10+s14+$0x0], $0xffff  }
0x120: {  	v19 =	vor.u32 v17, v51;
	v17 =	vor.u32 v14, v39;
	v8 =	vld.idx.msk [tilespmem:v8+s14+$0x0], $0xffff;
	[tilespmem:v40+s17+$0x0] =	vst.idx.msk $0xffff, v61  }
0x121: {  	v34 =	vor.u32 v27, v44;
	v41 =	vor.u32 v26, v46;
	[tilespmem:v1+s17+$0x0] =	vst.idx.msk $0xffff, v43;
	v62 =	vld.idx.msk [tilespmem:v62+s14+$0x0], $0xffff  }
0x122: {  	v61 =	vor.u32 v26, v60;
	v1 =	vor.u32 v27, v48;
	[tilespmem:v0+s17+$0x0] =	vst.idx.msk $0xffff, v56;
	v0 =	vld [tilespmem:$0x1FF80]  }
0x123: {  	v16 =	vor.u32 v22, v58;
	v4 =	vld [tilespmem:$0x1FE70];
	[tilespmem:v42+s17+$0x0] =	vst.idx.msk $0xffff, v35  }
0x124: {  	v38 =	vor.u32 v27, v50;
	[tilespmem:v13+s17+$0x0] =	vst.idx.msk $0xffff, v63;
	v5 =	vld.idx.msk [tilespmem:v5+s14+$0x0], $0xffff  }
0x125: {  	v35 =	vld.idx.msk [tilespmem:v36+s14+$0x0], $0xffff;
	[tilespmem:v17+s17+$0x0] =	vst.idx.msk $0xffff, v10  }
0x126: {  	[tilespmem:v41+s17+$0x0] =	vst.idx.msk $0xffff, v8;
	v34 =	vld.idx.msk [tilespmem:v34+s14+$0x0], $0xffff  }
0x127: {  	v2 =	vor.u32 v27, v53;
	v1 =	vld.idx.msk [tilespmem:v1+s14+$0x0], $0xffff;
	[tilespmem:v61+s17+$0x0] =	vst.idx.msk $0xffff, v62;
	v61 =	vor.u32 v0, v46  }
0x128: {  	v16 =	vld.idx.msk [tilespmem:v16+s14+$0x0], $0xffff;
	v17 =	vor.u32 v0, v37  }
0x129: {  	v25 =	vor.u32 v18, v53;
	v56 =	vor.u32 v0, v57;
	[tilespmem:v12+s17+$0x0] =	vst.idx.msk $0xffff, v5;
	v12 =	vld.idx.msk [tilespmem:v38+s14+$0x0], $0xffff  }
0x12a: {  	[tilespmem:v11+s17+$0x0] =	vst.idx.msk $0xffff, v15;
	v59 =	vor.u32 v21, v50;
	v33 =	vld.idx.msk [tilespmem:v7+s14+$0x0], $0xffff;
	v7 =	vor.u32 v18, v55  }
0x12b: {  	v32 =	vor.u32 v21, v44;
	v9 =	vor.u32 v18, v58;
	v6 =	vor.u32 v23, v49;
	[tilespmem:$0x1FE00] =	vst v7;
	v7 =	vld [tilespmem:$0x1FE90]  }
0x12c: {  	v41 =	vor.u32 v21, v48;
	v54 =	vor.u32 v0, v49;
	v2 =	vld.idx.msk [tilespmem:v2+s14+$0x0], $0xffff;
	[tilespmem:v61+s17+$0x0] =	vst.idx.msk $0xffff, v1  }
0x12d: {  	v36 =	vor.u32 v26, v39;
	v40 =	vor.u32 v21, v55;
	[tilespmem:v17+s17+$0x0] =	vst.idx.msk $0xffff, v34;
	v34 =	vld [tilespmem:$0x1FD70]  }
0x12e: {  	v3 =	vor.u32 v3, v47;
	v43 =	vor.u32 v0, v60;
	v1 =	vld [tilespmem:$0x1FEB0];
	[tilespmem:v56+s17+$0x0] =	vst.idx.msk $0xffff, v12  }
0x12f: {  	v11 =	vor.u32 v31, v57;
	v42 =	vor.u32 v27, v58;
	v38 =	vor.u32 v23, v57;
	v56 =	vld.idx.msk [tilespmem:v59+s14+$0x0], $0xffff  }
0x130: {  	v10 =	vor.u32 v21, v53;
	v53 =	vor.u32 v14, v52;
	v62 =	vor.u32 v7, v47;
	v7 =	vld [tilespmem:$0x1FEA0]  }
0x131: {  	v8 =	vor.u32 v0, v52;
	v5 =	vor.u32 v26, v52;
	[tilespmem:v54+s17+$0x0] =	vst.idx.msk $0xffff, v35;
	v52 =	vld.idx.msk [tilespmem:v41+s14+$0x0], $0xffff  }
0x132: {  	p0 =	slt.u32 s28, $0x38;
	v50 =	vor.u32 v18, v50;
	v4 =	vor.u32 v4, v47;
	[tilespmem:v36+s17+$0x0] =	vst.idx.msk $0xffff, v16;
	v12 =	vld.idx.msk [tilespmem:v40+s14+$0x0], $0xffff  }
.Ltmp0:
0x133: {  	v13 =	vor.u32 v18, v44;
	[tilespmem:v43+s17+$0x0] =	vst.idx.msk $0xffff, v2;
	v59 =	vmov v9;
	v9 =	vld.idx.msk [tilespmem:v30+s14+$0x0], $0xffff;
	(pc) =	sbr.rel @p0 .LBB2_2-.Ltmp0, $4  }
0x134: {  	v15 =	vor.u32 v0, v39;
	v55 =	vor.u32 v23, v60;
	[tilespmem:v38+s17+$0x0] =	vst.idx.msk $0xffff, v56;
	v38 =	vld [tilespmem:$0x1FD80]  }
0x135: {  	v60 =	vor.u32 v21, v58;
	v58 =	vor.u32 v23, v46;
	v63 =	vor.u32 v7, v51;
	v51 =	vld.idx.msk [tilespmem:v10+s14+$0x0], $0xffff  }
0x136: {  	v30 =	vor.u32 v31, v49;
	v49 =	vor.u32 v23, v37;
	v7 =	vor.u32 v21, v45;
	v45 =	vld.idx.msk [tilespmem:v42+s14+$0x0], $0xffff  }
0x137: {  	s28 =	sadd.s32 $0x8, s28;
	v14 =	vor.u32 v1, v47;
	v10 =	vor.u32 v31, v46;
	v46 =	vld.idx.msk [tilespmem:v32+s14+$0x0], $0xffff;
	v32 =	vor.u32 v18, v48  }
0x138: {  	_ =	sdelay $0x3  }
0x139: {  	[tilespmem:v3+s17+$0x0] =	vst.idx.msk $0xffff, v9  }
0x13a: {  	[tilespmem:v53+s17+$0x0] =	vst.idx.msk $0xffff, v33  }
0x13b: {  	v0 =	vld [tilespmem:$0x1FDF0];
	_ =	sdelay $0x1  }
0x13c: {  	v2 =	vld.idx.msk [tilespmem:v38+s14+$0x0], $0xffff  }
0x13d: {  	v1 =	vld.idx.msk [tilespmem:v20+s14+$0x0], $0xffff;
	_ =	sdelay $0x2  }
0x13e: {  	[tilespmem:v15+s17+$0x0] =	vst.idx.msk $0xffff, v45  }
0x13f: {  	[tilespmem:v5+s17+$0x0] =	vst.idx.msk $0xffff, v2  }
0x140: {  	[tilespmem:v0+s17+$0x0] =	vst.idx.msk $0xffff, v1  }
0x141: {  	v0 =	vld [tilespmem:$0x1FDD0];
	_ =	sdelay $0x2  }
0x142: {  	v1 =	vld.idx.msk [tilespmem:v19+s14+$0x0], $0xffff;
	_ =	sdelay $0x1  }
0x143: {  	[tilespmem:v55+s17+$0x0] =	vst.idx.msk $0xffff, v51  }
0x144: {  	v23 =	vld [tilespmem:$0x1FEC0];
	[tilespmem:v49+s17+$0x0] =	vst.idx.msk $0xffff, v46  }
0x145: {  	[tilespmem:v58+s17+$0x0] =	vst.idx.msk $0xffff, v52  }
0x146: {  	[tilespmem:v4+s17+$0x0] =	vst.idx.msk $0xffff, v1;
	v2 =	vld.idx.msk [tilespmem:v0+s14+$0x0], $0xffff  }
0x147: {  	v0 =	vld [tilespmem:$0x1FDE0];
	_ =	sdelay $0x3  }
0x148: {  	v3 =	vld.idx.msk [tilespmem:v50+s14+$0x0], $0xffff;
	_ =	sdelay $0x1  }
0x149: {  	v9 =	vld.idx.msk [tilespmem:v60+s14+$0x0], $0xffff;
	v5 =	vor.u32 v23, v39;
	_ =	sdelay $0x1  }
0x14a: {  	v1 =	vld.idx.msk [tilespmem:v0+s14+$0x0], $0xffff  }
0x14b: {  	[tilespmem:v11+s17+$0x0] =	vst.idx.msk $0xffff, v3  }
0x14c: {  	[tilespmem:v6+s17+$0x0] =	vst.idx.msk $0xffff, v12  }
0x14d: {  	[tilespmem:v5+s17+$0x0] =	vst.idx.msk $0xffff, v9  }
0x14e: {  	[tilespmem:v8+s17+$0x0] =	vst.idx.msk $0xffff, v2  }
0x14f: {  	v31 =	vld [tilespmem:$0x1FED0];
	[tilespmem:v62+s17+$0x0] =	vst.idx.msk $0xffff, v1  }
0x150: {  	v0 =	vld [tilespmem:$0x1FE00];
	_ =	sdelay $0x2  }
0x151: {  	v4 =	vld.idx.msk [tilespmem:v32+s14+$0x0], $0xffff;
	_ =	sdelay $0x4  }
0x152: {  	[tilespmem:v10+s17+$0x0] =	vst.idx.msk $0xffff, v4;
	v1 =	vld.idx.msk [tilespmem:v0+s14+$0x0], $0xffff  }
0x153: {  	v0 =	vld [tilespmem:$0x1FDA0];
	_ =	sdelay $0x2  }
0x154: {  	v2 =	vld.idx.msk [tilespmem:v7+s14+$0x0], $0xffff;
	_ =	sdelay $0x4  }
0x155: {  	[tilespmem:v0+s17+$0x0] =	vst.idx.msk $0xffff, v2  }
0x156: {  	v0 =	vld [tilespmem:$0x1FDC0];
	_ =	sdelay $0x2  }
0x157: {  	v3 =	vld.idx.msk [tilespmem:v25+s14+$0x0], $0xffff;
	_ =	sdelay $0x4  }
0x158: {  	[tilespmem:v0+s17+$0x0] =	vst.idx.msk $0xffff, v3  }
0x159: {  	v0 =	vld [tilespmem:$0x1FD90];
	_ =	sdelay $0x7  }
0x15a: {  	v3 =	vld.idx.msk [tilespmem:v0+s14+$0x0], $0xffff  }
0x15b: {  	v0 =	vld [tilespmem:$0x1FDB0];
	_ =	sdelay $0x2  }
0x15c: {  	v5 =	vld.idx.msk [tilespmem:v59+s14+$0x0], $0xffff  }
0x15d: {  	v13 =	vld.idx.msk [tilespmem:v13+s14+$0x0], $0xffff;
	v6 =	vor.u32 v31, v37;
	_ =	sdelay $0x3  }
0x15e: {  	[tilespmem:v0+s17+$0x0] =	vst.idx.msk $0xffff, v5  }
0x15f: {  	v41 =	vld [tilespmem:$0x1FEE0];
	[tilespmem:v6+s17+$0x0] =	vst.idx.msk $0xffff, v13  }
0x160: {  	v13 =	vmov v30;
	v30 =	vld [tilespmem:$0x1FFB0];
	_ =	sdelay $0x1  }
0x161: {  	v35 =	vlaneseq.u32;
	s29 =	simm.s32 $0x2  }
0x162: {  	v4 =	vld.idx.msk [tilespmem:v63+s14+$0x0], $0xffff;
	v10 =	vadd.s32 s29, v35  }
0x163: {  	v45 =	vand.u32 $0x3F, v10  }
0x164: {  	v0 =	vor.u32 v30, v45  }
0x165: {  	[tilespmem:$0x1FCA0] =	vst v0  }
0x166: {  	s28 =	simm.s32 $0x3;
	s30 =	simm.s32 $0x5;
	[tilespmem:v13+s17+$0x0] =	vst.idx.msk $0xffff, v1  }
0x167: {  	s0 =	simm.s32 $0x0;
	v11 =	vadd.s32 s30, v35;
	v9 =	vadd.s32 s28, v35;
	s28 =	simm.s32 $0x4;
	[tilespmem:v14+s17+$0x0] =	vst.idx.msk $0xffff, v4  }
0x168: {  	s23 =	simm.s32 $0x1;
	v48 =	vand.u32 $0x3F, v11;
	v7 =	vadd.s32 s0, v35;
	v6 =	vadd.s32 s28, v35;
	[tilespmem:v34+s17+$0x0] =	vst.idx.msk $0xffff, v3  }
0x169: {  	v52 =	vand.u32 $0x3F, v9;
	v8 =	vshll.u32 v7, $0x7;
	v50 =	vand.u32 $0x3F, v6;
	[hbm4b:s5+s18] =	stream.strided.scatter [tilespmem:s17], [sflag:$0x3], $0x2000, s19, s18, $0x38;
	v0 =	vld [tilespmem:$0x1FFD0]  }
0x16a: {  	s31 =	simm.s32 $0x100;
	s30 =	simm.s32 $0x6;
	v7 =	vand.u32 $0x38, v7;
	v2 =	vadd.s32 s23, v35;
	v4 =	vor.u32 v41, v50  }
0x16b: {  	v44 =	vand.u32 $0x3F, v2;
	v3 =	vshll.u32 v6, $0x7;
	v6 =	vor.u32 v41, v48;
	[tilespmem:s14], [sflag:$0x1] =	stream.indirect.gather [hbm4b:s4+s13], $0x40, s31, s13, $0xb8;
	[tilespmem:$0x10000] =	vst v63  }
0x16c: {  	v2 =	vshll.u32 v2, $0x7;
	v1 =	vadd.s32 s30, v35;
	v13 =	vor.u32 v41, v44;
	_ =	swait.ge [sflag:s21], $0x2000  }
0x16d: {  	v62 =	vor.u32 v41, v52;
	v15 =	vshll.u32 v1, $0x7;
	v49 =	vand.u32 $0x1F80, v3;
	[sflag:s21] =	ssyncset.done $0x0  }
0x16e: {  	v3 =	vshll.u32 v11, $0x7;
	v39 =	vand.u32 $0x1F80, v15;
	v16 =	vor.u32 v0, v7;
	v0 =	vld [tilespmem:$0x1FEF0];
	[sflag:s21] =	ssyncadd.s32 $0xFFFFE000  }
0x16f: {  	v54 =	vand.u32 $0x1F80, v3;
	v36 =	vor.u32 v35, v49;
	v14 =	vor.u32 v31, v39;
	v4 =	vld.idx.msk [tilespmem:v4+s15+$0x0], $0xffff  }
0x170: {  	v9 =	vshll.u32 v9, $0x7;
	v37 =	vand.u32 $0x1F80, v2;
	v63 =	vor.u32 v35, v54;
	v6 =	vld.idx.msk [tilespmem:v6+s15+$0x0], $0xffff;
	[tilespmem:$0x1FCB0] =	vst v14  }
0x171: {  	v56 =	vand.u32 $0x1F80, v9;
	v40 =	vor.u32 v35, v37;
	v13 =	vld.idx.msk [tilespmem:v13+s15+$0x0], $0xffff  }
0x172: {  	v43 =	vor.u32 v35, v56;
	v9 =	vor.u32 v31, v56;
	s29 =	simm.s32 $0x7;
	v33 =	vld.idx.msk [tilespmem:v62+s15+$0x0], $0xffff  }
0x173: {  	v5 =	vadd.s32 s29, v35;
	v11 =	vld [tilespmem:$0x1FFC0];
	[tilespmem:$0x1FCC0] =	vst v9  }
0x174: {  	v47 =	vand.u32 $0x3F, v5;
	v14 =	vld [tilespmem:$0x1FF00];
	[tilespmem:v36+s22+$0x0] =	vst.idx.msk $0xffff, v4  }
0x175: {  	v10 =	vshll.u32 v10, $0x7;
	v17 =	vor.u32 v41, v47;
	v18 =	vld [tilespmem:$0x1FF10];
	[tilespmem:v63+s22+$0x0] =	vst.idx.msk $0xffff, v6  }
0x176: {  	v51 =	vand.u32 $0x1F80, v10;
	v10 =	vshll.u32 v5, $0x7;
	v2 =	vor.u32 v0, v50;
	[tilespmem:v40+s22+$0x0] =	vst.idx.msk $0xffff, v13  }
0x177: {  	v32 =	vand.u32 $0x1F80, v10;
	v10 =	vor.u32 v24, v7;
	v21 =	vld [tilespmem:$0x1FFA0];
	[tilespmem:v43+s22+$0x0] =	vst.idx.msk $0xffff, v33  }
0x178: {  	v34 =	vand.u32 $0x3F, v1;
	v15 =	vor.u32 v0, v48;
	v9 =	vld [tilespmem:$0x1FE80]  }
0x179: {  	v12 =	vor.u32 v41, v45;
	v41 =	vor.u32 v41, v34  }
0x17a: {  	v3 =	vor.u32 v35, v32;
	v4 =	vld.idx.msk [tilespmem:v17+s15+$0x0], $0xffff  }
0x17b: {  	v46 =	vand.u32 $0x1C00, v8;
	v55 =	vor.u32 v14, v49;
	v2 =	vld.idx.msk [tilespmem:v2+s15+$0x0], $0xffff  }
0x17c: {  	v10 =	vld.idx.msk [tilespmem:v10+s15+$0x0], $0xffff;
	v11 =	vor.u32 v11, v46  }
0x17d: {  	v17 =	vor.u32 v0, v52;
	v36 =	vor.u32 v14, v54;
	v13 =	vld.idx.msk [tilespmem:v15+s15+$0x0], $0xffff;
	v9 =	vor.u32 v9, v7  }
0x17e: {  	v38 =	vld.idx.msk [tilespmem:v41+s15+$0x0], $0xffff;
	[tilespmem:$0x1FCD0] =	vst v9  }
0x17f: {  	v57 =	vor.u32 v0, v44;
	[tilespmem:v3+s22+$0x0] =	vst.idx.msk $0xffff, v4  }
0x180: {  	v6 =	vor.u32 v0, v47;
	[tilespmem:v55+s22+$0x0] =	vst.idx.msk $0xffff, v2  }
0x181: {  	[tilespmem:v11+s22+$0x0] =	vst.idx.msk $0xffff, v10  }
0x182: {  	v42 =	vor.u32 v35, v39;
	v4 =	vld.idx.msk [tilespmem:v17+s15+$0x0], $0xffff;
	[tilespmem:v36+s22+$0x0] =	vst.idx.msk $0xffff, v13  }
0x183: {  	v15 =	vor.u32 v18, v48;
	v3 =	vor.u32 v14, v56;
	v9 =	vld [tilespmem:$0x1FF20]  }
0x184: {  	v40 =	vld.idx.msk [tilespmem:v57+s15+$0x0], $0xffff;
	v2 =	vor.u32 v14, v37  }
0x185: {  	v57 =	vor.u32 v14, v32;
	v6 =	vld.idx.msk [tilespmem:v6+s15+$0x0], $0xffff  }
0x186: {  	v11 =	vor.u32 v28, v46;
	v13 =	vld.idx.msk [tilespmem:v16+s15+$0x0], $0xffff  }
0x187: {  	v5 =	vor.u32 v35, v51;
	v12 =	vld.idx.msk [tilespmem:v12+s15+$0x0], $0xffff;
	[tilespmem:v42+s22+$0x0] =	vst.idx.msk $0xffff, v38  }
0x188: {  	v17 =	vor.u32 v18, v52;
	v15 =	vld.idx.msk [tilespmem:v15+s15+$0x0], $0xffff;
	[tilespmem:v3+s22+$0x0] =	vst.idx.msk $0xffff, v4;
	v16 =	vor.u32 v9, v54  }
0x189: {  	v19 =	vld [tilespmem:$0x1FF30];
	[tilespmem:v2+s22+$0x0] =	vst.idx.msk $0xffff, v40  }
0x18a: {  	v10 =	vor.u32 v0, v34;
	[tilespmem:v57+s22+$0x0] =	vst.idx.msk $0xffff, v6  }
0x18b: {  	v58 =	vor.u32 v18, v50;
	[tilespmem:v11+s22+$0x0] =	vst.idx.msk $0xffff, v13  }
0x18c: {  	v62 =	vor.u32 v18, v47;
	[tilespmem:v5+s22+$0x0] =	vst.idx.msk $0xffff, v12  }
0x18d: {  	v3 =	vor.u32 v18, v44;
	v17 =	vld.idx.msk [tilespmem:v17+s15+$0x0], $0xffff;
	v2 =	vor.u32 v9, v56;
	[tilespmem:v16+s22+$0x0] =	vst.idx.msk $0xffff, v15  }
0x18e: {  	v1 =	vor.u32 v14, v51;
	v6 =	vor.u32 v14, v39;
	v4 =	vor.u32 v19, v48;
	v14 =	vld [tilespmem:$0x1FF40]  }
0x18f: {  	v8 =	vor.u32 v0, v45;
	v10 =	vld.idx.msk [tilespmem:v10+s15+$0x0], $0xffff  }
0x190: {  	v36 =	vld.idx.msk [tilespmem:v58+s15+$0x0], $0xffff;
	v63 =	vor.u32 v9, v49;
	v11 =	vor.u32 v19, v52  }
0x191: {  	v0 =	vor.u32 v30, v52;
	v13 =	vor.u32 v18, v34;
	v33 =	vld.idx.msk [tilespmem:v62+s15+$0x0], $0xffff;
	v15 =	vor.u32 v9, v32  }
0x192: {  	v5 =	vor.u32 v9, v37;
	v3 =	vld.idx.msk [tilespmem:v3+s15+$0x0], $0xffff;
	v16 =	vor.u32 v19, v50;
	[tilespmem:v2+s22+$0x0] =	vst.idx.msk $0xffff, v17  }
0x193: {  	v2 =	vor.u32 v19, v47;
	v4 =	vld.idx.msk [tilespmem:v4+s15+$0x0], $0xffff;
	[tilespmem:$0x1FCE0] =	vst v0;
	v12 =	vor.u32 v14, v54  }
0x194: {  	[tilespmem:v6+s22+$0x0] =	vst.idx.msk $0xffff, v10;
	v6 =	vor.u32 v19, v44;
	v8 =	vld.idx.msk [tilespmem:v8+s15+$0x0], $0xffff  }
0x195: {  	v10 =	vor.u32 v22, v48;
	v11 =	vld.idx.msk [tilespmem:v11+s15+$0x0], $0xffff;
	[tilespmem:v63+s22+$0x0] =	vst.idx.msk $0xffff, v36;
	v17 =	vor.u32 v14, v56  }
0x196: {  	[tilespmem:v15+s22+$0x0] =	vst.idx.msk $0xffff, v33;
	v13 =	vld.idx.msk [tilespmem:v13+s15+$0x0], $0xffff  }
0x197: {  	v53 =	vor.u32 v18, v45;
	v15 =	vor.u32 v9, v39;
	[tilespmem:v5+s22+$0x0] =	vst.idx.msk $0xffff, v3;
	v5 =	vld.idx.msk [tilespmem:v16+s15+$0x0], $0xffff  }
0x198: {  	v40 =	vor.u32 v14, v49;
	v2 =	vld.idx.msk [tilespmem:v2+s15+$0x0], $0xffff;
	[tilespmem:v12+s22+$0x0] =	vst.idx.msk $0xffff, v4  }
0x199: {  	v4 =	vor.u32 v14, v32;
	[tilespmem:v1+s22+$0x0] =	vst.idx.msk $0xffff, v8;
	v6 =	vld.idx.msk [tilespmem:v6+s15+$0x0], $0xffff  }
0x19a: {  	v1 =	vor.u32 v14, v37;
	[tilespmem:v17+s22+$0x0] =	vst.idx.msk $0xffff, v11;
	v10 =	vld.idx.msk [tilespmem:v10+s15+$0x0], $0xffff  }
0x19b: {  	v38 =	vor.u32 v9, v51;
	v3 =	vor.u32 v22, v52;
	v8 =	vor.u32 v26, v54;
	v9 =	vld [tilespmem:$0x1FE10]  }
0x19c: {  	v16 =	vor.u32 v19, v34;
	[tilespmem:v15+s22+$0x0] =	vst.idx.msk $0xffff, v13;
	v15 =	vld.idx.msk [tilespmem:v53+s15+$0x0], $0xffff  }
0x19d: {  	[tilespmem:v40+s22+$0x0] =	vst.idx.msk $0xffff, v5  }
0x19e: {  	v12 =	vor.u32 v22, v50;
	[tilespmem:v4+s22+$0x0] =	vst.idx.msk $0xffff, v2  }
0x19f: {  	[tilespmem:v1+s22+$0x0] =	vst.idx.msk $0xffff, v6  }
0x1a0: {  	v3 =	vld.idx.msk [tilespmem:v3+s15+$0x0], $0xffff;
	[tilespmem:v8+s22+$0x0] =	vst.idx.msk $0xffff, v10  }
0x1a1: {  	v11 =	vor.u32 v22, v47;
	v5 =	vor.u32 v26, v56;
	v16 =	vld.idx.msk [tilespmem:v16+s15+$0x0], $0xffff;
	[tilespmem:v38+s22+$0x0] =	vst.idx.msk $0xffff, v15  }
0x1a2: {  	v2 =	vor.u32 v14, v39;
	v0 =	vld [tilespmem:$0x1FE20]  }
0x1a3: {  	v4 =	vor.u32 v26, v49;
	v1 =	vor.u32 v27, v52;
	v6 =	vld.idx.msk [tilespmem:v12+s15+$0x0], $0xffff;
	_ =	sdelay $0x2  }
0x1a4: {  	v11 =	vld.idx.msk [tilespmem:v11+s15+$0x0], $0xffff;
	[tilespmem:v5+s22+$0x0] =	vst.idx.msk $0xffff, v3  }
0x1a5: {  	v57 =	vor.u32 v0, v7;
	v0 =	vld [tilespmem:$0x1FF80];
	[tilespmem:v2+s22+$0x0] =	vst.idx.msk $0xffff, v16  }
0x1a6: {  	v13 =	vor.u32 v22, v44;
	v8 =	vor.u32 v26, v32;
	v40 =	vld.idx.msk [tilespmem:v1+s15+$0x0], $0xffff;
	[tilespmem:v4+s22+$0x0] =	vst.idx.msk $0xffff, v6  }
0x1a7: {  	v1 =	vld [tilespmem:$0x1FE30];
	_ =	sdelay $0x2  }
0x1a8: {  	v55 =	vor.u32 v29, v7  }
0x1a9: {  	v42 =	vor.u32 v27, v48;
	v15 =	vor.u32 v26, v37;
	v13 =	vld.idx.msk [tilespmem:v13+s15+$0x0], $0xffff;
	[tilespmem:v8+s22+$0x0] =	vst.idx.msk $0xffff, v11  }
0x1aa: {  	v4 =	vor.u32 v1, v46;
	v1 =	vld [tilespmem:$0x1FE40];
	_ =	sdelay $0x2  }
0x1ab: {  	v55 =	vld.idx.msk [tilespmem:v55+s15+$0x0], $0xffff  }
0x1ac: {  	v53 =	vld.idx.msk [tilespmem:v42+s15+$0x0], $0xffff;
	v5 =	vor.u32 v0, v54;
	[tilespmem:v15+s22+$0x0] =	vst.idx.msk $0xffff, v13  }
0x1ad: {  	v35 =	vor.u32 v9, v46;
	v36 =	vor.u32 v1, v7;
	v1 =	vld [tilespmem:$0x1FE50]  }
0x1ae: {  	v6 =	vor.u32 v0, v56;
	_ =	sdelay $0x2  }
0x1af: {  	v12 =	vor.u32 v22, v34;
	[tilespmem:v5+s22+$0x0] =	vst.idx.msk $0xffff, v53  }
0x1b0: {  	v10 =	vor.u32 v27, v50;
	v9 =	vor.u32 v1, v46;
	v1 =	vld [tilespmem:$0x1FE60];
	[tilespmem:v35+s22+$0x0] =	vst.idx.msk $0xffff, v55  }
0x1b1: {  	[tilespmem:v6+s22+$0x0] =	vst.idx.msk $0xffff, v40  }
0x1b2: {  	v16 =	vor.u32 v27, v47;
	v2 =	vld [tilespmem:$0x1FE70]  }
0x1b3: {  	v63 =	vor.u32 v27, v44  }
0x1b4: {  	v12 =	vld.idx.msk [tilespmem:v12+s15+$0x0], $0xffff;
	v8 =	vor.u32 v26, v39  }
0x1b5: {  	v10 =	vld.idx.msk [tilespmem:v10+s15+$0x0], $0xffff;
	v11 =	vor.u32 v0, v49;
	_ =	sdelay $0x1  }
0x1b6: {  	v15 =	vld.idx.msk [tilespmem:v16+s15+$0x0], $0xffff;
	v16 =	vor.u32 v0, v32;
	v2 =	vor.u32 v2, v46  }
0x1b7: {  	v58 =	vld.idx.msk [tilespmem:v63+s15+$0x0], $0xffff;
	[tilespmem:$0x1FCF0] =	vst v2  }
0x1b8: {  	[tilespmem:v8+s22+$0x0] =	vst.idx.msk $0xffff, v12  }
0x1b9: {  	v2 =	vor.u32 v30, v50;
	[tilespmem:v11+s22+$0x0] =	vst.idx.msk $0xffff, v10  }
0x1ba: {  	[tilespmem:$0x1FD00] =	vst v2  }
0x1bb: {  	v62 =	vor.u32 v19, v45;
	v42 =	vor.u32 v0, v37;
	[tilespmem:v16+s22+$0x0] =	vst.idx.msk $0xffff, v15  }
0x1bc: {  	v2 =	vld [tilespmem:$0x1FE90]  }
0x1bd: {  	v13 =	vor.u32 v21, v48;
	_ =	sdelay $0x2  }
0x1be: {  	v33 =	vld.idx.msk [tilespmem:v62+s15+$0x0], $0xffff;
	[tilespmem:v42+s22+$0x0] =	vst.idx.msk $0xffff, v58  }
0x1bf: {  	v12 =	vor.u32 v27, v34;
	v62 =	vor.u32 v2, v46;
	v2 =	vld [tilespmem:$0x1FEA0]  }
0x1c0: {  	v3 =	vor.u32 v23, v54;
	v19 =	vor.u32 v1, v7;
	v1 =	vor.u32 v21, v50;
	v13 =	vld.idx.msk [tilespmem:v13+s15+$0x0], $0xffff;
	_ =	sdelay $0x2  }
0x1c1: {  	v60 =	vor.u32 v27, v45;
	v61 =	vor.u32 v23, v51;
	v41 =	vor.u32 v22, v45  }
0x1c2: {  	v43 =	vor.u32 v21, v52;
	v63 =	vor.u32 v2, v7;
	v7 =	vor.u32 v21, v45;
	v45 =	vld.idx.msk [tilespmem:v12+s15+$0x0], $0xffff  }
0x1c3: {  	v25 =	vor.u32 v31, v51;
	v16 =	vor.u32 v21, v47;
	[tilespmem:v3+s22+$0x0] =	vst.idx.msk $0xffff, v13;
	v12 =	vld.idx.msk [tilespmem:v1+s15+$0x0], $0xffff  }
0x1c4: {  	v59 =	vor.u32 v23, v32;
	v20 =	vor.u32 v21, v44;
	v17 =	vor.u32 v30, v34;
	v1 =	vld [tilespmem:$0x1FEB0]  }
0x1c5: {  	v5 =	vor.u32 v23, v49;
	v53 =	vor.u32 v14, v51;
	v14 =	vor.u32 v31, v49  }
0x1c6: {  	v49 =	vor.u32 v30, v44;
	v6 =	vor.u32 v26, v51;
	v50 =	vor.u32 v30, v48;
	v52 =	vld.idx.msk [tilespmem:v57+s15+$0x0], $0xffff  }
0x1c7: {  	v8 =	vor.u32 v0, v51;
	v11 =	vor.u32 v31, v54;
	v10 =	vor.u32 v31, v32;
	v51 =	vld.idx.msk [tilespmem:v43+s15+$0x0], $0xffff  }
0x1c8: {  	v54 =	vor.u32 v23, v56;
	v32 =	vor.u32 v30, v47;
	v15 =	vor.u32 v0, v39;
	v56 =	vld.idx.msk [tilespmem:v16+s15+$0x0], $0xffff  }
0x1c9: {  	s28 =	simm.s32 $0x8;
	v58 =	vor.u32 v21, v34;
	v13 =	vor.u32 v23, v37;
	v3 =	vor.u32 v1, v46;
	v46 =	vld.idx.msk [tilespmem:v20+s15+$0x0], $0xffff  }
.LBB2_4:
0x1ca: {  	_ = 	snop  }
0x1cb: {  	v2 =	vlaneseq.u32;
	s20 =	sadd.s32 $0x2, s28  }
0x1cc: {  	v35 =	vadd.s32 s20, v2  }
0x1cd: {  	v0 =	vmov v25;
	[tilespmem:v15+s22+$0x0] =	vst.idx.msk $0xffff, v45;
	v45 =	vand.u32 $0x3F, v35  }
0x1ce: {  	[tilespmem:$0x1FC00] =	vst v0;
	v0 =	vor.u32 v30, v45  }
0x1cf: {  	[tilespmem:$0x1FC10] =	vst v0;
	v0 =	vld [tilespmem:$0x1FCE0];
	_ =	sdelay $0x1  }
0x1d0: {  	v31 =	vld [tilespmem:$0x1FED0]  }
0x1d1: {  	v23 =	vld [tilespmem:$0x1FEC0]  }
0x1d2: {  	[tilespmem:v4+s22+$0x0] =	vst.idx.msk $0xffff, v52;
	v4 =	vmov v61;
	v61 =	vld [tilespmem:$0x1FEE0]  }
0x1d3: {  	[tilespmem:v53+s22+$0x0] =	vst.idx.msk $0xffff, v33;
	v47 =	vld.idx.msk [tilespmem:v50+s15+$0x0], $0xffff  }
0x1d4: {  	[tilespmem:v13+s22+$0x0] =	vst.idx.msk $0xffff, v46;
	v13 =	vld.idx.msk [tilespmem:v41+s15+$0x0], $0xffff  }
0x1d5: {  	[tilespmem:v54+s22+$0x0] =	vst.idx.msk $0xffff, v51;
	v40 =	vld.idx.msk [tilespmem:v58+s15+$0x0], $0xffff  }
0x1d6: {  	v55 =	vld.idx.msk [tilespmem:v0+s15+$0x0], $0xffff  }
0x1d7: {  	s30 =	sadd.s32 $0x5, s28;
	v58 =	vor.u32 v61, v45;
	v0 =	vld [tilespmem:$0x1FFD0]  }
0x1d8: {  	s0 =	sadd.s32 $0x1, s28;
	v48 =	vadd.s32 s30, v2;
	s30 =	smov.u32 s28  }
0x1d9: {  	v33 =	vor.u32 v23, v39;
	v39 =	vadd.s32 s0, v2;
	s0 =	sadd.s32 $0x4, s30  }
0x1da: {  	v16 =	vadd.s32 s28, v2;
	v20 =	vor.u32 v31, v37;
	v51 =	vadd.s32 s0, v2  }
0x1db: {  	[tilespmem:v11+s22+$0x0] =	vst.idx.msk $0xffff, v47;
	v54 =	vand.u32 $0x3F, v51;
	v57 =	vshll.u32 v51, $0x7;
	v51 =	vand.u32 $0x38, v16  }
0x1dc: {  	v37 =	vshll.u32 v16, $0x7;
	v11 =	vor.u32 v0, v51;
	v0 =	vld.idx.msk [tilespmem:v58+s15+$0x0], $0xffff;
	[tilespmem:v6+s22+$0x0] =	vst.idx.msk $0xffff, v13;
	v6 =	vshll.u32 v39, $0x7  }
0x1dd: {  	v47 =	vand.u32 $0x1C00, v37;
	v37 =	vand.u32 $0x1F80, v6;
	v6 =	vld [tilespmem:$0x1FCC0];
	_ =	sdelay $0x4  }
0x1de: {  	v36 =	vld.idx.msk [tilespmem:v36+s15+$0x0], $0xffff;
	_ =	sdelay $0x2  }
0x1df: {  	s31 =	sadd.s32 $0x7, s28;
	[tilespmem:v6+s22+$0x0] =	vst.idx.msk $0xffff, v55;
	v6 =	vld [tilespmem:$0x1FCF0]  }
0x1e0: {  	v15 =	vadd.s32 s31, v2  }
0x1e1: {  	v16 =	vshll.u32 v15, $0x7;
	[tilespmem:v9+s22+$0x0] =	vst.idx.msk $0xffff, v36  }
0x1e2: {  	v46 =	vand.u32 $0x1F80, v16;
	v16 =	vld.idx.msk [tilespmem:v19+s15+$0x0], $0xffff;
	_ =	sdelay $0x3  }
0x1e3: {  	v1 =	vld [tilespmem:$0x1FFC0];
	[tilespmem:v59+s22+$0x0] =	vst.idx.msk $0xffff, v56  }
0x1e4: {  	[tilespmem:v6+s22+$0x0] =	vst.idx.msk $0xffff, v16;
	v6 =	vld [tilespmem:$0x1FCD0]  }
0x1e5: {  	s29 =	sadd.s32 $0x3, s28;
	s23 =	sadd.s32 $0x6, s28;
	v32 =	vld.idx.msk [tilespmem:v32+s15+$0x0], $0xffff;
	v56 =	vor.u32 v61, v54  }
0x1e6: {  	v21 =	vld [tilespmem:$0x1FFA0];
	v34 =	vadd.s32 s29, v2;
	v38 =	vadd.s32 s23, v2;
	v50 =	vand.u32 $0x3F, v48  }
0x1e7: {  	v53 =	vand.u32 $0x3F, v34;
	v34 =	vshll.u32 v34, $0x7;
	v35 =	vshll.u32 v35, $0x7;
	[tilespmem:v5+s22+$0x0] =	vst.idx.msk $0xffff, v12;
	v30 =	vld [tilespmem:$0x1FF00]  }
0x1e8: {  	v59 =	vshll.u32 v38, $0x7;
	v42 =	vld.idx.msk [tilespmem:v49+s15+$0x0], $0xffff;
	v52 =	vand.u32 $0x1F80, v35;
	v49 =	vand.u32 $0x1F80, v57;
	[tilespmem:v33+s22+$0x0] =	vst.idx.msk $0xffff, v40  }
0x1e9: {  	v44 =	vand.u32 $0x3F, v39;
	v43 =	vor.u32 v61, v50;
	v9 =	vor.u32 v2, v49;
	v35 =	vld.idx.msk [tilespmem:v17+s15+$0x0], $0xffff  }
0x1ea: {  	[tilespmem:v10+s22+$0x0] =	vst.idx.msk $0xffff, v32;
	v12 =	vld.idx.msk [tilespmem:v56+s15+$0x0], $0xffff;
	v58 =	vshll.u32 v48, $0x7;
	v48 =	vand.u32 $0x3F, v15;
	v39 =	vand.u32 $0x1F80, v59  }
0x1eb: {  	v13 =	vor.u32 v2, v46;
	v59 =	vand.u32 $0x1F80, v34;
	v15 =	vld.idx.msk [tilespmem:v60+s15+$0x0], $0xffff;
	v60 =	vor.u32 v2, v39  }
0x1ec: {  	v56 =	vand.u32 $0x1F80, v58;
	v17 =	vor.u32 v31, v39;
	[tilespmem:$0x1FC20] =	vst v0;
	v57 =	vld.idx.msk [tilespmem:v6+s15+$0x0], $0xffff;
	v6 =	vor.u32 v30, v52  }
0x1ed: {  	v34 =	vor.u32 v2, v59;
	v32 =	vor.u32 v2, v56;
	[tilespmem:$0x1FC40] =	vst v6;
	v6 =	vor.u32 v31, v59  }
0x1ee: {  	v0 =	vor.u32 v2, v52;
	v16 =	vor.u32 v2, v37;
	v2 =	vmov v17;
	[tilespmem:$0x1FCC0] =	vst v6  }
0x1ef: {  	v40 =	vor.u32 v61, v48;
	v6 =	vld [tilespmem:$0x1FCB0];
	[tilespmem:$0x1FCB0] =	vst v2;
	v2 =	vor.u32 v21, v44  }
0x1f0: {  	[tilespmem:$0x1FC90] =	vst v2;
	v2 =	vld [tilespmem:$0x1FD00]  }
0x1f1: {  	v36 =	vor.u32 v1, v47;
	v1 =	vor.u32 v61, v53;
	_ =	sdelay $0x1  }
0x1f2: {  	v43 =	vld.idx.msk [tilespmem:v43+s15+$0x0], $0xffff;
	[tilespmem:v9+s22+$0x0] =	vst.idx.msk $0xffff, v12  }
0x1f3: {  	[tilespmem:$0x1FC30] =	vst v0;
	v0 =	vor.u32 v23, v52;
	v9 =	vld.idx.msk [tilespmem:v40+s15+$0x0], $0xffff  }
0x1f4: {  	v41 =	vor.u32 v61, v44;
	[tilespmem:$0x1FC60] =	vst v0;
	v0 =	vld [tilespmem:$0x1FEF0]  }
0x1f5: {  	v1 =	vld.idx.msk [tilespmem:v1+s15+$0x0], $0xffff;
	[tilespmem:v62+s22+$0x0] =	vst.idx.msk $0xffff, v57  }
0x1f6: {  	v57 =	vld.idx.msk [tilespmem:v63+s15+$0x0], $0xffff  }
0x1f7: {  	[tilespmem:v32+s22+$0x0] =	vst.idx.msk $0xffff, v43;
	v43 =	vld.idx.msk [tilespmem:v2+s15+$0x0], $0xffff;
	v2 =	vor.u32 v27, v45  }
0x1f8: {  	v33 =	vor.u32 v24, v51;
	[tilespmem:$0x1FC80] =	vst v2;
	v2 =	vld [tilespmem:$0x1FE80]  }
0x1f9: {  	v41 =	vld.idx.msk [tilespmem:v41+s15+$0x0], $0xffff;
	[tilespmem:v20+s22+$0x0] =	vst.idx.msk $0xffff, v42  }
0x1fa: {  	v19 =	vld [tilespmem:$0x1FF20];
	[tilespmem:v8+s22+$0x0] =	vst.idx.msk $0xffff, v15  }
0x1fb: {  	v20 =	vld [tilespmem:$0x1FF30];
	[tilespmem:v13+s22+$0x0] =	vst.idx.msk $0xffff, v9;
	v12 =	vor.u32 v0, v53  }
0x1fc: {  	v15 =	vld.idx.msk [tilespmem:v7+s15+$0x0], $0xffff;
	v55 =	vor.u32 v0, v50;
	[tilespmem:v34+s22+$0x0] =	vst.idx.msk $0xffff, v1  }
0x1fd: {  	v13 =	vld.idx.msk [tilespmem:v33+s15+$0x0], $0xffff;
	[tilespmem:v3+s22+$0x0] =	vst.idx.msk $0xffff, v57;
	v2 =	vor.u32 v2, v51  }
0x1fe: {  	v10 =	vor.u32 v0, v54;
	v3 =	vld [tilespmem:$0x1FFB0];
	[tilespmem:$0x1FCD0] =	vst v2;
	v2 =	vor.u32 v22, v45  }
0x1ff: {  	[tilespmem:$0x1FC70] =	vst v2;
	v2 =	vld [tilespmem:$0x1FCA0]  }
0x200: {  	v1 =	vor.u32 v30, v59;
	v12 =	vld.idx.msk [tilespmem:v12+s15+$0x0], $0xffff  }
0x201: {  	v42 =	vor.u32 v30, v56;
	[tilespmem:v4+s22+$0x0] =	vst.idx.msk $0xffff, v15;
	v55 =	vld.idx.msk [tilespmem:v55+s15+$0x0], $0xffff;
	v62 =	vor.u32 v0, v44  }
0x202: {  	v7 =	vld [tilespmem:$0x1FE10];
	[tilespmem:v16+s22+$0x0] =	vst.idx.msk $0xffff, v41  }
0x203: {  	v10 =	vld.idx.msk [tilespmem:v10+s15+$0x0], $0xffff;
	v16 =	vor.u32 v0, v48;
	[tilespmem:v6+s22+$0x0] =	vst.idx.msk $0xffff, v35;
	v3 =	vor.u32 v3, v53  }
0x204: {  	v35 =	vor.u32 v30, v49;
	[tilespmem:$0x1FCE0] =	vst v3;
	v3 =	vld [tilespmem:$0x1FC00]  }
0x205: {  	v58 =	vand.u32 $0x3F, v38;
	v17 =	vor.u32 v18, v50;
	[tilespmem:v1+s22+$0x0] =	vst.idx.msk $0xffff, v12;
	v1 =	vld [tilespmem:$0x1FC10]  }
0x206: {  	v8 =	vor.u32 v61, v58;
	v61 =	vor.u32 v30, v37;
	[tilespmem:v42+s22+$0x0] =	vst.idx.msk $0xffff, v55;
	v57 =	vld.idx.msk [tilespmem:v62+s15+$0x0], $0xffff  }
0x207: {  	[tilespmem:v36+s22+$0x0] =	vst.idx.msk $0xffff, v13;
	v9 =	vld.idx.msk [tilespmem:v2+s15+$0x0], $0xffff  }
0x208: {  	v16 =	vld.idx.msk [tilespmem:v16+s15+$0x0], $0xffff;
	[tilespmem:v14+s22+$0x0] =	vst.idx.msk $0xffff, v43;
	v2 =	vor.u32 v30, v46  }
0x209: {  	v4 =	vor.u32 v28, v47;
	v11 =	vld.idx.msk [tilespmem:v11+s15+$0x0], $0xffff;
	[tilespmem:v35+s22+$0x0] =	vst.idx.msk $0xffff, v10;
	v35 =	vor.u32 v18, v48  }
0x20a: {  	v40 =	vor.u32 v19, v56;
	v17 =	vld.idx.msk [tilespmem:v17+s15+$0x0], $0xffff;
	v62 =	vor.u32 v18, v44  }
0x20b: {  	v38 =	vor.u32 v18, v54;
	v41 =	vld.idx.msk [tilespmem:v8+s15+$0x0], $0xffff;
	[tilespmem:v61+s22+$0x0] =	vst.idx.msk $0xffff, v57  }
0x20c: {  	[tilespmem:v3+s22+$0x0] =	vst.idx.msk $0xffff, v9;
	v9 =	vld [tilespmem:$0x1FFB0]  }
0x20d: {  	v14 =	vld [tilespmem:$0x1FF40];
	[tilespmem:v2+s22+$0x0] =	vst.idx.msk $0xffff, v16  }
0x20e: {  	[tilespmem:v4+s22+$0x0] =	vst.idx.msk $0xffff, v11;
	v16 =	vor.u32 v19, v46;
	v11 =	vld.idx.msk [tilespmem:v35+s15+$0x0], $0xffff  }
0x20f: {  	[tilespmem:v40+s22+$0x0] =	vst.idx.msk $0xffff, v17;
	v17 =	vor.u32 v20, v48;
	v61 =	vld.idx.msk [tilespmem:v62+s15+$0x0], $0xffff  }
0x210: {  	v13 =	vld.idx.msk [tilespmem:v38+s15+$0x0], $0xffff  }
0x211: {  	v32 =	vor.u32 v9, v58;
	v9 =	vld [tilespmem:$0x1FE40]  }
0x212: {  	v4 =	vld [tilespmem:$0x1FE30];
	v3 =	vor.u32 v0, v58  }
0x213: {  	v5 =	vor.u32 v0, v45;
	v43 =	vor.u32 v20, v50;
	v0 =	vld [tilespmem:$0x1FE20];
	[tilespmem:v16+s22+$0x0] =	vst.idx.msk $0xffff, v11  }
0x214: {  	v16 =	vld.idx.msk [tilespmem:v17+s15+$0x0], $0xffff  }
0x215: {  	v34 =	vor.u32 v19, v49;
	v33 =	vor.u32 v18, v53;
	v17 =	vld [tilespmem:$0x1FE50]  }
0x216: {  	v63 =	vor.u32 v20, v54;
	[tilespmem:v60+s22+$0x0] =	vst.idx.msk $0xffff, v41;
	v36 =	vor.u32 v9, v51;
	v9 =	vld [tilespmem:$0x1FC30]  }
0x217: {  	v6 =	vor.u32 v18, v45;
	v8 =	vor.u32 v7, v47;
	v60 =	vld.idx.msk [tilespmem:v3+s15+$0x0], $0xffff;
	v3 =	vor.u32 v30, v39  }
0x218: {  	v43 =	vld.idx.msk [tilespmem:v43+s15+$0x0], $0xffff;
	v2 =	vor.u32 v18, v58;
	v10 =	vor.u32 v0, v51;
	v0 =	vmov v1  }
0x219: {  	v7 =	vor.u32 v20, v45;
	v57 =	vor.u32 v20, v53;
	v62 =	vor.u32 v20, v44;
	[tilespmem:$0x1FCA0] =	vst v0;
	v0 =	vld [tilespmem:$0x1FC20]  }
0x21a: {  	[tilespmem:v34+s22+$0x0] =	vst.idx.msk $0xffff, v13;
	v11 =	vor.u32 v20, v58;
	v20 =	vmov v18;
	v18 =	vor.u32 v17, v47;
	v17 =	vld [tilespmem:$0x1FE60]  }
0x21b: {  	v63 =	vld.idx.msk [tilespmem:v63+s15+$0x0], $0xffff  }
0x21c: {  	v15 =	vor.u32 v29, v51;
	v55 =	vor.u32 v19, v37;
	v1 =	vld.idx.msk [tilespmem:v33+s15+$0x0], $0xffff;
	[tilespmem:v3+s22+$0x0] =	vst.idx.msk $0xffff, v60  }
0x21d: {  	v12 =	vor.u32 v22, v54;
	[tilespmem:$0x1FC50] =	vst v6;
	v41 =	vor.u32 v14, v56;
	v13 =	vld.idx.msk [tilespmem:v2+s15+$0x0], $0xffff  }
0x21e: {  	v6 =	vor.u32 v19, v52;
	v38 =	vor.u32 v14, v49;
	[tilespmem:v9+s22+$0x0] =	vst.idx.msk $0xffff, v0;
	v0 =	vld [tilespmem:$0x1FC40]  }
0x21f: {  	v33 =	vor.u32 v19, v59;
	v2 =	vor.u32 v19, v39;
	v19 =	vor.u32 v17, v51;
	v17 =	vld [tilespmem:$0x1FC50]  }
0x220: {  	v30 =	vld [tilespmem:$0x1FE70]  }
0x221: {  	v42 =	vor.u32 v22, v50;
	[tilespmem:v55+s22+$0x0] =	vst.idx.msk $0xffff, v61;
	v5 =	vld.idx.msk [tilespmem:v5+s15+$0x0], $0xffff  }
0x222: {  	v15 =	vld.idx.msk [tilespmem:v15+s15+$0x0], $0xffff;
	[tilespmem:v41+s22+$0x0] =	vst.idx.msk $0xffff, v43  }
0x223: {  	v55 =	vor.u32 v14, v46;
	v62 =	vld.idx.msk [tilespmem:v62+s15+$0x0], $0xffff;
	[tilespmem:v38+s22+$0x0] =	vst.idx.msk $0xffff, v63  }
0x224: {  	v41 =	vor.u32 v22, v48;
	v12 =	vld.idx.msk [tilespmem:v12+s15+$0x0], $0xffff;
	[tilespmem:v33+s22+$0x0] =	vst.idx.msk $0xffff, v1;
	v3 =	vor.u32 v14, v37  }
0x225: {  	v34 =	vor.u32 v22, v44;
	v57 =	vld.idx.msk [tilespmem:v57+s15+$0x0], $0xffff  }
0x226: {  	v30 =	vor.u32 v30, v47;
	[tilespmem:v0+s22+$0x0] =	vst.idx.msk $0xffff, v5;
	v5 =	vld.idx.msk [tilespmem:v42+s15+$0x0], $0xffff  }
0x227: {  	[tilespmem:$0x1FCF0] =	vst v30;
	v42 =	vld.idx.msk [tilespmem:v17+s15+$0x0], $0xffff  }
0x228: {  	v33 =	vor.u32 v26, v56;
	v30 =	vld [tilespmem:$0x1FFB0];
	[tilespmem:v55+s22+$0x0] =	vst.idx.msk $0xffff, v16  }
0x229: {  	v35 =	vor.u32 v26, v49;
	v16 =	vld.idx.msk [tilespmem:v41+s15+$0x0], $0xffff;
	[tilespmem:v3+s22+$0x0] =	vst.idx.msk $0xffff, v62  }
0x22a: {  	v40 =	vor.u32 v14, v59;
	v1 =	vor.u32 v27, v54;
	[tilespmem:v2+s22+$0x0] =	vst.idx.msk $0xffff, v13;
	v34 =	vld.idx.msk [tilespmem:v34+s15+$0x0], $0xffff  }
0x22b: {  	v60 =	vor.u32 v22, v53;
	v41 =	vor.u32 v26, v46;
	v11 =	vld.idx.msk [tilespmem:v11+s15+$0x0], $0xffff  }
0x22c: {  	v55 =	vor.u32 v27, v48;
	v13 =	vor.u32 v26, v37;
	v0 =	vld [tilespmem:$0x1FF80];
	[tilespmem:v6+s22+$0x0] =	vst.idx.msk $0xffff, v42  }
0x22d: {  	v38 =	vor.u32 v27, v44;
	v63 =	vor.u32 v14, v39;
	[tilespmem:v33+s22+$0x0] =	vst.idx.msk $0xffff, v5;
	v33 =	vld.idx.msk [tilespmem:v7+s15+$0x0], $0xffff  }
0x22e: {  	[tilespmem:v35+s22+$0x0] =	vst.idx.msk $0xffff, v12;
	v3 =	vor.u32 v22, v58;
	v7 =	vld [tilespmem:$0x1FFB0]  }
0x22f: {  	v1 =	vld.idx.msk [tilespmem:v1+s15+$0x0], $0xffff;
	[tilespmem:v40+s22+$0x0] =	vst.idx.msk $0xffff, v57  }
0x230: {  	v60 =	vld.idx.msk [tilespmem:v60+s15+$0x0], $0xffff;
	v9 =	vor.u32 v27, v50;
	[tilespmem:v41+s22+$0x0] =	vst.idx.msk $0xffff, v16  }
0x231: {  	v35 =	vld.idx.msk [tilespmem:v55+s15+$0x0], $0xffff;
	[tilespmem:v13+s22+$0x0] =	vst.idx.msk $0xffff, v34;
	v17 =	vor.u32 v26, v59  }
0x232: {  	v2 =	vor.u32 v27, v53;
	[tilespmem:v63+s22+$0x0] =	vst.idx.msk $0xffff, v11;
	v38 =	vld.idx.msk [tilespmem:v38+s15+$0x0], $0xffff  }
0x233: {  	[tilespmem:v8+s22+$0x0] =	vst.idx.msk $0xffff, v15;
	v3 =	vld.idx.msk [tilespmem:v3+s15+$0x0], $0xffff;
	v41 =	vor.u32 v0, v46;
	v7 =	vor.u32 v7, v54  }
0x234: {  	v12 =	vor.u32 v26, v39;
	v40 =	vor.u32 v21, v54;
	v43 =	vor.u32 v0, v49;
	[tilespmem:$0x1FD00] =	vst v7;
	v7 =	vld [tilespmem:$0x1FFB0]  }
0x235: {  	v57 =	vor.u32 v0, v56;
	v8 =	vor.u32 v0, v52;
	v15 =	vor.u32 v0, v39;
	v9 =	vld.idx.msk [tilespmem:v9+s15+$0x0], $0xffff  }
0x236: {  	[tilespmem:v17+s22+$0x0] =	vst.idx.msk $0xffff, v60;
	v42 =	vor.u32 v0, v59;
	v60 =	vor.u32 v0, v37;
	v0 =	vld [tilespmem:$0x1FC90]  }
0x237: {  	v61 =	vor.u32 v21, v50;
	v2 =	vld.idx.msk [tilespmem:v2+s15+$0x0], $0xffff  }
0x238: {  	[tilespmem:v41+s22+$0x0] =	vst.idx.msk $0xffff, v35;
	v41 =	vld [tilespmem:$0x1FC70]  }
0x239: {  	[tilespmem:v12+s22+$0x0] =	vst.idx.msk $0xffff, v3;
	v50 =	vor.u32 v7, v50;
	v7 =	vld [tilespmem:$0x1FE90]  }
0x23a: {  	[tilespmem:v43+s22+$0x0] =	vst.idx.msk $0xffff, v1;
	v1 =	vld [tilespmem:$0x1FEB0]  }
0x23b: {  	v16 =	vor.u32 v21, v48;
	[tilespmem:v57+s22+$0x0] =	vst.idx.msk $0xffff, v9;
	v12 =	vld.idx.msk [tilespmem:v40+s15+$0x0], $0xffff  }
0x23c: {  	v9 =	vld.idx.msk [tilespmem:v61+s15+$0x0], $0xffff  }
0x23d: {  	v25 =	vor.u32 v31, v52;
	[tilespmem:v42+s22+$0x0] =	vst.idx.msk $0xffff, v2;
	v2 =	vld [tilespmem:$0x1FFB0]  }
0x23e: {  	v17 =	vor.u32 v23, v56;
	v54 =	vor.u32 v21, v53;
	v62 =	vor.u32 v7, v47;
	v7 =	vld [tilespmem:$0x1FEA0]  }
0x23f: {  	v4 =	vor.u32 v4, v47;
	v34 =	vor.u32 v27, v58;
	[tilespmem:v60+s22+$0x0] =	vst.idx.msk $0xffff, v38;
	v60 =	vld [tilespmem:$0x1FC80]  }
0x240: {  	p0 =	slt.u32 s28, $0x38;
	v13 =	vor.u32 v23, v37;
	v58 =	vor.u32 v21, v58;
	v11 =	vor.u32 v31, v56;
	v56 =	vld.idx.msk [tilespmem:v16+s15+$0x0], $0xffff  }
.Ltmp1:
0x241: {  	v5 =	vor.u32 v23, v49;
	v6 =	vor.u32 v26, v52;
	v53 =	vor.u32 v14, v52;
	v61 =	vld [tilespmem:$0x1FC60];
	(pc) =	sbr.rel @p0 .LBB2_4-.Ltmp1, $4  }
0x242: {  	v52 =	vld.idx.msk [tilespmem:v10+s15+$0x0], $0xffff;
	v14 =	vor.u32 v31, v49;
	v10 =	vor.u32 v31, v46;
	v3 =	vor.u32 v1, v47  }
0x243: {  	v49 =	vor.u32 v2, v44;
	[tilespmem:v17+s22+$0x0] =	vst.idx.msk $0xffff, v9;
	v63 =	vor.u32 v7, v51;
	v51 =	vld.idx.msk [tilespmem:v54+s15+$0x0], $0xffff  }
0x244: {  	v9 =	vmovc v18;
	v18 =	vmov v20;
	v17 =	vmov v32;
	v7 =	vor.u32 v21, v45;
	v45 =	vld.idx.msk [tilespmem:v34+s15+$0x0], $0xffff  }
0x245: {  	s28 =	sadd.s32 $0x8, s28;
	v32 =	vor.u32 v30, v48;
	v54 =	vor.u32 v23, v59;
	v59 =	vor.u32 v23, v46;
	v46 =	vld.idx.msk [tilespmem:v0+s15+$0x0], $0xffff  }
0x246: {  	_ =	sdelay $0x3  }
0x247: {  	[tilespmem:v53+s22+$0x0] =	vst.idx.msk $0xffff, v33  }
0x248: {  	[tilespmem:v4+s22+$0x0] =	vst.idx.msk $0xffff, v52;
	v2 =	vld.idx.msk [tilespmem:v41+s15+$0x0], $0xffff  }
0x249: {  	v1 =	vld.idx.msk [tilespmem:v36+s15+$0x0], $0xffff;
	_ =	sdelay $0x1  }
0x24a: {  	[tilespmem:v54+s22+$0x0] =	vst.idx.msk $0xffff, v51  }
0x24b: {  	[tilespmem:v15+s22+$0x0] =	vst.idx.msk $0xffff, v45  }
0x24c: {  	[tilespmem:v6+s22+$0x0] =	vst.idx.msk $0xffff, v2  }
0x24d: {  	[tilespmem:v9+s22+$0x0] =	vst.idx.msk $0xffff, v1  }
0x24e: {  	v23 =	vld [tilespmem:$0x1FEC0];
	[tilespmem:v59+s22+$0x0] =	vst.idx.msk $0xffff, v56  }
0x24f: {  	[tilespmem:v13+s22+$0x0] =	vst.idx.msk $0xffff, v46  }
0x250: {  	v0 =	vld [tilespmem:$0x1FCF0];
	_ =	sdelay $0x2  }
0x251: {  	v1 =	vld.idx.msk [tilespmem:v19+s15+$0x0], $0xffff;
	_ =	sdelay $0x4  }
0x252: {  	[tilespmem:v0+s22+$0x0] =	vst.idx.msk $0xffff, v1  }
0x253: {  	v0 =	vld [tilespmem:$0x1FCD0];
	_ =	sdelay $0x1  }
0x254: {  	v2 =	vld.idx.msk [tilespmem:v60+s15+$0x0], $0xffff  }
0x255: {  	v4 =	vld.idx.msk [tilespmem:v50+s15+$0x0], $0xffff;
	_ =	sdelay $0x3  }
0x256: {  	v9 =	vld.idx.msk [tilespmem:v58+s15+$0x0], $0xffff;
	[tilespmem:v8+s22+$0x0] =	vst.idx.msk $0xffff, v2  }
0x257: {  	[tilespmem:v11+s22+$0x0] =	vst.idx.msk $0xffff, v4;
	v1 =	vld.idx.msk [tilespmem:v0+s15+$0x0], $0xffff  }
0x258: {  	v6 =	vor.u32 v23, v39;
	v0 =	vld [tilespmem:$0x1FCE0];
	_ =	sdelay $0x1  }
0x259: {  	v13 =	vld.idx.msk [tilespmem:v32+s15+$0x0], $0xffff;
	_ =	sdelay $0x2  }
0x25a: {  	[tilespmem:v6+s22+$0x0] =	vst.idx.msk $0xffff, v9  }
0x25b: {  	[tilespmem:v5+s22+$0x0] =	vst.idx.msk $0xffff, v12  }
0x25c: {  	v31 =	vld [tilespmem:$0x1FED0];
	[tilespmem:v10+s22+$0x0] =	vst.idx.msk $0xffff, v13  }
0x25d: {  	[tilespmem:v62+s22+$0x0] =	vst.idx.msk $0xffff, v1;
	v4 =	vld.idx.msk [tilespmem:v0+s15+$0x0], $0xffff  }
0x25e: {  	v0 =	vld [tilespmem:$0x1FD00];
	_ =	sdelay $0x2  }
0x25f: {  	v2 =	vld.idx.msk [tilespmem:v7+s15+$0x0], $0xffff;
	_ =	sdelay $0x4  }
0x260: {  	[tilespmem:v61+s22+$0x0] =	vst.idx.msk $0xffff, v2;
	v1 =	vld.idx.msk [tilespmem:v0+s15+$0x0], $0xffff  }
0x261: {  	v0 =	vld [tilespmem:$0x1FCC0];
	_ =	sdelay $0x7  }
0x262: {  	[tilespmem:v0+s22+$0x0] =	vst.idx.msk $0xffff, v4  }
0x263: {  	v0 =	vld [tilespmem:$0x1FCA0];
	_ =	sdelay $0x6  }
0x264: {  	v7 =	vld.idx.msk [tilespmem:v49+s15+$0x0], $0xffff  }
0x265: {  	v2 =	vld.idx.msk [tilespmem:v0+s15+$0x0], $0xffff  }
0x266: {  	v6 =	vor.u32 v31, v37;
	v0 =	vld [tilespmem:$0x1FCB0];
	_ =	sdelay $0x1  }
0x267: {  	v8 =	vld.idx.msk [tilespmem:v63+s15+$0x0], $0xffff  }
0x268: {  	v5 =	vld.idx.msk [tilespmem:v17+s15+$0x0], $0xffff;
	_ =	sdelay $0x1  }
0x269: {  	[tilespmem:v6+s22+$0x0] =	vst.idx.msk $0xffff, v7  }
0x26a: {  	[tilespmem:v14+s22+$0x0] =	vst.idx.msk $0xffff, v1  }
0x26b: {  	s28 =	simm.s32 $0x3;
	s29 =	simm.s32 $0x2;
	v60 =	vmov v30;
	v30 =	vlaneseq.u32;
	[tilespmem:v3+s22+$0x0] =	vst.idx.msk $0xffff, v8  }
0x26c: {  	s0 =	simm.s32 $0x0;
	v9 =	vadd.s32 s28, v30;
	v7 =	vadd.s32 s29, v30;
	[tilespmem:v0+s22+$0x0] =	vst.idx.msk $0xffff, v5  }
0x26d: {  	s23 =	simm.s32 $0x1;
	s30 =	simm.s32 $0x5;
	s31 =	simm.s32 $0x180;
	v52 =	vand.u32 $0x3F, v9;
	v9 =	vshll.u32 v9, $0x7;
	v45 =	vand.u32 $0x3F, v7;
	v3 =	vld [tilespmem:$0x1FEE0];
	[tilespmem:v25+s22+$0x0] =	vst.idx.msk $0xffff, v2  }
0x26e: {  	v56 =	vand.u32 $0x1F80, v9;
	v0 =	vor.u32 v60, v45;
	[hbm4b:s8+s18] =	stream.strided.scatter [tilespmem:s22], [sflag:$0x4], $0x2000, s19, s18, $0x38;
	[tilespmem:$0x10000] =	vst v63  }
0x26f: {  	s28 =	simm.s32 $0x4;
	v4 =	vadd.s32 s0, v30;
	v6 =	vadd.s32 s23, v30;
	s29 =	simm.s32 $0x7;
	v1 =	vadd.s32 s30, v30;
	s30 =	simm.s32 $0x6;
	[tilespmem:$0x1FB70] =	vst v0  }
0x270: {  	v43 =	vand.u32 $0x3F, v6;
	v37 =	vand.u32 $0x3F, v1;
	v8 =	vadd.s32 s29, v30;
	[tilespmem:s15], [sflag:$0x2] =	stream.indirect.gather [hbm4b:s4+s13], $0x40, s31, s13, $0xb8;
	[tilespmem:$0x10000] =	vst v63  }
0x271: {  	v11 =	vadd.s32 s30, v30;
	v16 =	vshll.u32 v7, $0x7;
	v2 =	vadd.s32 s28, v30;
	_ =	swait.ge [sflag:s16], $0x2000  }
0x272: {  	v7 =	vand.u32 $0x38, v4;
	v1 =	vshll.u32 v1, $0x7;
	v51 =	vand.u32 $0x3F, v2;
	v0 =	vld [tilespmem:$0x1FFD0]  }
0x273: {  	v6 =	vshll.u32 v6, $0x7;
	v15 =	vshll.u32 v11, $0x7;
	v13 =	vor.u32 v3, v51;
	[sflag:s16] =	ssyncset.done $0x0  }
0x274: {  	v49 =	vand.u32 $0x1F80, v16;
	v48 =	vand.u32 $0x3F, v8;
	v17 =	vor.u32 v3, v37;
	[sflag:s16] =	ssyncadd.s32 $0xFFFFE000  }
0x275: {  	v54 =	vand.u32 $0x1F80, v1;
	v62 =	vand.u32 $0x1F80, v6;
	v12 =	vor.u32 v3, v43;
	_ =	swait.ge [sflag:s24], $0x2000  }
0x276: {  	v59 =	vand.u32 $0x3F, v11;
	v39 =	vand.u32 $0x1F80, v15;
	v2 =	vshll.u32 v2, $0x7;
	[sflag:s24] =	ssyncset.done $0x0  }
0x277: {  	v50 =	vand.u32 $0x1F80, v2;
	v33 =	vor.u32 v3, v52;
	[sflag:s24] =	ssyncadd.s32 $0xFFFFE000;
	v16 =	vor.u32 v0, v7;
	v0 =	vld [tilespmem:$0x1FEF0]  }
0x278: {  	v14 =	vor.u32 v31, v39;
	v5 =	vshll.u32 v4, $0x7;
	v53 =	vor.u32 v30, v50;
	v13 =	vld.idx.msk [tilespmem:v13+s14+$0x0], $0xffff  }
0x279: {  	v38 =	vor.u32 v30, v54;
	v47 =	vand.u32 $0x1C00, v5;
	v5 =	vor.u32 v24, v7;
	v15 =	vld.idx.msk [tilespmem:v17+s14+$0x0], $0xffff;
	[tilespmem:$0x1FB80] =	vst v14  }
0x27a: {  	v40 =	vor.u32 v30, v62;
	v4 =	vshll.u32 v8, $0x7;
	v32 =	vor.u32 v3, v48;
	v12 =	vld.idx.msk [tilespmem:v12+s14+$0x0], $0xffff  }
0x27b: {  	v10 =	vor.u32 v3, v45;
	v11 =	vor.u32 v3, v59;
	v3 =	vor.u32 v31, v56;
	v8 =	vld [tilespmem:$0x1FFC0]  }
0x27c: {  	v33 =	vld.idx.msk [tilespmem:v33+s14+$0x0], $0xffff;
	[tilespmem:$0x1FB90] =	vst v3;
	v6 =	vor.u32 v0, v51  }
0x27d: {  	v42 =	vor.u32 v30, v56;
	v14 =	vld [tilespmem:$0x1FF00];
	v17 =	vor.u32 v0, v37;
	[tilespmem:v53+s17+$0x0] =	vst.idx.msk $0xffff, v13  }
0x27e: {  	v5 =	vld.idx.msk [tilespmem:v5+s14+$0x0], $0xffff;
	[tilespmem:v38+s17+$0x0] =	vst.idx.msk $0xffff, v15  }
0x27f: {  	v13 =	vld.idx.msk [tilespmem:v32+s14+$0x0], $0xffff;
	[tilespmem:v40+s17+$0x0] =	vst.idx.msk $0xffff, v12  }
0x280: {  	v21 =	vld [tilespmem:$0x1FFA0]  }
0x281: {  	v6 =	vld.idx.msk [tilespmem:v6+s14+$0x0], $0xffff  }
0x282: {  	v3 =	vor.u32 v27, v45;
	[tilespmem:v42+s17+$0x0] =	vst.idx.msk $0xffff, v33;
	v12 =	vld.idx.msk [tilespmem:v17+s14+$0x0], $0xffff  }
0x283: {  	[tilespmem:$0x1FBA0] =	vst v3;
	v3 =	vld [tilespmem:$0x1FE80]  }
0x284: {  	v46 =	vand.u32 $0x1F80, v4  }
0x285: {  	v1 =	vor.u32 v30, v46  }
0x286: {  	v63 =	vor.u32 v14, v50  }
0x287: {  	v8 =	vor.u32 v8, v47  }
0x288: {  	v61 =	vor.u32 v0, v52;
	v36 =	vor.u32 v14, v54;
	v3 =	vor.u32 v3, v7  }
0x289: {  	v11 =	vld.idx.msk [tilespmem:v11+s14+$0x0], $0xffff;
	[tilespmem:$0x1FBB0] =	vst v3  }
0x28a: {  	v55 =	vor.u32 v0, v43;
	[tilespmem:v1+s17+$0x0] =	vst.idx.msk $0xffff, v13  }
0x28b: {  	v15 =	vor.u32 v0, v48;
	[tilespmem:v63+s17+$0x0] =	vst.idx.msk $0xffff, v6  }
0x28c: {  	[tilespmem:v8+s17+$0x0] =	vst.idx.msk $0xffff, v5  }
0x28d: {  	v41 =	vor.u32 v30, v39;
	v13 =	vld.idx.msk [tilespmem:v61+s14+$0x0], $0xffff;
	[tilespmem:v36+s17+$0x0] =	vst.idx.msk $0xffff, v12  }
0x28e: {  	v17 =	vor.u32 v18, v37;
	v1 =	vor.u32 v14, v56;
	v3 =	vld [tilespmem:$0x1FF20]  }
0x28f: {  	v61 =	vld.idx.msk [tilespmem:v55+s14+$0x0], $0xffff;
	v6 =	vor.u32 v14, v62  }
0x290: {  	v63 =	vor.u32 v14, v46;
	v15 =	vld.idx.msk [tilespmem:v15+s14+$0x0], $0xffff  }
0x291: {  	v8 =	vor.u32 v28, v47;
	v12 =	vld.idx.msk [tilespmem:v16+s14+$0x0], $0xffff  }
0x292: {  	v2 =	vor.u32 v30, v49;
	v10 =	vld.idx.msk [tilespmem:v10+s14+$0x0], $0xffff;
	[tilespmem:v41+s17+$0x0] =	vst.idx.msk $0xffff, v11  }
0x293: {  	v38 =	vor.u32 v18, v52;
	v17 =	vld.idx.msk [tilespmem:v17+s14+$0x0], $0xffff;
	[tilespmem:v1+s17+$0x0] =	vst.idx.msk $0xffff, v13;
	v16 =	vor.u32 v3, v54  }
0x294: {  	v19 =	vld [tilespmem:$0x1FF30];
	[tilespmem:v6+s17+$0x0] =	vst.idx.msk $0xffff, v61  }
0x295: {  	v5 =	vor.u32 v0, v59;
	[tilespmem:v63+s17+$0x0] =	vst.idx.msk $0xffff, v15  }
0x296: {  	v57 =	vor.u32 v18, v51;
	[tilespmem:v8+s17+$0x0] =	vst.idx.msk $0xffff, v12  }
0x297: {  	v11 =	vor.u32 v18, v48;
	[tilespmem:v2+s17+$0x0] =	vst.idx.msk $0xffff, v10  }
0x298: {  	v1 =	vor.u32 v18, v43;
	v32 =	vld.idx.msk [tilespmem:v38+s14+$0x0], $0xffff;
	v6 =	vor.u32 v3, v56;
	[tilespmem:v16+s17+$0x0] =	vst.idx.msk $0xffff, v17  }
0x299: {  	v9 =	vor.u32 v14, v49;
	v15 =	vor.u32 v14, v39;
	v13 =	vor.u32 v19, v37;
	v14 =	vld [tilespmem:$0x1FF40]  }
0x29a: {  	v4 =	vor.u32 v0, v45;
	v5 =	vld.idx.msk [tilespmem:v5+s14+$0x0], $0xffff  }
0x29b: {  	v58 =	vor.u32 v3, v50;
	v61 =	vld.idx.msk [tilespmem:v57+s14+$0x0], $0xffff;
	v8 =	vor.u32 v19, v52  }
0x29c: {  	v0 =	vor.u32 v60, v52;
	v12 =	vor.u32 v18, v59;
	v11 =	vld.idx.msk [tilespmem:v11+s14+$0x0], $0xffff;
	v16 =	vor.u32 v3, v46  }
0x29d: {  	v2 =	vor.u32 v3, v62;
	v1 =	vld.idx.msk [tilespmem:v1+s14+$0x0], $0xffff;
	v17 =	vor.u32 v19, v51;
	[tilespmem:v6+s17+$0x0] =	vst.idx.msk $0xffff, v32  }
0x29e: {  	v6 =	vor.u32 v19, v48;
	v13 =	vld.idx.msk [tilespmem:v13+s14+$0x0], $0xffff;
	[tilespmem:$0x1FBC0] =	vst v0;
	v10 =	vor.u32 v14, v54  }
0x29f: {  	[tilespmem:v15+s17+$0x0] =	vst.idx.msk $0xffff, v5;
	v5 =	vor.u32 v19, v43;
	v4 =	vld.idx.msk [tilespmem:v4+s14+$0x0], $0xffff  }
0x2a0: {  	v15 =	vor.u32 v22, v37;
	v8 =	vld.idx.msk [tilespmem:v8+s14+$0x0], $0xffff;
	[tilespmem:v58+s17+$0x0] =	vst.idx.msk $0xffff, v61;
	v63 =	vor.u32 v14, v56  }
0x2a1: {  	[tilespmem:v16+s17+$0x0] =	vst.idx.msk $0xffff, v11;
	v12 =	vld.idx.msk [tilespmem:v12+s14+$0x0], $0xffff  }
0x2a2: {  	v34 =	vor.u32 v18, v45;
	v11 =	vor.u32 v3, v39;
	[tilespmem:v2+s17+$0x0] =	vst.idx.msk $0xffff, v1;
	v2 =	vld.idx.msk [tilespmem:v17+s14+$0x0], $0xffff  }
0x2a3: {  	v16 =	vor.u32 v14, v50;
	v6 =	vld.idx.msk [tilespmem:v6+s14+$0x0], $0xffff;
	[tilespmem:v10+s17+$0x0] =	vst.idx.msk $0xffff, v13  }
0x2a4: {  	v10 =	vor.u32 v14, v46;
	[tilespmem:v9+s17+$0x0] =	vst.idx.msk $0xffff, v4;
	v5 =	vld.idx.msk [tilespmem:v5+s14+$0x0], $0xffff  }
0x2a5: {  	v4 =	vor.u32 v14, v62;
	[tilespmem:v63+s17+$0x0] =	vst.idx.msk $0xffff, v8;
	v15 =	vld.idx.msk [tilespmem:v15+s14+$0x0], $0xffff  }
0x2a6: {  	v1 =	vor.u32 v22, v52;
	v9 =	vor.u32 v26, v54;
	v30 =	vld [tilespmem:$0x1FE10]  }
0x2a7: {  	v36 =	vor.u32 v3, v49;
	v17 =	vor.u32 v19, v59;
	[tilespmem:v11+s17+$0x0] =	vst.idx.msk $0xffff, v12;
	v12 =	vld.idx.msk [tilespmem:v34+s14+$0x0], $0xffff  }
0x2a8: {  	[tilespmem:v16+s17+$0x0] =	vst.idx.msk $0xffff, v2  }
0x2a9: {  	v13 =	vor.u32 v22, v51;
	[tilespmem:v10+s17+$0x0] =	vst.idx.msk $0xffff, v6  }
0x2aa: {  	v8 =	vor.u32 v22, v48;
	[tilespmem:v4+s17+$0x0] =	vst.idx.msk $0xffff, v5  }
0x2ab: {  	v11 =	vor.u32 v22, v43;
	v1 =	vld.idx.msk [tilespmem:v1+s14+$0x0], $0xffff;
	v2 =	vor.u32 v26, v56;
	[tilespmem:v9+s17+$0x0] =	vst.idx.msk $0xffff, v15  }
0x2ac: {  	v41 =	vor.u32 v27, v37;
	v17 =	vld.idx.msk [tilespmem:v17+s14+$0x0], $0xffff;
	[tilespmem:v36+s17+$0x0] =	vst.idx.msk $0xffff, v12  }
0x2ad: {  	v6 =	vor.u32 v14, v39;
	v0 =	vld [tilespmem:$0x1FE20]  }
0x2ae: {  	v10 =	vor.u32 v26, v50;
	v5 =	vld.idx.msk [tilespmem:v13+s14+$0x0], $0xffff  }
0x2af: {  	v8 =	vld.idx.msk [tilespmem:v8+s14+$0x0], $0xffff  }
0x2b0: {  	v11 =	vld.idx.msk [tilespmem:v11+s14+$0x0], $0xffff;
	[tilespmem:v2+s17+$0x0] =	vst.idx.msk $0xffff, v1;
	v1 =	vor.u32 v60, v59  }
0x2b1: {  	v42 =	vld.idx.msk [tilespmem:v41+s14+$0x0], $0xffff;
	[tilespmem:$0x1FBD0] =	vst v1  }
0x2b2: {  	v36 =	vor.u32 v0, v7;
	v0 =	vld [tilespmem:$0x1FF80];
	[tilespmem:v6+s17+$0x0] =	vst.idx.msk $0xffff, v17  }
0x2b3: {  	v9 =	vor.u32 v26, v46;
	[tilespmem:v10+s17+$0x0] =	vst.idx.msk $0xffff, v5  }
0x2b4: {  	v3 =	vld [tilespmem:$0x1FE30]  }
0x2b5: {  	v44 =	vor.u32 v29, v7  }
0x2b6: {  	v4 =	vor.u32 v27, v52;
	_ =	sdelay $0x1  }
0x2b7: {  	v12 =	vor.u32 v26, v62;
	[tilespmem:v9+s17+$0x0] =	vst.idx.msk $0xffff, v8  }
0x2b8: {  	v2 =	vor.u32 v0, v54;
	v35 =	vor.u32 v3, v47;
	v3 =	vld [tilespmem:$0x1FE40]  }
0x2b9: {  	v55 =	vor.u32 v30, v47;
	v53 =	vld.idx.msk [tilespmem:v44+s14+$0x0], $0xffff  }
0x2ba: {  	v1 =	vor.u32 v27, v43;
	v44 =	vld.idx.msk [tilespmem:v4+s14+$0x0], $0xffff;
	v5 =	vor.u32 v0, v56;
	_ =	sdelay $0x1  }
0x2bb: {  	v61 =	vor.u32 v19, v45;
	[tilespmem:v12+s17+$0x0] =	vst.idx.msk $0xffff, v11  }
0x2bc: {  	v13 =	vor.u32 v22, v59;
	v19 =	vor.u32 v3, v7;
	v3 =	vld [tilespmem:$0x1FE50];
	[tilespmem:v2+s17+$0x0] =	vst.idx.msk $0xffff, v42  }
0x2bd: {  	v15 =	vor.u32 v27, v51;
	v2 =	vld [tilespmem:$0x1FE60];
	[tilespmem:v55+s17+$0x0] =	vst.idx.msk $0xffff, v53  }
0x2be: {  	[tilespmem:v5+s17+$0x0] =	vst.idx.msk $0xffff, v44;
	v55 =	vld.idx.msk [tilespmem:v1+s14+$0x0], $0xffff  }
0x2bf: {  	v6 =	vor.u32 v27, v48;
	v1 =	vld [tilespmem:$0x1FE70];
	_ =	sdelay $0x1  }
0x2c0: {  	v10 =	vld.idx.msk [tilespmem:v13+s14+$0x0], $0xffff;
	v8 =	vor.u32 v26, v39  }
0x2c1: {  	v9 =	vor.u32 v0, v50;
	v11 =	vld.idx.msk [tilespmem:v15+s14+$0x0], $0xffff;
	_ =	sdelay $0x1  }
0x2c2: {  	v13 =	vld.idx.msk [tilespmem:v6+s14+$0x0], $0xffff;
	v15 =	vor.u32 v0, v46;
	v1 =	vor.u32 v1, v47  }
0x2c3: {  	[tilespmem:$0x1FBE0] =	vst v1  }
0x2c4: {  	[tilespmem:v8+s17+$0x0] =	vst.idx.msk $0xffff, v10  }
0x2c5: {  	v1 =	vor.u32 v60, v51;
	[tilespmem:v9+s17+$0x0] =	vst.idx.msk $0xffff, v11  }
0x2c6: {  	v12 =	vor.u32 v21, v37;
	[tilespmem:$0x1FBF0] =	vst v1  }
0x2c7: {  	v53 =	vor.u32 v0, v62;
	[tilespmem:v15+s17+$0x0] =	vst.idx.msk $0xffff, v13  }
0x2c8: {  	v1 =	vld [tilespmem:$0x1FE90];
	_ =	sdelay $0x2  }
0x2c9: {  	v12 =	vld.idx.msk [tilespmem:v12+s14+$0x0], $0xffff  }
0x2ca: {  	v57 =	vor.u32 v3, v47;
	v3 =	vor.u32 v23, v54;
	v9 =	vld.idx.msk [tilespmem:v61+s14+$0x0], $0xffff;
	[tilespmem:v53+s17+$0x0] =	vst.idx.msk $0xffff, v55  }
0x2cb: {  	v61 =	vor.u32 v1, v47;
	v1 =	vld [tilespmem:$0x1FEA0]  }
0x2cc: {  	v25 =	vor.u32 v23, v49;
	v41 =	vor.u32 v21, v52  }
0x2cd: {  	v40 =	vor.u32 v22, v45;
	v33 =	vor.u32 v60, v37;
	v16 =	vor.u32 v21, v48  }
0x2ce: {  	v20 =	vor.u32 v21, v43;
	v38 =	vor.u32 v31, v49;
	v63 =	vor.u32 v21, v51  }
0x2cf: {  	v58 =	vor.u32 v21, v59;
	v44 =	vor.u32 v27, v59;
	v52 =	vld.idx.msk [tilespmem:v36+s14+$0x0], $0xffff;
	[tilespmem:v3+s17+$0x0] =	vst.idx.msk $0xffff, v12  }
0x2d0: {  	v6 =	vor.u32 v26, v49;
	v5 =	vor.u32 v23, v50;
	v4 =	vor.u32 v1, v7;
	v1 =	vld [tilespmem:$0x1FEB0]  }
0x2d1: {  	v59 =	vor.u32 v23, v46;
	v17 =	vor.u32 v2, v7;
	v8 =	vor.u32 v0, v49;
	v51 =	vld.idx.msk [tilespmem:v41+s14+$0x0], $0xffff  }
0x2d2: {  	v11 =	vor.u32 v31, v54;
	v10 =	vor.u32 v31, v46;
	v54 =	vor.u32 v23, v56;
	v56 =	vld.idx.msk [tilespmem:v16+s14+$0x0], $0xffff  }
0x2d3: {  	v46 =	vor.u32 v60, v48;
	v13 =	vor.u32 v23, v62;
	v15 =	vor.u32 v0, v39;
	v12 =	vld.idx.msk [tilespmem:v63+s14+$0x0], $0xffff  }
0x2d4: {  	v53 =	vor.u32 v14, v49;
	v14 =	vor.u32 v31, v50;
	v7 =	vor.u32 v21, v45;
	v45 =	vld.idx.msk [tilespmem:v44+s14+$0x0], $0xffff  }
0x2d5: {  	s28 =	simm.s32 $0x8;
	v49 =	vor.u32 v60, v43;
	v50 =	vmov v30;
	v3 =	vor.u32 v1, v47;
	v47 =	vld.idx.msk [tilespmem:v20+s14+$0x0], $0xffff  }
.LBB2_6:
0x2d6: {  	v48 =	vld.idx.msk [tilespmem:v33+s14+$0x0], $0xffff  }
0x2d7: {  	v33 =	vmov v25;
	v25 =	vld [tilespmem:$0x1FFB0];
	_ =	sdelay $0x1  }
0x2d8: {  	v30 =	vlaneseq.u32;
	s20 =	sadd.s32 $0x2, s28  }
0x2d9: {  	[tilespmem:v35+s17+$0x0] =	vst.idx.msk $0xffff, v52;
	v35 =	vadd.s32 s20, v30  }
0x2da: {  	[tilespmem:v15+s17+$0x0] =	vst.idx.msk $0xffff, v45;
	v0 =	vmov v38;
	v45 =	vand.u32 $0x3F, v35  }
0x2db: {  	[tilespmem:$0x1FAC0] =	vst v0;
	v0 =	vor.u32 v25, v45  }
0x2dc: {  	[tilespmem:$0x1FAD0] =	vst v0;
	v0 =	vld [tilespmem:$0x1FBC0];
	_ =	sdelay $0x3  }
0x2dd: {  	[tilespmem:v53+s17+$0x0] =	vst.idx.msk $0xffff, v9;
	v9 =	vld [tilespmem:$0x1FEE0];
	_ =	sdelay $0x1  }
0x2de: {  	[tilespmem:v5+s17+$0x0] =	vst.idx.msk $0xffff, v12;
	v5 =	vld [tilespmem:$0x1FB90]  }
0x2df: {  	[tilespmem:v54+s17+$0x0] =	vst.idx.msk $0xffff, v51;
	v41 =	vld.idx.msk [tilespmem:v58+s14+$0x0], $0xffff  }
0x2e0: {  	v55 =	vld.idx.msk [tilespmem:v0+s14+$0x0], $0xffff  }
0x2e1: {  	v58 =	vor.u32 v9, v45;
	v0 =	vld [tilespmem:$0x1FFD0];
	_ =	sdelay $0x2  }
0x2e2: {  	v23 =	vld [tilespmem:$0x1FEC0];
	v16 =	vadd.s32 s28, v30  }
0x2e3: {  	v51 =	vand.u32 $0x38, v16;
	v32 =	vld.idx.msk [tilespmem:v19+s14+$0x0], $0xffff  }
0x2e4: {  	[tilespmem:v11+s17+$0x0] =	vst.idx.msk $0xffff, v48;
	v11 =	vor.u32 v0, v51;
	v0 =	vld.idx.msk [tilespmem:v58+s14+$0x0], $0xffff;
	_ =	sdelay $0x1  }
0x2e5: {  	[tilespmem:v59+s17+$0x0] =	vst.idx.msk $0xffff, v56  }
0x2e6: {  	s31 =	sadd.s32 $0x7, s28;
	v35 =	vshll.u32 v35, $0x7;
	[tilespmem:v5+s17+$0x0] =	vst.idx.msk $0xffff, v55;
	v5 =	vld [tilespmem:$0x1FBE0]  }
0x2e7: {  	v31 =	vld [tilespmem:$0x1FED0];
	v15 =	vadd.s32 s31, v30;
	v37 =	vor.u32 v23, v39;
	v52 =	vand.u32 $0x1F80, v35;
	[tilespmem:v57+s17+$0x0] =	vst.idx.msk $0xffff, v32  }
0x2e8: {  	v39 =	vshll.u32 v16, $0x7;
	v16 =	vshll.u32 v15, $0x7;
	v32 =	vld.idx.msk [tilespmem:v46+s14+$0x0], $0xffff;
	[tilespmem:$0x1FAE0] =	vst v0;
	v0 =	vor.u32 v30, v52  }
0x2e9: {  	v46 =	vand.u32 $0x1F80, v16;
	v16 =	vld.idx.msk [tilespmem:v17+s14+$0x0], $0xffff;
	[tilespmem:$0x1FAF0] =	vst v0;
	v0 =	vor.u32 v23, v52  }
0x2ea: {  	[tilespmem:$0x1FB60] =	vst v0;
	v0 =	vld [tilespmem:$0x1FEF0]  }
0x2eb: {  	s30 =	sadd.s32 $0x5, s28  }
0x2ec: {  	s0 =	sadd.s32 $0x1, s28;
	v36 =	vadd.s32 s30, v30;
	s30 =	smov.u32 s28  }
0x2ed: {  	v63 =	vadd.s32 s0, v30;
	s0 =	sadd.s32 $0x4, s30  }
0x2ee: {  	v20 =	vor.u32 v31, v62;
	v62 =	vadd.s32 s0, v30;
	[tilespmem:v5+s17+$0x0] =	vst.idx.msk $0xffff, v16;
	v5 =	vld [tilespmem:$0x1FBB0]  }
0x2ef: {  	v54 =	vand.u32 $0x3F, v62;
	v1 =	vor.u32 v0, v45  }
0x2f0: {  	v60 =	vor.u32 v9, v54;
	[tilespmem:$0x1FB00] =	vst v1;
	v1 =	vld [tilespmem:$0x1FBA0];
	_ =	sdelay $0x1  }
0x2f1: {  	[tilespmem:v13+s17+$0x0] =	vst.idx.msk $0xffff, v47;
	v13 =	vld.idx.msk [tilespmem:v40+s14+$0x0], $0xffff  }
0x2f2: {  	v62 =	vshll.u32 v62, $0x7  }
0x2f3: {  	v42 =	vld.idx.msk [tilespmem:v49+s14+$0x0], $0xffff;
	v49 =	vand.u32 $0x1F80, v62  }
0x2f4: {  	v48 =	vand.u32 $0x3F, v15;
	v2 =	vor.u32 v30, v49;
	v12 =	vld.idx.msk [tilespmem:v60+s14+$0x0], $0xffff  }
0x2f5: {  	[tilespmem:v37+s17+$0x0] =	vst.idx.msk $0xffff, v41;
	v41 =	vor.u32 v9, v48;
	v57 =	vld.idx.msk [tilespmem:v5+s14+$0x0], $0xffff  }
0x2f6: {  	[tilespmem:v6+s17+$0x0] =	vst.idx.msk $0xffff, v13  }
0x2f7: {  	v15 =	vld.idx.msk [tilespmem:v1+s14+$0x0], $0xffff  }
0x2f8: {  	v44 =	vand.u32 $0x3F, v63;
	[tilespmem:v10+s17+$0x0] =	vst.idx.msk $0xffff, v32;
	v1 =	vld [tilespmem:$0x1FFC0]  }
0x2f9: {  	v40 =	vor.u32 v9, v44;
	v37 =	vld [tilespmem:$0x1FF00];
	[tilespmem:v2+s17+$0x0] =	vst.idx.msk $0xffff, v12  }
0x2fa: {  	v21 =	vmov v50;
	v50 =	vand.u32 $0x3F, v36;
	v2 =	vld.idx.msk [tilespmem:v41+s14+$0x0], $0xffff;
	v13 =	vor.u32 v30, v46;
	[tilespmem:v61+s17+$0x0] =	vst.idx.msk $0xffff, v57  }
0x2fb: {  	v43 =	vor.u32 v9, v50;
	v57 =	vld.idx.msk [tilespmem:v4+s14+$0x0], $0xffff  }
0x2fc: {  	s29 =	sadd.s32 $0x3, s28;
	s23 =	sadd.s32 $0x6, s28;
	v47 =	vand.u32 $0x1C00, v39;
	v4 =	vld [tilespmem:$0x1FE80]  }
0x2fd: {  	v34 =	vadd.s32 s29, v30;
	v38 =	vadd.s32 s23, v30;
	v35 =	vor.u32 v1, v47;
	v1 =	vld [tilespmem:$0x1FBD0]  }
0x2fe: {  	v53 =	vand.u32 $0x3F, v34;
	v34 =	vshll.u32 v34, $0x7;
	v59 =	vshll.u32 v38, $0x7;
	v40 =	vld.idx.msk [tilespmem:v40+s14+$0x0], $0xffff;
	[tilespmem:v20+s17+$0x0] =	vst.idx.msk $0xffff, v42  }
0x2ff: {  	v19 =	vld [tilespmem:$0x1FF20];
	v39 =	vand.u32 $0x1F80, v59;
	v59 =	vand.u32 $0x1F80, v34;
	[tilespmem:v13+s17+$0x0] =	vst.idx.msk $0xffff, v2;
	v5 =	vor.u32 v37, v52  }
0x300: {  	v43 =	vld.idx.msk [tilespmem:v43+s14+$0x0], $0xffff;
	[tilespmem:$0x1FB10] =	vst v5;
	v5 =	vor.u32 v31, v59  }
0x301: {  	v36 =	vshll.u32 v36, $0x7;
	v2 =	vld [tilespmem:$0x1FB70];
	[tilespmem:$0x1FB90] =	vst v5  }
0x302: {  	v6 =	vshll.u32 v63, $0x7;
	v63 =	vor.u32 v9, v53;
	v5 =	vld [tilespmem:$0x1FB80];
	[tilespmem:v8+s17+$0x0] =	vst.idx.msk $0xffff, v15;
	v4 =	vor.u32 v4, v51  }
0x303: {  	v56 =	vand.u32 $0x1F80, v36;
	v10 =	vor.u32 v0, v54;
	v15 =	vld.idx.msk [tilespmem:v7+s14+$0x0], $0xffff;
	[tilespmem:$0x1FBB0] =	vst v4;
	v4 =	vor.u32 v22, v45  }
0x304: {  	v20 =	vld [tilespmem:$0x1FF30];
	v32 =	vor.u32 v30, v56;
	[tilespmem:$0x1FB30] =	vst v4;
	v4 =	vor.u32 v31, v52  }
0x305: {  	[tilespmem:$0x1FB40] =	vst v4;
	v4 =	vor.u32 v25, v53;
	v1 =	vld.idx.msk [tilespmem:v1+s14+$0x0], $0xffff  }
0x306: {  	v62 =	vand.u32 $0x1F80, v6;
	v55 =	vor.u32 v0, v50;
	[tilespmem:$0x1FBC0] =	vst v4;
	v4 =	vld [tilespmem:$0x1FAC0]  }
0x307: {  	v36 =	vor.u32 v24, v51;
	v12 =	vld.idx.msk [tilespmem:v63+s14+$0x0], $0xffff;
	v16 =	vor.u32 v30, v62  }
0x308: {  	v60 =	vor.u32 v30, v39;
	v10 =	vld.idx.msk [tilespmem:v10+s14+$0x0], $0xffff;
	[tilespmem:v33+s17+$0x0] =	vst.idx.msk $0xffff, v15  }
0x309: {  	[tilespmem:v32+s17+$0x0] =	vst.idx.msk $0xffff, v43;
	v58 =	vand.u32 $0x3F, v38;
	v61 =	vor.u32 v0, v44;
	v2 =	vld.idx.msk [tilespmem:v2+s14+$0x0], $0xffff  }
0x30a: {  	v8 =	vor.u32 v9, v58;
	[tilespmem:v5+s17+$0x0] =	vst.idx.msk $0xffff, v1;
	v1 =	vor.u32 v30, v59;
	v30 =	vld [tilespmem:$0x1FFA0]  }
0x30b: {  	v55 =	vld.idx.msk [tilespmem:v55+s14+$0x0], $0xffff  }
0x30c: {  	[tilespmem:v16+s17+$0x0] =	vst.idx.msk $0xffff, v40;
	v16 =	vor.u32 v0, v48;
	v13 =	vld.idx.msk [tilespmem:v36+s14+$0x0], $0xffff  }
0x30d: {  	v17 =	vor.u32 v31, v39;
	v34 =	vor.u32 v0, v53;
	v7 =	vmov v21;
	v21 =	vld [tilespmem:$0x1FE20];
	[tilespmem:v3+s17+$0x0] =	vst.idx.msk $0xffff, v57  }
0x30e: {  	v57 =	vld.idx.msk [tilespmem:v61+s14+$0x0], $0xffff;
	v61 =	vor.u32 v37, v62;
	v5 =	vmov v17;
	[tilespmem:v4+s17+$0x0] =	vst.idx.msk $0xffff, v2  }
0x30f: {  	v3 =	vor.u32 v18, v44;
	[tilespmem:$0x1FB80] =	vst v5;
	v41 =	vld.idx.msk [tilespmem:v8+s14+$0x0], $0xffff;
	v5 =	vor.u32 v30, v44  }
0x310: {  	[tilespmem:$0x1FB50] =	vst v5;
	v5 =	vld [tilespmem:$0x1FBF0]  }
0x311: {  	v32 =	vor.u32 v37, v56;
	v16 =	vld.idx.msk [tilespmem:v16+s14+$0x0], $0xffff;
	v4 =	vor.u32 v0, v58;
	[tilespmem:v1+s17+$0x0] =	vst.idx.msk $0xffff, v12  }
0x312: {  	v63 =	vor.u32 v7, v47;
	[tilespmem:v35+s17+$0x0] =	vst.idx.msk $0xffff, v13;
	v1 =	vor.u32 v37, v59;
	v34 =	vld.idx.msk [tilespmem:v34+s14+$0x0], $0xffff  }
0x313: {  	v15 =	vor.u32 v28, v47;
	v35 =	vld.idx.msk [tilespmem:v11+s14+$0x0], $0xffff;
	v7 =	vor.u32 v21, v51;
	[tilespmem:v61+s17+$0x0] =	vst.idx.msk $0xffff, v57  }
0x314: {  	v33 =	vor.u32 v29, v51;
	[tilespmem:$0x1FB20] =	vst v7;
	v3 =	vld.idx.msk [tilespmem:v3+s14+$0x0], $0xffff  }
0x315: {  	v57 =	vor.u32 v19, v62;
	v7 =	vld [tilespmem:$0x1FE30];
	[tilespmem:v60+s17+$0x0] =	vst.idx.msk $0xffff, v41  }
0x316: {  	[tilespmem:v32+s17+$0x0] =	vst.idx.msk $0xffff, v55;
	v17 =	vor.u32 v18, v50;
	v8 =	vor.u32 v37, v46;
	v32 =	vld.idx.msk [tilespmem:v4+s14+$0x0], $0xffff  }
0x317: {  	v4 =	vor.u32 v20, v44;
	[tilespmem:v1+s17+$0x0] =	vst.idx.msk $0xffff, v34;
	v1 =	vld [tilespmem:$0x1FAD0]  }
0x318: {  	[tilespmem:v15+s17+$0x0] =	vst.idx.msk $0xffff, v35;
	v12 =	vor.u32 v18, v53;
	v43 =	vld.idx.msk [tilespmem:v5+s14+$0x0], $0xffff  }
0x319: {  	v38 =	vor.u32 v37, v49;
	v11 =	vld.idx.msk [tilespmem:v33+s14+$0x0], $0xffff  }
0x31a: {  	v35 =	vor.u32 v7, v47;
	v7 =	vld [tilespmem:$0x1FE40];
	[tilespmem:v57+s17+$0x0] =	vst.idx.msk $0xffff, v3;
	v37 =	vor.u32 v37, v39  }
0x31b: {  	v17 =	vld.idx.msk [tilespmem:v17+s14+$0x0], $0xffff;
	[tilespmem:v8+s17+$0x0] =	vst.idx.msk $0xffff, v16;
	v8 =	vor.u32 v18, v58  }
0x31c: {  	v42 =	vor.u32 v18, v54;
	v4 =	vld.idx.msk [tilespmem:v4+s14+$0x0], $0xffff  }
0x31d: {  	v40 =	vor.u32 v19, v56;
	v0 =	vmov v1;
	v1 =	vld.idx.msk [tilespmem:v12+s14+$0x0], $0xffff;
	[tilespmem:v14+s17+$0x0] =	vst.idx.msk $0xffff, v43  }
0x31e: {  	v12 =	vor.u32 v19, v59;
	v14 =	vld [tilespmem:$0x1FF40];
	[tilespmem:v38+s17+$0x0] =	vst.idx.msk $0xffff, v10;
	v38 =	vor.u32 v18, v48  }
0x31f: {  	v61 =	vor.u32 v20, v53;
	[tilespmem:v37+s17+$0x0] =	vst.idx.msk $0xffff, v32;
	v5 =	vor.u32 v27, v45;
	v10 =	vld [tilespmem:$0x1FAF0]  }
0x320: {  	v8 =	vld.idx.msk [tilespmem:v8+s14+$0x0], $0xffff;
	[tilespmem:$0x1FBA0] =	vst v5;
	v43 =	vor.u32 v20, v50  }
0x321: {  	v36 =	vor.u32 v19, v49;
	[tilespmem:$0x1FB70] =	vst v0;
	v0 =	vor.u32 v25, v58;
	v2 =	vld.idx.msk [tilespmem:v42+s14+$0x0], $0xffff  }
0x322: {  	[tilespmem:$0x1FBD0] =	vst v0;
	v0 =	vor.u32 v7, v51;
	v7 =	vld [tilespmem:$0x1FAE0]  }
0x323: {  	v16 =	vor.u32 v19, v46;
	v5 =	vor.u32 v20, v54;
	[tilespmem:v12+s17+$0x0] =	vst.idx.msk $0xffff, v1;
	v15 =	vld.idx.msk [tilespmem:v38+s14+$0x0], $0xffff  }
0x324: {  	[tilespmem:v40+s17+$0x0] =	vst.idx.msk $0xffff, v17;
	v17 =	vor.u32 v20, v48;
	v61 =	vld.idx.msk [tilespmem:v61+s14+$0x0], $0xffff;
	v38 =	vor.u32 v14, v59  }
0x325: {  	v13 =	vor.u32 v19, v52;
	v37 =	vor.u32 v22, v53;
	v33 =	vld.idx.msk [tilespmem:v43+s14+$0x0], $0xffff;
	v32 =	vor.u32 v14, v62  }
0x326: {  	[tilespmem:v36+s17+$0x0] =	vst.idx.msk $0xffff, v2;
	v36 =	vor.u32 v22, v44;
	v2 =	vor.u32 v19, v39;
	v19 =	vmov v0;
	v0 =	vld [tilespmem:$0x1FB10]  }
0x327: {  	v3 =	vor.u32 v20, v58;
	v41 =	vor.u32 v14, v56;
	[tilespmem:v10+s17+$0x0] =	vst.idx.msk $0xffff, v7;
	v7 =	vld [tilespmem:$0x1FB00]  }
0x328: {  	v55 =	vor.u32 v14, v49;
	v5 =	vld.idx.msk [tilespmem:v5+s14+$0x0], $0xffff;
	[tilespmem:v16+s17+$0x0] =	vst.idx.msk $0xffff, v15  }
0x329: {  	v34 =	vor.u32 v22, v54;
	[tilespmem:v38+s17+$0x0] =	vst.idx.msk $0xffff, v61;
	v15 =	vld.idx.msk [tilespmem:v17+s14+$0x0], $0xffff  }
0x32a: {  	[tilespmem:v32+s17+$0x0] =	vst.idx.msk $0xffff, v4;
	v37 =	vld.idx.msk [tilespmem:v37+s14+$0x0], $0xffff  }
0x32b: {  	v16 =	vor.u32 v14, v46;
	[tilespmem:v2+s17+$0x0] =	vst.idx.msk $0xffff, v8;
	v32 =	vld.idx.msk [tilespmem:v36+s14+$0x0], $0xffff  }
0x32c: {  	[tilespmem:v41+s17+$0x0] =	vst.idx.msk $0xffff, v33;
	v33 =	vor.u32 v22, v48;
	v61 =	vor.u32 v26, v59;
	v3 =	vld.idx.msk [tilespmem:v3+s14+$0x0], $0xffff  }
0x32d: {  	v8 =	vor.u32 v27, v53;
	[tilespmem:v55+s17+$0x0] =	vst.idx.msk $0xffff, v5;
	v5 =	vld [tilespmem:$0x1FE70]  }
0x32e: {  	v34 =	vld.idx.msk [tilespmem:v34+s14+$0x0], $0xffff  }
0x32f: {  	v60 =	vor.u32 v22, v50;
	v43 =	vld.idx.msk [tilespmem:v7+s14+$0x0], $0xffff  }
0x330: {  	v7 =	vld [tilespmem:$0x1FE50];
	[tilespmem:v16+s17+$0x0] =	vst.idx.msk $0xffff, v15  }
0x331: {  	v6 =	vor.u32 v18, v45;
	v2 =	vor.u32 v26, v62;
	[tilespmem:v61+s17+$0x0] =	vst.idx.msk $0xffff, v37;
	v15 =	vld.idx.msk [tilespmem:v33+s14+$0x0], $0xffff  }
0x332: {  	v40 =	vor.u32 v26, v49;
	v12 =	vor.u32 v27, v54;
	v42 =	vor.u32 v27, v50;
	v37 =	vld.idx.msk [tilespmem:v8+s14+$0x0], $0xffff  }
0x333: {  	v10 =	vor.u32 v30, v50;
	v16 =	vor.u32 v26, v46;
	v33 =	vor.u32 v25, v50;
	v50 =	vld [tilespmem:$0x1FE10]  }
0x334: {  	v55 =	vor.u32 v27, v44;
	[tilespmem:v0+s17+$0x0] =	vst.idx.msk $0xffff, v43;
	v43 =	vld.idx.msk [tilespmem:v60+s14+$0x0], $0xffff;
	v60 =	vor.u32 v14, v39  }
0x335: {  	v1 =	vor.u32 v26, v56;
	v4 =	vor.u32 v22, v58;
	v57 =	vor.u32 v7, v47;
	v7 =	vld [tilespmem:$0x1FE60]  }
0x336: {  	[tilespmem:v2+s17+$0x0] =	vst.idx.msk $0xffff, v32;
	v0 =	vld [tilespmem:$0x1FF80]  }
0x337: {  	[tilespmem:v40+s17+$0x0] =	vst.idx.msk $0xffff, v34;
	v6 =	vld.idx.msk [tilespmem:v6+s14+$0x0], $0xffff  }
0x338: {  	v12 =	vld.idx.msk [tilespmem:v12+s14+$0x0], $0xffff;
	[tilespmem:v16+s17+$0x0] =	vst.idx.msk $0xffff, v15  }
0x339: {  	v9 =	vor.u32 v20, v45;
	[tilespmem:v60+s17+$0x0] =	vst.idx.msk $0xffff, v3;
	v60 =	vld.idx.msk [tilespmem:v55+s14+$0x0], $0xffff  }
0x33a: {  	v40 =	vor.u32 v26, v39;
	[tilespmem:v1+s17+$0x0] =	vst.idx.msk $0xffff, v43;
	v1 =	vor.u32 v27, v48;
	v34 =	vld.idx.msk [tilespmem:v4+s14+$0x0], $0xffff  }
0x33b: {  	v17 =	vor.u32 v7, v51;
	v41 =	vor.u32 v0, v49;
	v7 =	vor.u32 v0, v56;
	v4 =	vld [tilespmem:$0x1FE90]  }
0x33c: {  	v3 =	vor.u32 v0, v62;
	v32 =	vor.u32 v0, v46;
	[tilespmem:v13+s17+$0x0] =	vst.idx.msk $0xffff, v6;
	v13 =	vld.idx.msk [tilespmem:v42+s14+$0x0], $0xffff  }
0x33d: {  	v8 =	vor.u32 v0, v52;
	v15 =	vor.u32 v0, v39;
	v42 =	vor.u32 v0, v59;
	v0 =	vld [tilespmem:$0x1FB50]  }
0x33e: {  	[tilespmem:v63+s17+$0x0] =	vst.idx.msk $0xffff, v11;
	v38 =	vor.u32 v30, v54;
	v54 =	vor.u32 v25, v54;
	v9 =	vld.idx.msk [tilespmem:v9+s14+$0x0], $0xffff  }
0x33f: {  	[tilespmem:$0x1FBF0] =	vst v54;
	v1 =	vld.idx.msk [tilespmem:v1+s14+$0x0], $0xffff  }
0x340: {  	[tilespmem:v41+s17+$0x0] =	vst.idx.msk $0xffff, v12;
	v61 =	vor.u32 v4, v47;
	v4 =	vld [tilespmem:$0x1FEA0]  }
0x341: {  	[tilespmem:v7+s17+$0x0] =	vst.idx.msk $0xffff, v13;
	v7 =	vld [tilespmem:$0x1FB20]  }
0x342: {  	v54 =	vor.u32 v23, v59;
	[tilespmem:v40+s17+$0x0] =	vst.idx.msk $0xffff, v34;
	v40 =	vld [tilespmem:$0x1FB30]  }
0x343: {  	v2 =	vor.u32 v27, v58;
	v5 =	vor.u32 v5, v47;
	v43 =	vor.u32 v30, v53;
	v12 =	vld.idx.msk [tilespmem:v38+s14+$0x0], $0xffff  }
0x344: {  	[tilespmem:$0x1FBE0] =	vst v5;
	v5 =	vor.u32 v23, v49;
	v16 =	vor.u32 v30, v48;
	v53 =	vor.u32 v14, v52;
	v38 =	vld [tilespmem:$0x1FB40]  }
0x345: {  	v14 =	vor.u32 v31, v49;
	v49 =	vor.u32 v25, v44;
	v59 =	vor.u32 v23, v46;
	v63 =	vld.idx.msk [tilespmem:v10+s14+$0x0], $0xffff  }
0x346: {  	[tilespmem:v42+s17+$0x0] =	vst.idx.msk $0xffff, v37;
	v10 =	vor.u32 v31, v46;
	v46 =	vor.u32 v25, v48;
	v25 =	vld [tilespmem:$0x1FB60]  }
0x347: {  	p0 =	slt.u32 s28, $0x38;
	v36 =	vor.u32 v23, v56;
	[tilespmem:v32+s17+$0x0] =	vst.idx.msk $0xffff, v1;
	v1 =	vld [tilespmem:$0x1FEB0]  }
.Ltmp2:
0x348: {  	v4 =	vor.u32 v4, v51;
	v51 =	vld.idx.msk [tilespmem:v43+s14+$0x0], $0xffff;
	(pc) =	sbr.rel @p0 .LBB2_6-.Ltmp2, $4  }
0x349: {  	v11 =	vor.u32 v31, v56;
	v56 =	vld.idx.msk [tilespmem:v16+s14+$0x0], $0xffff  }
0x34a: {  	v6 =	vor.u32 v26, v52;
	v52 =	vld.idx.msk [tilespmem:v7+s14+$0x0], $0xffff  }
0x34b: {  	v58 =	vor.u32 v30, v58;
	[tilespmem:v3+s17+$0x0] =	vst.idx.msk $0xffff, v60;
	v7 =	vor.u32 v30, v45;
	v45 =	vld.idx.msk [tilespmem:v2+s14+$0x0], $0xffff  }
0x34c: {  	s28 =	sadd.s32 $0x8, s28;
	v13 =	vor.u32 v23, v62;
	[tilespmem:v36+s17+$0x0] =	vst.idx.msk $0xffff, v63;
	v3 =	vor.u32 v1, v47;
	v47 =	vld.idx.msk [tilespmem:v0+s14+$0x0], $0xffff  }
0x34d: {  	_ =	sdelay $0x3  }
0x34e: {  	v23 =	vld [tilespmem:$0x1FFC0];
	[tilespmem:v53+s17+$0x0] =	vst.idx.msk $0xffff, v9  }
0x34f: {  	v2 =	vld.idx.msk [tilespmem:v40+s14+$0x0], $0xffff;
	[tilespmem:v35+s17+$0x0] =	vst.idx.msk $0xffff, v52  }
0x350: {  	v1 =	vld.idx.msk [tilespmem:v19+s14+$0x0], $0xffff;
	_ =	sdelay $0x2  }
0x351: {  	[tilespmem:v15+s17+$0x0] =	vst.idx.msk $0xffff, v45  }
0x352: {  	[tilespmem:v6+s17+$0x0] =	vst.idx.msk $0xffff, v2  }
0x353: {  	[tilespmem:v57+s17+$0x0] =	vst.idx.msk $0xffff, v1  }
0x354: {  	v0 =	vld [tilespmem:$0x1FBA0];
	[tilespmem:v54+s17+$0x0] =	vst.idx.msk $0xffff, v51  }
0x355: {  	v45 =	vld [tilespmem:$0x1FEC0];
	[tilespmem:v59+s17+$0x0] =	vst.idx.msk $0xffff, v56  }
0x356: {  	[tilespmem:v13+s17+$0x0] =	vst.idx.msk $0xffff, v47  }
0x357: {  	v52 =	vld [tilespmem:$0x1FBE0];
	_ =	sdelay $0x2  }
0x358: {  	v1 =	vld.idx.msk [tilespmem:v17+s14+$0x0], $0xffff;
	_ =	sdelay $0x3  }
0x359: {  	v44 =	vld.idx.msk [tilespmem:v33+s14+$0x0], $0xffff  }
0x35a: {  	v2 =	vld.idx.msk [tilespmem:v0+s14+$0x0], $0xffff;
	[tilespmem:v52+s17+$0x0] =	vst.idx.msk $0xffff, v1  }
0x35b: {  	v0 =	vld [tilespmem:$0x1FBB0];
	_ =	sdelay $0x2  }
0x35c: {  	v15 =	vld.idx.msk [tilespmem:v58+s14+$0x0], $0xffff;
	v48 =	vor.u32 v45, v39;
	_ =	sdelay $0x1  }
0x35d: {  	[tilespmem:v11+s17+$0x0] =	vst.idx.msk $0xffff, v44  }
0x35e: {  	v51 =	vld.idx.msk [tilespmem:v46+s14+$0x0], $0xffff;
	[tilespmem:v8+s17+$0x0] =	vst.idx.msk $0xffff, v2  }
0x35f: {  	v53 =	vld [tilespmem:$0x1FBC0]  }
0x360: {  	[tilespmem:v48+s17+$0x0] =	vst.idx.msk $0xffff, v15;
	v1 =	vld.idx.msk [tilespmem:v0+s14+$0x0], $0xffff  }
0x361: {  	v2 =	vld.idx.msk [tilespmem:v7+s14+$0x0], $0xffff;
	[tilespmem:v5+s17+$0x0] =	vst.idx.msk $0xffff, v12  }
0x362: {  	v57 =	vld [tilespmem:$0x1FED0];
	_ =	sdelay $0x1  }
0x363: {  	v55 =	vld [tilespmem:$0x1FBD0];
	[tilespmem:v10+s17+$0x0] =	vst.idx.msk $0xffff, v51  }
0x364: {  	[tilespmem:v61+s17+$0x0] =	vst.idx.msk $0xffff, v1  }
0x365: {  	v60 =	vld [tilespmem:$0x1FBF0];
	[tilespmem:v25+s17+$0x0] =	vst.idx.msk $0xffff, v2  }
0x366: {  	v58 =	vor.u32 v57, v62;
	v62 =	vld [tilespmem:$0x1FB90];
	_ =	sdelay $0x2  }
0x367: {  	v54 =	vld.idx.msk [tilespmem:v53+s14+$0x0], $0xffff;
	_ =	sdelay $0x4  }
0x368: {  	[tilespmem:v62+s17+$0x0] =	vst.idx.msk $0xffff, v54  }
0x369: {  	v0 =	vld [tilespmem:$0x1FB70];
	_ =	sdelay $0x2  }
0x36a: {  	v59 =	vld.idx.msk [tilespmem:v49+s14+$0x0], $0xffff  }
0x36b: {  	v63 =	vld [tilespmem:$0x1FB80]  }
0x36c: {  	v4 =	vld.idx.msk [tilespmem:v4+s14+$0x0], $0xffff  }
0x36d: {  	v61 =	vld.idx.msk [tilespmem:v60+s14+$0x0], $0xffff  }
0x36e: {  	v56 =	vld.idx.msk [tilespmem:v55+s14+$0x0], $0xffff  }
0x36f: {  	v2 =	vld.idx.msk [tilespmem:v0+s14+$0x0], $0xffff  }
0x370: {  	[tilespmem:v58+s17+$0x0] =	vst.idx.msk $0xffff, v59  }
0x371: {  	[tilespmem:v3+s17+$0x0] =	vst.idx.msk $0xffff, v4  }
0x372: {  	[tilespmem:v14+s17+$0x0] =	vst.idx.msk $0xffff, v61  }
0x373: {  	[tilespmem:v63+s17+$0x0] =	vst.idx.msk $0xffff, v56  }
0x374: {  	s28 =	simm.s32 $0x2;
	[tilespmem:v38+s17+$0x0] =	vst.idx.msk $0xffff, v2  }
0x375: {  	[hbm4b:s9+s18] =	stream.strided.scatter [tilespmem:s17], [sflag:$0x3], $0x2000, s19, s18, $0x38;
	v27 =	vld [tilespmem:$0x1FEB0]  }
.LBB2_8:
0x376: {  	v20 =	vld [tilespmem:$0x1FFB0]  }
0x377: {  	v14 =	vlaneseq.u32;
	s29 =	simm.s32 $0x3  }
0x378: {  	s30 =	simm.s32 $0x2;
	v5 =	vadd.s32 s29, v14;
	s29 =	simm.s32 $0x4  }
0x379: {  	v6 =	vadd.s32 s30, v14;
	v10 =	vadd.s32 s29, v14;
	s29 =	sshll.u32 s28, $0x8  }
0x37a: {  	v45 =	vand.u32 $0x3F, v6;
	s30 =	sand.u32 $0x3FFFFF00, s29  }
0x37b: {  	[tilespmem:s14], [sflag:$0x1] =	stream.indirect.gather [hbm4b:s4+s13], $0x40, s30, s13, $0xb8;
	v0 =	vor.u32 v20, v45;
	[tilespmem:$0x10000] =	vst v63  }
0x37c: {  	s0 =	simm.s32 $0x0;
	s20 =	simm.s32 $0x1;
	s31 =	simm.s32 $0x5;
	v25 =	vld [tilespmem:$0x1FEE0];
	[tilespmem:$0x1FA70] =	vst v0  }
0x37d: {  	s23 =	simm.s32 $0x7;
	v31 =	vld [tilespmem:$0x1FFD0];
	v2 =	vadd.s32 s0, v14;
	v4 =	vadd.s32 s20, v14;
	v7 =	vadd.s32 s31, v14;
	_ =	swait.ge [sflag:s21], $0x2000  }
0x37e: {  	v8 =	vadd.s32 s23, v14;
	s31 =	simm.s32 $0x6;
	v3 =	vshll.u32 v2, $0x7;
	v37 =	vand.u32 $0x3F, v4;
	[sflag:s21] =	ssyncset.done $0x0  }
0x37f: {  	v62 =	vand.u32 $0x3F, v7;
	v53 =	vand.u32 $0x3F, v5;
	v11 =	vadd.s32 s31, v14;
	[sflag:s21] =	ssyncadd.s32 $0xFFFFE000  }
0x380: {  	v6 =	vshll.u32 v6, $0x7;
	v49 =	vand.u32 $0x38, v2;
	v1 =	vand.u32 $0x3F, v10;
	_ =	swait.ge [sflag:s25], $0x2000  }
0x381: {  	v2 =	vshll.u32 v8, $0x7;
	v4 =	vshll.u32 v4, $0x7;
	v13 =	vor.u32 v25, v1;
	v18 =	vld [tilespmem:$0x1FED0]  }
0x382: {  	v5 =	vshll.u32 v5, $0x7;
	v15 =	vshll.u32 v11, $0x7;
	v16 =	vor.u32 v25, v62  }
0x383: {  	v10 =	vshll.u32 v10, $0x7;
	v51 =	vand.u32 $0x1F80, v6;
	v12 =	vor.u32 v25, v37  }
0x384: {  	v46 =	vand.u32 $0x1F80, v2;
	v47 =	vand.u32 $0x1C00, v3;
	v2 =	vshll.u32 v7, $0x7;
	[sflag:s25] =	ssyncset.done $0x0  }
0x385: {  	v10 =	vand.u32 $0x1F80, v10;
	v39 =	vand.u32 $0x1F80, v15;
	v34 =	vor.u32 v25, v53;
	v0 =	vld [tilespmem:$0x1FEC0];
	[sflag:s25] =	ssyncadd.s32 $0xFFFFE000  }
0x386: {  	v54 =	vand.u32 $0x1F80, v2;
	v38 =	vor.u32 v14, v10;
	v13 =	vld.idx.msk [tilespmem:v13+s15+$0x0], $0xffff;
	v19 =	vor.u32 v18, v39  }
0x387: {  	v33 =	vand.u32 $0x1F80, v4;
	v57 =	vand.u32 $0x1F80, v5;
	v40 =	vor.u32 v14, v54;
	v15 =	vld.idx.msk [tilespmem:v16+s15+$0x0], $0xffff;
	[tilespmem:$0x1FA80] =	vst v19  }
0x388: {  	v3 =	vor.u32 v14, v51;
	v2 =	vor.u32 v14, v46;
	v41 =	vor.u32 v14, v33;
	v12 =	vld.idx.msk [tilespmem:v12+s15+$0x0], $0xffff  }
0x389: {  	v43 =	vor.u32 v14, v57;
	v42 =	vor.u32 v14, v39;
	v21 =	vld [tilespmem:$0x1FEF0];
	v14 =	vor.u32 v18, v57  }
0x38a: {  	v52 =	vld.idx.msk [tilespmem:v34+s15+$0x0], $0xffff;
	[tilespmem:$0x1FA90] =	vst v14  }
0x38b: {  	v22 =	vld [tilespmem:$0x1FF00];
	[tilespmem:v38+s22+$0x0] =	vst.idx.msk $0xffff, v13  }
0x38c: {  	v48 =	vand.u32 $0x3F, v8;
	v14 =	vld [tilespmem:$0x1FF10];
	[tilespmem:v40+s22+$0x0] =	vst.idx.msk $0xffff, v15  }
0x38d: {  	v36 =	vor.u32 v25, v48;
	[tilespmem:v41+s22+$0x0] =	vst.idx.msk $0xffff, v12  }
0x38e: {  	v8 =	vor.u32 v24, v49;
	v17 =	vor.u32 v23, v47;
	v23 =	vld [tilespmem:$0x1FFA0]  }
0x38f: {  	v4 =	vor.u32 v21, v1;
	_ =	sdelay $0x2  }
0x390: {  	v13 =	vld.idx.msk [tilespmem:v36+s15+$0x0], $0xffff  }
0x391: {  	v8 =	vld.idx.msk [tilespmem:v8+s15+$0x0], $0xffff;
	v12 =	vor.u32 v23, v37  }
0x392: {  	v4 =	vld.idx.msk [tilespmem:v4+s15+$0x0], $0xffff;
	[tilespmem:$0x1FAB0] =	vst v12  }
0x393: {  	[tilespmem:v43+s22+$0x0] =	vst.idx.msk $0xffff, v52  }
0x394: {  	v56 =	vand.u32 $0x3F, v11;
	v16 =	vor.u32 v21, v62;
	v26 =	vld [tilespmem:$0x1FE80]  }
0x395: {  	v11 =	vor.u32 v25, v56;
	_ =	sdelay $0x1  }
0x396: {  	v59 =	vor.u32 v22, v10  }
0x397: {  	v55 =	vor.u32 v21, v53  }
0x398: {  	v60 =	vor.u32 v21, v37;
	v34 =	vor.u32 v22, v54;
	v12 =	vld.idx.msk [tilespmem:v16+s15+$0x0], $0xffff;
	v19 =	vor.u32 v26, v49  }
0x399: {  	v11 =	vld.idx.msk [tilespmem:v11+s15+$0x0], $0xffff;
	[tilespmem:$0x1FAA0] =	vst v19  }
0x39a: {  	v9 =	vor.u32 v25, v45;
	v30 =	vld [tilespmem:$0x1FF70];
	[tilespmem:v2+s22+$0x0] =	vst.idx.msk $0xffff, v13  }
0x39b: {  	v15 =	vor.u32 v21, v48;
	[tilespmem:v59+s22+$0x0] =	vst.idx.msk $0xffff, v4  }
0x39c: {  	v6 =	vor.u32 v31, v49;
	v13 =	vld.idx.msk [tilespmem:v55+s15+$0x0], $0xffff;
	[tilespmem:v17+s22+$0x0] =	vst.idx.msk $0xffff, v8  }
0x39d: {  	v63 =	vld.idx.msk [tilespmem:v60+s15+$0x0], $0xffff;
	[tilespmem:v34+s22+$0x0] =	vst.idx.msk $0xffff, v12  }
0x39e: {  	v16 =	vor.u32 v14, v62;
	v2 =	vor.u32 v22, v57;
	v32 =	vld [tilespmem:$0x1FF20]  }
0x39f: {  	v4 =	vor.u32 v22, v33;
	v9 =	vld.idx.msk [tilespmem:v9+s15+$0x0], $0xffff  }
0x3a0: {  	v36 =	vor.u32 v22, v46;
	v15 =	vld.idx.msk [tilespmem:v15+s15+$0x0], $0xffff  }
0x3a1: {  	v17 =	vor.u32 v28, v47;
	v6 =	vld.idx.msk [tilespmem:v6+s15+$0x0], $0xffff  }
0x3a2: {  	v7 =	vor.u32 v21, v45;
	v8 =	vor.u32 v21, v56;
	v21 =	vld [tilespmem:$0x1FF50];
	[tilespmem:v42+s22+$0x0] =	vst.idx.msk $0xffff, v11  }
0x3a3: {  	v43 =	vor.u32 v14, v53;
	v16 =	vld.idx.msk [tilespmem:v16+s15+$0x0], $0xffff;
	[tilespmem:v2+s22+$0x0] =	vst.idx.msk $0xffff, v13;
	v12 =	vor.u32 v32, v54  }
0x3a4: {  	v34 =	vld [tilespmem:$0x1FF30];
	[tilespmem:v4+s22+$0x0] =	vst.idx.msk $0xffff, v63  }
0x3a5: {  	v61 =	vor.u32 v14, v1;
	[tilespmem:v36+s22+$0x0] =	vst.idx.msk $0xffff, v15  }
0x3a6: {  	[tilespmem:v17+s22+$0x0] =	vst.idx.msk $0xffff, v6  }
0x3a7: {  	v58 =	vor.u32 v14, v45;
	v2 =	vor.u32 v14, v37;
	v8 =	vld.idx.msk [tilespmem:v8+s15+$0x0], $0xffff;
	[tilespmem:v3+s22+$0x0] =	vst.idx.msk $0xffff, v9  }
0x3a8: {  	v11 =	vor.u32 v14, v48;
	v60 =	vld.idx.msk [tilespmem:v43+s15+$0x0], $0xffff;
	v4 =	vor.u32 v32, v57;
	[tilespmem:v12+s22+$0x0] =	vst.idx.msk $0xffff, v16  }
0x3a9: {  	v15 =	vor.u32 v22, v39;
	v17 =	vor.u32 v14, v56;
	v13 =	vor.u32 v34, v62;
	v14 =	vld [tilespmem:$0x1FF40]  }
0x3aa: {  	v5 =	vor.u32 v22, v51;
	v63 =	vor.u32 v32, v10;
	v22 =	vld.idx.msk [tilespmem:v61+s15+$0x0], $0xffff  }
0x3ab: {  	v7 =	vld.idx.msk [tilespmem:v7+s15+$0x0], $0xffff  }
0x3ac: {  	v3 =	vor.u32 v32, v33;
	v2 =	vld.idx.msk [tilespmem:v2+s15+$0x0], $0xffff  }
0x3ad: {  	v11 =	vld.idx.msk [tilespmem:v11+s15+$0x0], $0xffff;
	v12 =	vor.u32 v32, v46;
	[tilespmem:v4+s22+$0x0] =	vst.idx.msk $0xffff, v60  }
0x3ae: {  	v6 =	vor.u32 v34, v53;
	[tilespmem:v15+s22+$0x0] =	vst.idx.msk $0xffff, v8;
	v13 =	vld.idx.msk [tilespmem:v13+s15+$0x0], $0xffff;
	v9 =	vor.u32 v14, v54  }
0x3af: {  	[tilespmem:v63+s22+$0x0] =	vst.idx.msk $0xffff, v22  }
0x3b0: {  	v16 =	vor.u32 v34, v1;
	[tilespmem:v5+s22+$0x0] =	vst.idx.msk $0xffff, v7  }
0x3b1: {  	v4 =	vor.u32 v34, v48;
	[tilespmem:v3+s22+$0x0] =	vst.idx.msk $0xffff, v2  }
0x3b2: {  	v8 =	vor.u32 v34, v37;
	v17 =	vld.idx.msk [tilespmem:v17+s15+$0x0], $0xffff;
	[tilespmem:v12+s22+$0x0] =	vst.idx.msk $0xffff, v11  }
0x3b3: {  	v6 =	vld.idx.msk [tilespmem:v6+s15+$0x0], $0xffff;
	v11 =	vor.u32 v32, v39;
	[tilespmem:v9+s22+$0x0] =	vst.idx.msk $0xffff, v13  }
0x3b4: {  	v15 =	vor.u32 v21, v62;
	v36 =	vor.u32 v14, v57;
	v22 =	vld [tilespmem:$0x1FF60]  }
0x3b5: {  	v2 =	vor.u32 v21, v53;
	v3 =	vld.idx.msk [tilespmem:v16+s15+$0x0], $0xffff;
	v12 =	vor.u32 v14, v10  }
0x3b6: {  	v16 =	vor.u32 v34, v56;
	v4 =	vld.idx.msk [tilespmem:v4+s15+$0x0], $0xffff;
	v9 =	vor.u32 v14, v46  }
0x3b7: {  	v5 =	vor.u32 v14, v33;
	v7 =	vld.idx.msk [tilespmem:v8+s15+$0x0], $0xffff;
	v13 =	vor.u32 v21, v1  }
0x3b8: {  	v60 =	vor.u32 v32, v51;
	[tilespmem:v11+s22+$0x0] =	vst.idx.msk $0xffff, v17;
	v17 =	vld.idx.msk [tilespmem:v58+s15+$0x0], $0xffff  }
0x3b9: {  	[tilespmem:v36+s22+$0x0] =	vst.idx.msk $0xffff, v6;
	v6 =	vor.u32 v21, v48;
	v15 =	vld.idx.msk [tilespmem:v15+s15+$0x0], $0xffff;
	v8 =	vor.u32 v22, v54  }
0x3ba: {  	[tilespmem:v12+s22+$0x0] =	vst.idx.msk $0xffff, v3;
	v2 =	vld.idx.msk [tilespmem:v2+s15+$0x0], $0xffff;
	v3 =	vor.u32 v22, v57  }
0x3bb: {  	v16 =	vld.idx.msk [tilespmem:v16+s15+$0x0], $0xffff;
	[tilespmem:v9+s22+$0x0] =	vst.idx.msk $0xffff, v4;
	v4 =	vor.u32 v14, v39  }
0x3bc: {  	v11 =	vor.u32 v21, v37;
	[tilespmem:v5+s22+$0x0] =	vst.idx.msk $0xffff, v7;
	v7 =	vld.idx.msk [tilespmem:v13+s15+$0x0], $0xffff;
	v9 =	vor.u32 v22, v10  }
0x3bd: {  	[tilespmem:v60+s22+$0x0] =	vst.idx.msk $0xffff, v17  }
0x3be: {  	v59 =	vor.u32 v29, v49;
	v6 =	vld.idx.msk [tilespmem:v6+s15+$0x0], $0xffff;
	[tilespmem:v8+s22+$0x0] =	vst.idx.msk $0xffff, v15  }
0x3bf: {  	v61 =	vor.u32 v30, v62;
	v63 =	vld [tilespmem:$0x1FE20];
	[tilespmem:v3+s22+$0x0] =	vst.idx.msk $0xffff, v2  }
0x3c0: {  	v5 =	vor.u32 v30, v53;
	v2 =	vld [tilespmem:$0x1FF80];
	[tilespmem:v4+s22+$0x0] =	vst.idx.msk $0xffff, v16  }
0x3c1: {  	v13 =	vor.u32 v21, v56;
	v11 =	vld.idx.msk [tilespmem:v11+s15+$0x0], $0xffff;
	v8 =	vor.u32 v22, v46;
	[tilespmem:v9+s22+$0x0] =	vst.idx.msk $0xffff, v7  }
0x3c2: {  	v17 =	vor.u32 v22, v33;
	v4 =	vld [tilespmem:$0x1FE30]  }
0x3c3: {  	v59 =	vld.idx.msk [tilespmem:v59+s15+$0x0], $0xffff  }
0x3c4: {  	v41 =	vor.u32 v21, v45;
	v21 =	vld.idx.msk [tilespmem:v61+s15+$0x0], $0xffff  }
0x3c5: {  	v12 =	vor.u32 v34, v45;
	v15 =	vor.u32 v30, v1;
	v34 =	vld.idx.msk [tilespmem:v5+s15+$0x0], $0xffff  }
0x3c6: {  	v16 =	vor.u32 v30, v48;
	v9 =	vld.idx.msk [tilespmem:v13+s15+$0x0], $0xffff;
	[tilespmem:v8+s22+$0x0] =	vst.idx.msk $0xffff, v6;
	v3 =	vor.u32 v2, v54  }
0x3c7: {  	v55 =	vor.u32 v50, v47;
	v5 =	vor.u32 v4, v47;
	v4 =	vld [tilespmem:$0x1FE40];
	[tilespmem:v17+s22+$0x0] =	vst.idx.msk $0xffff, v11  }
0x3c8: {  	v7 =	vor.u32 v2, v57;
	v13 =	vld [tilespmem:$0x1FE50]  }
0x3c9: {  	v6 =	vor.u32 v22, v39  }
0x3ca: {  	v8 =	vor.u32 v2, v10;
	v11 =	vld.idx.msk [tilespmem:v15+s15+$0x0], $0xffff  }
0x3cb: {  	v32 =	vor.u32 v30, v37;
	v50 =	vld.idx.msk [tilespmem:v16+s15+$0x0], $0xffff;
	v16 =	vor.u32 v2, v46;
	[tilespmem:v3+s22+$0x0] =	vst.idx.msk $0xffff, v21  }
0x3cc: {  	v3 =	vld [tilespmem:$0x1FE60];
	[tilespmem:v55+s22+$0x0] =	vst.idx.msk $0xffff, v59  }
0x3cd: {  	[tilespmem:v7+s22+$0x0] =	vst.idx.msk $0xffff, v34;
	v36 =	vor.u32 v13, v47;
	v13 =	vor.u32 v23, v62  }
0x3ce: {  	v7 =	vld [tilespmem:$0x1FE70];
	[tilespmem:v6+s22+$0x0] =	vst.idx.msk $0xffff, v9  }
0x3cf: {  	[tilespmem:v8+s22+$0x0] =	vst.idx.msk $0xffff, v11  }
0x3d0: {  	v21 =	vld.idx.msk [tilespmem:v32+s15+$0x0], $0xffff;
	[tilespmem:v16+s22+$0x0] =	vst.idx.msk $0xffff, v50  }
0x3d1: {  	v58 =	vor.u32 v2, v33;
	v8 =	vld [tilespmem:$0x1FE90]  }
0x3d2: {  	v44 =	vor.u32 v23, v1;
	v15 =	vor.u32 v0, v54;
	v32 =	vor.u32 v20, v1;
	v1 =	vld.idx.msk [tilespmem:v13+s15+$0x0], $0xffff  }
0x3d3: {  	v35 =	vor.u32 v0, v51  }
0x3d4: {  	v40 =	vor.u32 v18, v51;
	v42 =	vor.u32 v20, v53;
	v53 =	vor.u32 v23, v53  }
0x3d5: {  	v52 =	vor.u32 v63, v49;
	v57 =	vor.u32 v0, v57;
	v59 =	vor.u32 v0, v46  }
0x3d6: {  	v6 =	vor.u32 v0, v10;
	v50 =	vor.u32 v14, v51;
	[tilespmem:v58+s22+$0x0] =	vst.idx.msk $0xffff, v21  }
0x3d7: {  	v9 =	vor.u32 v2, v51;
	v55 =	vor.u32 v8, v47;
	v8 =	vld [tilespmem:$0x1FEA0];
	[tilespmem:v15+s22+$0x0] =	vst.idx.msk $0xffff, v1  }
0x3d8: {  	v63 =	vor.u32 v7, v47;
	v7 =	vor.u32 v22, v51;
	v51 =	vor.u32 v0, v33;
	v0 =	vld [tilespmem:$0x1FAB0]  }
0x3d9: {  	v22 =	vor.u32 v30, v56  }
0x3da: {  	v17 =	vor.u32 v23, v48;
	v52 =	vld.idx.msk [tilespmem:v52+s15+$0x0], $0xffff  }
0x3db: {  	v38 =	vor.u32 v30, v45;
	v53 =	vld.idx.msk [tilespmem:v53+s15+$0x0], $0xffff  }
0x3dc: {  	v43 =	vor.u32 v20, v56;
	v4 =	vor.u32 v4, v49;
	v11 =	vor.u32 v20, v62;
	v61 =	vld.idx.msk [tilespmem:v44+s15+$0x0], $0xffff  }
0x3dd: {  	v16 =	vor.u32 v2, v39;
	v62 =	vmov v31;
	v58 =	vor.u32 v27, v47;
	v13 =	vld.idx.msk [tilespmem:v12+s15+$0x0], $0xffff  }
0x3de: {  	v3 =	vor.u32 v3, v49;
	v60 =	vor.u32 v8, v49;
	v8 =	vor.u32 v23, v45;
	v45 =	vld.idx.msk [tilespmem:v22+s15+$0x0], $0xffff  }
0x3df: {  	v12 =	vor.u32 v18, v54;
	v54 =	vor.u32 v18, v10;
	v15 =	vor.u32 v23, v56;
	v56 =	vld.idx.msk [tilespmem:v17+s15+$0x0], $0xffff  }
0x3e0: {  	s29 =	simm.s32 $0x8;
	v10 =	vor.u32 v18, v46;
	v1 =	vor.u32 v20, v48;
	v49 =	vor.u32 v20, v37;
	v46 =	vld.idx.msk [tilespmem:v0+s15+$0x0], $0xffff  }
.LBB2_9:
0x3e1: {  	v0 =	vlaneseq.u32;
	s23 =	sadd.s32 $0x2, s29;
	v47 =	vld.idx.msk [tilespmem:v11+s15+$0x0], $0xffff;
	[tilespmem:v5+s22+$0x0] =	vst.idx.msk $0xffff, v52  }
0x3e2: {  	v11 =	vmov v35;
	v35 =	vadd.s32 s23, v0;
	v19 =	vld.idx.msk [tilespmem:v4+s15+$0x0], $0xffff  }
0x3e3: {  	v31 =	vld [tilespmem:$0x1FED0];
	[tilespmem:v16+s22+$0x0] =	vst.idx.msk $0xffff, v45;
	v45 =	vand.u32 $0x3F, v35  }
0x3e4: {  	[tilespmem:v50+s22+$0x0] =	vst.idx.msk $0xffff, v13;
	v30 =	vld [tilespmem:$0x1FEC0];
	v5 =	vmov v40;
	v40 =	vor.u32 v25, v45  }
0x3e5: {  	s20 =	sadd.s32 $0x7, s29;
	v41 =	vld.idx.msk [tilespmem:v41+s15+$0x0], $0xffff  }
0x3e6: {  	v17 =	vadd.s32 s29, v0;
	v16 =	vadd.s32 s20, v0;
	[tilespmem:v51+s22+$0x0] =	vst.idx.msk $0xffff, v46;
	v15 =	vld.idx.msk [tilespmem:v15+s15+$0x0], $0xffff  }
0x3e7: {  	v37 =	vshll.u32 v17, $0x7;
	v51 =	vand.u32 $0x38, v17;
	v22 =	vld.idx.msk [tilespmem:v49+s15+$0x0], $0xffff;
	v17 =	vshll.u32 v16, $0x7;
	[tilespmem:v36+s22+$0x0] =	vst.idx.msk $0xffff, v19  }
0x3e8: {  	s0 =	sadd.s32 $0x1, s29;
	s23 =	smov.u32 s29;
	v46 =	vand.u32 $0x1F80, v17;
	v17 =	vld.idx.msk [tilespmem:v3+s15+$0x0], $0xffff  }
0x3e9: {  	s2 =	sadd.s32 $0x5, s29;
	[tilespmem:v57+s22+$0x0] =	vst.idx.msk $0xffff, v53;
	v13 =	vor.u32 v30, v39;
	v39 =	vadd.s32 s0, v0;
	s0 =	sadd.s32 $0x4, s23;
	v3 =	vld.idx.msk [tilespmem:v40+s15+$0x0], $0xffff  }
0x3ea: {  	v48 =	vadd.s32 s2, v0;
	v52 =	vadd.s32 s0, v0;
	[tilespmem:v7+s22+$0x0] =	vst.idx.msk $0xffff, v41;
	v7 =	vld [tilespmem:$0x1FFC0]  }
0x3eb: {  	v50 =	vand.u32 $0x3F, v48;
	[tilespmem:v59+s22+$0x0] =	vst.idx.msk $0xffff, v56;
	v42 =	vld.idx.msk [tilespmem:v42+s15+$0x0], $0xffff;
	v56 =	vand.u32 $0x3F, v52  }
0x3ec: {  	v23 =	vor.u32 v25, v50;
	v1 =	vld.idx.msk [tilespmem:v1+s15+$0x0], $0xffff;
	v34 =	vshll.u32 v52, $0x7;
	v57 =	vor.u32 v25, v56  }
0x3ed: {  	[tilespmem:v12+s22+$0x0] =	vst.idx.msk $0xffff, v47;
	v47 =	vand.u32 $0x1C00, v37;
	v44 =	vand.u32 $0x3F, v39;
	v49 =	vand.u32 $0x1F80, v34;
	v34 =	vld [tilespmem:$0x1FEF0]  }
0x3ee: {  	v20 =	vor.u32 v25, v44;
	[tilespmem:v13+s22+$0x0] =	vst.idx.msk $0xffff, v15;
	v13 =	vshll.u32 v48, $0x7;
	v48 =	vand.u32 $0x3F, v16;
	v16 =	vld.idx.msk [tilespmem:v38+s15+$0x0], $0xffff  }
0x3ef: {  	v19 =	vor.u32 v24, v51;
	v40 =	vld.idx.msk [tilespmem:v43+s15+$0x0], $0xffff;
	v24 =	vor.u32 v7, v47;
	v7 =	vshll.u32 v39, $0x7  }
0x3f0: {  	[tilespmem:v6+s22+$0x0] =	vst.idx.msk $0xffff, v61;
	v14 =	vor.u32 v31, v33;
	v33 =	vand.u32 $0x1F80, v7;
	v7 =	vld [tilespmem:$0x1FA90]  }
0x3f1: {  	s31 =	sadd.s32 $0x3, s29;
	v43 =	vor.u32 v0, v49;
	v38 =	vor.u32 v25, v48;
	v15 =	vld.idx.msk [tilespmem:v57+s15+$0x0], $0xffff;
	v57 =	vand.u32 $0x1F80, v13  }
0x3f2: {  	v18 =	vadd.s32 s31, v0;
	v23 =	vld.idx.msk [tilespmem:v23+s15+$0x0], $0xffff;
	[tilespmem:v10+s22+$0x0] =	vst.idx.msk $0xffff, v1;
	v1 =	vor.u32 v0, v57  }
0x3f3: {  	v53 =	vand.u32 $0x3F, v18;
	v20 =	vld.idx.msk [tilespmem:v20+s15+$0x0], $0xffff;
	[tilespmem:v9+s22+$0x0] =	vst.idx.msk $0xffff, v16  }
0x3f4: {  	v41 =	vor.u32 v25, v53;
	v16 =	vld.idx.msk [tilespmem:v8+s15+$0x0], $0xffff  }
0x3f5: {  	s31 =	sadd.s32 $0x6, s29;
	[tilespmem:v63+s22+$0x0] =	vst.idx.msk $0xffff, v17;
	v8 =	vld [tilespmem:$0x1FA80]  }
0x3f6: {  	v59 =	vadd.s32 s31, v0;
	v18 =	vshll.u32 v18, $0x7;
	[tilespmem:v43+s22+$0x0] =	vst.idx.msk $0xffff, v15;
	v15 =	vld.idx.msk [tilespmem:v38+s15+$0x0], $0xffff  }
0x3f7: {  	v21 =	vshll.u32 v59, $0x7;
	v61 =	vand.u32 $0x1F80, v18;
	[tilespmem:v1+s22+$0x0] =	vst.idx.msk $0xffff, v23;
	v1 =	vld [tilespmem:$0x1FFA0]  }
0x3f8: {  	v35 =	vshll.u32 v35, $0x7;
	v18 =	vor.u32 v0, v61;
	v17 =	vor.u32 v0, v33;
	[tilespmem:v7+s22+$0x0] =	vst.idx.msk $0xffff, v42;
	v7 =	vld [tilespmem:$0x1FAA0]  }
0x3f9: {  	v52 =	vand.u32 $0x1F80, v35;
	[tilespmem:v14+s22+$0x0] =	vst.idx.msk $0xffff, v22;
	v13 =	vor.u32 v0, v46;
	v39 =	vand.u32 $0x1F80, v21;
	v38 =	vld.idx.msk [tilespmem:v41+s15+$0x0], $0xffff  }
0x3fa: {  	v10 =	vor.u32 v34, v56;
	[tilespmem:$0x1FA00] =	vst v3;
	v35 =	vor.u32 v31, v39;
	v9 =	vor.u32 v31, v61;
	v41 =	vld [tilespmem:$0x1FF70]  }
0x3fb: {  	v2 =	vld [tilespmem:$0x1FFB0];
	v3 =	vor.u32 v0, v52;
	v21 =	vor.u32 v0, v39;
	[tilespmem:$0x1FA90] =	vst v9;
	v0 =	vmov v35  }
0x3fc: {  	v35 =	vld [tilespmem:$0x1FF50];
	[tilespmem:$0x1FA80] =	vst v0  }
0x3fd: {  	v12 =	vor.u32 v62, v51;
	v62 =	vld [tilespmem:$0x1FF00];
	v59 =	vand.u32 $0x3F, v59;
	[tilespmem:v17+s22+$0x0] =	vst.idx.msk $0xffff, v20;
	v0 =	vor.u32 v1, v44  }
0x3fe: {  	v37 =	vld [tilespmem:$0x1FF10];
	v9 =	vor.u32 v25, v59;
	[tilespmem:$0x1FA60] =	vst v0  }
0x3ff: {  	v10 =	vld.idx.msk [tilespmem:v10+s15+$0x0], $0xffff;
	v17 =	vor.u32 v34, v48;
	[tilespmem:v8+s22+$0x0] =	vst.idx.msk $0xffff, v40;
	v0 =	vor.u32 v41, v45  }
0x400: {  	v43 =	vor.u32 v34, v53;
	v40 =	vld [tilespmem:$0x1FF20];
	[tilespmem:$0x1FA50] =	vst v0;
	v0 =	vor.u32 v26, v51  }
0x401: {  	v36 =	vld.idx.msk [tilespmem:v7+s15+$0x0], $0xffff;
	[tilespmem:$0x1FAA0] =	vst v0;
	v0 =	vor.u32 v35, v45  }
0x402: {  	v42 =	vor.u32 v34, v50;
	[tilespmem:$0x1FA30] =	vst v0;
	v0 =	vld [tilespmem:$0x1FA70]  }
0x403: {  	[tilespmem:v13+s22+$0x0] =	vst.idx.msk $0xffff, v15;
	v27 =	vld.idx.msk [tilespmem:v9+s15+$0x0], $0xffff  }
0x404: {  	v17 =	vld.idx.msk [tilespmem:v17+s15+$0x0], $0xffff;
	[tilespmem:v18+s22+$0x0] =	vst.idx.msk $0xffff, v38  }
0x405: {  	v18 =	vor.u32 v62, v61;
	v43 =	vld.idx.msk [tilespmem:v43+s15+$0x0], $0xffff  }
0x406: {  	[tilespmem:v55+s22+$0x0] =	vst.idx.msk $0xffff, v36;
	v55 =	vld.idx.msk [tilespmem:v32+s15+$0x0], $0xffff  }
0x407: {  	v32 =	vld.idx.msk [tilespmem:v42+s15+$0x0], $0xffff  }
0x408: {  	v22 =	vor.u32 v62, v57;
	v20 =	vld.idx.msk [tilespmem:v60+s15+$0x0], $0xffff  }
0x409: {  	[tilespmem:v11+s22+$0x0] =	vst.idx.msk $0xffff, v16;
	v60 =	vor.u32 v34, v44;
	v15 =	vld.idx.msk [tilespmem:v19+s15+$0x0], $0xffff  }
0x40a: {  	v23 =	vor.u32 v37, v50;
	[tilespmem:v18+s22+$0x0] =	vst.idx.msk $0xffff, v43;
	v13 =	vld.idx.msk [tilespmem:v0+s15+$0x0], $0xffff;
	v0 =	vor.u32 v31, v52  }
0x40b: {  	v25 =	vor.u32 v62, v49;
	v42 =	vld [tilespmem:$0x1FF30];
	[tilespmem:$0x1FA40] =	vst v0  }
0x40c: {  	v19 =	vor.u32 v37, v53;
	[tilespmem:v54+s22+$0x0] =	vst.idx.msk $0xffff, v55;
	v0 =	vld [tilespmem:$0x1FE10]  }
0x40d: {  	v14 =	vor.u32 v37, v56;
	[tilespmem:v22+s22+$0x0] =	vst.idx.msk $0xffff, v32;
	v32 =	vld [tilespmem:$0x1FF40]  }
0x40e: {  	v38 =	vor.u32 v62, v33;
	[tilespmem:v58+s22+$0x0] =	vst.idx.msk $0xffff, v20;
	v20 =	vld.idx.msk [tilespmem:v60+s15+$0x0], $0xffff  }
0x40f: {  	v55 =	vor.u32 v62, v46;
	v60 =	vor.u32 v37, v44;
	v23 =	vld.idx.msk [tilespmem:v23+s15+$0x0], $0xffff;
	[tilespmem:v24+s22+$0x0] =	vst.idx.msk $0xffff, v15  }
0x410: {  	v11 =	vor.u32 v28, v47;
	[tilespmem:v25+s22+$0x0] =	vst.idx.msk $0xffff, v10;
	v25 =	vor.u32 v37, v48;
	v12 =	vld.idx.msk [tilespmem:v12+s15+$0x0], $0xffff  }
0x411: {  	v26 =	vor.u32 v40, v57;
	v19 =	vld.idx.msk [tilespmem:v19+s15+$0x0], $0xffff  }
0x412: {  	v36 =	vor.u32 v40, v49;
	v14 =	vld.idx.msk [tilespmem:v14+s15+$0x0], $0xffff;
	v24 =	vor.u32 v40, v61;
	[tilespmem:v5+s22+$0x0] =	vst.idx.msk $0xffff, v13  }
0x413: {  	v58 =	vor.u32 v42, v53;
	v9 =	vor.u32 v0, v47;
	v0 =	vld [tilespmem:$0x1FE20];
	[tilespmem:v38+s22+$0x0] =	vst.idx.msk $0xffff, v20  }
0x414: {  	v63 =	vor.u32 v42, v56;
	[tilespmem:v55+s22+$0x0] =	vst.idx.msk $0xffff, v17;
	v60 =	vld.idx.msk [tilespmem:v60+s15+$0x0], $0xffff  }
0x415: {  	[tilespmem:v11+s22+$0x0] =	vst.idx.msk $0xffff, v12;
	v12 =	vld.idx.msk [tilespmem:v25+s15+$0x0], $0xffff  }
0x416: {  	v16 =	vor.u32 v29, v51;
	v5 =	vor.u32 v34, v59;
	[tilespmem:v26+s22+$0x0] =	vst.idx.msk $0xffff, v23;
	v25 =	vld [tilespmem:$0x1FA00]  }
0x417: {  	v8 =	vor.u32 v37, v45;
	[tilespmem:v24+s22+$0x0] =	vst.idx.msk $0xffff, v19;
	v11 =	vor.u32 v37, v59;
	v37 =	vld [tilespmem:$0x1FF60]  }
0x418: {  	[tilespmem:v36+s22+$0x0] =	vst.idx.msk $0xffff, v14;
	v26 =	vld.idx.msk [tilespmem:v58+s15+$0x0], $0xffff  }
0x419: {  	v4 =	vor.u32 v2, v45;
	v58 =	vld.idx.msk [tilespmem:v63+s15+$0x0], $0xffff  }
0x41a: {  	v6 =	vor.u32 v30, v52;
	[tilespmem:v21+s22+$0x0] =	vst.idx.msk $0xffff, v27;
	v20 =	vor.u32 v40, v33;
	v63 =	vld [tilespmem:$0x1FE70]  }
0x41b: {  	[tilespmem:$0x1FA20] =	vst v6;
	v7 =	vor.u32 v62, v52;
	v54 =	vor.u32 v42, v50;
	v38 =	vmov v28;
	v28 =	vld.idx.msk [tilespmem:v5+s15+$0x0], $0xffff  }
0x41c: {  	v6 =	vor.u32 v34, v45;
	[tilespmem:$0x1FA10] =	vst v7;
	v17 =	vor.u32 v40, v46;
	v16 =	vld.idx.msk [tilespmem:v16+s15+$0x0], $0xffff  }
0x41d: {  	v13 =	vor.u32 v40, v52;
	v22 =	vor.u32 v32, v49;
	v10 =	vor.u32 v0, v51;
	v0 =	vmovc v4;
	v4 =	vld [tilespmem:$0x1FE30]  }
0x41e: {  	v23 =	vor.u32 v42, v48;
	[tilespmem:$0x1FA70] =	vst v0;
	v0 =	vor.u32 v62, v39;
	v62 =	vor.u32 v40, v39;
	v40 =	vld [tilespmem:$0x1FF80]  }
0x41f: {  	v7 =	vor.u32 v2, v53;
	v18 =	vor.u32 v35, v56;
	[tilespmem:v20+s22+$0x0] =	vst.idx.msk $0xffff, v60;
	v60 =	vld [tilespmem:$0x1FE50]  }
0x420: {  	v34 =	vmov v29;
	v29 =	vor.u32 v42, v44;
	[tilespmem:v3+s22+$0x0] =	vst.idx.msk $0xffff, v25;
	v3 =	vld.idx.msk [tilespmem:v54+s15+$0x0], $0xffff  }
0x421: {  	v15 =	vor.u32 v42, v45;
	[tilespmem:v17+s22+$0x0] =	vst.idx.msk $0xffff, v12;
	v12 =	vor.u32 v42, v59;
	v42 =	vmov v7;
	v7 =	vld [tilespmem:$0x1FA10]  }
0x422: {  	v6 =	vld.idx.msk [tilespmem:v6+s15+$0x0], $0xffff  }
0x423: {  	v21 =	vor.u32 v32, v57;
	[tilespmem:v22+s22+$0x0] =	vst.idx.msk $0xffff, v58;
	v17 =	vld.idx.msk [tilespmem:v23+s15+$0x0], $0xffff  }
0x424: {  	v25 =	vor.u32 v37, v49;
	v18 =	vld.idx.msk [tilespmem:v18+s15+$0x0], $0xffff  }
0x425: {  	v19 =	vor.u32 v41, v56;
	v54 =	vor.u32 v32, v61;
	v23 =	vld.idx.msk [tilespmem:v29+s15+$0x0], $0xffff  }
0x426: {  	v27 =	vor.u32 v35, v50;
	v5 =	vor.u32 v4, v47;
	v4 =	vld [tilespmem:$0x1FE40];
	[tilespmem:v0+s22+$0x0] =	vst.idx.msk $0xffff, v28  }
0x427: {  	v28 =	vor.u32 v35, v53;
	v11 =	vld.idx.msk [tilespmem:v11+s15+$0x0], $0xffff  }
0x428: {  	v0 =	vor.u32 v32, v33;
	[tilespmem:v21+s22+$0x0] =	vst.idx.msk $0xffff, v3;
	v3 =	vld [tilespmem:$0x1FE60]  }
0x429: {  	[tilespmem:v25+s22+$0x0] =	vst.idx.msk $0xffff, v18;
	v25 =	vld [tilespmem:$0x1FEE0]  }
0x42a: {  	v14 =	vor.u32 v35, v44;
	[tilespmem:v54+s22+$0x0] =	vst.idx.msk $0xffff, v26;
	v18 =	vld.idx.msk [tilespmem:v19+s15+$0x0], $0xffff  }
0x42b: {  	v55 =	vor.u32 v41, v50;
	v20 =	vor.u32 v32, v46;
	[tilespmem:v7+s22+$0x0] =	vst.idx.msk $0xffff, v6;
	v6 =	vld.idx.msk [tilespmem:v27+s15+$0x0], $0xffff  }
0x42c: {  	v24 =	vor.u32 v37, v57;
	v22 =	vor.u32 v41, v44;
	v21 =	vor.u32 v35, v48;
	v27 =	vld.idx.msk [tilespmem:v28+s15+$0x0], $0xffff  }
0x42d: {  	v28 =	vor.u32 v37, v61;
	[tilespmem:v0+s22+$0x0] =	vst.idx.msk $0xffff, v23;
	v0 =	vor.u32 v35, v59;
	v35 =	vld [tilespmem:$0x1FA20]  }
0x42e: {  	v58 =	vor.u32 v32, v39;
	[tilespmem:v9+s22+$0x0] =	vst.idx.msk $0xffff, v16;
	v29 =	vor.u32 v40, v49;
	v7 =	vld.idx.msk [tilespmem:v8+s15+$0x0], $0xffff  }
0x42f: {  	v36 =	vor.u32 v60, v47;
	v60 =	vor.u32 v37, v33;
	[tilespmem:v62+s22+$0x0] =	vst.idx.msk $0xffff, v11;
	v14 =	vld.idx.msk [tilespmem:v14+s15+$0x0], $0xffff  }
0x430: {  	v9 =	vor.u32 v40, v52;
	v16 =	vor.u32 v40, v39;
	[tilespmem:v20+s22+$0x0] =	vst.idx.msk $0xffff, v17;
	v12 =	vld.idx.msk [tilespmem:v12+s15+$0x0], $0xffff  }
0x431: {  	v20 =	vor.u32 v37, v46;
	v19 =	vor.u32 v37, v39;
	v62 =	vld [tilespmem:$0x1FFD0];
	[tilespmem:v24+s22+$0x0] =	vst.idx.msk $0xffff, v6  }
0x432: {  	v8 =	vor.u32 v40, v57;
	v11 =	vor.u32 v41, v53;
	v17 =	vld.idx.msk [tilespmem:v21+s15+$0x0], $0xffff;
	[tilespmem:v28+s22+$0x0] =	vst.idx.msk $0xffff, v27  }
0x433: {  	v21 =	vor.u32 v41, v48;
	v27 =	vor.u32 v40, v61;
	[tilespmem:v13+s22+$0x0] =	vst.idx.msk $0xffff, v7;
	v23 =	vld.idx.msk [tilespmem:v55+s15+$0x0], $0xffff  }
0x434: {  	v28 =	vor.u32 v40, v33;
	[tilespmem:v60+s22+$0x0] =	vst.idx.msk $0xffff, v14;
	v14 =	vor.u32 v41, v59;
	v41 =	vld [tilespmem:$0x1FA30]  }
0x435: {  	v7 =	vor.u32 v37, v52;
	v37 =	vor.u32 v40, v46;
	v40 =	vld [tilespmem:$0x1FA40];
	[tilespmem:v58+s22+$0x0] =	vst.idx.msk $0xffff, v12  }
0x436: {  	v0 =	vld.idx.msk [tilespmem:v0+s15+$0x0], $0xffff  }
0x437: {  	v13 =	vld.idx.msk [tilespmem:v15+s15+$0x0], $0xffff  }
0x438: {  	v15 =	vld.idx.msk [tilespmem:v11+s15+$0x0], $0xffff  }
0x439: {  	v12 =	vld [tilespmem:$0x1FE90]  }
0x43a: {  	v54 =	vor.u32 v1, v50;
	v22 =	vld.idx.msk [tilespmem:v22+s15+$0x0], $0xffff  }
0x43b: {  	v26 =	vor.u32 v1, v56;
	[tilespmem:v19+s22+$0x0] =	vst.idx.msk $0xffff, v0;
	v0 =	vld [tilespmem:$0x1FEB0]  }
0x43c: {  	v11 =	vor.u32 v2, v50;
	[tilespmem:v20+s22+$0x0] =	vst.idx.msk $0xffff, v17;
	v50 =	vor.u32 v32, v52;
	v52 =	vld.idx.msk [tilespmem:v10+s15+$0x0], $0xffff  }
0x43d: {  	v20 =	vld.idx.msk [tilespmem:v21+s15+$0x0], $0xffff  }
0x43e: {  	[tilespmem:v8+s22+$0x0] =	vst.idx.msk $0xffff, v23;
	v8 =	vld [tilespmem:$0x1FEA0]  }
0x43f: {  	v53 =	vor.u32 v1, v53;
	[tilespmem:v29+s22+$0x0] =	vst.idx.msk $0xffff, v18;
	v23 =	vld.idx.msk [tilespmem:v54+s15+$0x0], $0xffff  }
0x440: {  	v24 =	vor.u32 v30, v57;
	v17 =	vor.u32 v1, v48;
	v58 =	vor.u32 v0, v47;
	v0 =	vld [tilespmem:$0x1FA60]  }
0x441: {  	v55 =	vor.u32 v12, v47;
	v12 =	vor.u32 v31, v57;
	v57 =	vor.u32 v30, v61;
	v61 =	vld.idx.msk [tilespmem:v26+s15+$0x0], $0xffff  }
0x442: {  	v43 =	vor.u32 v2, v59;
	[tilespmem:v27+s22+$0x0] =	vst.idx.msk $0xffff, v15;
	v26 =	vld [tilespmem:$0x1FE80]  }
0x443: {  	p0 =	slt.u32 s29, $0x38;
	v63 =	vor.u32 v63, v47;
	v56 =	vor.u32 v2, v56;
	[tilespmem:v28+s22+$0x0] =	vst.idx.msk $0xffff, v22;
	v28 =	vmov v38;
	v38 =	vld [tilespmem:$0x1FA50]  }
.Ltmp3:
0x444: {  	v4 =	vor.u32 v4, v51;
	v3 =	vor.u32 v3, v51;
	v53 =	vld.idx.msk [tilespmem:v53+s15+$0x0], $0xffff;
	[tilespmem:v37+s22+$0x0] =	vst.idx.msk $0xffff, v20;
	(pc) =	sbr.rel @p0 .LBB2_9-.Ltmp3, $4  }
0x445: {  	v6 =	vor.u32 v30, v49;
	v32 =	vmov v56;
	v10 =	vor.u32 v31, v46;
	v56 =	vld.idx.msk [tilespmem:v17+s15+$0x0], $0xffff  }
0x446: {  	v54 =	vor.u32 v31, v49;
	v60 =	vor.u32 v8, v51;
	v8 =	vor.u32 v1, v45;
	v45 =	vld.idx.msk [tilespmem:v14+s15+$0x0], $0xffff  }
0x447: {  	v29 =	vmov v34;
	v49 =	vor.u32 v2, v44;
	v15 =	vor.u32 v1, v59;
	[tilespmem:v24+s22+$0x0] =	vst.idx.msk $0xffff, v23;
	v24 =	vld [tilespmem:$0x1FF90]  }
0x448: {  	s29 =	sadd.s32 $0x8, s29;
	v59 =	vor.u32 v30, v46;
	v51 =	vor.u32 v30, v33;
	v1 =	vor.u32 v2, v48;
	v46 =	vld.idx.msk [tilespmem:v0+s15+$0x0], $0xffff  }
0x449: {  	_ =	sdelay $0x3  }
0x44a: {  	[tilespmem:v5+s22+$0x0] =	vst.idx.msk $0xffff, v52  }
0x44b: {  	v0 =	vld.idx.msk [tilespmem:v4+s15+$0x0], $0xffff;
	_ =	sdelay $0x1  }
0x44c: {  	[tilespmem:v50+s22+$0x0] =	vst.idx.msk $0xffff, v13  }
0x44d: {  	v4 =	vld.idx.msk [tilespmem:v41+s15+$0x0], $0xffff;
	_ =	sdelay $0x1  }
0x44e: {  	[tilespmem:v36+s22+$0x0] =	vst.idx.msk $0xffff, v0  }
0x44f: {  	[tilespmem:v57+s22+$0x0] =	vst.idx.msk $0xffff, v53;
	v0 =	vld.idx.msk [tilespmem:v3+s15+$0x0], $0xffff  }
0x450: {  	[tilespmem:v16+s22+$0x0] =	vst.idx.msk $0xffff, v45  }
0x451: {  	[tilespmem:v7+s22+$0x0] =	vst.idx.msk $0xffff, v4  }
0x452: {  	v27 =	vld [tilespmem:$0x1FEC0];
	[tilespmem:v59+s22+$0x0] =	vst.idx.msk $0xffff, v56  }
0x453: {  	[tilespmem:v51+s22+$0x0] =	vst.idx.msk $0xffff, v46  }
0x454: {  	[tilespmem:v63+s22+$0x0] =	vst.idx.msk $0xffff, v0  }
0x455: {  	v0 =	vld [tilespmem:$0x1FAA0]  }
0x456: {  	v2 =	vld.idx.msk [tilespmem:v38+s15+$0x0], $0xffff;
	_ =	sdelay $0x1  }
0x457: {  	v3 =	vld.idx.msk [tilespmem:v11+s15+$0x0], $0xffff;
	_ =	sdelay $0x1  }
0x458: {  	v5 =	vld.idx.msk [tilespmem:v15+s15+$0x0], $0xffff;
	v4 =	vor.u32 v27, v39  }
0x459: {  	v1 =	vld.idx.msk [tilespmem:v1+s15+$0x0], $0xffff;
	[tilespmem:v9+s22+$0x0] =	vst.idx.msk $0xffff, v2  }
0x45a: {  	v2 =	vld.idx.msk [tilespmem:v8+s15+$0x0], $0xffff  }
0x45b: {  	[tilespmem:v12+s22+$0x0] =	vst.idx.msk $0xffff, v3;
	v0 =	vld.idx.msk [tilespmem:v0+s15+$0x0], $0xffff  }
0x45c: {  	[tilespmem:v6+s22+$0x0] =	vst.idx.msk $0xffff, v61  }
0x45d: {  	[tilespmem:v4+s22+$0x0] =	vst.idx.msk $0xffff, v5  }
0x45e: {  	v30 =	vld [tilespmem:$0x1FED0];
	[tilespmem:v10+s22+$0x0] =	vst.idx.msk $0xffff, v1  }
0x45f: {  	[tilespmem:v35+s22+$0x0] =	vst.idx.msk $0xffff, v2  }
0x460: {  	[tilespmem:v55+s22+$0x0] =	vst.idx.msk $0xffff, v0  }
0x461: {  	v2 =	vld [tilespmem:$0x1FA90];
	_ =	sdelay $0x2  }
0x462: {  	v3 =	vld.idx.msk [tilespmem:v42+s15+$0x0], $0xffff;
	_ =	sdelay $0x4  }
0x463: {  	[tilespmem:v2+s22+$0x0] =	vst.idx.msk $0xffff, v3  }
0x464: {  	v2 =	vld [tilespmem:$0x1FA70]  }
0x465: {  	s29 =	sshll.u32 s28, $0x1  }
0x466: {  	s0 =	sadd.s32 $0xFFFFFFFF, s29  }
0x467: {  	s2 =	sshra.s32 s0, $0x1F;
	s20 =	sshrl.u32 s0, $0x3;
	v6 =	vld.idx.msk [tilespmem:v49+s15+$0x0], $0xffff  }
0x468: {  	s20 =	sadd.s32 s2, s20;
	v5 =	vor.u32 v30, v33;
	v3 =	vld [tilespmem:$0x1FA80]  }
0x469: {  	s31 =	sshra.s32 s20, $0x1F;
	v0 =	vld.idx.msk [tilespmem:v32+s15+$0x0], $0xffff  }
0x46a: {  	s31 =	sshrl.u32 s31, $0x1D;
	v1 =	vld.idx.msk [tilespmem:v60+s15+$0x0], $0xffff  }
0x46b: {  	s23 =	sshrl.u32 s0, $0x6;
	s0 =	sand.u32 $0x7, s0;
	s31 =	sadd.s32 s31, s20;
	v4 =	vld.idx.msk [tilespmem:v43+s15+$0x0], $0xffff  }
0x46c: {  	s2 =	sadd.s32 s2, s23;
	s0 =	sor.u32 s7, s0;
	s23 =	sand.u32 $0x3FFFF8, s31;
	v2 =	vld.idx.msk [tilespmem:v2+s15+$0x0], $0xffff  }
0x46d: {  	s2 =	sshll.u32 s2, $0x13;
	s0 =	sshll.u32 s0, $0x10;
	s20 =	ssub.s32 s20, s23;
	[tilespmem:v5+s22+$0x0] =	vst.idx.msk $0xffff, v6  }
0x46e: {  	s0 =	sadd.s32 s0, s2;
	s2 =	sshll.u32 s20, $0xA;
	[tilespmem:v54+s22+$0x0] =	vst.idx.msk $0xffff, v0  }
0x46f: {  	v22 =	vlaneseq.u32;
	s31 =	simm.s32 $0x1;
	s20 =	simm.s32 $0x5;
	s0 =	sadd.s32 s2, s0;
	[tilespmem:v58+s22+$0x0] =	vst.idx.msk $0xffff, v1  }
0x470: {  	s0 =	sshrl.u32 s0, $0x3;
	v0 =	vadd.s32 s20, v22;
	[tilespmem:v3+s22+$0x0] =	vst.idx.msk $0xffff, v4;
	v4 =	vadd.s32 s31, v22;
	s31 =	simm.s32 $0x2  }
0x471: {  	s23 =	simm.s32 $0x0;
	s0 =	sadd.s32 s1, s0;
	v1 =	vand.u32 $0x3F, v0;
	v7 =	vadd.s32 s31, v22;
	s31 =	simm.s32 $0x4;
	[tilespmem:v40+s22+$0x0] =	vst.idx.msk $0xffff, v2  }
0x472: {  	v0 =	vshll.u32 v0, $0x7;
	v15 =	vor.u32 v25, v1;
	[hbm4b:s0+s18] =	stream.strided.scatter [tilespmem:s22], [sflag:$0x4], $0x2000, s19, s18, $0x38;
	[tilespmem:$0x10000] =	vst v63  }
0x473: {  	v54 =	vand.u32 $0x1F80, v0;
	v3 =	vadd.s32 s23, v22;
	s23 =	simm.s32 $0x3;
	v2 =	vadd.s32 s31, v22;
	s31 =	sadd.s32 $0x80, s30  }
0x474: {  	v19 =	vor.u32 v22, v54;
	v5 =	vadd.s32 s23, v22;
	v6 =	vshll.u32 v3, $0x7;
	[tilespmem:s15], [sflag:$0x2] =	stream.indirect.gather [hbm4b:s4+s13], $0x40, s31, s13, $0xb8;
	[tilespmem:$0x10000] =	vst v63  }
0x475: {  	v44 =	vand.u32 $0x3F, v4;
	v49 =	vand.u32 $0x38, v3;
	v31 =	vld [tilespmem:$0x1FFB0];
	v50 =	vand.u32 $0x3F, v2;
	_ =	swait.ge [sflag:s16], $0x2000  }
0x476: {  	s23 =	simm.s32 $0x7;
	v4 =	vshll.u32 v4, $0x7;
	v45 =	vand.u32 $0x3F, v7;
	v13 =	vor.u32 v25, v50;
	[sflag:s16] =	ssyncset.done $0x0  }
0x477: {  	v8 =	vadd.s32 s23, v22;
	s23 =	simm.s32 $0x6;
	v53 =	vand.u32 $0x3F, v5;
	v12 =	vor.u32 v25, v44;
	[sflag:s16] =	ssyncadd.s32 $0xFFFFE000  }
0x478: {  	v7 =	vshll.u32 v7, $0x7;
	v37 =	vand.u32 $0x1F80, v4;
	v11 =	vadd.s32 s23, v22;
	_ =	swait.ge [sflag:s24], $0x2000  }
0x479: {  	v17 =	vor.u32 v25, v53;
	v14 =	vshll.u32 v11, $0x7;
	v2 =	vshll.u32 v2, $0x7;
	[sflag:s24] =	ssyncset.done $0x0  }
0x47a: {  	v5 =	vshll.u32 v5, $0x7;
	v39 =	vand.u32 $0x1F80, v14;
	v10 =	vand.u32 $0x1F80, v2;
	v34 =	vld [tilespmem:$0x1FEF0];
	[sflag:s24] =	ssyncadd.s32 $0xFFFFE000  }
0x47b: {  	v3 =	vshll.u32 v8, $0x7;
	v23 =	vor.u32 v30, v39;
	v18 =	vor.u32 v22, v10;
	v13 =	vld.idx.msk [tilespmem:v13+s14+$0x0], $0xffff  }
0x47c: {  	v51 =	vand.u32 $0x1F80, v7;
	v58 =	vand.u32 $0x1F80, v5;
	v46 =	vand.u32 $0x1F80, v3;
	v14 =	vld.idx.msk [tilespmem:v15+s14+$0x0], $0xffff;
	[tilespmem:$0x1F9B0] =	vst v23  }
0x47d: {  	v20 =	vor.u32 v22, v37;
	v59 =	vor.u32 v30, v58;
	v0 =	vor.u32 v22, v46;
	v12 =	vld.idx.msk [tilespmem:v12+s14+$0x0], $0xffff  }
0x47e: {  	v21 =	vor.u32 v22, v39;
	v2 =	vor.u32 v22, v51;
	v22 =	vor.u32 v22, v58;
	v17 =	vld.idx.msk [tilespmem:v17+s14+$0x0], $0xffff  }
0x47f: {  	v48 =	vand.u32 $0x3F, v8;
	v8 =	vld [tilespmem:$0x1FFC0];
	[tilespmem:$0x1F9C0] =	vst v59  }
0x480: {  	v57 =	vld [tilespmem:$0x1FF00];
	[tilespmem:v18+s17+$0x0] =	vst.idx.msk $0xffff, v13  }
0x481: {  	v60 =	vld [tilespmem:$0x1FF10];
	[tilespmem:v19+s17+$0x0] =	vst.idx.msk $0xffff, v14  }
0x482: {  	v16 =	vor.u32 v25, v48;
	[tilespmem:v20+s17+$0x0] =	vst.idx.msk $0xffff, v12  }
0x483: {  	v4 =	vor.u32 v34, v50;
	v41 =	vld [tilespmem:$0x1FFA0];
	[tilespmem:v22+s17+$0x0] =	vst.idx.msk $0xffff, v17  }
0x484: {  	v47 =	vand.u32 $0x1C00, v6;
	v6 =	vor.u32 v24, v49;
	v22 =	vld [tilespmem:$0x1FF70]  }
0x485: {  	v56 =	vand.u32 $0x3F, v11;
	v15 =	vor.u32 v34, v1  }
0x486: {  	v11 =	vor.u32 v25, v56  }
0x487: {  	v9 =	vor.u32 v25, v45;
	v13 =	vld.idx.msk [tilespmem:v16+s14+$0x0], $0xffff  }
0x488: {  	v7 =	vor.u32 v62, v49;
	v61 =	vor.u32 v57, v10;
	v16 =	vor.u32 v34, v53;
	v4 =	vld.idx.msk [tilespmem:v4+s14+$0x0], $0xffff  }
0x489: {  	v6 =	vld.idx.msk [tilespmem:v6+s14+$0x0], $0xffff;
	v8 =	vor.u32 v8, v47;
	v62 =	vor.u32 v34, v44;
	v17 =	vor.u32 v22, v45  }
0x48a: {  	v19 =	vor.u32 v57, v54;
	v12 =	vld.idx.msk [tilespmem:v15+s14+$0x0], $0xffff;
	[tilespmem:$0x1F9D0] =	vst v17;
	v17 =	vor.u32 v26, v49  }
0x48b: {  	v11 =	vld.idx.msk [tilespmem:v11+s14+$0x0], $0xffff;
	[tilespmem:$0x1F9E0] =	vst v17  }
0x48c: {  	v14 =	vor.u32 v34, v48;
	[tilespmem:v0+s17+$0x0] =	vst.idx.msk $0xffff, v13  }
0x48d: {  	v13 =	vld.idx.msk [tilespmem:v16+s14+$0x0], $0xffff;
	[tilespmem:v61+s17+$0x0] =	vst.idx.msk $0xffff, v4  }
0x48e: {  	v17 =	vld.idx.msk [tilespmem:v62+s14+$0x0], $0xffff;
	[tilespmem:v8+s17+$0x0] =	vst.idx.msk $0xffff, v6  }
0x48f: {  	v15 =	vor.u32 v60, v1;
	v0 =	vor.u32 v57, v58;
	[tilespmem:v19+s17+$0x0] =	vst.idx.msk $0xffff, v12;
	v9 =	vld.idx.msk [tilespmem:v9+s14+$0x0], $0xffff  }
0x490: {  	v4 =	vor.u32 v57, v37;
	v52 =	vld [tilespmem:$0x1FF20]  }
0x491: {  	v16 =	vor.u32 v60, v53;
	v14 =	vld.idx.msk [tilespmem:v14+s14+$0x0], $0xffff  }
0x492: {  	v32 =	vor.u32 v57, v46;
	v23 =	vld [tilespmem:$0x1FF50]  }
0x493: {  	v8 =	vor.u32 v28, v47;
	v7 =	vld.idx.msk [tilespmem:v7+s14+$0x0], $0xffff;
	[tilespmem:v21+s17+$0x0] =	vst.idx.msk $0xffff, v11  }
0x494: {  	v6 =	vor.u32 v34, v56;
	v15 =	vld.idx.msk [tilespmem:v15+s14+$0x0], $0xffff;
	[tilespmem:v0+s17+$0x0] =	vst.idx.msk $0xffff, v13  }
0x495: {  	v12 =	vor.u32 v52, v54;
	v21 =	vld [tilespmem:$0x1FF30];
	[tilespmem:v4+s17+$0x0] =	vst.idx.msk $0xffff, v17;
	v17 =	vor.u32 v30, v51  }
0x496: {  	v16 =	vld.idx.msk [tilespmem:v16+s14+$0x0], $0xffff;
	[tilespmem:$0x1F9F0] =	vst v17  }
0x497: {  	v63 =	vor.u32 v60, v50;
	[tilespmem:v32+s17+$0x0] =	vst.idx.msk $0xffff, v14  }
0x498: {  	v3 =	vor.u32 v34, v45;
	[tilespmem:v8+s17+$0x0] =	vst.idx.msk $0xffff, v7  }
0x499: {  	v0 =	vor.u32 v60, v44;
	[tilespmem:v2+s17+$0x0] =	vst.idx.msk $0xffff, v9  }
0x49a: {  	v11 =	vor.u32 v60, v48;
	v4 =	vor.u32 v52, v58;
	v6 =	vld.idx.msk [tilespmem:v6+s14+$0x0], $0xffff;
	[tilespmem:v12+s17+$0x0] =	vst.idx.msk $0xffff, v15  }
0x49b: {  	v5 =	vor.u32 v57, v51;
	v14 =	vor.u32 v57, v39;
	v13 =	vor.u32 v21, v1;
	v57 =	vld [tilespmem:$0x1FF40]  }
0x49c: {  	v17 =	vor.u32 v52, v10;
	v55 =	vld.idx.msk [tilespmem:v63+s14+$0x0], $0xffff  }
0x49d: {  	v3 =	vld.idx.msk [tilespmem:v3+s14+$0x0], $0xffff  }
0x49e: {  	v2 =	vor.u32 v52, v37;
	v0 =	vld.idx.msk [tilespmem:v0+s14+$0x0], $0xffff;
	v7 =	vor.u32 v21, v53  }
0x49f: {  	v8 =	vor.u32 v60, v56;
	v11 =	vld.idx.msk [tilespmem:v11+s14+$0x0], $0xffff;
	v12 =	vor.u32 v52, v46;
	[tilespmem:v4+s17+$0x0] =	vst.idx.msk $0xffff, v16  }
0x4a0: {  	v15 =	vor.u32 v21, v50;
	[tilespmem:v14+s17+$0x0] =	vst.idx.msk $0xffff, v6;
	v13 =	vld.idx.msk [tilespmem:v13+s14+$0x0], $0xffff;
	v9 =	vor.u32 v57, v54  }
0x4a1: {  	[tilespmem:v17+s17+$0x0] =	vst.idx.msk $0xffff, v55  }
0x4a2: {  	v4 =	vor.u32 v21, v48;
	[tilespmem:v5+s17+$0x0] =	vst.idx.msk $0xffff, v3  }
0x4a3: {  	v6 =	vor.u32 v21, v44;
	[tilespmem:v2+s17+$0x0] =	vst.idx.msk $0xffff, v0;
	v7 =	vld.idx.msk [tilespmem:v7+s14+$0x0], $0xffff;
	v16 =	vor.u32 v57, v58  }
0x4a4: {  	v8 =	vld.idx.msk [tilespmem:v8+s14+$0x0], $0xffff;
	[tilespmem:v12+s17+$0x0] =	vst.idx.msk $0xffff, v11  }
0x4a5: {  	v18 =	vor.u32 v60, v45;
	v11 =	vor.u32 v52, v39;
	v2 =	vld.idx.msk [tilespmem:v15+s14+$0x0], $0xffff;
	[tilespmem:v9+s17+$0x0] =	vst.idx.msk $0xffff, v13  }
0x4a6: {  	v14 =	vor.u32 v23, v1;
	v59 =	vld [tilespmem:$0x1FF60]  }
0x4a7: {  	v0 =	vor.u32 v23, v53;
	v12 =	vor.u32 v57, v10;
	v4 =	vld.idx.msk [tilespmem:v4+s14+$0x0], $0xffff  }
0x4a8: {  	v15 =	vor.u32 v21, v56;
	v5 =	vld.idx.msk [tilespmem:v6+s14+$0x0], $0xffff;
	v9 =	vor.u32 v57, v46;
	[tilespmem:v16+s17+$0x0] =	vst.idx.msk $0xffff, v7  }
0x4a9: {  	v3 =	vor.u32 v57, v37;
	v13 =	vor.u32 v23, v50;
	v16 =	vld [tilespmem:$0x1FE10]  }
0x4aa: {  	v17 =	vor.u32 v52, v51;
	[tilespmem:v11+s17+$0x0] =	vst.idx.msk $0xffff, v8;
	v11 =	vld.idx.msk [tilespmem:v18+s14+$0x0], $0xffff  }
0x4ab: {  	v14 =	vld.idx.msk [tilespmem:v14+s14+$0x0], $0xffff;
	v6 =	vor.u32 v59, v54  }
0x4ac: {  	v0 =	vld.idx.msk [tilespmem:v0+s14+$0x0], $0xffff;
	[tilespmem:v12+s17+$0x0] =	vst.idx.msk $0xffff, v2;
	v2 =	vor.u32 v59, v58  }
0x4ad: {  	v15 =	vld.idx.msk [tilespmem:v15+s14+$0x0], $0xffff;
	[tilespmem:v9+s17+$0x0] =	vst.idx.msk $0xffff, v4;
	v4 =	vor.u32 v57, v39  }
0x4ae: {  	v7 =	vor.u32 v23, v48;
	[tilespmem:v3+s17+$0x0] =	vst.idx.msk $0xffff, v5;
	v5 =	vld.idx.msk [tilespmem:v13+s14+$0x0], $0xffff;
	v9 =	vor.u32 v59, v10  }
0x4af: {  	[tilespmem:v17+s17+$0x0] =	vst.idx.msk $0xffff, v11  }
0x4b0: {  	[tilespmem:v6+s17+$0x0] =	vst.idx.msk $0xffff, v14  }
0x4b1: {  	v19 =	vor.u32 v29, v49;
	v17 =	vld [tilespmem:$0x1FE20];
	[tilespmem:v2+s17+$0x0] =	vst.idx.msk $0xffff, v0  }
0x4b2: {  	v8 =	vor.u32 v23, v44;
	v26 =	vld [tilespmem:$0x1FF80];
	[tilespmem:v4+s17+$0x0] =	vst.idx.msk $0xffff, v15  }
0x4b3: {  	v18 =	vor.u32 v22, v1;
	v7 =	vld.idx.msk [tilespmem:v7+s14+$0x0], $0xffff;
	v6 =	vor.u32 v59, v46;
	[tilespmem:v9+s17+$0x0] =	vst.idx.msk $0xffff, v5  }
0x4b4: {  	v2 =	vld [tilespmem:$0x1FE30]  }
0x4b5: {  	v3 =	vor.u32 v22, v53  }
0x4b6: {  	v19 =	vld.idx.msk [tilespmem:v19+s14+$0x0], $0xffff;
	v13 =	vor.u32 v23, v56  }
0x4b7: {  	v11 =	vor.u32 v59, v37;
	v8 =	vld.idx.msk [tilespmem:v8+s14+$0x0], $0xffff;
	v14 =	vor.u32 v22, v50  }
0x4b8: {  	v18 =	vld.idx.msk [tilespmem:v18+s14+$0x0], $0xffff;
	v15 =	vor.u32 v22, v48;
	[tilespmem:v6+s17+$0x0] =	vst.idx.msk $0xffff, v7  }
0x4b9: {  	v0 =	vor.u32 v26, v54;
	v5 =	vor.u32 v2, v47;
	v2 =	vld [tilespmem:$0x1FE40]  }
0x4ba: {  	v16 =	vor.u32 v16, v47;
	v29 =	vld.idx.msk [tilespmem:v3+s14+$0x0], $0xffff  }
0x4bb: {  	v13 =	vld.idx.msk [tilespmem:v13+s14+$0x0], $0xffff;
	v9 =	vor.u32 v26, v58  }
0x4bc: {  	v6 =	vor.u32 v59, v39;
	[tilespmem:v11+s17+$0x0] =	vst.idx.msk $0xffff, v8;
	v11 =	vld.idx.msk [tilespmem:v14+s14+$0x0], $0xffff  }
0x4bd: {  	v28 =	vor.u32 v22, v44;
	v8 =	vor.u32 v26, v10;
	v14 =	vld.idx.msk [tilespmem:v15+s14+$0x0], $0xffff  }
0x4be: {  	v15 =	vor.u32 v26, v46;
	v4 =	vor.u32 v2, v49;
	v2 =	vld [tilespmem:$0x1FE50];
	[tilespmem:v0+s17+$0x0] =	vst.idx.msk $0xffff, v18  }
0x4bf: {  	v3 =	vld [tilespmem:$0x1FE60];
	[tilespmem:v16+s17+$0x0] =	vst.idx.msk $0xffff, v19  }
0x4c0: {  	v0 =	vor.u32 v41, v1;
	[tilespmem:v9+s17+$0x0] =	vst.idx.msk $0xffff, v29  }
0x4c1: {  	v7 =	vld [tilespmem:$0x1FE70];
	[tilespmem:v6+s17+$0x0] =	vst.idx.msk $0xffff, v13  }
0x4c2: {  	[tilespmem:v8+s17+$0x0] =	vst.idx.msk $0xffff, v11  }
0x4c3: {  	v12 =	vor.u32 v21, v45;
	v18 =	vld.idx.msk [tilespmem:v28+s14+$0x0], $0xffff;
	[tilespmem:v15+s17+$0x0] =	vst.idx.msk $0xffff, v14  }
0x4c4: {  	v17 =	vor.u32 v17, v49;
	v9 =	vor.u32 v26, v37;
	v8 =	vld [tilespmem:$0x1FE90]  }
0x4c5: {  	v35 =	vor.u32 v27, v54;
	v40 =	vor.u32 v27, v51;
	v43 =	vor.u32 v31, v45;
	v0 =	vld.idx.msk [tilespmem:v0+s14+$0x0], $0xffff  }
0x4c6: {  	v38 =	vor.u32 v31, v53;
	v36 =	vor.u32 v41, v44;
	v34 =	vor.u32 v22, v56  }
0x4c7: {  	v42 =	vor.u32 v23, v45;
	v32 =	vor.u32 v31, v56;
	v55 =	vor.u32 v31, v50  }
0x4c8: {  	v16 =	vor.u32 v41, v50;
	v19 =	vor.u32 v41, v53;
	v50 =	vor.u32 v31, v1;
	v13 =	vld.idx.msk [tilespmem:v12+s14+$0x0], $0xffff  }
0x4c9: {  	v1 =	vor.u32 v41, v48;
	v6 =	vor.u32 v27, v10;
	v52 =	vld.idx.msk [tilespmem:v17+s14+$0x0], $0xffff;
	[tilespmem:v9+s17+$0x0] =	vst.idx.msk $0xffff, v18  }
0x4ca: {  	v11 =	vor.u32 v57, v51;
	v61 =	vor.u32 v8, v47;
	v8 =	vld [tilespmem:$0x1FEA0];
	[tilespmem:v35+s17+$0x0] =	vst.idx.msk $0xffff, v0  }
0x4cb: {  	v33 =	vmovc v25;
	v12 =	vor.u32 v30, v54;
	v57 =	vor.u32 v30, v10;
	v10 =	vor.u32 v30, v46;
	v0 =	vld [tilespmem:$0x1FEB0]  }
0x4cc: {  	v54 =	vor.u32 v27, v58;
	v58 =	vor.u32 v27, v46;
	v15 =	vld.idx.msk [tilespmem:v34+s14+$0x0], $0xffff;
	v2 =	vor.u32 v2, v47  }
0x4cd: {  	v3 =	vor.u32 v3, v49;
	v9 =	vor.u32 v26, v51;
	v53 =	vld.idx.msk [tilespmem:v19+s14+$0x0], $0xffff;
	v60 =	vor.u32 v7, v47  }
0x4ce: {  	v7 =	vor.u32 v59, v51;
	v51 =	vor.u32 v27, v37;
	v59 =	vld.idx.msk [tilespmem:v16+s14+$0x0], $0xffff;
	v16 =	vor.u32 v41, v56  }
0x4cf: {  	v56 =	vld.idx.msk [tilespmem:v1+s14+$0x0], $0xffff;
	v1 =	vor.u32 v31, v48;
	v62 =	vor.u32 v8, v49;
	v8 =	vor.u32 v41, v45  }
0x4d0: {  	s30 =	simm.s32 $0x8;
	v46 =	vld.idx.msk [tilespmem:v36+s14+$0x0], $0xffff;
	v49 =	vor.u32 v31, v44;
	v45 =	vor.u32 v26, v39;
	v63 =	vor.u32 v0, v47  }
.LBB2_11:
0x4d1: {  	_ =	sdelay $0x1  }
0x4d2: {  	[tilespmem:v5+s17+$0x0] =	vst.idx.msk $0xffff, v52  }
0x4d3: {  	v23 =	vld.idx.msk [tilespmem:v4+s14+$0x0], $0xffff;
	_ =	sdelay $0x1  }
0x4d4: {  	v30 =	vlaneseq.u32;
	s31 =	sadd.s32 $0x2, s30  }
0x4d5: {  	v21 =	vadd.s32 s31, v30  }
0x4d6: {  	v20 =	vld.idx.msk [tilespmem:v50+s14+$0x0], $0xffff;
	[tilespmem:v45+s17+$0x0] =	vst.idx.msk $0xffff, v15;
	v45 =	vand.u32 $0x3F, v21  }
0x4d7: {  	v24 =	vor.u32 v33, v45;
	[tilespmem:v2+s17+$0x0] =	vst.idx.msk $0xffff, v23;
	v2 =	vld [tilespmem:$0x1FFD0];
	_ =	sdelay $0x2  }
0x4d8: {  	[tilespmem:v11+s17+$0x0] =	vst.idx.msk $0xffff, v13;
	v0 =	vadd.s32 s30, v30  }
0x4d9: {  	v34 =	vld [tilespmem:$0x1FEC0];
	[tilespmem:v51+s17+$0x0] =	vst.idx.msk $0xffff, v46;
	v51 =	vand.u32 $0x38, v0  }
0x4da: {  	[tilespmem:v12+s17+$0x0] =	vst.idx.msk $0xffff, v20;
	v12 =	vor.u32 v2, v51;
	v2 =	vld.idx.msk [tilespmem:v24+s14+$0x0], $0xffff;
	_ =	sdelay $0x2  }
0x4db: {  	v31 =	vld [tilespmem:$0x1FED0];
	v21 =	vshll.u32 v21, $0x7  }
0x4dc: {  	v35 =	vld [tilespmem:$0x1FFB0];
	v52 =	vand.u32 $0x1F80, v21  }
0x4dd: {  	v16 =	vld.idx.msk [tilespmem:v16+s14+$0x0], $0xffff;
	[tilespmem:$0x1F960] =	vst v2;
	v2 =	vor.u32 v34, v52  }
0x4de: {  	[tilespmem:$0x1F970] =	vst v2;
	v2 =	vld [tilespmem:$0x1F9D0]  }
0x4df: {  	v27 =	vld.idx.msk [tilespmem:v42+s14+$0x0], $0xffff  }
0x4e0: {  	v4 =	vld [tilespmem:$0x1F9F0]  }
0x4e1: {  	s0 =	sadd.s32 $0x1, s30;
	s23 =	sadd.s32 $0x7, s30;
	s31 =	smov.u32 s30;
	v11 =	vmov v40;
	[tilespmem:v54+s17+$0x0] =	vst.idx.msk $0xffff, v53;
	v13 =	vor.u32 v34, v39;
	v40 =	vld.idx.msk [tilespmem:v49+s14+$0x0], $0xffff  }
0x4e2: {  	v18 =	vadd.s32 s0, v30;
	v15 =	vadd.s32 s23, v30;
	v17 =	vshll.u32 v0, $0x7;
	s0 =	sadd.s32 $0x4, s31;
	[tilespmem:v58+s17+$0x0] =	vst.idx.msk $0xffff, v56;
	v42 =	vld.idx.msk [tilespmem:v38+s14+$0x0], $0xffff  }
0x4e3: {  	v44 =	vand.u32 $0x3F, v18;
	v25 =	vadd.s32 s0, v30;
	v0 =	vshll.u32 v15, $0x7;
	v1 =	vld.idx.msk [tilespmem:v1+s14+$0x0], $0xffff  }
0x4e4: {  	v28 =	vor.u32 v33, v44;
	v54 =	vand.u32 $0x3F, v25;
	v46 =	vand.u32 $0x1F80, v0;
	v0 =	vld.idx.msk [tilespmem:v3+s14+$0x0], $0xffff  }
0x4e5: {  	s20 =	sadd.s32 $0x5, s30;
	v29 =	vor.u32 v33, v54;
	[tilespmem:v7+s17+$0x0] =	vst.idx.msk $0xffff, v27;
	v7 =	vld [tilespmem:$0x1FF90]  }
0x4e6: {  	v22 =	vadd.s32 s20, v30;
	[tilespmem:v13+s17+$0x0] =	vst.idx.msk $0xffff, v16;
	v16 =	vld.idx.msk [tilespmem:v2+s14+$0x0], $0xffff  }
0x4e7: {  	v50 =	vand.u32 $0x3F, v22;
	v2 =	vld [tilespmem:$0x1FFC0]  }
0x4e8: {  	v48 =	vand.u32 $0x3F, v15;
	v41 =	vor.u32 v33, v50;
	v14 =	vor.u32 v31, v37;
	v38 =	vld [tilespmem:$0x1FEF0]  }
0x4e9: {  	v47 =	vand.u32 $0x1C00, v17;
	v25 =	vshll.u32 v25, $0x7;
	[tilespmem:v6+s17+$0x0] =	vst.idx.msk $0xffff, v59;
	v21 =	vor.u32 v33, v48;
	v28 =	vld.idx.msk [tilespmem:v28+s14+$0x0], $0xffff  }
0x4ea: {  	v49 =	vand.u32 $0x1F80, v25;
	v15 =	vld.idx.msk [tilespmem:v29+s14+$0x0], $0xffff;
	v17 =	vor.u32 v7, v51;
	v7 =	vshll.u32 v18, $0x7  }
0x4eb: {  	v13 =	vshll.u32 v22, $0x7;
	[tilespmem:v10+s17+$0x0] =	vst.idx.msk $0xffff, v1;
	v22 =	vld.idx.msk [tilespmem:v32+s14+$0x0], $0xffff;
	v32 =	vor.u32 v30, v49;
	v37 =	vand.u32 $0x1F80, v7  }
0x4ec: {  	[tilespmem:v60+s17+$0x0] =	vst.idx.msk $0xffff, v0;
	v0 =	vor.u32 v30, v37;
	v20 =	vor.u32 v2, v47;
	v2 =	vld [tilespmem:$0x1F9C0]  }
0x4ed: {  	v10 =	vor.u32 v38, v54;
	[tilespmem:v14+s17+$0x0] =	vst.idx.msk $0xffff, v40;
	v40 =	vld [tilespmem:$0x1FF70]  }
0x4ee: {  	s2 =	sadd.s32 $0x3, s30;
	v24 =	vld.idx.msk [tilespmem:v41+s14+$0x0], $0xffff  }
0x4ef: {  	v19 =	vadd.s32 s2, v30;
	s2 =	sadd.s32 $0x6, s30;
	v56 =	vand.u32 $0x1F80, v13;
	v41 =	vld [tilespmem:$0x1FF00]  }
0x4f0: {  	v26 =	vadd.s32 s2, v30;
	v1 =	vor.u32 v30, v56;
	[tilespmem:v32+s17+$0x0] =	vst.idx.msk $0xffff, v15;
	v15 =	vld.idx.msk [tilespmem:v21+s14+$0x0], $0xffff  }
0x4f1: {  	v58 =	vand.u32 $0x3F, v26;
	v39 =	vshll.u32 v26, $0x7;
	v25 =	vor.u32 v38, v50;
	v26 =	vld.idx.msk [tilespmem:v55+s14+$0x0], $0xffff;
	[tilespmem:v0+s17+$0x0] =	vst.idx.msk $0xffff, v28  }
0x4f2: {  	v13 =	vor.u32 v30, v46;
	v10 =	vld.idx.msk [tilespmem:v10+s14+$0x0], $0xffff;
	v0 =	vor.u32 v40, v45;
	[tilespmem:v9+s17+$0x0] =	vst.idx.msk $0xffff, v16  }
0x4f3: {  	[tilespmem:$0x1F9D0] =	vst v0;
	v0 =	vor.u32 v38, v48;
	v16 =	vld.idx.msk [tilespmem:v8+s14+$0x0], $0xffff  }
0x4f4: {  	v53 =	vand.u32 $0x3F, v19;
	v19 =	vshll.u32 v19, $0x7;
	[tilespmem:v2+s17+$0x0] =	vst.idx.msk $0xffff, v42;
	v2 =	vld [tilespmem:$0x1F9E0]  }
0x4f5: {  	v59 =	vand.u32 $0x1F80, v19;
	v18 =	vor.u32 v33, v53;
	[tilespmem:v1+s17+$0x0] =	vst.idx.msk $0xffff, v24;
	v42 =	vld [tilespmem:$0x1FF10]  }
0x4f6: {  	v39 =	vand.u32 $0x1F80, v39;
	v19 =	vor.u32 v30, v59;
	v3 =	vor.u32 v30, v52;
	v25 =	vld.idx.msk [tilespmem:v25+s14+$0x0], $0xffff  }
0x4f7: {  	v27 =	vor.u32 v30, v39;
	v23 =	vor.u32 v41, v56;
	[tilespmem:v13+s17+$0x0] =	vst.idx.msk $0xffff, v15;
	v30 =	vld [tilespmem:$0x1FF20]  }
0x4f8: {  	v0 =	vld.idx.msk [tilespmem:v0+s14+$0x0], $0xffff;
	[tilespmem:v11+s17+$0x0] =	vst.idx.msk $0xffff, v16  }
0x4f9: {  	v5 =	vmov v4;
	v13 =	vld.idx.msk [tilespmem:v43+s14+$0x0], $0xffff  }
0x4fa: {  	v18 =	vld.idx.msk [tilespmem:v18+s14+$0x0], $0xffff;
	v24 =	vor.u32 v42, v50  }
0x4fb: {  	v43 =	vld [tilespmem:$0x1FF30]  }
0x4fc: {  	v21 =	vor.u32 v38, v53;
	[tilespmem:v23+s17+$0x0] =	vst.idx.msk $0xffff, v25;
	v36 =	vld.idx.msk [tilespmem:v2+s14+$0x0], $0xffff;
	v2 =	vor.u32 v31, v59  }
0x4fd: {  	v6 =	vor.u32 v38, v45;
	v29 =	vor.u32 v31, v39;
	[tilespmem:$0x1F9C0] =	vst v2;
	v2 =	vld [tilespmem:$0x1F9B0]  }
0x4fe: {  	v1 =	vmov v29;
	v29 =	vor.u32 v38, v44;
	[tilespmem:v5+s17+$0x0] =	vst.idx.msk $0xffff, v13;
	v5 =	vor.u32 v38, v58;
	v38 =	vld [tilespmem:$0x1FF40]  }
0x4ff: {  	v60 =	vor.u32 v30, v56;
	[tilespmem:v19+s17+$0x0] =	vst.idx.msk $0xffff, v18;
	v23 =	vld.idx.msk [tilespmem:v24+s14+$0x0], $0xffff  }
0x500: {  	[tilespmem:$0x1F9B0] =	vst v1;
	v1 =	vld [tilespmem:$0x1FFA0]  }
0x501: {  	v21 =	vld.idx.msk [tilespmem:v21+s14+$0x0], $0xffff  }
0x502: {  	v9 =	vor.u32 v33, v58;
	[tilespmem:v61+s17+$0x0] =	vst.idx.msk $0xffff, v36;
	v36 =	vld [tilespmem:$0x1FF50]  }
0x503: {  	v28 =	vld.idx.msk [tilespmem:v62+s14+$0x0], $0xffff  }
0x504: {  	v15 =	vld.idx.msk [tilespmem:v17+s14+$0x0], $0xffff;
	[tilespmem:v60+s17+$0x0] =	vst.idx.msk $0xffff, v23  }
0x505: {  	v17 =	vor.u32 v41, v59;
	v60 =	vld [tilespmem:$0x1F960];
	[tilespmem:v2+s17+$0x0] =	vst.idx.msk $0xffff, v22;
	v2 =	vor.u32 v1, v44  }
0x506: {  	v18 =	vor.u32 v42, v53;
	[tilespmem:$0x1F9A0] =	vst v2;
	v2 =	vld [tilespmem:$0x1FE80]  }
0x507: {  	[tilespmem:v57+s17+$0x0] =	vst.idx.msk $0xffff, v26;
	v26 =	vor.u32 v43, v50;
	v32 =	vld.idx.msk [tilespmem:v9+s14+$0x0], $0xffff  }
0x508: {  	v7 =	vor.u32 v41, v52;
	v9 =	vld [tilespmem:$0x1FE10]  }
0x509: {  	v57 =	vor.u32 v41, v46;
	v22 =	vor.u32 v41, v49;
	[tilespmem:v63+s17+$0x0] =	vst.idx.msk $0xffff, v28;
	v28 =	vld.idx.msk [tilespmem:v29+s14+$0x0], $0xffff  }
0x50a: {  	v29 =	vor.u32 v41, v37;
	[tilespmem:v17+s17+$0x0] =	vst.idx.msk $0xffff, v21;
	v63 =	vor.u32 v41, v39;
	v41 =	vld [tilespmem:$0x1FF60]  }
0x50b: {  	[tilespmem:v20+s17+$0x0] =	vst.idx.msk $0xffff, v15;
	v18 =	vld.idx.msk [tilespmem:v18+s14+$0x0], $0xffff  }
0x50c: {  	v14 =	vor.u32 v42, v54;
	[tilespmem:v3+s17+$0x0] =	vst.idx.msk $0xffff, v60;
	v3 =	vld.idx.msk [tilespmem:v26+s14+$0x0], $0xffff  }
0x50d: {  	v12 =	vld.idx.msk [tilespmem:v12+s14+$0x0], $0xffff  }
0x50e: {  	[tilespmem:v57+s17+$0x0] =	vst.idx.msk $0xffff, v0;
	v6 =	vld.idx.msk [tilespmem:v6+s14+$0x0], $0xffff  }
0x50f: {  	v8 =	vor.u32 v42, v45;
	v61 =	vor.u32 v42, v44;
	[tilespmem:v22+s17+$0x0] =	vst.idx.msk $0xffff, v10;
	v10 =	vld [tilespmem:$0x1FE20]  }
0x510: {  	v0 =	vor.u32 v42, v58;
	v21 =	vor.u32 v38, v56;
	v22 =	vor.u32 v42, v48;
	v42 =	vld [tilespmem:$0x1FF80]  }
0x511: {  	v25 =	vor.u32 v36, v50;
	v2 =	vor.u32 v2, v51;
	v14 =	vld.idx.msk [tilespmem:v14+s14+$0x0], $0xffff;
	[tilespmem:v27+s17+$0x0] =	vst.idx.msk $0xffff, v32  }
0x512: {  	v24 =	vor.u32 v30, v59;
	[tilespmem:$0x1F9E0] =	vst v2;
	v2 =	vld [tilespmem:$0x1FFE0]  }
0x513: {  	v19 =	vor.u32 v30, v49;
	[tilespmem:v29+s17+$0x0] =	vst.idx.msk $0xffff, v28;
	v28 =	vor.u32 v43, v53;
	v29 =	vld.idx.msk [tilespmem:v5+s14+$0x0], $0xffff  }
0x514: {  	v55 =	vor.u32 v43, v54;
	v61 =	vld.idx.msk [tilespmem:v61+s14+$0x0], $0xffff  }
0x515: {  	[tilespmem:v21+s17+$0x0] =	vst.idx.msk $0xffff, v3;
	v3 =	vld [tilespmem:$0x1FE60]  }
0x516: {  	v27 =	vor.u32 v30, v37;
	[tilespmem:v7+s17+$0x0] =	vst.idx.msk $0xffff, v6;
	v6 =	vld.idx.msk [tilespmem:v25+s14+$0x0], $0xffff  }
0x517: {  	v13 =	vor.u32 v30, v52;
	v62 =	vor.u32 v43, v44;
	[tilespmem:v24+s17+$0x0] =	vst.idx.msk $0xffff, v18;
	v7 =	vld.idx.msk [tilespmem:v8+s14+$0x0], $0xffff  }
0x518: {  	v15 =	vor.u32 v43, v45;
	[tilespmem:v19+s17+$0x0] =	vst.idx.msk $0xffff, v14;
	v11 =	vor.u32 v2, v47;
	v26 =	vld.idx.msk [tilespmem:v28+s14+$0x0], $0xffff  }
0x519: {  	v2 =	vor.u32 v36, v45;
	v28 =	vor.u32 v38, v59;
	[tilespmem:v63+s17+$0x0] =	vst.idx.msk $0xffff, v29;
	v19 =	vld.idx.msk [tilespmem:v55+s14+$0x0], $0xffff  }
0x51a: {  	v20 =	vor.u32 v38, v49;
	v60 =	vor.u32 v36, v53;
	[tilespmem:$0x1F990] =	vst v2;
	v2 =	vld [tilespmem:$0x1FFF0]  }
0x51b: {  	v17 =	vor.u32 v36, v54;
	v0 =	vld.idx.msk [tilespmem:v0+s14+$0x0], $0xffff;
	[tilespmem:v27+s17+$0x0] =	vst.idx.msk $0xffff, v61  }
0x51c: {  	v29 =	vor.u32 v38, v37;
	v27 =	vld.idx.msk [tilespmem:v62+s14+$0x0], $0xffff;
	[tilespmem:v13+s17+$0x0] =	vst.idx.msk $0xffff, v7  }
0x51d: {  	v14 =	vor.u32 v36, v44;
	v13 =	vld.idx.msk [tilespmem:v15+s14+$0x0], $0xffff;
	[tilespmem:v11+s17+$0x0] =	vst.idx.msk $0xffff, v12  }
0x51e: {  	v11 =	vld.idx.msk [tilespmem:v22+s14+$0x0], $0xffff;
	v12 =	vor.u32 v30, v46;
	v22 =	vor.u32 v43, v48;
	[tilespmem:v28+s17+$0x0] =	vst.idx.msk $0xffff, v26  }
0x51f: {  	[tilespmem:v20+s17+$0x0] =	vst.idx.msk $0xffff, v19;
	v16 =	vor.u32 v2, v51;
	v2 =	vor.u32 v31, v52;
	v26 =	vld.idx.msk [tilespmem:v60+s14+$0x0], $0xffff  }
0x520: {  	v24 =	vor.u32 v41, v56;
	v17 =	vld.idx.msk [tilespmem:v17+s14+$0x0], $0xffff;
	[tilespmem:$0x1F9F0] =	vst v2;
	v2 =	vor.u32 v35, v53  }
0x521: {  	v4 =	vor.u32 v35, v45;
	v55 =	vor.u32 v30, v39;
	[tilespmem:v29+s17+$0x0] =	vst.idx.msk $0xffff, v27;
	v27 =	vld [tilespmem:$0x1FE70]  }
0x522: {  	v57 =	vor.u32 v40, v50;
	v28 =	vor.u32 v41, v59;
	[tilespmem:$0x1F980] =	vst v2;
	v14 =	vld.idx.msk [tilespmem:v14+s14+$0x0], $0xffff  }
0x523: {  	v23 =	vor.u32 v41, v49;
	v2 =	vmov v4;
	v4 =	vld [tilespmem:$0x1FE30];
	[tilespmem:v12+s17+$0x0] =	vst.idx.msk $0xffff, v11;
	v11 =	vor.u32 v43, v58  }
0x524: {  	v61 =	vor.u32 v40, v53;
	v12 =	vld.idx.msk [tilespmem:v22+s14+$0x0], $0xffff;
	v22 =	vor.u32 v38, v46  }
0x525: {  	v18 =	vor.u32 v40, v54;
	[tilespmem:v24+s17+$0x0] =	vst.idx.msk $0xffff, v6;
	v16 =	vld.idx.msk [tilespmem:v16+s14+$0x0], $0xffff  }
0x526: {  	[tilespmem:v55+s17+$0x0] =	vst.idx.msk $0xffff, v0;
	v0 =	vor.u32 v41, v37;
	v43 =	vmov v2;
	v2 =	vld [tilespmem:$0x1FE50]  }
0x527: {  	v19 =	vor.u32 v40, v44;
	[tilespmem:v28+s17+$0x0] =	vst.idx.msk $0xffff, v26;
	v60 =	vor.u32 v27, v47;
	v27 =	vld.idx.msk [tilespmem:v57+s14+$0x0], $0xffff  }
0x528: {  	v20 =	vor.u32 v38, v39;
	[tilespmem:v23+s17+$0x0] =	vst.idx.msk $0xffff, v17;
	v11 =	vld.idx.msk [tilespmem:v11+s14+$0x0], $0xffff  }
0x529: {  	v15 =	vld.idx.msk [tilespmem:v61+s14+$0x0], $0xffff;
	[tilespmem:v22+s17+$0x0] =	vst.idx.msk $0xffff, v12;
	v12 =	vor.u32 v36, v58  }
0x52a: {  	v21 =	vor.u32 v36, v48;
	v8 =	vor.u32 v42, v56;
	v18 =	vld.idx.msk [tilespmem:v18+s14+$0x0], $0xffff  }
0x52b: {  	v24 =	vor.u32 v40, v48;
	[tilespmem:v0+s17+$0x0] =	vst.idx.msk $0xffff, v14;
	v0 =	vor.u32 v40, v58;
	v40 =	vld [tilespmem:$0x1F970]  }
0x52c: {  	v28 =	vor.u32 v42, v59;
	v19 =	vld.idx.msk [tilespmem:v19+s14+$0x0], $0xffff  }
0x52d: {  	v29 =	vor.u32 v1, v53;
	v5 =	vor.u32 v4, v47;
	v4 =	vld [tilespmem:$0x1FE40];
	[tilespmem:v20+s17+$0x0] =	vst.idx.msk $0xffff, v11  }
0x52e: {  	v23 =	vor.u32 v41, v39;
	v17 =	vld.idx.msk [tilespmem:v12+s14+$0x0], $0xffff  }
0x52f: {  	v9 =	vor.u32 v9, v47;
	v21 =	vld.idx.msk [tilespmem:v21+s14+$0x0], $0xffff  }
0x530: {  	v32 =	vor.u32 v35, v58;
	v36 =	vor.u32 v41, v46;
	[tilespmem:v8+s17+$0x0] =	vst.idx.msk $0xffff, v27;
	v8 =	vld [tilespmem:$0x1FEA0]  }
0x531: {  	v25 =	vor.u32 v1, v54;
	v63 =	vor.u32 v42, v49;
	[tilespmem:v28+s17+$0x0] =	vst.idx.msk $0xffff, v15;
	v27 =	vld [tilespmem:$0x1FEB0]  }
0x532: {  	v10 =	vor.u32 v10, v51;
	v3 =	vor.u32 v3, v51;
	v6 =	vor.u32 v34, v49;
	v53 =	vld.idx.msk [tilespmem:v29+s14+$0x0], $0xffff  }
0x533: {  	v7 =	vor.u32 v41, v52;
	v30 =	vor.u32 v1, v50;
	v11 =	vld [tilespmem:$0x1FE90];
	[tilespmem:v23+s17+$0x0] =	vst.idx.msk $0xffff, v17  }
0x534: {  	v50 =	vor.u32 v35, v50;
	v55 =	vor.u32 v35, v54;
	v54 =	vor.u32 v34, v59;
	v15 =	vld.idx.msk [tilespmem:v0+s14+$0x0], $0xffff  }
0x535: {  	v26 =	vor.u32 v34, v56;
	v57 =	vor.u32 v31, v49;
	[tilespmem:v36+s17+$0x0] =	vst.idx.msk $0xffff, v21;
	v0 =	vld [tilespmem:$0x1F9A0]  }
0x536: {  	v49 =	vor.u32 v35, v44;
	v22 =	vor.u32 v42, v46;
	[tilespmem:v63+s17+$0x0] =	vst.idx.msk $0xffff, v18;
	v14 =	vld.idx.msk [tilespmem:v24+s14+$0x0], $0xffff  }
0x537: {  	v2 =	vor.u32 v2, v47;
	v59 =	vld.idx.msk [tilespmem:v25+s14+$0x0], $0xffff;
	v20 =	vor.u32 v42, v37;
	v21 =	vor.u32 v1, v48  }
0x538: {  	p0 =	slt.u32 s30, $0x38;
	[tilespmem:v9+s17+$0x0] =	vst.idx.msk $0xffff, v16;
	v9 =	vor.u32 v42, v52;
	v16 =	vor.u32 v1, v58;
	v24 =	vld.idx.msk [tilespmem:v30+s14+$0x0], $0xffff  }
.Ltmp4:
0x539: {  	v62 =	vor.u32 v8, v51;
	v8 =	vor.u32 v1, v45;
	v45 =	vor.u32 v42, v39;
	v42 =	vld [tilespmem:$0x1F990];
	(pc) =	sbr.rel @p0 .LBB2_11-.Ltmp4, $4  }
0x53a: {  	v58 =	vor.u32 v34, v46;
	v61 =	vor.u32 v11, v47;
	v11 =	vor.u32 v38, v52;
	v38 =	vld [tilespmem:$0x1F980]  }
0x53b: {  	v4 =	vor.u32 v4, v51;
	v12 =	vor.u32 v31, v56;
	v52 =	vld.idx.msk [tilespmem:v10+s14+$0x0], $0xffff;
	[tilespmem:v22+s17+$0x0] =	vst.idx.msk $0xffff, v14  }
0x53c: {  	v51 =	vor.u32 v34, v37;
	v63 =	vor.u32 v27, v47;
	[tilespmem:v20+s17+$0x0] =	vst.idx.msk $0xffff, v19;
	v56 =	vld.idx.msk [tilespmem:v21+s14+$0x0], $0xffff  }
0x53d: {  	s30 =	sadd.s32 $0x8, s30;
	v1 =	vor.u32 v35, v48;
	v10 =	vor.u32 v31, v46;
	[tilespmem:v26+s17+$0x0] =	vst.idx.msk $0xffff, v24;
	v46 =	vld.idx.msk [tilespmem:v0+s14+$0x0], $0xffff  }
0x53e: {  	_ =	sdelay $0x3  }
0x53f: {  	v23 =	vld [tilespmem:$0x1FFC0];
	[tilespmem:v5+s17+$0x0] =	vst.idx.msk $0xffff, v52  }
0x540: {  	[tilespmem:v11+s17+$0x0] =	vst.idx.msk $0xffff, v13;
	v0 =	vld.idx.msk [tilespmem:v4+s14+$0x0], $0xffff  }
0x541: {  	v48 =	vld.idx.msk [tilespmem:v42+s14+$0x0], $0xffff;
	_ =	sdelay $0x2  }
0x542: {  	[tilespmem:v45+s17+$0x0] =	vst.idx.msk $0xffff, v15  }
0x543: {  	[tilespmem:v2+s17+$0x0] =	vst.idx.msk $0xffff, v0  }
0x544: {  	[tilespmem:v7+s17+$0x0] =	vst.idx.msk $0xffff, v48;
	v0 =	vld.idx.msk [tilespmem:v3+s14+$0x0], $0xffff  }
0x545: {  	v2 =	vld [tilespmem:$0x1F9D0]  }
0x546: {  	[tilespmem:v54+s17+$0x0] =	vst.idx.msk $0xffff, v53  }
0x547: {  	v4 =	vld [tilespmem:$0x1FEC0];
	[tilespmem:v58+s17+$0x0] =	vst.idx.msk $0xffff, v56  }
0x548: {  	[tilespmem:v51+s17+$0x0] =	vst.idx.msk $0xffff, v46  }
0x549: {  	[tilespmem:v60+s17+$0x0] =	vst.idx.msk $0xffff, v0  }
0x54a: {  	v0 =	vld [tilespmem:$0x1F9E0];
	_ =	sdelay $0x2  }
0x54b: {  	v2 =	vld.idx.msk [tilespmem:v2+s14+$0x0], $0xffff  }
0x54c: {  	v52 =	vld.idx.msk [tilespmem:v50+s14+$0x0], $0xffff;
	_ =	sdelay $0x1  }
0x54d: {  	v54 =	vld.idx.msk [tilespmem:v16+s14+$0x0], $0xffff;
	v4 =	vor.u32 v4, v39  }
0x54e: {  	v1 =	vld.idx.msk [tilespmem:v1+s14+$0x0], $0xffff  }
0x54f: {  	[tilespmem:v9+s17+$0x0] =	vst.idx.msk $0xffff, v2;
	v0 =	vld.idx.msk [tilespmem:v0+s14+$0x0], $0xffff  }
0x550: {  	[tilespmem:v12+s17+$0x0] =	vst.idx.msk $0xffff, v52;
	v2 =	vld.idx.msk [tilespmem:v8+s14+$0x0], $0xffff  }
0x551: {  	[tilespmem:v6+s17+$0x0] =	vst.idx.msk $0xffff, v59  }
0x552: {  	[tilespmem:v4+s17+$0x0] =	vst.idx.msk $0xffff, v54  }
0x553: {  	v5 =	vld [tilespmem:$0x1FED0];
	[tilespmem:v10+s17+$0x0] =	vst.idx.msk $0xffff, v1  }
0x554: {  	[tilespmem:v61+s17+$0x0] =	vst.idx.msk $0xffff, v0  }
0x555: {  	[tilespmem:v40+s17+$0x0] =	vst.idx.msk $0xffff, v2  }
0x556: {  	v2 =	vld [tilespmem:$0x1F9C0];
	_ =	sdelay $0x2  }
0x557: {  	v58 =	vld.idx.msk [tilespmem:v38+s14+$0x0], $0xffff;
	_ =	sdelay $0x4  }
0x558: {  	v59 =	vld.idx.msk [tilespmem:v49+s14+$0x0], $0xffff;
	[tilespmem:v2+s17+$0x0] =	vst.idx.msk $0xffff, v58  }
0x559: {  	v5 =	vor.u32 v5, v37;
	v3 =	vld [tilespmem:$0x1F9B0]  }
0x55a: {  	v60 =	vld.idx.msk [tilespmem:v55+s14+$0x0], $0xffff  }
0x55b: {  	v61 =	vld.idx.msk [tilespmem:v62+s14+$0x0], $0xffff  }
0x55c: {  	v4 =	vld.idx.msk [tilespmem:v32+s14+$0x0], $0xffff;
	_ =	sdelay $0x1  }
0x55d: {  	[tilespmem:v5+s17+$0x0] =	vst.idx.msk $0xffff, v59  }
0x55e: {  	[tilespmem:v57+s17+$0x0] =	vst.idx.msk $0xffff, v60  }
0x55f: {  	[tilespmem:v63+s17+$0x0] =	vst.idx.msk $0xffff, v61  }
0x560: {  	[tilespmem:v3+s17+$0x0] =	vst.idx.msk $0xffff, v4  }
0x561: {  	v0 =	vld [tilespmem:$0x1F9F0];
	_ =	sdelay $0x2  }
0x562: {  	v62 =	vld.idx.msk [tilespmem:v43+s14+$0x0], $0xffff;
	_ =	sdelay $0x2  }
0x563: {  	s0 =	sshrl.u32 s28, $0x2;
	s31 =	sshll.u32 s28, $0x5;
	s28 =	sadd.s32 $0x1, s28  }
0x564: {  	s2 =	sand.u32 $0x6, s29;
	s0 =	sand.u32 $0x18, s0;
	p0 =	sne.s32 s28, $0x80  }
.Ltmp5:
0x565: {  	s0 =	sor.u32 s2, s0;
	[tilespmem:v0+s17+$0x0] =	vst.idx.msk $0xffff, v62;
	(pc) =	sbr.rel @p0 .LBB2_8-.Ltmp5, $4  }
0x566: {  	s2 =	sand.u32 $0x380, s31;
	s0 =	sor.u32 s7, s0;
	v24 =	vld [tilespmem:$0x1FF90]  }
0x567: {  	s2 =	sadd.s32 s1, s2;
	s0 =	sshll.u32 s0, $0xD;
	v28 =	vld [tilespmem:$0x1FFE0]  }
0x568: {  	s0 =	sadd.s32 s0, s2;
	v29 =	vld [tilespmem:$0x1FFF0]  }
0x569: {  	[hbm4b:s0+s18] =	stream.strided.scatter [tilespmem:s17], [sflag:$0x3], $0x2000, s19, s18, $0x38;
	v50 =	vld [tilespmem:$0x1FE10]  }
0x56a: {  	v33 =	vld [tilespmem:$0x1FFB0];
	_ =	sdelay $0x1  }
0x56b: {  	v26 =	vlaneseq.u32;
	s20 =	simm.s32 $0x2  }
0x56c: {  	v1 =	vadd.s32 s20, v26  }
0x56d: {  	v45 =	vand.u32 $0x3F, v1  }
0x56e: {  	s0 =	simm.s32 $0x0;
	v6 =	vor.u32 v33, v45  }
0x56f: {  	s31 =	simm.s32 $0x1;
	s2 =	simm.s32 $0x3;
	s23 =	simm.s32 $0x5;
	v31 =	vld [tilespmem:$0x1FEE0];
	v0 =	vadd.s32 s0, v26;
	[tilespmem:$0x1F8F0] =	vst v6  }
0x570: {  	s29 =	simm.s32 $0x7;
	s30 =	simm.s32 $0x4;
	v3 =	vadd.s32 s31, v26;
	v4 =	vadd.s32 s2, v26;
	v5 =	vadd.s32 s23, v26;
	_ =	swait.ge [sflag:s21], $0x2000  }
0x571: {  	v7 =	vadd.s32 s29, v26;
	v8 =	vadd.s32 s30, v26;
	v2 =	vshll.u32 v0, $0x7;
	[sflag:s21] =	ssyncset.done $0x0  }
0x572: {  	v44 =	vand.u32 $0x3F, v3;
	v48 =	vand.u32 $0x3F, v5;
	v1 =	vshll.u32 v1, $0x7;
	[sflag:s21] =	ssyncadd.s32 $0xFFFFE000  }
0x573: {  	s31 =	simm.s32 $0x6;
	v52 =	vand.u32 $0x3F, v8;
	v10 =	vshll.u32 v8, $0x7;
	v8 =	vand.u32 $0x1F80, v1;
	v1 =	vld [tilespmem:$0x1FFD0];
	_ =	swait.ge [sflag:s25], $0x2000  }
0x574: {  	v11 =	vadd.s32 s31, v26;
	v49 =	vand.u32 $0x38, v0;
	v13 =	vor.u32 v31, v52;
	v30 =	vld [tilespmem:$0x1FED0]  }
0x575: {  	v0 =	vshll.u32 v7, $0x7;
	v3 =	vshll.u32 v3, $0x7;
	v15 =	vor.u32 v31, v48  }
0x576: {  	v14 =	vshll.u32 v11, $0x7;
	v12 =	vor.u32 v31, v44;
	v6 =	vand.u32 $0x3F, v4  }
0x577: {  	v51 =	vand.u32 $0x1F80, v10;
	v39 =	vand.u32 $0x1F80, v14;
	v19 =	vor.u32 v31, v6;
	[sflag:s25] =	ssyncset.done $0x0  }
0x578: {  	v34 =	vld [tilespmem:$0x1FEF0];
	[sflag:s25] =	ssyncadd.s32 $0xFFFFE000;
	v16 =	vor.u32 v1, v49;
	v1 =	vand.u32 $0x1F80, v0;
	v0 =	vshll.u32 v5, $0x7  }
0x579: {  	v20 =	vor.u32 v26, v51;
	v13 =	vld.idx.msk [tilespmem:v13+s15+$0x0], $0xffff;
	v10 =	vand.u32 $0x1F80, v0;
	v25 =	vor.u32 v30, v39  }
0x57a: {  	v37 =	vand.u32 $0x1F80, v3;
	v4 =	vshll.u32 v4, $0x7;
	v14 =	vld.idx.msk [tilespmem:v15+s15+$0x0], $0xffff;
	v21 =	vor.u32 v26, v10;
	[tilespmem:$0x1F900] =	vst v25  }
0x57b: {  	v22 =	vor.u32 v26, v37;
	v56 =	vand.u32 $0x1F80, v4;
	v12 =	vld.idx.msk [tilespmem:v12+s15+$0x0], $0xffff  }
0x57c: {  	v58 =	vor.u32 v26, v56;
	v19 =	vld.idx.msk [tilespmem:v19+s15+$0x0], $0xffff  }
0x57d: {  	v38 =	vmov v27;
	v27 =	vld [tilespmem:$0x1FEC0]  }
0x57e: {  	v47 =	vand.u32 $0x3F, v7;
	v36 =	vld [tilespmem:$0x1FF00];
	[tilespmem:v20+s22+$0x0] =	vst.idx.msk $0xffff, v13  }
0x57f: {  	v18 =	vor.u32 v31, v47;
	v59 =	vld [tilespmem:$0x1FF10];
	[tilespmem:v21+s22+$0x0] =	vst.idx.msk $0xffff, v14  }
0x580: {  	v7 =	vor.u32 v24, v49;
	[tilespmem:v22+s22+$0x0] =	vst.idx.msk $0xffff, v12  }
0x581: {  	v3 =	vor.u32 v34, v52;
	v41 =	vld [tilespmem:$0x1FFA0];
	[tilespmem:v58+s22+$0x0] =	vst.idx.msk $0xffff, v19  }
0x582: {  	v15 =	vor.u32 v34, v48;
	v24 =	vld [tilespmem:$0x1FF70];
	_ =	sdelay $0x1  }
0x583: {  	v13 =	vld.idx.msk [tilespmem:v18+s15+$0x0], $0xffff  }
0x584: {  	v7 =	vld.idx.msk [tilespmem:v7+s15+$0x0], $0xffff  }
0x585: {  	v3 =	vld.idx.msk [tilespmem:v3+s15+$0x0], $0xffff  }
0x586: {  	v12 =	vld.idx.msk [tilespmem:v15+s15+$0x0], $0xffff;
	v19 =	vor.u32 v24, v45  }
0x587: {  	v54 =	vand.u32 $0x3F, v11;
	[tilespmem:$0x1F910] =	vst v19;
	v19 =	vld [tilespmem:$0x1FE80]  }
0x588: {  	v11 =	vor.u32 v31, v54  }
0x589: {  	v0 =	vor.u32 v26, v1  }
0x58a: {  	v46 =	vand.u32 $0x1C00, v2;
	v60 =	vor.u32 v36, v51;
	v18 =	vor.u32 v34, v6  }
0x58b: {  	v17 =	vor.u32 v23, v46;
	v61 =	vor.u32 v34, v44  }
0x58c: {  	v9 =	vor.u32 v31, v45;
	v62 =	vor.u32 v36, v10;
	v19 =	vor.u32 v19, v49  }
0x58d: {  	v11 =	vld.idx.msk [tilespmem:v11+s15+$0x0], $0xffff;
	[tilespmem:$0x1F920] =	vst v19  }
0x58e: {  	v14 =	vor.u32 v34, v47;
	[tilespmem:v0+s22+$0x0] =	vst.idx.msk $0xffff, v13  }
0x58f: {  	v13 =	vld.idx.msk [tilespmem:v18+s15+$0x0], $0xffff;
	[tilespmem:v60+s22+$0x0] =	vst.idx.msk $0xffff, v3  }
0x590: {  	v23 =	vor.u32 v26, v39;
	v19 =	vld.idx.msk [tilespmem:v61+s15+$0x0], $0xffff;
	[tilespmem:v17+s22+$0x0] =	vst.idx.msk $0xffff, v7  }
0x591: {  	v15 =	vor.u32 v59, v48;
	v0 =	vor.u32 v36, v56;
	[tilespmem:v62+s22+$0x0] =	vst.idx.msk $0xffff, v12;
	v9 =	vld.idx.msk [tilespmem:v9+s15+$0x0], $0xffff  }
0x592: {  	v3 =	vor.u32 v36, v37;
	v53 =	vld [tilespmem:$0x1FF20]  }
0x593: {  	v18 =	vor.u32 v59, v6;
	v14 =	vld.idx.msk [tilespmem:v14+s15+$0x0], $0xffff  }
0x594: {  	v63 =	vor.u32 v36, v1;
	v25 =	vld [tilespmem:$0x1FF50]  }
0x595: {  	v17 =	vor.u32 v28, v46;
	v12 =	vld.idx.msk [tilespmem:v16+s15+$0x0], $0xffff;
	[tilespmem:v23+s22+$0x0] =	vst.idx.msk $0xffff, v11  }
0x596: {  	v2 =	vor.u32 v26, v8;
	v15 =	vld.idx.msk [tilespmem:v15+s15+$0x0], $0xffff;
	[tilespmem:v0+s22+$0x0] =	vst.idx.msk $0xffff, v13  }
0x597: {  	v16 =	vor.u32 v53, v10;
	v23 =	vld [tilespmem:$0x1FF30];
	[tilespmem:v3+s22+$0x0] =	vst.idx.msk $0xffff, v19;
	v19 =	vor.u32 v30, v8  }
0x598: {  	v18 =	vld.idx.msk [tilespmem:v18+s15+$0x0], $0xffff;
	[tilespmem:$0x1F930] =	vst v19  }
0x599: {  	v7 =	vor.u32 v34, v54;
	[tilespmem:v63+s22+$0x0] =	vst.idx.msk $0xffff, v14  }
0x59a: {  	v32 =	vor.u32 v59, v52;
	[tilespmem:v17+s22+$0x0] =	vst.idx.msk $0xffff, v12  }
0x59b: {  	v11 =	vor.u32 v59, v47;
	[tilespmem:v2+s22+$0x0] =	vst.idx.msk $0xffff, v9  }
0x59c: {  	v0 =	vor.u32 v59, v44;
	v3 =	vor.u32 v53, v56;
	[tilespmem:v16+s22+$0x0] =	vst.idx.msk $0xffff, v15  }
0x59d: {  	v13 =	vor.u32 v23, v48;
	v58 =	vld [tilespmem:$0x1FF40]  }
0x59e: {  	v5 =	vor.u32 v34, v45;
	v7 =	vld.idx.msk [tilespmem:v7+s15+$0x0], $0xffff;
	v14 =	vor.u32 v36, v39  }
0x59f: {  	v19 =	vor.u32 v53, v51;
	v57 =	vld.idx.msk [tilespmem:v32+s15+$0x0], $0xffff  }
0x5a0: {  	v11 =	vld.idx.msk [tilespmem:v11+s15+$0x0], $0xffff;
	v15 =	vor.u32 v53, v1  }
0x5a1: {  	v2 =	vor.u32 v53, v37;
	v0 =	vld.idx.msk [tilespmem:v0+s15+$0x0], $0xffff;
	[tilespmem:v3+s22+$0x0] =	vst.idx.msk $0xffff, v18;
	v18 =	vor.u32 v33, v6  }
0x5a2: {  	v12 =	vor.u32 v23, v6;
	v13 =	vld.idx.msk [tilespmem:v13+s15+$0x0], $0xffff;
	[tilespmem:$0x1F940] =	vst v18;
	v9 =	vor.u32 v58, v10  }
0x5a3: {  	v4 =	vor.u32 v36, v8;
	v17 =	vor.u32 v59, v54;
	[tilespmem:v14+s22+$0x0] =	vst.idx.msk $0xffff, v7;
	v5 =	vld.idx.msk [tilespmem:v5+s15+$0x0], $0xffff  }
0x5a4: {  	[tilespmem:v19+s22+$0x0] =	vst.idx.msk $0xffff, v57  }
0x5a5: {  	v16 =	vor.u32 v23, v52;
	[tilespmem:v15+s22+$0x0] =	vst.idx.msk $0xffff, v11  }
0x5a6: {  	v3 =	vor.u32 v23, v47;
	[tilespmem:v2+s22+$0x0] =	vst.idx.msk $0xffff, v0  }
0x5a7: {  	v7 =	vor.u32 v23, v44;
	v12 =	vld.idx.msk [tilespmem:v12+s15+$0x0], $0xffff;
	v18 =	vor.u32 v58, v56;
	[tilespmem:v9+s22+$0x0] =	vst.idx.msk $0xffff, v13  }
0x5a8: {  	v20 =	vor.u32 v59, v45;
	v11 =	vor.u32 v53, v39;
	v17 =	vld.idx.msk [tilespmem:v17+s15+$0x0], $0xffff;
	[tilespmem:v4+s22+$0x0] =	vst.idx.msk $0xffff, v5  }
0x5a9: {  	v14 =	vor.u32 v25, v48;
	v59 =	vld [tilespmem:$0x1FF60]  }
0x5aa: {  	v15 =	vor.u32 v58, v51;
	v0 =	vor.u32 v25, v6;
	v2 =	vld.idx.msk [tilespmem:v16+s15+$0x0], $0xffff  }
0x5ab: {  	v16 =	vor.u32 v23, v54;
	v3 =	vld.idx.msk [tilespmem:v3+s15+$0x0], $0xffff;
	v9 =	vor.u32 v58, v1  }
0x5ac: {  	v13 =	vor.u32 v25, v52;
	v4 =	vor.u32 v58, v37;
	v5 =	vld.idx.msk [tilespmem:v7+s15+$0x0], $0xffff;
	[tilespmem:v18+s22+$0x0] =	vst.idx.msk $0xffff, v12  }
0x5ad: {  	v19 =	vor.u32 v53, v8;
	v12 =	vor.u32 v25, v47;
	[tilespmem:v11+s22+$0x0] =	vst.idx.msk $0xffff, v17;
	v17 =	vld.idx.msk [tilespmem:v20+s15+$0x0], $0xffff  }
0x5ae: {  	v14 =	vld.idx.msk [tilespmem:v14+s15+$0x0], $0xffff;
	v11 =	vor.u32 v25, v44;
	v7 =	vor.u32 v59, v10  }
0x5af: {  	[tilespmem:v15+s22+$0x0] =	vst.idx.msk $0xffff, v2;
	v0 =	vld.idx.msk [tilespmem:v0+s15+$0x0], $0xffff;
	v2 =	vor.u32 v59, v56  }
0x5b0: {  	v63 =	vor.u32 v24, v48;
	v16 =	vld.idx.msk [tilespmem:v16+s15+$0x0], $0xffff;
	[tilespmem:v9+s22+$0x0] =	vst.idx.msk $0xffff, v3  }
0x5b1: {  	v3 =	vor.u32 v58, v39;
	[tilespmem:v4+s22+$0x0] =	vst.idx.msk $0xffff, v5;
	v5 =	vld.idx.msk [tilespmem:v13+s15+$0x0], $0xffff  }
0x5b2: {  	v9 =	vor.u32 v59, v51;
	v12 =	vld.idx.msk [tilespmem:v12+s15+$0x0], $0xffff;
	[tilespmem:v19+s22+$0x0] =	vst.idx.msk $0xffff, v17  }
0x5b3: {  	v11 =	vld.idx.msk [tilespmem:v11+s15+$0x0], $0xffff;
	[tilespmem:v7+s22+$0x0] =	vst.idx.msk $0xffff, v14  }
0x5b4: {  	v19 =	vld [tilespmem:$0x1FE20];
	[tilespmem:v2+s22+$0x0] =	vst.idx.msk $0xffff, v0;
	v2 =	vor.u32 v33, v54  }
0x5b5: {  	v20 =	vld.idx.msk [tilespmem:v63+s15+$0x0], $0xffff;
	[tilespmem:$0x1F950] =	vst v2  }
0x5b6: {  	v34 =	vor.u32 v25, v45;
	v13 =	vor.u32 v25, v54;
	v25 =	vld [tilespmem:$0x1FF80];
	[tilespmem:v3+s22+$0x0] =	vst.idx.msk $0xffff, v16  }
0x5b7: {  	v55 =	vor.u32 v29, v49;
	v7 =	vor.u32 v59, v1;
	[tilespmem:v9+s22+$0x0] =	vst.idx.msk $0xffff, v5  }
0x5b8: {  	v2 =	vld [tilespmem:$0x1FE30]  }
0x5b9: {  	v4 =	vor.u32 v24, v6;
	_ =	sdelay $0x1  }
0x5ba: {  	v14 =	vor.u32 v24, v52  }
0x5bb: {  	v17 =	vor.u32 v59, v37;
	v21 =	vld.idx.msk [tilespmem:v55+s15+$0x0], $0xffff;
	v16 =	vor.u32 v24, v47;
	[tilespmem:v7+s22+$0x0] =	vst.idx.msk $0xffff, v12  }
0x5bc: {  	v0 =	vor.u32 v25, v10;
	v5 =	vor.u32 v2, v46;
	v2 =	vld [tilespmem:$0x1FE40]  }
0x5bd: {  	v18 =	vor.u32 v50, v46;
	v29 =	vld.idx.msk [tilespmem:v4+s15+$0x0], $0xffff  }
0x5be: {  	v28 =	vor.u32 v24, v44;
	v13 =	vld.idx.msk [tilespmem:v13+s15+$0x0], $0xffff;
	v9 =	vor.u32 v25, v56  }
0x5bf: {  	v7 =	vor.u32 v59, v39;
	v12 =	vld.idx.msk [tilespmem:v14+s15+$0x0], $0xffff  }
0x5c0: {  	v15 =	vor.u32 v23, v45;
	v14 =	vld.idx.msk [tilespmem:v16+s15+$0x0], $0xffff;
	[tilespmem:v17+s22+$0x0] =	vst.idx.msk $0xffff, v11;
	v11 =	vor.u32 v25, v51  }
0x5c1: {  	v16 =	vor.u32 v25, v1;
	v4 =	vor.u32 v2, v49;
	v2 =	vld [tilespmem:$0x1FE50];
	[tilespmem:v0+s22+$0x0] =	vst.idx.msk $0xffff, v20  }
0x5c2: {  	v40 =	vor.u32 v27, v8;
	v3 =	vld [tilespmem:$0x1FE60];
	[tilespmem:v18+s22+$0x0] =	vst.idx.msk $0xffff, v21  }
0x5c3: {  	v0 =	vor.u32 v41, v48;
	[tilespmem:v9+s22+$0x0] =	vst.idx.msk $0xffff, v29;
	v9 =	vor.u32 v25, v37;
	v18 =	vld.idx.msk [tilespmem:v28+s15+$0x0], $0xffff  }
0x5c4: {  	v42 =	vor.u32 v30, v56;
	v43 =	vor.u32 v41, v44;
	v20 =	vld [tilespmem:$0x1FE70];
	[tilespmem:v7+s22+$0x0] =	vst.idx.msk $0xffff, v13  }
0x5c5: {  	v35 =	vor.u32 v24, v54;
	v19 =	vor.u32 v19, v49;
	[tilespmem:v11+s22+$0x0] =	vst.idx.msk $0xffff, v12  }
0x5c6: {  	v32 =	vor.u32 v41, v6;
	v36 =	vor.u32 v27, v10;
	v13 =	vld.idx.msk [tilespmem:v15+s15+$0x0], $0xffff;
	[tilespmem:v16+s22+$0x0] =	vst.idx.msk $0xffff, v14  }
0x5c7: {  	v57 =	vor.u32 v30, v51;
	v50 =	vor.u32 v58, v8;
	v6 =	vor.u32 v27, v51;
	v12 =	vld [tilespmem:$0x1FE90]  }
0x5c8: {  	v58 =	vor.u32 v27, v1;
	v17 =	vor.u32 v41, v52;
	v0 =	vld.idx.msk [tilespmem:v0+s15+$0x0], $0xffff;
	[tilespmem:v9+s22+$0x0] =	vst.idx.msk $0xffff, v18  }
0x5c9: {  	v63 =	vor.u32 v38, v46;
	v55 =	vor.u32 v33, v52;
	v14 =	vor.u32 v41, v47;
	v9 =	vld [tilespmem:$0x1FEA0]  }
0x5ca: {  	v56 =	vor.u32 v27, v56;
	v51 =	vor.u32 v27, v37;
	v7 =	vor.u32 v59, v8;
	v53 =	vld.idx.msk [tilespmem:v19+s15+$0x0], $0xffff  }
0x5cb: {  	v11 =	vor.u32 v33, v48;
	v52 =	vld.idx.msk [tilespmem:v32+s15+$0x0], $0xffff;
	v16 =	vor.u32 v41, v54;
	v2 =	vor.u32 v2, v46  }
0x5cc: {  	v15 =	vld.idx.msk [tilespmem:v35+s15+$0x0], $0xffff;
	v3 =	vor.u32 v3, v49;
	v60 =	vor.u32 v20, v46;
	v61 =	vor.u32 v12, v46  }
0x5cd: {  	v59 =	vld.idx.msk [tilespmem:v17+s15+$0x0], $0xffff;
	v12 =	vor.u32 v30, v10;
	v10 =	vor.u32 v30, v1;
	v1 =	vor.u32 v33, v47  }
0x5ce: {  	v54 =	vld.idx.msk [tilespmem:v14+s15+$0x0], $0xffff;
	[tilespmem:v36+s22+$0x0] =	vst.idx.msk $0xffff, v0;
	v62 =	vor.u32 v9, v49;
	v9 =	vor.u32 v25, v8  }
0x5cf: {  	s28 =	simm.s32 $0x8;
	v46 =	vld.idx.msk [tilespmem:v43+s15+$0x0], $0xffff;
	v8 =	vor.u32 v41, v45;
	v49 =	vor.u32 v33, v44;
	v45 =	vor.u32 v25, v39  }
.LBB2_14:
0x5d0: {  	v43 =	vld [tilespmem:$0x1FED0]  }
0x5d1: {  	v35 =	vld [tilespmem:$0x1FEC0]  }
0x5d2: {  	v20 =	vld.idx.msk [tilespmem:v11+s15+$0x0], $0xffff  }
0x5d3: {  	v36 =	vld [tilespmem:$0x1FEE0]  }
0x5d4: {  	v33 =	vld [tilespmem:$0x1FFB0]  }
0x5d5: {  	v31 =	vld [tilespmem:$0x1F940]  }
0x5d6: {  	v38 =	vld [tilespmem:$0x1FEF0];
	[tilespmem:v5+s22+$0x0] =	vst.idx.msk $0xffff, v53  }
0x5d7: {  	v26 =	vlaneseq.u32;
	s0 =	sadd.s32 $0x1, s28;
	[tilespmem:v45+s22+$0x0] =	vst.idx.msk $0xffff, v15;
	s31 =	smov.u32 s28;
	v23 =	vld.idx.msk [tilespmem:v4+s15+$0x0], $0xffff  }
0x5d8: {  	[tilespmem:v50+s22+$0x0] =	vst.idx.msk $0xffff, v13;
	v18 =	vadd.s32 s0, v26;
	s0 =	sadd.s32 $0x4, s31;
	v16 =	vld.idx.msk [tilespmem:v16+s15+$0x0], $0xffff  }
0x5d9: {  	s29 =	sadd.s32 $0x2, s28;
	v27 =	vld.idx.msk [tilespmem:v34+s15+$0x0], $0xffff;
	v25 =	vadd.s32 s0, v26;
	[tilespmem:v58+s22+$0x0] =	vst.idx.msk $0xffff, v54  }
0x5da: {  	v21 =	vadd.s32 s29, v26;
	v54 =	vand.u32 $0x3F, v25;
	[tilespmem:v51+s22+$0x0] =	vst.idx.msk $0xffff, v46;
	v4 =	vld [tilespmem:$0x1F930]  }
0x5db: {  	v45 =	vand.u32 $0x3F, v21;
	v11 =	vmov v40;
	v29 =	vor.u32 v36, v54;
	v40 =	vld.idx.msk [tilespmem:v49+s15+$0x0], $0xffff  }
0x5dc: {  	v24 =	vor.u32 v36, v45;
	[tilespmem:v2+s22+$0x0] =	vst.idx.msk $0xffff, v23;
	v2 =	vld [tilespmem:$0x1FFD0]  }
0x5dd: {  	v44 =	vand.u32 $0x3F, v18;
	[tilespmem:v56+s22+$0x0] =	vst.idx.msk $0xffff, v52;
	v1 =	vld.idx.msk [tilespmem:v1+s15+$0x0], $0xffff  }
0x5de: {  	s23 =	sadd.s32 $0x7, s28;
	v0 =	vadd.s32 s28, v26;
	v28 =	vor.u32 v36, v44;
	v41 =	vld.idx.msk [tilespmem:v31+s15+$0x0], $0xffff  }
0x5df: {  	v15 =	vadd.s32 s23, v26;
	v17 =	vshll.u32 v0, $0x7;
	[tilespmem:v6+s22+$0x0] =	vst.idx.msk $0xffff, v59;
	v14 =	vor.u32 v43, v37;
	v31 =	vld [tilespmem:$0x1FF20]  }
0x5e0: {  	s20 =	sadd.s32 $0x5, s28;
	v48 =	vand.u32 $0x3F, v15;
	v51 =	vand.u32 $0x38, v0;
	v0 =	vshll.u32 v15, $0x7;
	v15 =	vld.idx.msk [tilespmem:v29+s15+$0x0], $0xffff  }
0x5e1: {  	v32 =	vlaneseq.u32;
	v22 =	vadd.s32 s20, v26;
	[tilespmem:v12+s22+$0x0] =	vst.idx.msk $0xffff, v20;
	v12 =	vor.u32 v2, v51;
	v2 =	vld.idx.msk [tilespmem:v24+s15+$0x0], $0xffff  }
0x5e2: {  	v50 =	vand.u32 $0x3F, v22;
	v25 =	vshll.u32 v25, $0x7;
	v13 =	vor.u32 v35, v39;
	[tilespmem:v7+s22+$0x0] =	vst.idx.msk $0xffff, v27;
	v7 =	vld [tilespmem:$0x1F910]  }
0x5e3: {  	v21 =	vshll.u32 v21, $0x7;
	v34 =	vor.u32 v36, v50;
	v49 =	vand.u32 $0x1F80, v25;
	v28 =	vld.idx.msk [tilespmem:v28+s15+$0x0], $0xffff  }
0x5e4: {  	v52 =	vand.u32 $0x1F80, v21;
	v21 =	vor.u32 v36, v48;
	v23 =	vor.u32 v32, v49;
	[tilespmem:v14+s22+$0x0] =	vst.idx.msk $0xffff, v40;
	v40 =	vld [tilespmem:$0x1FF70]  }
0x5e5: {  	v46 =	vand.u32 $0x1F80, v0;
	v0 =	vld.idx.msk [tilespmem:v3+s15+$0x0], $0xffff  }
0x5e6: {  	[tilespmem:v42+s22+$0x0] =	vst.idx.msk $0xffff, v41;
	v41 =	vld [tilespmem:$0x1FF00]  }
0x5e7: {  	[tilespmem:v13+s22+$0x0] =	vst.idx.msk $0xffff, v16;
	v42 =	vld [tilespmem:$0x1FF50]  }
0x5e8: {  	[tilespmem:v10+s22+$0x0] =	vst.idx.msk $0xffff, v1;
	v24 =	vld.idx.msk [tilespmem:v34+s15+$0x0], $0xffff  }
0x5e9: {  	v13 =	vshll.u32 v22, $0x7;
	v10 =	vor.u32 v38, v54;
	[tilespmem:v23+s22+$0x0] =	vst.idx.msk $0xffff, v15;
	v15 =	vld.idx.msk [tilespmem:v21+s15+$0x0], $0xffff  }
0x5ea: {  	v56 =	vand.u32 $0x1F80, v13;
	v13 =	vor.u32 v32, v46;
	v16 =	vld.idx.msk [tilespmem:v7+s15+$0x0], $0xffff  }
0x5eb: {  	s2 =	sadd.s32 $0x3, s28;
	s30 =	sadd.s32 $0x6, s28;
	[tilespmem:$0x1F8B0] =	vst v2;
	v2 =	vor.u32 v35, v52;
	v7 =	vld [tilespmem:$0x1FF90]  }
0x5ec: {  	v19 =	vadd.s32 s2, v26;
	v26 =	vadd.s32 s30, v26;
	[tilespmem:$0x1F8D0] =	vst v2;
	v2 =	vld [tilespmem:$0x1F950]  }
0x5ed: {  	v30 =	vshll.u32 v26, $0x7;
	v58 =	vand.u32 $0x3F, v26;
	v1 =	vor.u32 v32, v56;
	v26 =	vld.idx.msk [tilespmem:v55+s15+$0x0], $0xffff  }
0x5ee: {  	v10 =	vld.idx.msk [tilespmem:v10+s15+$0x0], $0xffff  }
0x5ef: {  	[tilespmem:v13+s22+$0x0] =	vst.idx.msk $0xffff, v15;
	v13 =	vld [tilespmem:$0x1F8F0]  }
0x5f0: {  	v47 =	vand.u32 $0x1C00, v17;
	v39 =	vand.u32 $0x1F80, v30;
	v17 =	vor.u32 v7, v51;
	v7 =	vld [tilespmem:$0x1FFC0];
	[tilespmem:v9+s22+$0x0] =	vst.idx.msk $0xffff, v16  }
0x5f1: {  	[tilespmem:v60+s22+$0x0] =	vst.idx.msk $0xffff, v0;
	v60 =	vor.u32 v43, v39;
	v16 =	vld.idx.msk [tilespmem:v8+s15+$0x0], $0xffff  }
0x5f2: {  	v25 =	vor.u32 v38, v50;
	[tilespmem:v1+s22+$0x0] =	vst.idx.msk $0xffff, v24;
	v1 =	vmov v60;
	v8 =	vld [tilespmem:$0x1F900]  }
0x5f3: {  	v53 =	vand.u32 $0x3F, v19;
	v19 =	vshll.u32 v19, $0x7;
	[tilespmem:$0x1F900] =	vst v1;
	v1 =	vld [tilespmem:$0x1FFA0]  }
0x5f4: {  	v59 =	vand.u32 $0x1F80, v19;
	v9 =	vor.u32 v36, v58;
	v22 =	vld.idx.msk [tilespmem:v2+s15+$0x0], $0xffff  }
0x5f5: {  	v20 =	vor.u32 v7, v47;
	v7 =	vshll.u32 v18, $0x7;
	v18 =	vor.u32 v36, v53;
	v36 =	vld [tilespmem:$0x1FF10]  }
0x5f6: {  	v2 =	vor.u32 v43, v59;
	v37 =	vand.u32 $0x1F80, v7;
	v7 =	vld [tilespmem:$0x1F920]  }
0x5f7: {  	v23 =	vor.u32 v41, v56;
	v25 =	vld.idx.msk [tilespmem:v25+s15+$0x0], $0xffff;
	[tilespmem:$0x1F8C0] =	vst v2  }
0x5f8: {  	v2 =	vor.u32 v1, v44;
	[tilespmem:v11+s22+$0x0] =	vst.idx.msk $0xffff, v16;
	v16 =	vld [tilespmem:$0x1FFF0]  }
0x5f9: {  	v19 =	vor.u32 v32, v59;
	v0 =	vor.u32 v32, v37;
	[tilespmem:$0x1F8E0] =	vst v2;
	v2 =	vld [tilespmem:$0x1FFE0]  }
0x5fa: {  	v3 =	vor.u32 v32, v52;
	v13 =	vld.idx.msk [tilespmem:v13+s15+$0x0], $0xffff;
	[tilespmem:v8+s22+$0x0] =	vst.idx.msk $0xffff, v22;
	v22 =	vor.u32 v41, v49  }
0x5fb: {  	v27 =	vor.u32 v32, v39;
	[tilespmem:v57+s22+$0x0] =	vst.idx.msk $0xffff, v26;
	v18 =	vld.idx.msk [tilespmem:v18+s15+$0x0], $0xffff;
	v14 =	vor.u32 v36, v54  }
0x5fc: {  	[tilespmem:v23+s22+$0x0] =	vst.idx.msk $0xffff, v25;
	v24 =	vor.u32 v36, v50;
	v32 =	vld.idx.msk [tilespmem:v9+s15+$0x0], $0xffff;
	v9 =	vor.u32 v33, v53  }
0x5fd: {  	v21 =	vor.u32 v38, v53;
	[tilespmem:$0x1F940] =	vst v9;
	v9 =	vld [tilespmem:$0x1FE10]  }
0x5fe: {  	[tilespmem:v0+s22+$0x0] =	vst.idx.msk $0xffff, v28;
	v34 =	vld.idx.msk [tilespmem:v7+s15+$0x0], $0xffff  }
0x5ff: {  	v0 =	vor.u32 v40, v45;
	[tilespmem:v22+s22+$0x0] =	vst.idx.msk $0xffff, v10;
	v10 =	vld [tilespmem:$0x1FE20]  }
0x600: {  	[tilespmem:$0x1F910] =	vst v0;
	v14 =	vld.idx.msk [tilespmem:v14+s15+$0x0], $0xffff  }
0x601: {  	v5 =	vmov v4;
	v4 =	vor.u32 v33, v45;
	[tilespmem:v19+s22+$0x0] =	vst.idx.msk $0xffff, v18;
	v23 =	vld.idx.msk [tilespmem:v24+s15+$0x0], $0xffff  }
0x602: {  	[tilespmem:v27+s22+$0x0] =	vst.idx.msk $0xffff, v32;
	v32 =	vmov v4;
	v4 =	vor.u32 v33, v58;
	v21 =	vld.idx.msk [tilespmem:v21+s15+$0x0], $0xffff  }
0x603: {  	[tilespmem:$0x1F950] =	vst v4;
	v4 =	vld [tilespmem:$0x1FE30]  }
0x604: {  	v0 =	vor.u32 v38, v48;
	[tilespmem:$0x1F8F0] =	vst v32;
	v32 =	vld [tilespmem:$0x1F8B0]  }
0x605: {  	v6 =	vor.u32 v38, v45;
	[tilespmem:v61+s22+$0x0] =	vst.idx.msk $0xffff, v34;
	v61 =	vld [tilespmem:$0x1FE80]  }
0x606: {  	v34 =	vld [tilespmem:$0x1FF30]  }
0x607: {  	[tilespmem:v5+s22+$0x0] =	vst.idx.msk $0xffff, v13;
	v18 =	vor.u32 v43, v52;
	v60 =	vld.idx.msk [tilespmem:v62+s15+$0x0], $0xffff  }
0x608: {  	[tilespmem:$0x1F930] =	vst v18;
	v62 =	vor.u32 v38, v44;
	v15 =	vld.idx.msk [tilespmem:v17+s15+$0x0], $0xffff;
	v17 =	vor.u32 v41, v59  }
0x609: {  	v18 =	vor.u32 v36, v53;
	v0 =	vld.idx.msk [tilespmem:v0+s15+$0x0], $0xffff;
	[tilespmem:v3+s22+$0x0] =	vst.idx.msk $0xffff, v32  }
0x60a: {  	v7 =	vor.u32 v41, v52;
	v6 =	vld.idx.msk [tilespmem:v6+s15+$0x0], $0xffff;
	v29 =	vor.u32 v61, v51  }
0x60b: {  	v55 =	vor.u32 v31, v56;
	v8 =	vor.u32 v36, v45;
	v5 =	vor.u32 v38, v58;
	v38 =	vld [tilespmem:$0x1FF40];
	[tilespmem:$0x1F920] =	vst v29  }
0x60c: {  	v19 =	vor.u32 v31, v49;
	v32 =	vld [tilespmem:$0x1FF60];
	v26 =	vor.u32 v34, v50;
	[tilespmem:v63+s22+$0x0] =	vst.idx.msk $0xffff, v60  }
0x60d: {  	v30 =	vor.u32 v34, v54;
	v28 =	vld.idx.msk [tilespmem:v62+s15+$0x0], $0xffff;
	[tilespmem:v17+s22+$0x0] =	vst.idx.msk $0xffff, v21  }
0x60e: {  	v29 =	vor.u32 v41, v37;
	[tilespmem:v20+s22+$0x0] =	vst.idx.msk $0xffff, v15;
	v18 =	vld.idx.msk [tilespmem:v18+s15+$0x0], $0xffff  }
0x60f: {  	v57 =	vor.u32 v41, v46;
	v60 =	vor.u32 v36, v44;
	v12 =	vld.idx.msk [tilespmem:v12+s15+$0x0], $0xffff;
	[tilespmem:v7+s22+$0x0] =	vst.idx.msk $0xffff, v6  }
0x610: {  	v11 =	vor.u32 v2, v47;
	v22 =	vor.u32 v36, v48;
	[tilespmem:v55+s22+$0x0] =	vst.idx.msk $0xffff, v23;
	v7 =	vld.idx.msk [tilespmem:v8+s15+$0x0], $0xffff  }
0x611: {  	[tilespmem:v19+s22+$0x0] =	vst.idx.msk $0xffff, v14;
	v3 =	vld.idx.msk [tilespmem:v26+s15+$0x0], $0xffff  }
0x612: {  	v16 =	vor.u32 v16, v51;
	v13 =	vor.u32 v31, v52;
	v24 =	vor.u32 v31, v59;
	v19 =	vld.idx.msk [tilespmem:v30+s15+$0x0], $0xffff  }
0x613: {  	v41 =	vor.u32 v41, v39;
	[tilespmem:v29+s22+$0x0] =	vst.idx.msk $0xffff, v28;
	v28 =	vor.u32 v34, v53;
	v29 =	vld.idx.msk [tilespmem:v5+s15+$0x0], $0xffff  }
0x614: {  	v27 =	vor.u32 v31, v37;
	[tilespmem:v57+s22+$0x0] =	vst.idx.msk $0xffff, v0;
	v0 =	vor.u32 v36, v58;
	v60 =	vld.idx.msk [tilespmem:v60+s15+$0x0], $0xffff  }
0x615: {  	v61 =	vor.u32 v34, v44;
	[tilespmem:v11+s22+$0x0] =	vst.idx.msk $0xffff, v12;
	v11 =	vld.idx.msk [tilespmem:v22+s15+$0x0], $0xffff;
	v12 =	vor.u32 v31, v46  }
0x616: {  	v21 =	vor.u32 v38, v56;
	v63 =	vor.u32 v34, v48;
	v5 =	vor.u32 v4, v47;
	v4 =	vld [tilespmem:$0x1FE40]  }
0x617: {  	v36 =	vor.u32 v31, v39;
	v20 =	vor.u32 v38, v49;
	[tilespmem:v24+s22+$0x0] =	vst.idx.msk $0xffff, v18;
	v31 =	vld [tilespmem:$0x1FF80]  }
0x618: {  	v26 =	vld.idx.msk [tilespmem:v28+s15+$0x0], $0xffff;
	v28 =	vor.u32 v38, v59;
	[tilespmem:v41+s22+$0x0] =	vst.idx.msk $0xffff, v29  }
0x619: {  	v57 =	vor.u32 v42, v53;
	v0 =	vld.idx.msk [tilespmem:v0+s15+$0x0], $0xffff;
	[tilespmem:v27+s22+$0x0] =	vst.idx.msk $0xffff, v60  }
0x61a: {  	v29 =	vor.u32 v38, v37;
	[tilespmem:v12+s22+$0x0] =	vst.idx.msk $0xffff, v11;
	v11 =	vor.u32 v34, v58;
	v27 =	vld.idx.msk [tilespmem:v61+s15+$0x0], $0xffff  }
0x61b: {  	v17 =	vor.u32 v42, v54;
	[tilespmem:v21+s22+$0x0] =	vst.idx.msk $0xffff, v3;
	v41 =	vor.u32 v38, v46;
	v12 =	vld.idx.msk [tilespmem:v63+s15+$0x0], $0xffff  }
0x61c: {  	v14 =	vor.u32 v42, v44;
	v16 =	vld.idx.msk [tilespmem:v16+s15+$0x0], $0xffff;
	[tilespmem:v20+s22+$0x0] =	vst.idx.msk $0xffff, v19  }
0x61d: {  	v15 =	vor.u32 v34, v45;
	v3 =	vld [tilespmem:$0x1FE60];
	[tilespmem:v28+s22+$0x0] =	vst.idx.msk $0xffff, v26  }
0x61e: {  	v25 =	vor.u32 v42, v50;
	v28 =	vor.u32 v32, v59;
	v26 =	vld.idx.msk [tilespmem:v57+s15+$0x0], $0xffff;
	[tilespmem:v36+s22+$0x0] =	vst.idx.msk $0xffff, v0  }
0x61f: {  	v30 =	vor.u32 v40, v53;
	v36 =	vor.u32 v38, v39;
	v19 =	vld.idx.msk [tilespmem:v11+s15+$0x0], $0xffff;
	[tilespmem:v29+s22+$0x0] =	vst.idx.msk $0xffff, v27  }
0x620: {  	v23 =	vor.u32 v32, v49;
	v17 =	vld.idx.msk [tilespmem:v17+s15+$0x0], $0xffff;
	[tilespmem:v41+s22+$0x0] =	vst.idx.msk $0xffff, v12;
	v12 =	vor.u32 v42, v58  }
0x621: {  	[tilespmem:v13+s22+$0x0] =	vst.idx.msk $0xffff, v7;
	v0 =	vor.u32 v32, v37;
	v14 =	vld.idx.msk [tilespmem:v14+s15+$0x0], $0xffff  }
0x622: {  	v18 =	vor.u32 v40, v54;
	v13 =	vld.idx.msk [tilespmem:v15+s15+$0x0], $0xffff  }
0x623: {  	v24 =	vor.u32 v32, v56;
	v6 =	vld.idx.msk [tilespmem:v25+s15+$0x0], $0xffff;
	[tilespmem:v28+s22+$0x0] =	vst.idx.msk $0xffff, v26  }
0x624: {  	v2 =	vor.u32 v42, v45;
	v55 =	vor.u32 v40, v50;
	v15 =	vld.idx.msk [tilespmem:v30+s15+$0x0], $0xffff;
	[tilespmem:v36+s22+$0x0] =	vst.idx.msk $0xffff, v19  }
0x625: {  	v21 =	vor.u32 v42, v48;
	[tilespmem:v23+s22+$0x0] =	vst.idx.msk $0xffff, v17;
	v30 =	vor.u32 v32, v39;
	v17 =	vld.idx.msk [tilespmem:v12+s15+$0x0], $0xffff  }
0x626: {  	v34 =	vmov v2;
	v2 =	vld [tilespmem:$0x1FE50];
	v28 =	vor.u32 v31, v59;
	[tilespmem:v0+s22+$0x0] =	vst.idx.msk $0xffff, v14;
	v0 =	vor.u32 v40, v58  }
0x627: {  	v9 =	vor.u32 v9, v47;
	v18 =	vld.idx.msk [tilespmem:v18+s15+$0x0], $0xffff  }
0x628: {  	v10 =	vor.u32 v10, v51;
	[tilespmem:v24+s22+$0x0] =	vst.idx.msk $0xffff, v6;
	v11 =	vld [tilespmem:$0x1FE70]  }
0x629: {  	v27 =	vld.idx.msk [tilespmem:v55+s15+$0x0], $0xffff  }
0x62a: {  	v8 =	vor.u32 v31, v56;
	v21 =	vld.idx.msk [tilespmem:v21+s15+$0x0], $0xffff;
	[tilespmem:v30+s22+$0x0] =	vst.idx.msk $0xffff, v17  }
0x62b: {  	v63 =	vor.u32 v31, v49;
	[tilespmem:v28+s22+$0x0] =	vst.idx.msk $0xffff, v15;
	v15 =	vld.idx.msk [tilespmem:v0+s15+$0x0], $0xffff  }
0x62c: {  	[tilespmem:v9+s22+$0x0] =	vst.idx.msk $0xffff, v16;
	v41 =	vor.u32 v32, v46;
	v0 =	vld [tilespmem:$0x1FEB0]  }
0x62d: {  	v62 =	vor.u32 v40, v48;
	v7 =	vor.u32 v32, v52;
	v29 =	vor.u32 v1, v53;
	v53 =	vld.idx.msk [tilespmem:v10+s15+$0x0], $0xffff  }
0x62e: {  	v20 =	vor.u32 v40, v44;
	v4 =	vor.u32 v4, v51;
	v25 =	vor.u32 v1, v54;
	v42 =	vld [tilespmem:$0x1F8C0]  }
0x62f: {  	v9 =	vor.u32 v31, v52;
	v57 =	vor.u32 v1, v50;
	[tilespmem:v8+s22+$0x0] =	vst.idx.msk $0xffff, v27;
	v8 =	vld [tilespmem:$0x1FEA0]  }
0x630: {  	v16 =	vor.u32 v1, v58;
	v3 =	vor.u32 v3, v51;
	[tilespmem:v63+s22+$0x0] =	vst.idx.msk $0xffff, v18;
	v12 =	vld [tilespmem:$0x1FE90]  }
0x631: {  	v6 =	vor.u32 v35, v49;
	[tilespmem:v41+s22+$0x0] =	vst.idx.msk $0xffff, v21;
	v63 =	vor.u32 v0, v47;
	v0 =	vld [tilespmem:$0x1F8E0]  }
0x632: {  	v2 =	vor.u32 v2, v47;
	v55 =	vor.u32 v33, v54;
	v36 =	vor.u32 v31, v46;
	v14 =	vld.idx.msk [tilespmem:v62+s15+$0x0], $0xffff  }
0x633: {  	v10 =	vor.u32 v43, v46;
	v19 =	vor.u32 v31, v37;
	v32 =	vor.u32 v1, v48;
	v20 =	vld.idx.msk [tilespmem:v20+s15+$0x0], $0xffff  }
0x634: {  	p0 =	slt.u32 s28, $0x38;
	v26 =	vor.u32 v35, v56;
	v60 =	vor.u32 v11, v47;
	v11 =	vor.u32 v33, v50;
	v41 =	vld.idx.msk [tilespmem:v57+s15+$0x0], $0xffff  }
.Ltmp6:
0x635: {  	v50 =	vor.u32 v38, v52;
	v40 =	vld [tilespmem:$0x1F8D0];
	v58 =	vor.u32 v35, v46;
	v57 =	vor.u32 v43, v49;
	(pc) =	sbr.rel @p0 .LBB2_14-.Ltmp6, $4  }
0x636: {  	v49 =	vor.u32 v33, v44;
	v62 =	vor.u32 v8, v51;
	v61 =	vor.u32 v12, v47;
	v52 =	vld.idx.msk [tilespmem:v29+s15+$0x0], $0xffff  }
0x637: {  	v12 =	vor.u32 v43, v56;
	v56 =	vor.u32 v35, v59;
	v59 =	vld.idx.msk [tilespmem:v25+s15+$0x0], $0xffff;
	[tilespmem:v36+s22+$0x0] =	vst.idx.msk $0xffff, v14  }
0x638: {  	v8 =	vor.u32 v1, v45;
	v51 =	vor.u32 v35, v37;
	[tilespmem:v19+s22+$0x0] =	vst.idx.msk $0xffff, v20;
	v54 =	vld.idx.msk [tilespmem:v32+s15+$0x0], $0xffff  }
0x639: {  	s28 =	sadd.s32 $0x8, s28;
	v45 =	vor.u32 v31, v39;
	v1 =	vor.u32 v33, v48;
	[tilespmem:v26+s22+$0x0] =	vst.idx.msk $0xffff, v41;
	v46 =	vld.idx.msk [tilespmem:v0+s15+$0x0], $0xffff  }
0x63a: {  	_ =	sdelay $0x3  }
0x63b: {  	[tilespmem:v5+s22+$0x0] =	vst.idx.msk $0xffff, v53  }
0x63c: {  	[tilespmem:v50+s22+$0x0] =	vst.idx.msk $0xffff, v13;
	v0 =	vld.idx.msk [tilespmem:v4+s15+$0x0], $0xffff  }
0x63d: {  	v53 =	vld.idx.msk [tilespmem:v34+s15+$0x0], $0xffff;
	_ =	sdelay $0x2  }
0x63e: {  	[tilespmem:v45+s22+$0x0] =	vst.idx.msk $0xffff, v15  }
0x63f: {  	[tilespmem:v2+s22+$0x0] =	vst.idx.msk $0xffff, v0  }
0x640: {  	[tilespmem:v7+s22+$0x0] =	vst.idx.msk $0xffff, v53  }
0x641: {  	v2 =	vld [tilespmem:$0x1F910];
	_ =	sdelay $0x4  }
0x642: {  	v0 =	vld.idx.msk [tilespmem:v3+s15+$0x0], $0xffff  }
0x643: {  	v3 =	vld.idx.msk [tilespmem:v11+s15+$0x0], $0xffff;
	[tilespmem:v56+s22+$0x0] =	vst.idx.msk $0xffff, v52  }
0x644: {  	v4 =	vld [tilespmem:$0x1FEC0]  }
0x645: {  	[tilespmem:v58+s22+$0x0] =	vst.idx.msk $0xffff, v54;
	v2 =	vld.idx.msk [tilespmem:v2+s15+$0x0], $0xffff  }
0x646: {  	[tilespmem:v51+s22+$0x0] =	vst.idx.msk $0xffff, v46  }
0x647: {  	[tilespmem:v60+s22+$0x0] =	vst.idx.msk $0xffff, v0  }
0x648: {  	v0 =	vld [tilespmem:$0x1F920]  }
0x649: {  	[tilespmem:v12+s22+$0x0] =	vst.idx.msk $0xffff, v3  }
0x64a: {  	v56 =	vld.idx.msk [tilespmem:v16+s15+$0x0], $0xffff;
	[tilespmem:v9+s22+$0x0] =	vst.idx.msk $0xffff, v2  }
0x64b: {  	v4 =	vor.u32 v4, v39;
	v3 =	vld [tilespmem:$0x1F940];
	_ =	sdelay $0x3  }
0x64c: {  	v1 =	vld.idx.msk [tilespmem:v1+s15+$0x0], $0xffff  }
0x64d: {  	v0 =	vld.idx.msk [tilespmem:v0+s15+$0x0], $0xffff;
	[tilespmem:v4+s22+$0x0] =	vst.idx.msk $0xffff, v56  }
0x64e: {  	v2 =	vld.idx.msk [tilespmem:v8+s15+$0x0], $0xffff;
	[tilespmem:v6+s22+$0x0] =	vst.idx.msk $0xffff, v59  }
0x64f: {  	v4 =	vld [tilespmem:$0x1F950]  }
0x650: {  	v3 =	vld.idx.msk [tilespmem:v3+s15+$0x0], $0xffff  }
0x651: {  	v5 =	vld [tilespmem:$0x1FED0]  }
0x652: {  	[tilespmem:v10+s22+$0x0] =	vst.idx.msk $0xffff, v1  }
0x653: {  	[tilespmem:v61+s22+$0x0] =	vst.idx.msk $0xffff, v0  }
0x654: {  	[tilespmem:v40+s22+$0x0] =	vst.idx.msk $0xffff, v2  }
0x655: {  	v60 =	vld.idx.msk [tilespmem:v49+s15+$0x0], $0xffff;
	[tilespmem:v42+s22+$0x0] =	vst.idx.msk $0xffff, v3  }
0x656: {  	v5 =	vor.u32 v5, v37;
	v3 =	vld [tilespmem:$0x1F900]  }
0x657: {  	v0 =	vld.idx.msk [tilespmem:v55+s15+$0x0], $0xffff  }
0x658: {  	v1 =	vld.idx.msk [tilespmem:v62+s15+$0x0], $0xffff  }
0x659: {  	v4 =	vld.idx.msk [tilespmem:v4+s15+$0x0], $0xffff  }
0x65a: {  	v2 =	vld [tilespmem:$0x1F8F0]  }
0x65b: {  	[tilespmem:v5+s22+$0x0] =	vst.idx.msk $0xffff, v60  }
0x65c: {  	[tilespmem:v57+s22+$0x0] =	vst.idx.msk $0xffff, v0  }
0x65d: {  	[tilespmem:v63+s22+$0x0] =	vst.idx.msk $0xffff, v1  }
0x65e: {  	[tilespmem:v3+s22+$0x0] =	vst.idx.msk $0xffff, v4  }
0x65f: {  	v0 =	vld [tilespmem:$0x1F930];
	_ =	sdelay $0x2  }
0x660: {  	v2 =	vld.idx.msk [tilespmem:v2+s15+$0x0], $0xffff;
	_ =	sdelay $0x4  }
0x661: {  	[tilespmem:v0+s22+$0x0] =	vst.idx.msk $0xffff, v2  }
0x662: {  	[hbm4b:s10+s18] =	stream.strided.scatter [tilespmem:s22], [sflag:$0x4], $0x2000, s19, s18, $0x38;
	[tilespmem:$0x10000] =	vst v63  }
0x663: {  	_ =	swait.ge [sflag:s24], $0x2000  }
0x664: {  	[sflag:s24] =	ssyncset.done $0x0  }
0x665: {  	[sflag:s24] =	ssyncadd.s32 $0xFFFFE000  }
0x666: {  	_ =	swait.ge [sflag:s25], $0x2000  }
0x667: {  	v24 =	vld [tilespmem:$0x1FF90]  }
0x668: {  	v10 =	vld [tilespmem:$0x1FFD0]  }
0x669: {  	v28 =	vld [tilespmem:$0x1FFE0]  }
0x66a: {  	v29 =	vld [tilespmem:$0x1FFF0]  }
0x66b: {  	v23 =	vld [tilespmem:$0x1FEE0]  }
0x66c: {  	v0 =	vld [tilespmem:$0x1FEF0]  }
0x66d: {  	v25 =	vld [tilespmem:$0x1FF00]  }
0x66e: {  	v18 =	vld [tilespmem:$0x1FF10]  }
0x66f: {  	v14 =	vld [tilespmem:$0x1FF20]  }
0x670: {  	v19 =	vld [tilespmem:$0x1FF30]  }
0x671: {  	v21 =	vld [tilespmem:$0x1FF40]  }
0x672: {  	s26 =	sadd.s32 $0x1, s26;
	v22 =	vld [tilespmem:$0x1FF50]  }
0x673: {  	p0 =	sne.s32 s26, s11;
	v26 =	vld [tilespmem:$0x1FF60]  }
.Ltmp7:
0x674: {  	v27 =	vld [tilespmem:$0x1FF70];
	(pc) =	sbr.rel @p0 .LBB2_1-.Ltmp7, $4  }
0x675: {  	v31 =	vld [tilespmem:$0x1FF80]  }
0x676: {  	v35 =	vld [tilespmem:$0x1FFA0]  }
0x677: {  	[sflag:s25] =	ssyncset.done $0x0;
	v30 =	vld [tilespmem:$0x1FFB0]  }
0x678: {  	v33 =	vld [tilespmem:$0x1FFC0];
	[sflag:s25] =	ssyncadd.s32 $0xFFFFE000  }
0x679: {  	_ =	sfence.sel $0x180000  }
0x67a: {  	[bflag:$0x0] =	sbarrier.arrive $0xFFFF  }
0x67b: {  	_ =	strace $0x90000047  }
0x67c: {  	s0 =	stileid.u32;
	[bflag:$0x2] =	sbarrier.arrive $0xFFFF  }
0x67d: {  	p0 =	sne.s32 s0, $0x0;
	s0 =	rddreg [dreg:$0x3]  }
0x67e: {  	s0 =	sadd.s32 @!p0 $0x100000, s0  }
0x67f: {  	[sflag:s0] =	ssyncadd.tile.s32 @!p0 $0x1;
	_ =	shalt  }
.Lfunc_end2:
_tile_overlayer_lowered:
.L_overlay_start_2:
0x680: {  	(tag) =	ssettag $0x2  }
0x681: {  	s0 =	rddreg [dreg:$0x0];
	s2 =	stileid.u32  }
0x682: {  	s1 =	rddreg [dreg:$0x1];
	p0 =	sne.s32 s2, $0x0  }
0x683: {  	s3 =	rddreg [dreg:$0x2];
	[bflag:$0x3] =	sbarrier.arrive $0xFFFF;
	s2 =	simm.s32 @!p0 $0x1C05  }
0x684: {  	[timem:s3], [sflag:s2] =	dma.local @!p0 [hbm:s0], s1  }
0x685: {  	s0 =	simm.s32 @!p0 $0x5  }
0x686: {  	_ =	swait.ge @!p0 [sflag:s0], s1  }
0x687: {  	s1 =	ssub.s32 @!p0 $0x0, s1;
	[sflag:s0] =	ssyncset.done @!p0 $0x0  }
0x688: {  	[sflag:s0] =	ssyncadd.s32 @!p0 s1  }
0x689: {  	[bflag:$0x3] =	sbarrier.arrive $0xFFFF  }
0x68a: {  	_ =	shalt  }

</sc_bundles>
